<compile_context>
chip_gen: v7x
topology: tpu7x:2x2x1
jax: 0.10.2.dev20260603
libtpu: 0.0.44.dev20260713+nightly
codegen_flags: <defaults>
</compile_context>

<pallas_src>
import jax
import jax.numpy as jnp
from jax import lax
from jax.experimental import pallas as pl
from jax.experimental.pallas import tpu as pltpu
from jax.experimental.pallas import tpu_sc as plsc

N = 10000
E = 160000
G = 128
D_IN = 256
D_H = 512
D_OUT = 256

NPAD = 10240
EPAD = 163840
RPT = NPAD // 16
NB = EPAD // 128 // 16
GRP = 2
CW = 128
CN = D_H // CW
NHALF = NPAD // 2
HPT = NHALF // 16
ACCROWS = NHALF + 16
R = 1280

_MESH = plsc.VectorSubcoreMesh(core_axis_name="c", subcore_axis_name="s")



def _sc_count(dst2d, zeros_h, ones_h):

  def body(dst_hbm, z_hbm, ones_hbm, out_hbm, dstv, ones_v, acc):
    c = lax.axis_index("c")
    s = lax.axis_index("s")
    base = c * NHALF
    pltpu.sync_copy(dst_hbm.at[pl.ds(s * NB, NB)], dstv)
    pltpu.sync_copy(ones_hbm, ones_v)
    pltpu.sync_copy(z_hbm.at[pl.ds(s * HPT, HPT)], acc.at[pl.ds(s * HPT, HPT)])

    def remap(j, carry):
      for l in range(8):
        dv = dstv[j, pl.ds(l * 16, 16)] - base
        oob = (dv < 0) | (dv >= NHALF)
        dump = NHALF + lax.iota(jnp.int32, 16)
        dstv[j, pl.ds(l * 16, 16)] = jnp.where(oob, dump, dv)
      return carry

    lax.fori_loop(0, NB, remap, 0)
    plsc.subcore_barrier()

    def step(j, carry):
      pltpu.sync_copy(ones_v, acc.at[dstv.at[j]], add=True)
      return carry

    lax.fori_loop(0, NB, step, 0)
    plsc.subcore_barrier()
    pltpu.sync_copy(acc.at[pl.ds(s * HPT, HPT)],
                    out_hbm.at[pl.ds(base + s * HPT, HPT)])

  kfn = pl.kernel(
      body,
      out_type=jax.ShapeDtypeStruct((NPAD, 128), jnp.float32),
      mesh=_MESH,
      scratch_types=[
          pltpu.VMEM((NB, 128), jnp.int32),
          pltpu.VMEM((128, 128), jnp.float32),
          pltpu.VMEM_SHARED((ACCROWS, 128), jnp.float32),
      ],
  )
  return kfn(dst2d, zeros_h, ones_h)


def _sc_aggregate(u, src2d, dst2d):

  def body(u_hbm, src_hbm, dst_hbm, out_hbm, srcv, dstv, rows, acc, gsem,
           ssem):
    c = lax.axis_index("c")
    s = lax.axis_index("s")
    base = c * NHALF
    pltpu.sync_copy(src_hbm.at[pl.ds(s * NB, NB)], srcv)
    pltpu.sync_copy(dst_hbm.at[pl.ds(s * NB, NB)], dstv)

    def remap(j, carry):
      for l in range(8):
        d = dstv[j, pl.ds(l * 16, 16)] - base
        oob = (d < 0) | (d >= NHALF)
        dump = NHALF + lax.iota(jnp.int32, 16)
        dstv[j, pl.ds(l * 16, 16)] = jnp.where(oob, dump, d)
        sv = srcv[j, pl.ds(l * 16, 16)]
        srcv[j, pl.ds(l * 16, 16)] = jnp.where(oob, 0, sv)
      return carry

    lax.fori_loop(0, NB, remap, 0)

    NP = NB // (2 * GRP)

    for kk in range(CN):
      pltpu.sync_copy(u_hbm.at[kk, pl.ds(base + s * HPT, HPT)],
                      acc.at[pl.ds(s * HPT, HPT)])
      plsc.subcore_barrier()

      def fire_gather(j0, half):
        for b in range(GRP):
          pltpu.async_copy(u_hbm.at[kk].at[srcv.at[j0 + b]],
                           rows.at[half * GRP + b], gsem)

      def fire_scatter(j0, half):
        for b in range(GRP):
          pltpu.async_copy(rows.at[half * GRP + b],
                           acc.at[dstv.at[j0 + b]], ssem, add=True)

      def drain(sem):
        for b in range(GRP):
          pltpu.make_async_copy(u_hbm.at[kk, pl.ds(0, 128)],
                                rows.at[b], sem).wait()

      fire_gather(0, 0)

      def pair(p, carry):
        j0 = p * 2 * GRP
        drain(gsem)
        fire_gather(j0 + GRP, 1)
        fire_scatter(j0, 0)
        drain(ssem)
        drain(gsem)

        @pl.when(p < NP - 1)
        def _():
          fire_gather(j0 + 2 * GRP, 0)

        fire_scatter(j0 + GRP, 1)
        drain(ssem)
        return carry

      lax.fori_loop(0, NP, pair, 0)
      plsc.subcore_barrier()
      pltpu.sync_copy(acc.at[pl.ds(s * HPT, HPT)],
                      out_hbm.at[kk, pl.ds(base + s * HPT, HPT)])
      plsc.subcore_barrier()

  kfn = pl.kernel(
      body,
      out_type=jax.ShapeDtypeStruct((CN, NPAD, CW), jnp.float32),
      mesh=_MESH,
      scratch_types=[
          pltpu.VMEM((NB, 128), jnp.int32),
          pltpu.VMEM((NB, 128), jnp.int32),
          pltpu.VMEM((2 * GRP, 128, CW), jnp.float32),
          pltpu.VMEM_SHARED((ACCROWS, CW), jnp.float32),
          pltpu.SemaphoreType.DMA,
          pltpu.SemaphoreType.DMA,
      ],
  )
  return kfn(u, src2d, dst2d)



def _tc_first(x_p, W1, cnt2):

  def body(x_ref, w_ref, cnt_ref, u_ref, dinv_ref):
    cnt = cnt_ref[:, :1]
    dinv = lax.rsqrt(cnt + 1.0)
    xw = jnp.dot(x_ref[:], w_ref[:], preferred_element_type=jnp.float32)
    u_ref[0] = xw * dinv
    dinv_ref[:] = dinv

  return pl.pallas_call(
      body,
      grid=(NPAD // R, CN),
      in_specs=[
          pl.BlockSpec((R, D_IN), lambda r, co: (r, 0)),
          pl.BlockSpec((D_IN, CW), lambda r, co: (0, co)),
          pl.BlockSpec((R, 128), lambda r, co: (r, 0)),
      ],
      out_specs=[
          pl.BlockSpec((1, R, CW), lambda r, co: (co, r, 0)),
          pl.BlockSpec((R, 1), lambda r, co: (r, 0)),
      ],
      out_shape=[
          jax.ShapeDtypeStruct((CN, NPAD, CW), jnp.float32),
          jax.ShapeDtypeStruct((NPAD, 1), jnp.float32),
      ],
  )(x_p, W1, cnt2)


def _tc_mid(agg, dinv, b_row, W):

  def body(agg_ref, dinv_ref, b_ref, w_ref, u_ref):
    dinv = dinv_ref[:]
    acc = jnp.zeros((R, CW), dtype=jnp.float32)
    for k2 in range(CN):
      hk = jnp.maximum(agg_ref[k2] * dinv + b_ref[:, k2 * CW:(k2 + 1) * CW],
                       0.0)
      acc += jnp.dot(hk, w_ref[k2 * CW:(k2 + 1) * CW, :],
                     preferred_element_type=jnp.float32)
    u_ref[0] = acc * dinv

  return pl.pallas_call(
      body,
      grid=(NPAD // R, CN),
      in_specs=[
          pl.BlockSpec((CN, R, CW), lambda r, co: (0, r, 0)),
          pl.BlockSpec((R, 1), lambda r, co: (r, 0)),
          pl.BlockSpec((1, D_H), lambda r, co: (0, 0)),
          pl.BlockSpec((D_H, CW), lambda r, co: (0, co)),
      ],
      out_specs=pl.BlockSpec((1, R, CW), lambda r, co: (co, r, 0)),
      out_shape=jax.ShapeDtypeStruct((CN, NPAD, CW), jnp.float32),
  )(agg, dinv, b_row, W)


def _tc_relu(agg, dinv, b_row):
  CO = D_OUT // CW

  def body(agg_ref, dinv_ref, b_ref, h_ref):
    full = jnp.concatenate([agg_ref[k] for k in range(CO)], axis=1)
    h_ref[:] = jnp.maximum(full * dinv_ref[:] + b_ref[:], 0.0)

  return pl.pallas_call(
      body,
      grid=(NPAD // R,),
      in_specs=[
          pl.BlockSpec((CO, R, CW), lambda r: (0, r, 0)),
          pl.BlockSpec((R, 1), lambda r: (r, 0)),
          pl.BlockSpec((1, D_OUT), lambda r: (0, 0)),
      ],
      out_specs=pl.BlockSpec((R, D_OUT), lambda r: (r, 0)),
      out_shape=jax.ShapeDtypeStruct((NPAD, D_OUT), jnp.float32),
  )(agg, dinv, b_row)


def _tc_finalize(h3, batch_row):

  def body(h_ref, batch_ref, out_ref):
    ids = lax.broadcasted_iota(jnp.int32, (G, NPAD), 0)
    onehot = (batch_ref[:] == ids).astype(jnp.float32)
    sums = jnp.dot(onehot, h_ref[:], preferred_element_type=jnp.float32)
    cnt = jnp.sum(onehot, axis=1, keepdims=True)
    out_ref[:] = sums / jnp.maximum(cnt, 1.0)

  return pl.pallas_call(
      body,
      grid=(1,),
      in_specs=[
          pl.BlockSpec((NPAD, D_OUT), lambda i: (0, 0)),
          pl.BlockSpec((1, NPAD), lambda i: (0, 0)),
      ],
      out_specs=pl.BlockSpec((G, D_OUT), lambda i: (0, 0)),
      out_shape=jax.ShapeDtypeStruct((G, D_OUT), jnp.float32),
  )(h3, batch_row)



@jax.jit
def kernel(x, edge_index, batch, W1, b1, W2, b2, W3, b3):
  src = edge_index[0]
  dst = edge_index[1]
  src2d = jnp.concatenate(
      [src, jnp.zeros((EPAD - E,), jnp.int32)]).reshape(EPAD // 128, 128)
  dst2d = jnp.concatenate(
      [dst, jnp.full((EPAD - E,), N, jnp.int32)]).reshape(EPAD // 128, 128)
  batch_row = jnp.concatenate(
      [batch, jnp.full((NPAD - N,), G, jnp.int32)]).reshape(1, NPAD)
  x_p = jnp.concatenate([x, jnp.zeros((NPAD - N, D_IN), jnp.float32)])

  cnt = _sc_count(dst2d, jnp.zeros((NHALF, 128), jnp.float32),
                  jnp.ones((128, 128), jnp.float32))
  u1, dinv = _tc_first(x_p, W1, cnt)

  W3p = jnp.concatenate([W3, jnp.zeros((D_H, D_H - D_OUT), jnp.float32)],
                        axis=1)
  Ws = jnp.stack([W2, W3p, W3p])
  bs = jnp.stack([b1.reshape(1, D_H), b2.reshape(1, D_H),
                  b2.reshape(1, D_H)])

  def step(carry, wb):
    u, _ = carry
    W_i, b_i = wb
    agg = _sc_aggregate(u, src2d, dst2d)
    u_next = _tc_mid(agg, dinv, b_i, W_i)
    return (u_next, agg), None

  (_, agg3), _ = lax.scan(step, (u1, u1), (Ws, bs))
  h3 = _tc_relu(agg3[:D_OUT // CW], dinv, b3.reshape(1, D_OUT))
  return _tc_finalize(h3, batch_row)

# --- scband reference (transcript-rebuilt; emitter-appended) ---
"""Pipeline reference for scband-gnn-30648886624478 (READ-ONLY COPY).

The authoritative reference and input builder live on the scoring server;
editing this copy changes nothing except your own understanding.
"""

import jax, jax.numpy as jnp
import numpy as np

N = 10000
E = 160000
G = 128
D_IN = 256
D_H = 512
D_OUT = 256


def setup_inputs(seed: int = 0) -> dict:
    key = jax.random.key(seed)
    ks = jax.random.split(key, 10)
    x = jax.random.normal(ks[0], (N, D_IN), dtype=jnp.float32)
    edge_index = jax.random.randint(ks[1], (2, E), 0, N, dtype=jnp.int32)
    batch = jnp.sort(jax.random.randint(ks[2], (N,), 0, G, dtype=jnp.int32))
    W1 = jax.random.normal(ks[3], (D_IN, D_H), dtype=jnp.float32) * (1.0 / np.sqrt(D_IN))
    b1 = jnp.zeros((D_H,), dtype=jnp.float32)
    W2 = jax.random.normal(ks[4], (D_H, D_H), dtype=jnp.float32) * (1.0 / np.sqrt(D_H))
    b2 = jnp.zeros((D_H,), dtype=jnp.float32)
    W3 = jax.random.normal(ks[5], (D_H, D_OUT), dtype=jnp.float32) * (1.0 / np.sqrt(D_H))
    b3 = jnp.zeros((D_OUT,), dtype=jnp.float32)
    return {"x": x, "edge_index": edge_index, "batch": batch,
            "W1": W1, "b1": b1, "W2": W2, "b2": b2, "W3": W3, "b3": b3}


def _gcn_conv(x, src, dst, W, b, n):
    # PyG GCNConv: add self loops, symmetric normalization D^{-1/2}(A+I)D^{-1/2} x W + b
    xw = x @ W
    sl = jnp.arange(n, dtype=src.dtype)
    s = jnp.concatenate([src, sl])
    d = jnp.concatenate([dst, sl])
    deg = jax.ops.segment_sum(jnp.ones_like(d, dtype=x.dtype), d, num_segments=n)
    dinv = jnp.where(deg > 0, 1.0 / jnp.sqrt(deg), 0.0)
    norm = dinv[s] * dinv[d]
    msg = xw[s] * norm[:, None]
    out = jax.ops.segment_sum(msg, d, num_segments=n)
    return out + b


def reference(x, edge_index, batch, W1, b1, W2, b2, W3, b3):
    src, dst = edge_index[0], edge_index[1]
    h = jax.nn.relu(_gcn_conv(x, src, dst, W1, b1, N))
    h = jax.nn.relu(_gcn_conv(h, src, dst, W2, b2, N))
    h = jax.nn.relu(_gcn_conv(h, src, dst, W3, b3, N))
    # global_mean_pool over graph ids
    sums = jax.ops.segment_sum(h, batch, num_segments=G)
    cnts = jax.ops.segment_sum(jnp.ones((N, 1), dtype=h.dtype), batch, num_segments=G)
    return sums / jnp.maximum(cnts, 1.0)

if __name__ == "__main__":
    import jax
    _d = setup_inputs()
    print(jax.jit(kernel)(*tuple(_d.values())))

</pallas_src>

<mosaic_0001>
#map = affine_map<(d0, d1) -> (0, 0)>
module attributes {stable_mosaic.version = 14 : i64} {
  func.func @body(%arg0: i32, %arg1: i32, %arg2: memref<1280x128xi32, #tpu.memory_space<hbm>>, %arg3: memref<5120x128xf32, #tpu.memory_space<hbm>>, %arg4: memref<128x128xf32, #tpu.memory_space<hbm>>, %arg5: memref<10240x128xf32, #tpu.memory_space<hbm>>, %arg6: memref<80x128xi32, #tpu.memory_space<vmem>>, %arg7: memref<128x128xf32, #tpu.memory_space<vmem>>, %arg8: memref<5136x128xf32, #tpu.memory_space<vmem_shared>>) attributes {dimension_semantics = [#tpu.dimension_semantics<core_parallel>, #tpu.dimension_semantics<subcore_parallel>], iteration_bounds = array<i64: 2, 16>, scalar_prefetch = 0 : i64, scratch_operands = 3 : i64, tpu.core_type = #tpu.core_type<sc_vector_subcore>, window_params = [{transform_indices = #map}, {transform_indices = #map}, {transform_indices = #map}, {transform_indices = #map}]} {
    %mul3A = arith.constant 5120 : i32
    %mul3A_0 = arith.muli %arg0, %mul3A : i32
    %mul3A_1 = arith.constant 80 : i32
    %mul3A_2 = arith.muli %arg1, %mul3A_1 : i32
    "tpu.region"() ({
      %run_scoped3A = tpu.sem_alloc : memref<!tpu.dma_semaphore, #tpu.memory_space<semaphore_mem>>
      %dma_start3A = arith.constant 0 : i32
      %dma_start3A_23 = tpu.memref_slice %arg2[%mul3A_2, %dma_start3A] : memref<1280x128xi32, #tpu.memory_space<hbm>> -> memref<80x128xi32, #tpu.memory_space<hbm>>
      %dma_start3A_24 = arith.constant 0 : i32
      %dma_start3A_25 = tpu.memref_slice %arg2[%mul3A_2, %dma_start3A_24] : memref<1280x128xi32, #tpu.memory_space<hbm>> -> memref<80x128xi32, #tpu.memory_space<hbm>>
      tpu.enqueue_dma source(%dma_start3A_25 : memref<80x128xi32, #tpu.memory_space<hbm>>) target(%arg6 : memref<80x128xi32, #tpu.memory_space<vmem>>) target_semaphore(%run_scoped3A : memref<!tpu.dma_semaphore, #tpu.memory_space<semaphore_mem>>)
      %dma_wait3A = arith.constant 0 : i32
      %dma_wait3A_26 = tpu.memref_slice %arg2[%mul3A_2, %dma_wait3A] : memref<1280x128xi32, #tpu.memory_space<hbm>> -> memref<80x128xi32, #tpu.memory_space<hbm>>
      %dma_wait3A_27 = arith.constant 0 : i32
      %dma_wait3A_28 = tpu.memref_slice %arg2[%mul3A_2, %dma_wait3A_27] : memref<1280x128xi32, #tpu.memory_space<hbm>> -> memref<80x128xi32, #tpu.memory_space<hbm>>
      tpu.wait_dma2 semaphore(%run_scoped3A : memref<!tpu.dma_semaphore, #tpu.memory_space<semaphore_mem>>) src(%dma_wait3A_28 : memref<80x128xi32, #tpu.memory_space<hbm>>) dst(%arg6 : memref<80x128xi32, #tpu.memory_space<vmem>>)
      tpu.yield
    }) : () -> ()
    "tpu.region"() ({
      %run_scoped3A = tpu.sem_alloc : memref<!tpu.dma_semaphore, #tpu.memory_space<semaphore_mem>>
      tpu.enqueue_dma source(%arg4 : memref<128x128xf32, #tpu.memory_space<hbm>>) target(%arg7 : memref<128x128xf32, #tpu.memory_space<vmem>>) target_semaphore(%run_scoped3A : memref<!tpu.dma_semaphore, #tpu.memory_space<semaphore_mem>>)
      tpu.wait_dma2 semaphore(%run_scoped3A : memref<!tpu.dma_semaphore, #tpu.memory_space<semaphore_mem>>) src(%arg4 : memref<128x128xf32, #tpu.memory_space<hbm>>) dst(%arg7 : memref<128x128xf32, #tpu.memory_space<vmem>>)
      tpu.yield
    }) : () -> ()
    %mul3A_3 = arith.constant 320 : i32
    %mul3A_4 = arith.muli %arg1, %mul3A_3 : i32
    %mul3A_5 = arith.constant 320 : i32
    %mul3A_6 = arith.muli %arg1, %mul3A_5 : i32
    "tpu.region"() ({
      %run_scoped3A = tpu.sem_alloc : memref<!tpu.dma_semaphore, #tpu.memory_space<semaphore_mem>>
      %dma_start3A = arith.constant 0 : i32
      %dma_start3A_23 = tpu.memref_slice %arg8[%mul3A_6, %dma_start3A] : memref<5136x128xf32, #tpu.memory_space<vmem_shared>> -> memref<320x128xf32, #tpu.memory_space<vmem_shared>>
      %dma_start3A_24 = arith.constant 0 : i32
      %dma_start3A_25 = tpu.memref_slice %arg3[%mul3A_4, %dma_start3A_24] : memref<5120x128xf32, #tpu.memory_space<hbm>> -> memref<320x128xf32, #tpu.memory_space<hbm>>
      tpu.enqueue_dma source(%dma_start3A_25 : memref<320x128xf32, #tpu.memory_space<hbm>>) target(%dma_start3A_23 : memref<320x128xf32, #tpu.memory_space<vmem_shared>>) target_semaphore(%run_scoped3A : memref<!tpu.dma_semaphore, #tpu.memory_space<semaphore_mem>>)
      %dma_wait3A = arith.constant 0 : i32
      %dma_wait3A_26 = tpu.memref_slice %arg8[%mul3A_6, %dma_wait3A] : memref<5136x128xf32, #tpu.memory_space<vmem_shared>> -> memref<320x128xf32, #tpu.memory_space<vmem_shared>>
      %dma_wait3A_27 = arith.constant 0 : i32
      %dma_wait3A_28 = tpu.memref_slice %arg3[%mul3A_4, %dma_wait3A_27] : memref<5120x128xf32, #tpu.memory_space<hbm>> -> memref<320x128xf32, #tpu.memory_space<hbm>>
      tpu.wait_dma2 semaphore(%run_scoped3A : memref<!tpu.dma_semaphore, #tpu.memory_space<semaphore_mem>>) src(%dma_wait3A_28 : memref<320x128xf32, #tpu.memory_space<hbm>>) dst(%dma_wait3A_26 : memref<320x128xf32, #tpu.memory_space<vmem_shared>>)
      tpu.yield
    }) : () -> ()
    %scan3A = arith.constant 0 : i32
    %scan3A_7 = arith.constant 0 : i32
    %scan3A_8 = arith.constant 80 : i32
    %scan3A_9 = arith.addi %scan3A_7, %scan3A_8 : i32
    %scan3A_10 = arith.constant 1 : i32
    scf.for %scan3A_23 = %scan3A_7 to %scan3A_9 step %scan3A_10  : i32 {
      %get3A = arith.index_cast %scan3A_23 : i32 to index
      %get3A_24 = arith.constant 0 : index
      %get3A_25 = tpu.vector_load %arg6[%get3A, %get3A_24] {strides = array<i32>} : memref<80x128xi32, #tpu.memory_space<vmem>>, vector<1x16xi32>,
      %get3A_26 = vector.shape_cast %get3A_25 : vector<1x16xi32> to vector<16xi32>
      %sub3A = vector.broadcast %mul3A_0 : i32 to vector<16xi32>
      %sub3A_27 = arith.subi %get3A_26, %sub3A : vector<16xi32>
      %lt3A = arith.constant 0 : i32
      %lt3A_28 = vector.broadcast %lt3A : i32 to vector<16xi32>
      %lt3A_29 = arith.cmpi slt, %sub3A_27, %lt3A_28 : vector<16xi32>
      %ge3A = arith.constant 5120 : i32
      %ge3A_30 = vector.broadcast %ge3A : i32 to vector<16xi32>
      %ge3A_31 = arith.cmpi sge, %sub3A_27, %ge3A_30 : vector<16xi32>
      %or3A = arith.ori %lt3A_29, %ge3A_31 : vector<16xi1>
      %iota3A = tpu.iota {dimensions = array<i32: 0>} : vector<16xi32>
      %add3A_32 = arith.constant 5120 : i32
      %add3A_33 = vector.broadcast %add3A_32 : i32 to vector<16xi32>
      %add3A_34 = arith.addi %add3A_33, %iota3A : vector<16xi32>
      %select_n3A = arith.select %or3A, %add3A_34, %sub3A_27 : vector<16xi1>, vector<16xi32>
      %swap3A = arith.index_cast %scan3A_23 : i32 to index
      %swap3A_35 = arith.constant 0 : index
      %swap3A_36 = tpu.vector_load %arg6[%swap3A, %swap3A_35] {strides = array<i32>} : memref<80x128xi32, #tpu.memory_space<vmem>>, vector<1x16xi32>,
      %swap3A_37 = vector.shape_cast %swap3A_36 : vector<1x16xi32> to vector<16xi32>
      %swap3A_38 = vector.shape_cast %select_n3A : vector<16xi32> to vector<1x16xi32>
      tpu.vector_store %arg6[%swap3A, %swap3A_35], %swap3A_38 {strides = array<i32>} : memref<80x128xi32, #tpu.memory_space<vmem>>, vector<1x16xi32>,
      %get3A_39 = arith.index_cast %scan3A_23 : i32 to index
      %get3A_40 = arith.constant 16 : index
      %get3A_41 = tpu.vector_load %arg6[%get3A_39, %get3A_40] {strides = array<i32>} : memref<80x128xi32, #tpu.memory_space<vmem>>, vector<1x16xi32>,
      %get3A_42 = vector.shape_cast %get3A_41 : vector<1x16xi32> to vector<16xi32>
      %sub3A_43 = vector.broadcast %mul3A_0 : i32 to vector<16xi32>
      %sub3A_44 = arith.subi %get3A_42, %sub3A_43 : vector<16xi32>
      %lt3A_45 = arith.constant 0 : i32
      %lt3A_46 = vector.broadcast %lt3A_45 : i32 to vector<16xi32>
      %lt3A_47 = arith.cmpi slt, %sub3A_44, %lt3A_46 : vector<16xi32>
      %ge3A_48 = arith.constant 5120 : i32
      %ge3A_49 = vector.broadcast %ge3A_48 : i32 to vector<16xi32>
      %ge3A_50 = arith.cmpi sge, %sub3A_44, %ge3A_49 : vector<16xi32>
      %or3A_51 = arith.ori %lt3A_47, %ge3A_50 : vector<16xi1>
      %iota3A_52 = tpu.iota {dimensions = array<i32: 0>} : vector<16xi32>
      %add3A_53 = arith.constant 5120 : i32
      %add3A_54 = vector.broadcast %add3A_53 : i32 to vector<16xi32>
      %add3A_55 = arith.addi %add3A_54, %iota3A_52 : vector<16xi32>
      %select_n3A_56 = arith.select %or3A_51, %add3A_55, %sub3A_44 : vector<16xi1>, vector<16xi32>
      %swap3A_57 = arith.index_cast %scan3A_23 : i32 to index
      %swap3A_58 = arith.constant 16 : index
      %swap3A_59 = tpu.vector_load %arg6[%swap3A_57, %swap3A_58] {strides = array<i32>} : memref<80x128xi32, #tpu.memory_space<vmem>>, vector<1x16xi32>,
      %swap3A_60 = vector.shape_cast %swap3A_59 : vector<1x16xi32> to vector<16xi32>
      %swap3A_61 = vector.shape_cast %select_n3A_56 : vector<16xi32> to vector<1x16xi32>
      tpu.vector_store %arg6[%swap3A_57, %swap3A_58], %swap3A_61 {strides = array<i32>} : memref<80x128xi32, #tpu.memory_space<vmem>>, vector<1x16xi32>,
      %get3A_62 = arith.index_cast %scan3A_23 : i32 to index
      %get3A_63 = arith.constant 32 : index
      %get3A_64 = tpu.vector_load %arg6[%get3A_62, %get3A_63] {strides = array<i32>} : memref<80x128xi32, #tpu.memory_space<vmem>>, vector<1x16xi32>,
      %get3A_65 = vector.shape_cast %get3A_64 : vector<1x16xi32> to vector<16xi32>
      %sub3A_66 = vector.broadcast %mul3A_0 : i32 to vector<16xi32>
      %sub3A_67 = arith.subi %get3A_65, %sub3A_66 : vector<16xi32>
      %lt3A_68 = arith.constant 0 : i32
      %lt3A_69 = vector.broadcast %lt3A_68 : i32 to vector<16xi32>
      %lt3A_70 = arith.cmpi slt, %sub3A_67, %lt3A_69 : vector<16xi32>
      %ge3A_71 = arith.constant 5120 : i32
      %ge3A_72 = vector.broadcast %ge3A_71 : i32 to vector<16xi32>
      %ge3A_73 = arith.cmpi sge, %sub3A_67, %ge3A_72 : vector<16xi32>
      %or3A_74 = arith.ori %lt3A_70, %ge3A_73 : vector<16xi1>
      %iota3A_75 = tpu.iota {dimensions = array<i32: 0>} : vector<16xi32>
      %add3A_76 = arith.constant 5120 : i32
      %add3A_77 = vector.broadcast %add3A_76 : i32 to vector<16xi32>
      %add3A_78 = arith.addi %add3A_77, %iota3A_75 : vector<16xi32>
      %select_n3A_79 = arith.select %or3A_74, %add3A_78, %sub3A_67 : vector<16xi1>, vector<16xi32>
      %swap3A_80 = arith.index_cast %scan3A_23 : i32 to index
      %swap3A_81 = arith.constant 32 : index
      %swap3A_82 = tpu.vector_load %arg6[%swap3A_80, %swap3A_81] {strides = array<i32>} : memref<80x128xi32, #tpu.memory_space<vmem>>, vector<1x16xi32>,
      %swap3A_83 = vector.shape_cast %swap3A_82 : vector<1x16xi32> to vector<16xi32>
      %swap3A_84 = vector.shape_cast %select_n3A_79 : vector<16xi32> to vector<1x16xi32>
      tpu.vector_store %arg6[%swap3A_80, %swap3A_81], %swap3A_84 {strides = array<i32>} : memref<80x128xi32, #tpu.memory_space<vmem>>, vector<1x16xi32>,
      %get3A_85 = arith.index_cast %scan3A_23 : i32 to index
      %get3A_86 = arith.constant 48 : index
      %get3A_87 = tpu.vector_load %arg6[%get3A_85, %get3A_86] {strides = array<i32>} : memref<80x128xi32, #tpu.memory_space<vmem>>, vector<1x16xi32>,
      %get3A_88 = vector.shape_cast %get3A_87 : vector<1x16xi32> to vector<16xi32>
      %sub3A_89 = vector.broadcast %mul3A_0 : i32 to vector<16xi32>
      %sub3A_90 = arith.subi %get3A_88, %sub3A_89 : vector<16xi32>
      %lt3A_91 = arith.constant 0 : i32
      %lt3A_92 = vector.broadcast %lt3A_91 : i32 to vector<16xi32>
      %lt3A_93 = arith.cmpi slt, %sub3A_90, %lt3A_92 : vector<16xi32>
      %ge3A_94 = arith.constant 5120 : i32
      %ge3A_95 = vector.broadcast %ge3A_94 : i32 to vector<16xi32>
      %ge3A_96 = arith.cmpi sge, %sub3A_90, %ge3A_95 : vector<16xi32>
      %or3A_97 = arith.ori %lt3A_93, %ge3A_96 : vector<16xi1>
      %iota3A_98 = tpu.iota {dimensions = array<i32: 0>} : vector<16xi32>
      %add3A_99 = arith.constant 5120 : i32
      %add3A_100 = vector.broadcast %add3A_99 : i32 to vector<16xi32>
      %add3A_101 = arith.addi %add3A_100, %iota3A_98 : vector<16xi32>
      %select_n3A_102 = arith.select %or3A_97, %add3A_101, %sub3A_90 : vector<16xi1>, vector<16xi32>
      %swap3A_103 = arith.index_cast %scan3A_23 : i32 to index
      %swap3A_104 = arith.constant 48 : index
      %swap3A_105 = tpu.vector_load %arg6[%swap3A_103, %swap3A_104] {strides = array<i32>} : memref<80x128xi32, #tpu.memory_space<vmem>>, vector<1x16xi32>,
      %swap3A_106 = vector.shape_cast %swap3A_105 : vector<1x16xi32> to vector<16xi32>
      %swap3A_107 = vector.shape_cast %select_n3A_102 : vector<16xi32> to vector<1x16xi32>
      tpu.vector_store %arg6[%swap3A_103, %swap3A_104], %swap3A_107 {strides = array<i32>} : memref<80x128xi32, #tpu.memory_space<vmem>>, vector<1x16xi32>,
      %get3A_108 = arith.index_cast %scan3A_23 : i32 to index
      %get3A_109 = arith.constant 64 : index
      %get3A_110 = tpu.vector_load %arg6[%get3A_108, %get3A_109] {strides = array<i32>} : memref<80x128xi32, #tpu.memory_space<vmem>>, vector<1x16xi32>,
      %get3A_111 = vector.shape_cast %get3A_110 : vector<1x16xi32> to vector<16xi32>
      %sub3A_112 = vector.broadcast %mul3A_0 : i32 to vector<16xi32>
      %sub3A_113 = arith.subi %get3A_111, %sub3A_112 : vector<16xi32>
      %lt3A_114 = arith.constant 0 : i32
      %lt3A_115 = vector.broadcast %lt3A_114 : i32 to vector<16xi32>
      %lt3A_116 = arith.cmpi slt, %sub3A_113, %lt3A_115 : vector<16xi32>
      %ge3A_117 = arith.constant 5120 : i32
      %ge3A_118 = vector.broadcast %ge3A_117 : i32 to vector<16xi32>
      %ge3A_119 = arith.cmpi sge, %sub3A_113, %ge3A_118 : vector<16xi32>
      %or3A_120 = arith.ori %lt3A_116, %ge3A_119 : vector<16xi1>
      %iota3A_121 = tpu.iota {dimensions = array<i32: 0>} : vector<16xi32>
      %add3A_122 = arith.constant 5120 : i32
      %add3A_123 = vector.broadcast %add3A_122 : i32 to vector<16xi32>
      %add3A_124 = arith.addi %add3A_123, %iota3A_121 : vector<16xi32>
      %select_n3A_125 = arith.select %or3A_120, %add3A_124, %sub3A_113 : vector<16xi1>, vector<16xi32>
      %swap3A_126 = arith.index_cast %scan3A_23 : i32 to index
      %swap3A_127 = arith.constant 64 : index
      %swap3A_128 = tpu.vector_load %arg6[%swap3A_126, %swap3A_127] {strides = array<i32>} : memref<80x128xi32, #tpu.memory_space<vmem>>, vector<1x16xi32>,
      %swap3A_129 = vector.shape_cast %swap3A_128 : vector<1x16xi32> to vector<16xi32>
      %swap3A_130 = vector.shape_cast %select_n3A_125 : vector<16xi32> to vector<1x16xi32>
      tpu.vector_store %arg6[%swap3A_126, %swap3A_127], %swap3A_130 {strides = array<i32>} : memref<80x128xi32, #tpu.memory_space<vmem>>, vector<1x16xi32>,
      %get3A_131 = arith.index_cast %scan3A_23 : i32 to index
      %get3A_132 = arith.constant 80 : index
      %get3A_133 = tpu.vector_load %arg6[%get3A_131, %get3A_132] {strides = array<i32>} : memref<80x128xi32, #tpu.memory_space<vmem>>, vector<1x16xi32>,
      %get3A_134 = vector.shape_cast %get3A_133 : vector<1x16xi32> to vector<16xi32>
      %sub3A_135 = vector.broadcast %mul3A_0 : i32 to vector<16xi32>
      %sub3A_136 = arith.subi %get3A_134, %sub3A_135 : vector<16xi32>
      %lt3A_137 = arith.constant 0 : i32
      %lt3A_138 = vector.broadcast %lt3A_137 : i32 to vector<16xi32>
      %lt3A_139 = arith.cmpi slt, %sub3A_136, %lt3A_138 : vector<16xi32>
      %ge3A_140 = arith.constant 5120 : i32
      %ge3A_141 = vector.broadcast %ge3A_140 : i32 to vector<16xi32>
      %ge3A_142 = arith.cmpi sge, %sub3A_136, %ge3A_141 : vector<16xi32>
      %or3A_143 = arith.ori %lt3A_139, %ge3A_142 : vector<16xi1>
      %iota3A_144 = tpu.iota {dimensions = array<i32: 0>} : vector<16xi32>
      %add3A_145 = arith.constant 5120 : i32
      %add3A_146 = vector.broadcast %add3A_145 : i32 to vector<16xi32>
      %add3A_147 = arith.addi %add3A_146, %iota3A_144 : vector<16xi32>
      %select_n3A_148 = arith.select %or3A_143, %add3A_147, %sub3A_136 : vector<16xi1>, vector<16xi32>
      %swap3A_149 = arith.index_cast %scan3A_23 : i32 to index
      %swap3A_150 = arith.constant 80 : index
      %swap3A_151 = tpu.vector_load %arg6[%swap3A_149, %swap3A_150] {strides = array<i32>} : memref<80x128xi32, #tpu.memory_space<vmem>>, vector<1x16xi32>,
      %swap3A_152 = vector.shape_cast %swap3A_151 : vector<1x16xi32> to vector<16xi32>
      %swap3A_153 = vector.shape_cast %select_n3A_148 : vector<16xi32> to vector<1x16xi32>
      tpu.vector_store %arg6[%swap3A_149, %swap3A_150], %swap3A_153 {strides = array<i32>} : memref<80x128xi32, #tpu.memory_space<vmem>>, vector<1x16xi32>,
      %get3A_154 = arith.index_cast %scan3A_23 : i32 to index
      %get3A_155 = arith.constant 96 : index
      %get3A_156 = tpu.vector_load %arg6[%get3A_154, %get3A_155] {strides = array<i32>} : memref<80x128xi32, #tpu.memory_space<vmem>>, vector<1x16xi32>,
      %get3A_157 = vector.shape_cast %get3A_156 : vector<1x16xi32> to vector<16xi32>
      %sub3A_158 = vector.broadcast %mul3A_0 : i32 to vector<16xi32>
      %sub3A_159 = arith.subi %get3A_157, %sub3A_158 : vector<16xi32>
      %lt3A_160 = arith.constant 0 : i32
      %lt3A_161 = vector.broadcast %lt3A_160 : i32 to vector<16xi32>
      %lt3A_162 = arith.cmpi slt, %sub3A_159, %lt3A_161 : vector<16xi32>
      %ge3A_163 = arith.constant 5120 : i32
      %ge3A_164 = vector.broadcast %ge3A_163 : i32 to vector<16xi32>
      %ge3A_165 = arith.cmpi sge, %sub3A_159, %ge3A_164 : vector<16xi32>
      %or3A_166 = arith.ori %lt3A_162, %ge3A_165 : vector<16xi1>
      %iota3A_167 = tpu.iota {dimensions = array<i32: 0>} : vector<16xi32>
      %add3A_168 = arith.constant 5120 : i32
      %add3A_169 = vector.broadcast %add3A_168 : i32 to vector<16xi32>
      %add3A_170 = arith.addi %add3A_169, %iota3A_167 : vector<16xi32>
      %select_n3A_171 = arith.select %or3A_166, %add3A_170, %sub3A_159 : vector<16xi1>, vector<16xi32>
      %swap3A_172 = arith.index_cast %scan3A_23 : i32 to index
      %swap3A_173 = arith.constant 96 : index
      %swap3A_174 = tpu.vector_load %arg6[%swap3A_172, %swap3A_173] {strides = array<i32>} : memref<80x128xi32, #tpu.memory_space<vmem>>, vector<1x16xi32>,
      %swap3A_175 = vector.shape_cast %swap3A_174 : vector<1x16xi32> to vector<16xi32>
      %swap3A_176 = vector.shape_cast %select_n3A_171 : vector<16xi32> to vector<1x16xi32>
      tpu.vector_store %arg6[%swap3A_172, %swap3A_173], %swap3A_176 {strides = array<i32>} : memref<80x128xi32, #tpu.memory_space<vmem>>, vector<1x16xi32>,
      %get3A_177 = arith.index_cast %scan3A_23 : i32 to index
      %get3A_178 = arith.constant 112 : index
      %get3A_179 = tpu.vector_load %arg6[%get3A_177, %get3A_178] {strides = array<i32>} : memref<80x128xi32, #tpu.memory_space<vmem>>, vector<1x16xi32>,
      %get3A_180 = vector.shape_cast %get3A_179 : vector<1x16xi32> to vector<16xi32>
      %sub3A_181 = vector.broadcast %mul3A_0 : i32 to vector<16xi32>
      %sub3A_182 = arith.subi %get3A_180, %sub3A_181 : vector<16xi32>
      %lt3A_183 = arith.constant 0 : i32
      %lt3A_184 = vector.broadcast %lt3A_183 : i32 to vector<16xi32>
      %lt3A_185 = arith.cmpi slt, %sub3A_182, %lt3A_184 : vector<16xi32>
      %ge3A_186 = arith.constant 5120 : i32
      %ge3A_187 = vector.broadcast %ge3A_186 : i32 to vector<16xi32>
      %ge3A_188 = arith.cmpi sge, %sub3A_182, %ge3A_187 : vector<16xi32>
      %or3A_189 = arith.ori %lt3A_185, %ge3A_188 : vector<16xi1>
      %iota3A_190 = tpu.iota {dimensions = array<i32: 0>} : vector<16xi32>
      %add3A_191 = arith.constant 5120 : i32
      %add3A_192 = vector.broadcast %add3A_191 : i32 to vector<16xi32>
      %add3A_193 = arith.addi %add3A_192, %iota3A_190 : vector<16xi32>
      %select_n3A_194 = arith.select %or3A_189, %add3A_193, %sub3A_182 : vector<16xi1>, vector<16xi32>
      %swap3A_195 = arith.index_cast %scan3A_23 : i32 to index
      %swap3A_196 = arith.constant 112 : index
      %swap3A_197 = tpu.vector_load %arg6[%swap3A_195, %swap3A_196] {strides = array<i32>} : memref<80x128xi32, #tpu.memory_space<vmem>>, vector<1x16xi32>,
      %swap3A_198 = vector.shape_cast %swap3A_197 : vector<1x16xi32> to vector<16xi32>
      %swap3A_199 = vector.shape_cast %select_n3A_194 : vector<16xi32> to vector<1x16xi32>
      tpu.vector_store %arg6[%swap3A_195, %swap3A_196], %swap3A_199 {strides = array<i32>} : memref<80x128xi32, #tpu.memory_space<vmem>>, vector<1x16xi32>,
    }
    %scan3A_11 = arith.constant 80 : i32
    %barrier3A = arith.constant 0 : index
    tpu.barrier barrier_id(%barrier3A)
    %scan3A_12 = arith.constant 0 : i32
    %scan3A_13 = arith.constant 0 : i32
    %scan3A_14 = arith.constant 80 : i32
    %scan3A_15 = arith.addi %scan3A_13, %scan3A_14 : i32
    %scan3A_16 = arith.constant 1 : i32
    scf.for %scan3A_23 = %scan3A_13 to %scan3A_15 step %scan3A_16  : i32 {
      "tpu.region"() ({
        %run_scoped3A = tpu.sem_alloc : memref<!tpu.dma_semaphore, #tpu.memory_space<semaphore_mem>>
        %dma_start3A = arith.constant 0 : i32
        %dma_start3A_24 = tpu.memref_slice %arg6[%scan3A_23, %dma_start3A] : memref<80x128xi32, #tpu.memory_space<vmem>> -> memref<1x128xi32, #tpu.memory_space<vmem>>
        %dma_start3A_25 = tpu.memref_squeeze %dma_start3A_24 : memref<1x128xi32, #tpu.memory_space<vmem>> -> memref<128xi32, #tpu.memory_space<vmem>>
        %dma_start3A_26 = arith.constant 0 : i32
        %dma_start3A_27 = arith.constant 0 : i32
        %dma_start3A_28 = tpu.memref_slice %arg8[%dma_start3A_26, %dma_start3A_27] : memref<5136x128xf32, #tpu.memory_space<vmem_shared>> -> memref<5136x128xf32, #tpu.memory_space<vmem_shared>>
        tpu.enqueue_indirect_dma source(%arg7 : memref<128x128xf32, #tpu.memory_space<vmem>>) target(%dma_start3A_28 : memref<5136x128xf32, #tpu.memory_space<vmem_shared>>) offsets(%dma_start3A_25 : memref<128xi32, #tpu.memory_space<vmem>>) semaphore(%run_scoped3A : memref<!tpu.dma_semaphore, #tpu.memory_space<semaphore_mem>>) {add = true}
        %dma_wait3A = arith.constant 0 : i32
        %dma_wait3A_29 = tpu.memref_slice %arg6[%scan3A_23, %dma_wait3A] : memref<80x128xi32, #tpu.memory_space<vmem>> -> memref<1x128xi32, #tpu.memory_space<vmem>>
        %dma_wait3A_30 = tpu.memref_squeeze %dma_wait3A_29 : memref<1x128xi32, #tpu.memory_space<vmem>> -> memref<128xi32, #tpu.memory_space<vmem>>
        %dma_wait3A_31 = arith.constant 0 : i32
        %dma_wait3A_32 = arith.constant 0 : i32
        %dma_wait3A_33 = tpu.memref_slice %arg8[%dma_wait3A_31, %dma_wait3A_32] : memref<5136x128xf32, #tpu.memory_space<vmem_shared>> -> memref<5136x128xf32, #tpu.memory_space<vmem_shared>>
        tpu.wait_indirect_dma semaphore(%run_scoped3A : memref<!tpu.dma_semaphore, #tpu.memory_space<semaphore_mem>>) src(%arg7 : memref<128x128xf32, #tpu.memory_space<vmem>>) dst(%dma_wait3A_33 : memref<5136x128xf32, #tpu.memory_space<vmem_shared>>)
        tpu.yield
      }) : () -> ()
    }
    %scan3A_17 = arith.constant 80 : i32
    %barrier3A_18 = arith.constant 0 : index
    tpu.barrier barrier_id(%barrier3A_18)
    %mul3A_19 = arith.constant 320 : i32
    %mul3A_20 = arith.muli %arg1, %mul3A_19 : i32
    %mul3A_21 = arith.constant 320 : i32
    %mul3A_22 = arith.muli %arg1, %mul3A_21 : i32
    %add3A = arith.addi %mul3A_0, %mul3A_22 : i32
    "tpu.region"() ({
      %run_scoped3A = tpu.sem_alloc : memref<!tpu.dma_semaphore, #tpu.memory_space<semaphore_mem>>
      %dma_start3A = arith.constant 0 : i32
      %dma_start3A_23 = tpu.memref_slice %arg5[%add3A, %dma_start3A] : memref<10240x128xf32, #tpu.memory_space<hbm>> -> memref<320x128xf32, #tpu.memory_space<hbm>>
      %dma_start3A_24 = arith.constant 0 : i32
      %dma_start3A_25 = tpu.memref_slice %arg8[%mul3A_20, %dma_start3A_24] : memref<5136x128xf32, #tpu.memory_space<vmem_shared>> -> memref<320x128xf32, #tpu.memory_space<vmem_shared>>
      tpu.enqueue_dma source(%dma_start3A_25 : memref<320x128xf32, #tpu.memory_space<vmem_shared>>) target(%dma_start3A_23 : memref<320x128xf32, #tpu.memory_space<hbm>>) target_semaphore(%run_scoped3A : memref<!tpu.dma_semaphore, #tpu.memory_space<semaphore_mem>>)
      %dma_wait3A = arith.constant 0 : i32
      %dma_wait3A_26 = tpu.memref_slice %arg5[%add3A, %dma_wait3A] : memref<10240x128xf32, #tpu.memory_space<hbm>> -> memref<320x128xf32, #tpu.memory_space<hbm>>
      %dma_wait3A_27 = arith.constant 0 : i32
      %dma_wait3A_28 = tpu.memref_slice %arg8[%mul3A_20, %dma_wait3A_27] : memref<5136x128xf32, #tpu.memory_space<vmem_shared>> -> memref<320x128xf32, #tpu.memory_space<vmem_shared>>
      tpu.wait_dma2 semaphore(%run_scoped3A : memref<!tpu.dma_semaphore, #tpu.memory_space<semaphore_mem>>) src(%dma_wait3A_28 : memref<320x128xf32, #tpu.memory_space<vmem_shared>>) dst(%dma_wait3A_26 : memref<320x128xf32, #tpu.memory_space<hbm>>)
      tpu.yield
    }) : () -> ()
    return
  }
}

#map = affine_map<(d0, d1) -> (0, 0, 0)>
#map1 = affine_map<(d0, d1) -> (0, 0)>
module attributes {stable_mosaic.version = 14 : i64} {
  func.func @body(%arg0: i32, %arg1: i32, %arg2: memref<4x10240x128xf32, #tpu.memory_space<hbm>>, %arg3: memref<1280x128xi32, #tpu.memory_space<hbm>>, %arg4: memref<1280x128xi32, #tpu.memory_space<hbm>>, %arg5: memref<4x10240x128xf32, #tpu.memory_space<hbm>>, %arg6: memref<80x128xi32, #tpu.memory_space<vmem>>, %arg7: memref<80x128xi32, #tpu.memory_space<vmem>>, %arg8: memref<4x128x128xf32, #tpu.memory_space<vmem>>, %arg9: memref<5136x128xf32, #tpu.memory_space<vmem_shared>>, %arg10: memref<!tpu.dma_semaphore, #tpu.memory_space<semaphore_mem>>, %arg11: memref<!tpu.dma_semaphore, #tpu.memory_space<semaphore_mem>>) attributes {dimension_semantics = [#tpu.dimension_semantics<core_parallel>, #tpu.dimension_semantics<subcore_parallel>], iteration_bounds = array<i64: 2, 16>, scalar_prefetch = 0 : i64, scratch_operands = 6 : i64, tpu.core_type = #tpu.core_type<sc_vector_subcore>, window_params = [{transform_indices = #map}, {transform_indices = #map1}, {transform_indices = #map1}, {transform_indices = #map}]} {
    %mul3A = arith.constant 5120 : i32
    %mul3A_0 = arith.muli %arg0, %mul3A : i32
    %mul3A_1 = arith.constant 80 : i32
    %mul3A_2 = arith.muli %arg1, %mul3A_1 : i32
    "tpu.region"() ({
      %run_scoped3A_226 = tpu.sem_alloc : memref<!tpu.dma_semaphore, #tpu.memory_space<semaphore_mem>>
      %dma_start3A_227 = arith.constant 0 : i32
      %dma_start3A_228 = tpu.memref_slice %arg3[%mul3A_2, %dma_start3A_227] : memref<1280x128xi32, #tpu.memory_space<hbm>> -> memref<80x128xi32, #tpu.memory_space<hbm>>
      %dma_start3A_229 = arith.constant 0 : i32
      %dma_start3A_230 = tpu.memref_slice %arg3[%mul3A_2, %dma_start3A_229] : memref<1280x128xi32, #tpu.memory_space<hbm>> -> memref<80x128xi32, #tpu.memory_space<hbm>>
      tpu.enqueue_dma source(%dma_start3A_230 : memref<80x128xi32, #tpu.memory_space<hbm>>) target(%arg6 : memref<80x128xi32, #tpu.memory_space<vmem>>) target_semaphore(%run_scoped3A_226 : memref<!tpu.dma_semaphore, #tpu.memory_space<semaphore_mem>>)
      %dma_wait3A = arith.constant 0 : i32
      %dma_wait3A_231 = tpu.memref_slice %arg3[%mul3A_2, %dma_wait3A] : memref<1280x128xi32, #tpu.memory_space<hbm>> -> memref<80x128xi32, #tpu.memory_space<hbm>>
      %dma_wait3A_232 = arith.constant 0 : i32
      %dma_wait3A_233 = tpu.memref_slice %arg3[%mul3A_2, %dma_wait3A_232] : memref<1280x128xi32, #tpu.memory_space<hbm>> -> memref<80x128xi32, #tpu.memory_space<hbm>>
      tpu.wait_dma2 semaphore(%run_scoped3A_226 : memref<!tpu.dma_semaphore, #tpu.memory_space<semaphore_mem>>) src(%dma_wait3A_233 : memref<80x128xi32, #tpu.memory_space<hbm>>) dst(%arg6 : memref<80x128xi32, #tpu.memory_space<vmem>>)
      tpu.yield
    }) : () -> ()
    %mul3A_3 = arith.constant 80 : i32
    %mul3A_4 = arith.muli %arg1, %mul3A_3 : i32
    "tpu.region"() ({
      %run_scoped3A_226 = tpu.sem_alloc : memref<!tpu.dma_semaphore, #tpu.memory_space<semaphore_mem>>
      %dma_start3A_227 = arith.constant 0 : i32
      %dma_start3A_228 = tpu.memref_slice %arg4[%mul3A_4, %dma_start3A_227] : memref<1280x128xi32, #tpu.memory_space<hbm>> -> memref<80x128xi32, #tpu.memory_space<hbm>>
      %dma_start3A_229 = arith.constant 0 : i32
      %dma_start3A_230 = tpu.memref_slice %arg4[%mul3A_4, %dma_start3A_229] : memref<1280x128xi32, #tpu.memory_space<hbm>> -> memref<80x128xi32, #tpu.memory_space<hbm>>
      tpu.enqueue_dma source(%dma_start3A_230 : memref<80x128xi32, #tpu.memory_space<hbm>>) target(%arg7 : memref<80x128xi32, #tpu.memory_space<vmem>>) target_semaphore(%run_scoped3A_226 : memref<!tpu.dma_semaphore, #tpu.memory_space<semaphore_mem>>)
      %dma_wait3A = arith.constant 0 : i32
      %dma_wait3A_231 = tpu.memref_slice %arg4[%mul3A_4, %dma_wait3A] : memref<1280x128xi32, #tpu.memory_space<hbm>> -> memref<80x128xi32, #tpu.memory_space<hbm>>
      %dma_wait3A_232 = arith.constant 0 : i32
      %dma_wait3A_233 = tpu.memref_slice %arg4[%mul3A_4, %dma_wait3A_232] : memref<1280x128xi32, #tpu.memory_space<hbm>> -> memref<80x128xi32, #tpu.memory_space<hbm>>
      tpu.wait_dma2 semaphore(%run_scoped3A_226 : memref<!tpu.dma_semaphore, #tpu.memory_space<semaphore_mem>>) src(%dma_wait3A_233 : memref<80x128xi32, #tpu.memory_space<hbm>>) dst(%arg7 : memref<80x128xi32, #tpu.memory_space<vmem>>)
      tpu.yield
    }) : () -> ()
    %scan3A = arith.constant 0 : i32
    %scan3A_5 = arith.constant 0 : i32
    %scan3A_6 = arith.constant 80 : i32
    %scan3A_7 = arith.addi %scan3A_5, %scan3A_6 : i32
    %scan3A_8 = arith.constant 1 : i32
    scf.for %scan3A_226 = %scan3A_5 to %scan3A_7 step %scan3A_8  : i32 {
      %get3A = arith.index_cast %scan3A_226 : i32 to index
      %get3A_227 = arith.constant 0 : index
      %get3A_228 = tpu.vector_load %arg7[%get3A, %get3A_227] {strides = array<i32>} : memref<80x128xi32, #tpu.memory_space<vmem>>, vector<1x16xi32>,
      %get3A_229 = vector.shape_cast %get3A_228 : vector<1x16xi32> to vector<16xi32>
      %sub3A = vector.broadcast %mul3A_0 : i32 to vector<16xi32>
      %sub3A_230 = arith.subi %get3A_229, %sub3A : vector<16xi32>
      %lt3A = arith.constant 0 : i32
      %lt3A_231 = vector.broadcast %lt3A : i32 to vector<16xi32>
      %lt3A_232 = arith.cmpi slt, %sub3A_230, %lt3A_231 : vector<16xi32>
      %ge3A = arith.constant 5120 : i32
      %ge3A_233 = vector.broadcast %ge3A : i32 to vector<16xi32>
      %ge3A_234 = arith.cmpi sge, %sub3A_230, %ge3A_233 : vector<16xi32>
      %or3A = arith.ori %lt3A_232, %ge3A_234 : vector<16xi1>
      %iota3A = tpu.iota {dimensions = array<i32: 0>} : vector<16xi32>
      %add3A_235 = arith.constant 5120 : i32
      %add3A_236 = vector.broadcast %add3A_235 : i32 to vector<16xi32>
      %add3A_237 = arith.addi %add3A_236, %iota3A : vector<16xi32>
      %select_n3A = arith.select %or3A, %add3A_237, %sub3A_230 : vector<16xi1>, vector<16xi32>
      %swap3A = arith.index_cast %scan3A_226 : i32 to index
      %swap3A_238 = arith.constant 0 : index
      %swap3A_239 = tpu.vector_load %arg7[%swap3A, %swap3A_238] {strides = array<i32>} : memref<80x128xi32, #tpu.memory_space<vmem>>, vector<1x16xi32>,
      %swap3A_240 = vector.shape_cast %swap3A_239 : vector<1x16xi32> to vector<16xi32>
      %swap3A_241 = vector.shape_cast %select_n3A : vector<16xi32> to vector<1x16xi32>
      tpu.vector_store %arg7[%swap3A, %swap3A_238], %swap3A_241 {strides = array<i32>} : memref<80x128xi32, #tpu.memory_space<vmem>>, vector<1x16xi32>,
      %get3A_242 = arith.index_cast %scan3A_226 : i32 to index
      %get3A_243 = arith.constant 0 : index
      %get3A_244 = tpu.vector_load %arg6[%get3A_242, %get3A_243] {strides = array<i32>} : memref<80x128xi32, #tpu.memory_space<vmem>>, vector<1x16xi32>,
      %get3A_245 = vector.shape_cast %get3A_244 : vector<1x16xi32> to vector<16xi32>
      %jit3A = arith.constant 0 : i32
      %broadcast_in_dim3A = vector.broadcast %jit3A : i32 to vector<16xi32>
      %select_n3A_246 = arith.select %or3A, %broadcast_in_dim3A, %get3A_245 : vector<16xi1>, vector<16xi32>
      %swap3A_247 = arith.index_cast %scan3A_226 : i32 to index
      %swap3A_248 = arith.constant 0 : index
      %swap3A_249 = tpu.vector_load %arg6[%swap3A_247, %swap3A_248] {strides = array<i32>} : memref<80x128xi32, #tpu.memory_space<vmem>>, vector<1x16xi32>,
      %swap3A_250 = vector.shape_cast %swap3A_249 : vector<1x16xi32> to vector<16xi32>
      %swap3A_251 = vector.shape_cast %select_n3A_246 : vector<16xi32> to vector<1x16xi32>
      tpu.vector_store %arg6[%swap3A_247, %swap3A_248], %swap3A_251 {strides = array<i32>} : memref<80x128xi32, #tpu.memory_space<vmem>>, vector<1x16xi32>,
      %get3A_252 = arith.index_cast %scan3A_226 : i32 to index
      %get3A_253 = arith.constant 16 : index
      %get3A_254 = tpu.vector_load %arg7[%get3A_252, %get3A_253] {strides = array<i32>} : memref<80x128xi32, #tpu.memory_space<vmem>>, vector<1x16xi32>,
      %get3A_255 = vector.shape_cast %get3A_254 : vector<1x16xi32> to vector<16xi32>
      %sub3A_256 = vector.broadcast %mul3A_0 : i32 to vector<16xi32>
      %sub3A_257 = arith.subi %get3A_255, %sub3A_256 : vector<16xi32>
      %lt3A_258 = arith.constant 0 : i32
      %lt3A_259 = vector.broadcast %lt3A_258 : i32 to vector<16xi32>
      %lt3A_260 = arith.cmpi slt, %sub3A_257, %lt3A_259 : vector<16xi32>
      %ge3A_261 = arith.constant 5120 : i32
      %ge3A_262 = vector.broadcast %ge3A_261 : i32 to vector<16xi32>
      %ge3A_263 = arith.cmpi sge, %sub3A_257, %ge3A_262 : vector<16xi32>
      %or3A_264 = arith.ori %lt3A_260, %ge3A_263 : vector<16xi1>
      %iota3A_265 = tpu.iota {dimensions = array<i32: 0>} : vector<16xi32>
      %add3A_266 = arith.constant 5120 : i32
      %add3A_267 = vector.broadcast %add3A_266 : i32 to vector<16xi32>
      %add3A_268 = arith.addi %add3A_267, %iota3A_265 : vector<16xi32>
      %select_n3A_269 = arith.select %or3A_264, %add3A_268, %sub3A_257 : vector<16xi1>, vector<16xi32>
      %swap3A_270 = arith.index_cast %scan3A_226 : i32 to index
      %swap3A_271 = arith.constant 16 : index
      %swap3A_272 = tpu.vector_load %arg7[%swap3A_270, %swap3A_271] {strides = array<i32>} : memref<80x128xi32, #tpu.memory_space<vmem>>, vector<1x16xi32>,
      %swap3A_273 = vector.shape_cast %swap3A_272 : vector<1x16xi32> to vector<16xi32>
      %swap3A_274 = vector.shape_cast %select_n3A_269 : vector<16xi32> to vector<1x16xi32>
      tpu.vector_store %arg7[%swap3A_270, %swap3A_271], %swap3A_274 {strides = array<i32>} : memref<80x128xi32, #tpu.memory_space<vmem>>, vector<1x16xi32>,
      %get3A_275 = arith.index_cast %scan3A_226 : i32 to index
      %get3A_276 = arith.constant 16 : index
      %get3A_277 = tpu.vector_load %arg6[%get3A_275, %get3A_276] {strides = array<i32>} : memref<80x128xi32, #tpu.memory_space<vmem>>, vector<1x16xi32>,
      %get3A_278 = vector.shape_cast %get3A_277 : vector<1x16xi32> to vector<16xi32>
      %jit3A_279 = arith.constant 0 : i32
      %broadcast_in_dim3A_280 = vector.broadcast %jit3A_279 : i32 to vector<16xi32>
      %select_n3A_281 = arith.select %or3A_264, %broadcast_in_dim3A_280, %get3A_278 : vector<16xi1>, vector<16xi32>
      %swap3A_282 = arith.index_cast %scan3A_226 : i32 to index
      %swap3A_283 = arith.constant 16 : index
      %swap3A_284 = tpu.vector_load %arg6[%swap3A_282, %swap3A_283] {strides = array<i32>} : memref<80x128xi32, #tpu.memory_space<vmem>>, vector<1x16xi32>,
      %swap3A_285 = vector.shape_cast %swap3A_284 : vector<1x16xi32> to vector<16xi32>
      %swap3A_286 = vector.shape_cast %select_n3A_281 : vector<16xi32> to vector<1x16xi32>
      tpu.vector_store %arg6[%swap3A_282, %swap3A_283], %swap3A_286 {strides = array<i32>} : memref<80x128xi32, #tpu.memory_space<vmem>>, vector<1x16xi32>,
      %get3A_287 = arith.index_cast %scan3A_226 : i32 to index
      %get3A_288 = arith.constant 32 : index
      %get3A_289 = tpu.vector_load %arg7[%get3A_287, %get3A_288] {strides = array<i32>} : memref<80x128xi32, #tpu.memory_space<vmem>>, vector<1x16xi32>,
      %get3A_290 = vector.shape_cast %get3A_289 : vector<1x16xi32> to vector<16xi32>
      %sub3A_291 = vector.broadcast %mul3A_0 : i32 to vector<16xi32>
      %sub3A_292 = arith.subi %get3A_290, %sub3A_291 : vector<16xi32>
      %lt3A_293 = arith.constant 0 : i32
      %lt3A_294 = vector.broadcast %lt3A_293 : i32 to vector<16xi32>
      %lt3A_295 = arith.cmpi slt, %sub3A_292, %lt3A_294 : vector<16xi32>
      %ge3A_296 = arith.constant 5120 : i32
      %ge3A_297 = vector.broadcast %ge3A_296 : i32 to vector<16xi32>
      %ge3A_298 = arith.cmpi sge, %sub3A_292, %ge3A_297 : vector<16xi32>
      %or3A_299 = arith.ori %lt3A_295, %ge3A_298 : vector<16xi1>
      %iota3A_300 = tpu.iota {dimensions = array<i32: 0>} : vector<16xi32>
      %add3A_301 = arith.constant 5120 : i32
      %add3A_302 = vector.broadcast %add3A_301 : i32 to vector<16xi32>
      %add3A_303 = arith.addi %add3A_302, %iota3A_300 : vector<16xi32>
      %select_n3A_304 = arith.select %or3A_299, %add3A_303, %sub3A_292 : vector<16xi1>, vector<16xi32>
      %swap3A_305 = arith.index_cast %scan3A_226 : i32 to index
      %swap3A_306 = arith.constant 32 : index
      %swap3A_307 = tpu.vector_load %arg7[%swap3A_305, %swap3A_306] {strides = array<i32>} : memref<80x128xi32, #tpu.memory_space<vmem>>, vector<1x16xi32>,
      %swap3A_308 = vector.shape_cast %swap3A_307 : vector<1x16xi32> to vector<16xi32>
      %swap3A_309 = vector.shape_cast %select_n3A_304 : vector<16xi32> to vector<1x16xi32>
      tpu.vector_store %arg7[%swap3A_305, %swap3A_306], %swap3A_309 {strides = array<i32>} : memref<80x128xi32, #tpu.memory_space<vmem>>, vector<1x16xi32>,
      %get3A_310 = arith.index_cast %scan3A_226 : i32 to index
      %get3A_311 = arith.constant 32 : index
      %get3A_312 = tpu.vector_load %arg6[%get3A_310, %get3A_311] {strides = array<i32>} : memref<80x128xi32, #tpu.memory_space<vmem>>, vector<1x16xi32>,
      %get3A_313 = vector.shape_cast %get3A_312 : vector<1x16xi32> to vector<16xi32>
      %jit3A_314 = arith.constant 0 : i32
      %broadcast_in_dim3A_315 = vector.broadcast %jit3A_314 : i32 to vector<16xi32>
      %select_n3A_316 = arith.select %or3A_299, %broadcast_in_dim3A_315, %get3A_313 : vector<16xi1>, vector<16xi32>
      %swap3A_317 = arith.index_cast %scan3A_226 : i32 to index
      %swap3A_318 = arith.constant 32 : index
      %swap3A_319 = tpu.vector_load %arg6[%swap3A_317, %swap3A_318] {strides = array<i32>} : memref<80x128xi32, #tpu.memory_space<vmem>>, vector<1x16xi32>,
      %swap3A_320 = vector.shape_cast %swap3A_319 : vector<1x16xi32> to vector<16xi32>
      %swap3A_321 = vector.shape_cast %select_n3A_316 : vector<16xi32> to vector<1x16xi32>
      tpu.vector_store %arg6[%swap3A_317, %swap3A_318], %swap3A_321 {strides = array<i32>} : memref<80x128xi32, #tpu.memory_space<vmem>>, vector<1x16xi32>,
      %get3A_322 = arith.index_cast %scan3A_226 : i32 to index
      %get3A_323 = arith.constant 48 : index
      %get3A_324 = tpu.vector_load %arg7[%get3A_322, %get3A_323] {strides = array<i32>} : memref<80x128xi32, #tpu.memory_space<vmem>>, vector<1x16xi32>,
      %get3A_325 = vector.shape_cast %get3A_324 : vector<1x16xi32> to vector<16xi32>
      %sub3A_326 = vector.broadcast %mul3A_0 : i32 to vector<16xi32>
      %sub3A_327 = arith.subi %get3A_325, %sub3A_326 : vector<16xi32>
      %lt3A_328 = arith.constant 0 : i32
      %lt3A_329 = vector.broadcast %lt3A_328 : i32 to vector<16xi32>
      %lt3A_330 = arith.cmpi slt, %sub3A_327, %lt3A_329 : vector<16xi32>
      %ge3A_331 = arith.constant 5120 : i32
      %ge3A_332 = vector.broadcast %ge3A_331 : i32 to vector<16xi32>
      %ge3A_333 = arith.cmpi sge, %sub3A_327, %ge3A_332 : vector<16xi32>
      %or3A_334 = arith.ori %lt3A_330, %ge3A_333 : vector<16xi1>
      %iota3A_335 = tpu.iota {dimensions = array<i32: 0>} : vector<16xi32>
      %add3A_336 = arith.constant 5120 : i32
      %add3A_337 = vector.broadcast %add3A_336 : i32 to vector<16xi32>
      %add3A_338 = arith.addi %add3A_337, %iota3A_335 : vector<16xi32>
      %select_n3A_339 = arith.select %or3A_334, %add3A_338, %sub3A_327 : vector<16xi1>, vector<16xi32>
      %swap3A_340 = arith.index_cast %scan3A_226 : i32 to index
      %swap3A_341 = arith.constant 48 : index
      %swap3A_342 = tpu.vector_load %arg7[%swap3A_340, %swap3A_341] {strides = array<i32>} : memref<80x128xi32, #tpu.memory_space<vmem>>, vector<1x16xi32>,
      %swap3A_343 = vector.shape_cast %swap3A_342 : vector<1x16xi32> to vector<16xi32>
      %swap3A_344 = vector.shape_cast %select_n3A_339 : vector<16xi32> to vector<1x16xi32>
      tpu.vector_store %arg7[%swap3A_340, %swap3A_341], %swap3A_344 {strides = array<i32>} : memref<80x128xi32, #tpu.memory_space<vmem>>, vector<1x16xi32>,
      %get3A_345 = arith.index_cast %scan3A_226 : i32 to index
      %get3A_346 = arith.constant 48 : index
      %get3A_347 = tpu.vector_load %arg6[%get3A_345, %get3A_346] {strides = array<i32>} : memref<80x128xi32, #tpu.memory_space<vmem>>, vector<1x16xi32>,
      %get3A_348 = vector.shape_cast %get3A_347 : vector<1x16xi32> to vector<16xi32>
      %jit3A_349 = arith.constant 0 : i32
      %broadcast_in_dim3A_350 = vector.broadcast %jit3A_349 : i32 to vector<16xi32>
      %select_n3A_351 = arith.select %or3A_334, %broadcast_in_dim3A_350, %get3A_348 : vector<16xi1>, vector<16xi32>
      %swap3A_352 = arith.index_cast %scan3A_226 : i32 to index
      %swap3A_353 = arith.constant 48 : index
      %swap3A_354 = tpu.vector_load %arg6[%swap3A_352, %swap3A_353] {strides = array<i32>} : memref<80x128xi32, #tpu.memory_space<vmem>>, vector<1x16xi32>,
      %swap3A_355 = vector.shape_cast %swap3A_354 : vector<1x16xi32> to vector<16xi32>
      %swap3A_356 = vector.shape_cast %select_n3A_351 : vector<16xi32> to vector<1x16xi32>
      tpu.vector_store %arg6[%swap3A_352, %swap3A_353], %swap3A_356 {strides = array<i32>} : memref<80x128xi32, #tpu.memory_space<vmem>>, vector<1x16xi32>,
      %get3A_357 = arith.index_cast %scan3A_226 : i32 to index
      %get3A_358 = arith.constant 64 : index
      %get3A_359 = tpu.vector_load %arg7[%get3A_357, %get3A_358] {strides = array<i32>} : memref<80x128xi32, #tpu.memory_space<vmem>>, vector<1x16xi32>,
      %get3A_360 = vector.shape_cast %get3A_359 : vector<1x16xi32> to vector<16xi32>
      %sub3A_361 = vector.broadcast %mul3A_0 : i32 to vector<16xi32>
      %sub3A_362 = arith.subi %get3A_360, %sub3A_361 : vector<16xi32>
      %lt3A_363 = arith.constant 0 : i32
      %lt3A_364 = vector.broadcast %lt3A_363 : i32 to vector<16xi32>
      %lt3A_365 = arith.cmpi slt, %sub3A_362, %lt3A_364 : vector<16xi32>
      %ge3A_366 = arith.constant 5120 : i32
      %ge3A_367 = vector.broadcast %ge3A_366 : i32 to vector<16xi32>
      %ge3A_368 = arith.cmpi sge, %sub3A_362, %ge3A_367 : vector<16xi32>
      %or3A_369 = arith.ori %lt3A_365, %ge3A_368 : vector<16xi1>
      %iota3A_370 = tpu.iota {dimensions = array<i32: 0>} : vector<16xi32>
      %add3A_371 = arith.constant 5120 : i32
      %add3A_372 = vector.broadcast %add3A_371 : i32 to vector<16xi32>
      %add3A_373 = arith.addi %add3A_372, %iota3A_370 : vector<16xi32>
      %select_n3A_374 = arith.select %or3A_369, %add3A_373, %sub3A_362 : vector<16xi1>, vector<16xi32>
      %swap3A_375 = arith.index_cast %scan3A_226 : i32 to index
      %swap3A_376 = arith.constant 64 : index
      %swap3A_377 = tpu.vector_load %arg7[%swap3A_375, %swap3A_376] {strides = array<i32>} : memref<80x128xi32, #tpu.memory_space<vmem>>, vector<1x16xi32>,
      %swap3A_378 = vector.shape_cast %swap3A_377 : vector<1x16xi32> to vector<16xi32>
      %swap3A_379 = vector.shape_cast %select_n3A_374 : vector<16xi32> to vector<1x16xi32>
      tpu.vector_store %arg7[%swap3A_375, %swap3A_376], %swap3A_379 {strides = array<i32>} : memref<80x128xi32, #tpu.memory_space<vmem>>, vector<1x16xi32>,
      %get3A_380 = arith.index_cast %scan3A_226 : i32 to index
      %get3A_381 = arith.constant 64 : index
      %get3A_382 = tpu.vector_load %arg6[%get3A_380, %get3A_381] {strides = array<i32>} : memref<80x128xi32, #tpu.memory_space<vmem>>, vector<1x16xi32>,
      %get3A_383 = vector.shape_cast %get3A_382 : vector<1x16xi32> to vector<16xi32>
      %jit3A_384 = arith.constant 0 : i32
      %broadcast_in_dim3A_385 = vector.broadcast %jit3A_384 : i32 to vector<16xi32>
      %select_n3A_386 = arith.select %or3A_369, %broadcast_in_dim3A_385, %get3A_383 : vector<16xi1>, vector<16xi32>
      %swap3A_387 = arith.index_cast %scan3A_226 : i32 to index
      %swap3A_388 = arith.constant 64 : index
      %swap3A_389 = tpu.vector_load %arg6[%swap3A_387, %swap3A_388] {strides = array<i32>} : memref<80x128xi32, #tpu.memory_space<vmem>>, vector<1x16xi32>,
      %swap3A_390 = vector.shape_cast %swap3A_389 : vector<1x16xi32> to vector<16xi32>
      %swap3A_391 = vector.shape_cast %select_n3A_386 : vector<16xi32> to vector<1x16xi32>
      tpu.vector_store %arg6[%swap3A_387, %swap3A_388], %swap3A_391 {strides = array<i32>} : memref<80x128xi32, #tpu.memory_space<vmem>>, vector<1x16xi32>,
      %get3A_392 = arith.index_cast %scan3A_226 : i32 to index
      %get3A_393 = arith.constant 80 : index
      %get3A_394 = tpu.vector_load %arg7[%get3A_392, %get3A_393] {strides = array<i32>} : memref<80x128xi32, #tpu.memory_space<vmem>>, vector<1x16xi32>,
      %get3A_395 = vector.shape_cast %get3A_394 : vector<1x16xi32> to vector<16xi32>
      %sub3A_396 = vector.broadcast %mul3A_0 : i32 to vector<16xi32>
      %sub3A_397 = arith.subi %get3A_395, %sub3A_396 : vector<16xi32>
      %lt3A_398 = arith.constant 0 : i32
      %lt3A_399 = vector.broadcast %lt3A_398 : i32 to vector<16xi32>
      %lt3A_400 = arith.cmpi slt, %sub3A_397, %lt3A_399 : vector<16xi32>
      %ge3A_401 = arith.constant 5120 : i32
      %ge3A_402 = vector.broadcast %ge3A_401 : i32 to vector<16xi32>
      %ge3A_403 = arith.cmpi sge, %sub3A_397, %ge3A_402 : vector<16xi32>
      %or3A_404 = arith.ori %lt3A_400, %ge3A_403 : vector<16xi1>
      %iota3A_405 = tpu.iota {dimensions = array<i32: 0>} : vector<16xi32>
      %add3A_406 = arith.constant 5120 : i32
      %add3A_407 = vector.broadcast %add3A_406 : i32 to vector<16xi32>
      %add3A_408 = arith.addi %add3A_407, %iota3A_405 : vector<16xi32>
      %select_n3A_409 = arith.select %or3A_404, %add3A_408, %sub3A_397 : vector<16xi1>, vector<16xi32>
      %swap3A_410 = arith.index_cast %scan3A_226 : i32 to index
      %swap3A_411 = arith.constant 80 : index
      %swap3A_412 = tpu.vector_load %arg7[%swap3A_410, %swap3A_411] {strides = array<i32>} : memref<80x128xi32, #tpu.memory_space<vmem>>, vector<1x16xi32>,
      %swap3A_413 = vector.shape_cast %swap3A_412 : vector<1x16xi32> to vector<16xi32>
      %swap3A_414 = vector.shape_cast %select_n3A_409 : vector<16xi32> to vector<1x16xi32>
      tpu.vector_store %arg7[%swap3A_410, %swap3A_411], %swap3A_414 {strides = array<i32>} : memref<80x128xi32, #tpu.memory_space<vmem>>, vector<1x16xi32>,
      %get3A_415 = arith.index_cast %scan3A_226 : i32 to index
      %get3A_416 = arith.constant 80 : index
      %get3A_417 = tpu.vector_load %arg6[%get3A_415, %get3A_416] {strides = array<i32>} : memref<80x128xi32, #tpu.memory_space<vmem>>, vector<1x16xi32>,
      %get3A_418 = vector.shape_cast %get3A_417 : vector<1x16xi32> to vector<16xi32>
      %jit3A_419 = arith.constant 0 : i32
      %broadcast_in_dim3A_420 = vector.broadcast %jit3A_419 : i32 to vector<16xi32>
      %select_n3A_421 = arith.select %or3A_404, %broadcast_in_dim3A_420, %get3A_418 : vector<16xi1>, vector<16xi32>
      %swap3A_422 = arith.index_cast %scan3A_226 : i32 to index
      %swap3A_423 = arith.constant 80 : index
      %swap3A_424 = tpu.vector_load %arg6[%swap3A_422, %swap3A_423] {strides = array<i32>} : memref<80x128xi32, #tpu.memory_space<vmem>>, vector<1x16xi32>,
      %swap3A_425 = vector.shape_cast %swap3A_424 : vector<1x16xi32> to vector<16xi32>
      %swap3A_426 = vector.shape_cast %select_n3A_421 : vector<16xi32> to vector<1x16xi32>
      tpu.vector_store %arg6[%swap3A_422, %swap3A_423], %swap3A_426 {strides = array<i32>} : memref<80x128xi32, #tpu.memory_space<vmem>>, vector<1x16xi32>,
      %get3A_427 = arith.index_cast %scan3A_226 : i32 to index
      %get3A_428 = arith.constant 96 : index
      %get3A_429 = tpu.vector_load %arg7[%get3A_427, %get3A_428] {strides = array<i32>} : memref<80x128xi32, #tpu.memory_space<vmem>>, vector<1x16xi32>,
      %get3A_430 = vector.shape_cast %get3A_429 : vector<1x16xi32> to vector<16xi32>
      %sub3A_431 = vector.broadcast %mul3A_0 : i32 to vector<16xi32>
      %sub3A_432 = arith.subi %get3A_430, %sub3A_431 : vector<16xi32>
      %lt3A_433 = arith.constant 0 : i32
      %lt3A_434 = vector.broadcast %lt3A_433 : i32 to vector<16xi32>
      %lt3A_435 = arith.cmpi slt, %sub3A_432, %lt3A_434 : vector<16xi32>
      %ge3A_436 = arith.constant 5120 : i32
      %ge3A_437 = vector.broadcast %ge3A_436 : i32 to vector<16xi32>
      %ge3A_438 = arith.cmpi sge, %sub3A_432, %ge3A_437 : vector<16xi32>
      %or3A_439 = arith.ori %lt3A_435, %ge3A_438 : vector<16xi1>
      %iota3A_440 = tpu.iota {dimensions = array<i32: 0>} : vector<16xi32>
      %add3A_441 = arith.constant 5120 : i32
      %add3A_442 = vector.broadcast %add3A_441 : i32 to vector<16xi32>
      %add3A_443 = arith.addi %add3A_442, %iota3A_440 : vector<16xi32>
      %select_n3A_444 = arith.select %or3A_439, %add3A_443, %sub3A_432 : vector<16xi1>, vector<16xi32>
      %swap3A_445 = arith.index_cast %scan3A_226 : i32 to index
      %swap3A_446 = arith.constant 96 : index
      %swap3A_447 = tpu.vector_load %arg7[%swap3A_445, %swap3A_446] {strides = array<i32>} : memref<80x128xi32, #tpu.memory_space<vmem>>, vector<1x16xi32>,
      %swap3A_448 = vector.shape_cast %swap3A_447 : vector<1x16xi32> to vector<16xi32>
      %swap3A_449 = vector.shape_cast %select_n3A_444 : vector<16xi32> to vector<1x16xi32>
      tpu.vector_store %arg7[%swap3A_445, %swap3A_446], %swap3A_449 {strides = array<i32>} : memref<80x128xi32, #tpu.memory_space<vmem>>, vector<1x16xi32>,
      %get3A_450 = arith.index_cast %scan3A_226 : i32 to index
      %get3A_451 = arith.constant 96 : index
      %get3A_452 = tpu.vector_load %arg6[%get3A_450, %get3A_451] {strides = array<i32>} : memref<80x128xi32, #tpu.memory_space<vmem>>, vector<1x16xi32>,
      %get3A_453 = vector.shape_cast %get3A_452 : vector<1x16xi32> to vector<16xi32>
      %jit3A_454 = arith.constant 0 : i32
      %broadcast_in_dim3A_455 = vector.broadcast %jit3A_454 : i32 to vector<16xi32>
      %select_n3A_456 = arith.select %or3A_439, %broadcast_in_dim3A_455, %get3A_453 : vector<16xi1>, vector<16xi32>
      %swap3A_457 = arith.index_cast %scan3A_226 : i32 to index
      %swap3A_458 = arith.constant 96 : index
      %swap3A_459 = tpu.vector_load %arg6[%swap3A_457, %swap3A_458] {strides = array<i32>} : memref<80x128xi32, #tpu.memory_space<vmem>>, vector<1x16xi32>,
      %swap3A_460 = vector.shape_cast %swap3A_459 : vector<1x16xi32> to vector<16xi32>
      %swap3A_461 = vector.shape_cast %select_n3A_456 : vector<16xi32> to vector<1x16xi32>
      tpu.vector_store %arg6[%swap3A_457, %swap3A_458], %swap3A_461 {strides = array<i32>} : memref<80x128xi32, #tpu.memory_space<vmem>>, vector<1x16xi32>,
      %get3A_462 = arith.index_cast %scan3A_226 : i32 to index
      %get3A_463 = arith.constant 112 : index
      %get3A_464 = tpu.vector_load %arg7[%get3A_462, %get3A_463] {strides = array<i32>} : memref<80x128xi32, #tpu.memory_space<vmem>>, vector<1x16xi32>,
      %get3A_465 = vector.shape_cast %get3A_464 : vector<1x16xi32> to vector<16xi32>
      %sub3A_466 = vector.broadcast %mul3A_0 : i32 to vector<16xi32>
      %sub3A_467 = arith.subi %get3A_465, %sub3A_466 : vector<16xi32>
      %lt3A_468 = arith.constant 0 : i32
      %lt3A_469 = vector.broadcast %lt3A_468 : i32 to vector<16xi32>
      %lt3A_470 = arith.cmpi slt, %sub3A_467, %lt3A_469 : vector<16xi32>
      %ge3A_471 = arith.constant 5120 : i32
      %ge3A_472 = vector.broadcast %ge3A_471 : i32 to vector<16xi32>
      %ge3A_473 = arith.cmpi sge, %sub3A_467, %ge3A_472 : vector<16xi32>
      %or3A_474 = arith.ori %lt3A_470, %ge3A_473 : vector<16xi1>
      %iota3A_475 = tpu.iota {dimensions = array<i32: 0>} : vector<16xi32>
      %add3A_476 = arith.constant 5120 : i32
      %add3A_477 = vector.broadcast %add3A_476 : i32 to vector<16xi32>
      %add3A_478 = arith.addi %add3A_477, %iota3A_475 : vector<16xi32>
      %select_n3A_479 = arith.select %or3A_474, %add3A_478, %sub3A_467 : vector<16xi1>, vector<16xi32>
      %swap3A_480 = arith.index_cast %scan3A_226 : i32 to index
      %swap3A_481 = arith.constant 112 : index
      %swap3A_482 = tpu.vector_load %arg7[%swap3A_480, %swap3A_481] {strides = array<i32>} : memref<80x128xi32, #tpu.memory_space<vmem>>, vector<1x16xi32>,
      %swap3A_483 = vector.shape_cast %swap3A_482 : vector<1x16xi32> to vector<16xi32>
      %swap3A_484 = vector.shape_cast %select_n3A_479 : vector<16xi32> to vector<1x16xi32>
      tpu.vector_store %arg7[%swap3A_480, %swap3A_481], %swap3A_484 {strides = array<i32>} : memref<80x128xi32, #tpu.memory_space<vmem>>, vector<1x16xi32>,
      %get3A_485 = arith.index_cast %scan3A_226 : i32 to index
      %get3A_486 = arith.constant 112 : index
      %get3A_487 = tpu.vector_load %arg6[%get3A_485, %get3A_486] {strides = array<i32>} : memref<80x128xi32, #tpu.memory_space<vmem>>, vector<1x16xi32>,
      %get3A_488 = vector.shape_cast %get3A_487 : vector<1x16xi32> to vector<16xi32>
      %jit3A_489 = arith.constant 0 : i32
      %broadcast_in_dim3A_490 = vector.broadcast %jit3A_489 : i32 to vector<16xi32>
      %select_n3A_491 = arith.select %or3A_474, %broadcast_in_dim3A_490, %get3A_488 : vector<16xi1>, vector<16xi32>
      %swap3A_492 = arith.index_cast %scan3A_226 : i32 to index
      %swap3A_493 = arith.constant 112 : index
      %swap3A_494 = tpu.vector_load %arg6[%swap3A_492, %swap3A_493] {strides = array<i32>} : memref<80x128xi32, #tpu.memory_space<vmem>>, vector<1x16xi32>,
      %swap3A_495 = vector.shape_cast %swap3A_494 : vector<1x16xi32> to vector<16xi32>
      %swap3A_496 = vector.shape_cast %select_n3A_491 : vector<16xi32> to vector<1x16xi32>
      tpu.vector_store %arg6[%swap3A_492, %swap3A_493], %swap3A_496 {strides = array<i32>} : memref<80x128xi32, #tpu.memory_space<vmem>>, vector<1x16xi32>,
    }
    %scan3A_9 = arith.constant 80 : i32
    %mul3A_10 = arith.constant 320 : i32
    %mul3A_11 = arith.muli %arg1, %mul3A_10 : i32
    %add3A = arith.addi %mul3A_0, %mul3A_11 : i32
    %mul3A_12 = arith.constant 320 : i32
    %mul3A_13 = arith.muli %arg1, %mul3A_12 : i32
    %run_scoped3A = arith.constant 0 : i32
    "tpu.region"() ({
      %run_scoped3A_226 = tpu.sem_alloc : memref<!tpu.dma_semaphore, #tpu.memory_space<semaphore_mem>>
      %dma_start3A_227 = arith.constant 0 : i32
      %dma_start3A_228 = tpu.memref_slice %arg9[%mul3A_13, %dma_start3A_227] : memref<5136x128xf32, #tpu.memory_space<vmem_shared>> -> memref<320x128xf32, #tpu.memory_space<vmem_shared>>
      %dma_start3A_229 = arith.constant 0 : i32
      %dma_start3A_230 = tpu.memref_slice %arg2[%run_scoped3A, %add3A, %dma_start3A_229] : memref<4x10240x128xf32, #tpu.memory_space<hbm>> -> memref<1x320x128xf32, #tpu.memory_space<hbm>>
      %dma_start3A_231 = tpu.memref_squeeze %dma_start3A_230 : memref<1x320x128xf32, #tpu.memory_space<hbm>> -> memref<320x128xf32, #tpu.memory_space<hbm>>
      tpu.enqueue_dma source(%dma_start3A_231 : memref<320x128xf32, #tpu.memory_space<hbm>>) target(%dma_start3A_228 : memref<320x128xf32, #tpu.memory_space<vmem_shared>>) target_semaphore(%run_scoped3A_226 : memref<!tpu.dma_semaphore, #tpu.memory_space<semaphore_mem>>)
      %dma_wait3A = arith.constant 0 : i32
      %dma_wait3A_232 = tpu.memref_slice %arg9[%mul3A_13, %dma_wait3A] : memref<5136x128xf32, #tpu.memory_space<vmem_shared>> -> memref<320x128xf32, #tpu.memory_space<vmem_shared>>
      %dma_wait3A_233 = arith.constant 0 : i32
      %dma_wait3A_234 = tpu.memref_slice %arg2[%run_scoped3A, %add3A, %dma_wait3A_233] : memref<4x10240x128xf32, #tpu.memory_space<hbm>> -> memref<1x320x128xf32, #tpu.memory_space<hbm>>
      %dma_wait3A_235 = tpu.memref_squeeze %dma_wait3A_234 : memref<1x320x128xf32, #tpu.memory_space<hbm>> -> memref<320x128xf32, #tpu.memory_space<hbm>>
      tpu.wait_dma2 semaphore(%run_scoped3A_226 : memref<!tpu.dma_semaphore, #tpu.memory_space<semaphore_mem>>) src(%dma_wait3A_235 : memref<320x128xf32, #tpu.memory_space<hbm>>) dst(%dma_wait3A_232 : memref<320x128xf32, #tpu.memory_space<vmem_shared>>)
      tpu.yield
    }) : () -> ()
    %barrier3A = arith.constant 0 : index
    tpu.barrier barrier_id(%barrier3A)
    %dma_start3A = arith.constant 0 : i32
    %dma_start3A_14 = arith.constant 0 : i32
    %dma_start3A_15 = arith.constant 0 : i32
    %dma_start3A_16 = arith.constant 0 : i32
    %dma_start3A_17 = arith.constant 0 : i32
    %dma_start3A_18 = tpu.memref_slice %arg8[%dma_start3A_15, %dma_start3A_16, %dma_start3A_17] : memref<4x128x128xf32, #tpu.memory_space<vmem>> -> memref<1x128x128xf32, #tpu.memory_space<vmem>>
    %dma_start3A_19 = tpu.memref_squeeze %dma_start3A_18 : memref<1x128x128xf32, #tpu.memory_space<vmem>> -> memref<128x128xf32, #tpu.memory_space<vmem>>
    %dma_start3A_20 = arith.constant 0 : i32
    %dma_start3A_21 = tpu.memref_slice %arg6[%dma_start3A_14, %dma_start3A_20] : memref<80x128xi32, #tpu.memory_space<vmem>> -> memref<1x128xi32, #tpu.memory_space<vmem>>
    %dma_start3A_22 = tpu.memref_squeeze %dma_start3A_21 : memref<1x128xi32, #tpu.memory_space<vmem>> -> memref<128xi32, #tpu.memory_space<vmem>>
    %dma_start3A_23 = arith.constant 0 : i32
    %dma_start3A_24 = arith.constant 0 : i32
    %dma_start3A_25 = tpu.memref_slice %arg2[%dma_start3A, %dma_start3A_23, %dma_start3A_24] : memref<4x10240x128xf32, #tpu.memory_space<hbm>> -> memref<1x10240x128xf32, #tpu.memory_space<hbm>>
    %dma_start3A_26 = tpu.memref_squeeze %dma_start3A_25 : memref<1x10240x128xf32, #tpu.memory_space<hbm>> -> memref<10240x128xf32, #tpu.memory_space<hbm>>
    %dma_start3A_27 = arith.constant 0 : i32
    %dma_start3A_28 = arith.constant 0 : i32
    %dma_start3A_29 = tpu.memref_slice %dma_start3A_26[%dma_start3A_27, %dma_start3A_28] : memref<10240x128xf32, #tpu.memory_space<hbm>> -> memref<10240x128xf32, #tpu.memory_space<hbm>>
    tpu.enqueue_indirect_dma source(%dma_start3A_29 : memref<10240x128xf32, #tpu.memory_space<hbm>>) target(%dma_start3A_19 : memref<128x128xf32, #tpu.memory_space<vmem>>) offsets(%dma_start3A_22 : memref<128xi32, #tpu.memory_space<vmem>>) semaphore(%arg10 : memref<!tpu.dma_semaphore, #tpu.memory_space<semaphore_mem>>)
    %dma_start3A_30 = arith.constant 0 : i32
    %dma_start3A_31 = arith.constant 1 : i32
    %dma_start3A_32 = arith.constant 1 : i32
    %dma_start3A_33 = arith.constant 0 : i32
    %dma_start3A_34 = arith.constant 0 : i32
    %dma_start3A_35 = tpu.memref_slice %arg8[%dma_start3A_32, %dma_start3A_33, %dma_start3A_34] : memref<4x128x128xf32, #tpu.memory_space<vmem>> -> memref<1x128x128xf32, #tpu.memory_space<vmem>>
    %dma_start3A_36 = tpu.memref_squeeze %dma_start3A_35 : memref<1x128x128xf32, #tpu.memory_space<vmem>> -> memref<128x128xf32, #tpu.memory_space<vmem>>
    %dma_start3A_37 = arith.constant 0 : i32
    %dma_start3A_38 = tpu.memref_slice %arg6[%dma_start3A_31, %dma_start3A_37] : memref<80x128xi32, #tpu.memory_space<vmem>> -> memref<1x128xi32, #tpu.memory_space<vmem>>
    %dma_start3A_39 = tpu.memref_squeeze %dma_start3A_38 : memref<1x128xi32, #tpu.memory_space<vmem>> -> memref<128xi32, #tpu.memory_space<vmem>>
    %dma_start3A_40 = arith.constant 0 : i32
    %dma_start3A_41 = arith.constant 0 : i32
    %dma_start3A_42 = tpu.memref_slice %arg2[%dma_start3A_30, %dma_start3A_40, %dma_start3A_41] : memref<4x10240x128xf32, #tpu.memory_space<hbm>> -> memref<1x10240x128xf32, #tpu.memory_space<hbm>>
    %dma_start3A_43 = tpu.memref_squeeze %dma_start3A_42 : memref<1x10240x128xf32, #tpu.memory_space<hbm>> -> memref<10240x128xf32, #tpu.memory_space<hbm>>
    %dma_start3A_44 = arith.constant 0 : i32
    %dma_start3A_45 = arith.constant 0 : i32
    %dma_start3A_46 = tpu.memref_slice %dma_start3A_43[%dma_start3A_44, %dma_start3A_45] : memref<10240x128xf32, #tpu.memory_space<hbm>> -> memref<10240x128xf32, #tpu.memory_space<hbm>>
    tpu.enqueue_indirect_dma source(%dma_start3A_46 : memref<10240x128xf32, #tpu.memory_space<hbm>>) target(%dma_start3A_36 : memref<128x128xf32, #tpu.memory_space<vmem>>) offsets(%dma_start3A_39 : memref<128xi32, #tpu.memory_space<vmem>>) semaphore(%arg10 : memref<!tpu.dma_semaphore, #tpu.memory_space<semaphore_mem>>)
    %scan3A_47 = arith.constant 0 : i32
    %scan3A_48 = arith.constant 0 : i32
    %scan3A_49 = arith.constant 20 : i32
    %scan3A_50 = arith.addi %scan3A_48, %scan3A_49 : i32
    %scan3A_51 = arith.constant 1 : i32
    scf.for %scan3A_226 = %scan3A_48 to %scan3A_50 step %scan3A_51  : i32 {
      %mul3A_227 = arith.constant 2 : i32
      %mul3A_228 = arith.muli %scan3A_226, %mul3A_227 : i32
      %mul3A_229 = arith.constant 2 : i32
      %mul3A_230 = arith.muli %mul3A_228, %mul3A_229 : i32
      %dma_wait3A = arith.constant 0 : i32
      %dma_wait3A_231 = arith.constant 0 : i32
      %dma_wait3A_232 = arith.constant 0 : i32
      %dma_wait3A_233 = arith.constant 0 : i32
      %dma_wait3A_234 = tpu.memref_slice %arg8[%dma_wait3A_231, %dma_wait3A_232, %dma_wait3A_233] : memref<4x128x128xf32, #tpu.memory_space<vmem>> -> memref<1x128x128xf32, #tpu.memory_space<vmem>>
      %dma_wait3A_235 = tpu.memref_squeeze %dma_wait3A_234 : memref<1x128x128xf32, #tpu.memory_space<vmem>> -> memref<128x128xf32, #tpu.memory_space<vmem>>
      %dma_wait3A_236 = arith.constant 0 : i32
      %dma_wait3A_237 = arith.constant 0 : i32
      %dma_wait3A_238 = tpu.memref_slice %arg2[%dma_wait3A, %dma_wait3A_236, %dma_wait3A_237] : memref<4x10240x128xf32, #tpu.memory_space<hbm>> -> memref<1x128x128xf32, #tpu.memory_space<hbm>>
      %dma_wait3A_239 = tpu.memref_squeeze %dma_wait3A_238 : memref<1x128x128xf32, #tpu.memory_space<hbm>> -> memref<128x128xf32, #tpu.memory_space<hbm>>
      %dma_wait3A_240 = arith.constant 0 : i32
      %dma_wait3A_241 = arith.constant 0 : i32
      %dma_wait3A_242 = tpu.memref_slice %arg8[%dma_wait3A_231, %dma_wait3A_240, %dma_wait3A_241] : memref<4x128x128xf32, #tpu.memory_space<vmem>> -> memref<1x128x128xf32, #tpu.memory_space<vmem>>
      %dma_wait3A_243 = tpu.memref_squeeze %dma_wait3A_242 : memref<1x128x128xf32, #tpu.memory_space<vmem>> -> memref<128x128xf32, #tpu.memory_space<vmem>>
      %dma_wait3A_244 = arith.constant 0 : i32
      %dma_wait3A_245 = arith.constant 0 : i32
      %dma_wait3A_246 = tpu.memref_slice %arg2[%dma_wait3A, %dma_wait3A_244, %dma_wait3A_245] : memref<4x10240x128xf32, #tpu.memory_space<hbm>> -> memref<1x128x128xf32, #tpu.memory_space<hbm>>
      %dma_wait3A_247 = tpu.memref_squeeze %dma_wait3A_246 : memref<1x128x128xf32, #tpu.memory_space<hbm>> -> memref<128x128xf32, #tpu.memory_space<hbm>>
      tpu.wait_dma2 semaphore(%arg10 : memref<!tpu.dma_semaphore, #tpu.memory_space<semaphore_mem>>) src(%dma_wait3A_247 : memref<128x128xf32, #tpu.memory_space<hbm>>) dst(%dma_wait3A_243 : memref<128x128xf32, #tpu.memory_space<vmem>>)
      %dma_wait3A_248 = arith.constant 0 : i32
      %dma_wait3A_249 = arith.constant 1 : i32
      %dma_wait3A_250 = arith.constant 0 : i32
      %dma_wait3A_251 = arith.constant 0 : i32
      %dma_wait3A_252 = tpu.memref_slice %arg8[%dma_wait3A_249, %dma_wait3A_250, %dma_wait3A_251] : memref<4x128x128xf32, #tpu.memory_space<vmem>> -> memref<1x128x128xf32, #tpu.memory_space<vmem>>
      %dma_wait3A_253 = tpu.memref_squeeze %dma_wait3A_252 : memref<1x128x128xf32, #tpu.memory_space<vmem>> -> memref<128x128xf32, #tpu.memory_space<vmem>>
      %dma_wait3A_254 = arith.constant 0 : i32
      %dma_wait3A_255 = arith.constant 0 : i32
      %dma_wait3A_256 = tpu.memref_slice %arg2[%dma_wait3A_248, %dma_wait3A_254, %dma_wait3A_255] : memref<4x10240x128xf32, #tpu.memory_space<hbm>> -> memref<1x128x128xf32, #tpu.memory_space<hbm>>
      %dma_wait3A_257 = tpu.memref_squeeze %dma_wait3A_256 : memref<1x128x128xf32, #tpu.memory_space<hbm>> -> memref<128x128xf32, #tpu.memory_space<hbm>>
      %dma_wait3A_258 = arith.constant 0 : i32
      %dma_wait3A_259 = arith.constant 0 : i32
      %dma_wait3A_260 = tpu.memref_slice %arg8[%dma_wait3A_249, %dma_wait3A_258, %dma_wait3A_259] : memref<4x128x128xf32, #tpu.memory_space<vmem>> -> memref<1x128x128xf32, #tpu.memory_space<vmem>>
      %dma_wait3A_261 = tpu.memref_squeeze %dma_wait3A_260 : memref<1x128x128xf32, #tpu.memory_space<vmem>> -> memref<128x128xf32, #tpu.memory_space<vmem>>
      %dma_wait3A_262 = arith.constant 0 : i32
      %dma_wait3A_263 = arith.constant 0 : i32
      %dma_wait3A_264 = tpu.memref_slice %arg2[%dma_wait3A_248, %dma_wait3A_262, %dma_wait3A_263] : memref<4x10240x128xf32, #tpu.memory_space<hbm>> -> memref<1x128x128xf32, #tpu.memory_space<hbm>>
      %dma_wait3A_265 = tpu.memref_squeeze %dma_wait3A_264 : memref<1x128x128xf32, #tpu.memory_space<hbm>> -> memref<128x128xf32, #tpu.memory_space<hbm>>
      tpu.wait_dma2 semaphore(%arg10 : memref<!tpu.dma_semaphore, #tpu.memory_space<semaphore_mem>>) src(%dma_wait3A_265 : memref<128x128xf32, #tpu.memory_space<hbm>>) dst(%dma_wait3A_261 : memref<128x128xf32, #tpu.memory_space<vmem>>)
      %add3A_266 = arith.constant 2 : i32
      %add3A_267 = arith.addi %mul3A_230, %add3A_266 : i32
      %add3A_268 = arith.constant 0 : i32
      %add3A_269 = arith.addi %add3A_267, %add3A_268 : i32
      %dma_start3A_270 = arith.constant 0 : i32
      %dma_start3A_271 = arith.constant 2 : i32
      %dma_start3A_272 = arith.constant 0 : i32
      %dma_start3A_273 = arith.constant 0 : i32
      %dma_start3A_274 = tpu.memref_slice %arg8[%dma_start3A_271, %dma_start3A_272, %dma_start3A_273] : memref<4x128x128xf32, #tpu.memory_space<vmem>> -> memref<1x128x128xf32, #tpu.memory_space<vmem>>
      %dma_start3A_275 = tpu.memref_squeeze %dma_start3A_274 : memref<1x128x128xf32, #tpu.memory_space<vmem>> -> memref<128x128xf32, #tpu.memory_space<vmem>>
      %dma_start3A_276 = arith.constant 0 : i32
      %dma_start3A_277 = tpu.memref_slice %arg6[%add3A_269, %dma_start3A_276] : memref<80x128xi32, #tpu.memory_space<vmem>> -> memref<1x128xi32, #tpu.memory_space<vmem>>
      %dma_start3A_278 = tpu.memref_squeeze %dma_start3A_277 : memref<1x128xi32, #tpu.memory_space<vmem>> -> memref<128xi32, #tpu.memory_space<vmem>>
      %dma_start3A_279 = arith.constant 0 : i32
      %dma_start3A_280 = arith.constant 0 : i32
      %dma_start3A_281 = tpu.memref_slice %arg2[%dma_start3A_270, %dma_start3A_279, %dma_start3A_280] : memref<4x10240x128xf32, #tpu.memory_space<hbm>> -> memref<1x10240x128xf32, #tpu.memory_space<hbm>>
      %dma_start3A_282 = tpu.memref_squeeze %dma_start3A_281 : memref<1x10240x128xf32, #tpu.memory_space<hbm>> -> memref<10240x128xf32, #tpu.memory_space<hbm>>
      %dma_start3A_283 = arith.constant 0 : i32
      %dma_start3A_284 = arith.constant 0 : i32
      %dma_start3A_285 = tpu.memref_slice %dma_start3A_282[%dma_start3A_283, %dma_start3A_284] : memref<10240x128xf32, #tpu.memory_space<hbm>> -> memref<10240x128xf32, #tpu.memory_space<hbm>>
      tpu.enqueue_indirect_dma source(%dma_start3A_285 : memref<10240x128xf32, #tpu.memory_space<hbm>>) target(%dma_start3A_275 : memref<128x128xf32, #tpu.memory_space<vmem>>) offsets(%dma_start3A_278 : memref<128xi32, #tpu.memory_space<vmem>>) semaphore(%arg10 : memref<!tpu.dma_semaphore, #tpu.memory_space<semaphore_mem>>)
      %add3A_286 = arith.constant 1 : i32
      %add3A_287 = arith.addi %add3A_267, %add3A_286 : i32
      %dma_start3A_288 = arith.constant 0 : i32
      %dma_start3A_289 = arith.constant 3 : i32
      %dma_start3A_290 = arith.constant 0 : i32
      %dma_start3A_291 = arith.constant 0 : i32
      %dma_start3A_292 = tpu.memref_slice %arg8[%dma_start3A_289, %dma_start3A_290, %dma_start3A_291] : memref<4x128x128xf32, #tpu.memory_space<vmem>> -> memref<1x128x128xf32, #tpu.memory_space<vmem>>
      %dma_start3A_293 = tpu.memref_squeeze %dma_start3A_292 : memref<1x128x128xf32, #tpu.memory_space<vmem>> -> memref<128x128xf32, #tpu.memory_space<vmem>>
      %dma_start3A_294 = arith.constant 0 : i32
      %dma_start3A_295 = tpu.memref_slice %arg6[%add3A_287, %dma_start3A_294] : memref<80x128xi32, #tpu.memory_space<vmem>> -> memref<1x128xi32, #tpu.memory_space<vmem>>
      %dma_start3A_296 = tpu.memref_squeeze %dma_start3A_295 : memref<1x128xi32, #tpu.memory_space<vmem>> -> memref<128xi32, #tpu.memory_space<vmem>>
      %dma_start3A_297 = arith.constant 0 : i32
      %dma_start3A_298 = arith.constant 0 : i32
      %dma_start3A_299 = tpu.memref_slice %arg2[%dma_start3A_288, %dma_start3A_297, %dma_start3A_298] : memref<4x10240x128xf32, #tpu.memory_space<hbm>> -> memref<1x10240x128xf32, #tpu.memory_space<hbm>>
      %dma_start3A_300 = tpu.memref_squeeze %dma_start3A_299 : memref<1x10240x128xf32, #tpu.memory_space<hbm>> -> memref<10240x128xf32, #tpu.memory_space<hbm>>
      %dma_start3A_301 = arith.constant 0 : i32
      %dma_start3A_302 = arith.constant 0 : i32
      %dma_start3A_303 = tpu.memref_slice %dma_start3A_300[%dma_start3A_301, %dma_start3A_302] : memref<10240x128xf32, #tpu.memory_space<hbm>> -> memref<10240x128xf32, #tpu.memory_space<hbm>>
      tpu.enqueue_indirect_dma source(%dma_start3A_303 : memref<10240x128xf32, #tpu.memory_space<hbm>>) target(%dma_start3A_293 : memref<128x128xf32, #tpu.memory_space<vmem>>) offsets(%dma_start3A_296 : memref<128xi32, #tpu.memory_space<vmem>>) semaphore(%arg10 : memref<!tpu.dma_semaphore, #tpu.memory_space<semaphore_mem>>)
      %add3A_304 = arith.constant 0 : i32
      %add3A_305 = arith.addi %mul3A_230, %add3A_304 : i32
      %dma_start3A_306 = arith.constant 0 : i32
      %dma_start3A_307 = arith.constant 0 : i32
      %dma_start3A_308 = arith.constant 0 : i32
      %dma_start3A_309 = tpu.memref_slice %arg8[%dma_start3A_306, %dma_start3A_307, %dma_start3A_308] : memref<4x128x128xf32, #tpu.memory_space<vmem>> -> memref<1x128x128xf32, #tpu.memory_space<vmem>>
      %dma_start3A_310 = tpu.memref_squeeze %dma_start3A_309 : memref<1x128x128xf32, #tpu.memory_space<vmem>> -> memref<128x128xf32, #tpu.memory_space<vmem>>
      %dma_start3A_311 = arith.constant 0 : i32
      %dma_start3A_312 = tpu.memref_slice %arg7[%add3A_305, %dma_start3A_311] : memref<80x128xi32, #tpu.memory_space<vmem>> -> memref<1x128xi32, #tpu.memory_space<vmem>>
      %dma_start3A_313 = tpu.memref_squeeze %dma_start3A_312 : memref<1x128xi32, #tpu.memory_space<vmem>> -> memref<128xi32, #tpu.memory_space<vmem>>
      %dma_start3A_314 = arith.constant 0 : i32
      %dma_start3A_315 = arith.constant 0 : i32
      %dma_start3A_316 = tpu.memref_slice %arg9[%dma_start3A_314, %dma_start3A_315] : memref<5136x128xf32, #tpu.memory_space<vmem_shared>> -> memref<5136x128xf32, #tpu.memory_space<vmem_shared>>
      tpu.enqueue_indirect_dma source(%dma_start3A_310 : memref<128x128xf32, #tpu.memory_space<vmem>>) target(%dma_start3A_316 : memref<5136x128xf32, #tpu.memory_space<vmem_shared>>) offsets(%dma_start3A_313 : memref<128xi32, #tpu.memory_space<vmem>>) semaphore(%arg11 : memref<!tpu.dma_semaphore, #tpu.memory_space<semaphore_mem>>) {add = true}
      %add3A_317 = arith.constant 1 : i32
      %add3A_318 = arith.addi %mul3A_230, %add3A_317 : i32
      %dma_start3A_319 = arith.constant 1 : i32
      %dma_start3A_320 = arith.constant 0 : i32
      %dma_start3A_321 = arith.constant 0 : i32
      %dma_start3A_322 = tpu.memref_slice %arg8[%dma_start3A_319, %dma_start3A_320, %dma_start3A_321] : memref<4x128x128xf32, #tpu.memory_space<vmem>> -> memref<1x128x128xf32, #tpu.memory_space<vmem>>
      %dma_start3A_323 = tpu.memref_squeeze %dma_start3A_322 : memref<1x128x128xf32, #tpu.memory_space<vmem>> -> memref<128x128xf32, #tpu.memory_space<vmem>>
      %dma_start3A_324 = arith.constant 0 : i32
      %dma_start3A_325 = tpu.memref_slice %arg7[%add3A_318, %dma_start3A_324] : memref<80x128xi32, #tpu.memory_space<vmem>> -> memref<1x128xi32, #tpu.memory_space<vmem>>
      %dma_start3A_326 = tpu.memref_squeeze %dma_start3A_325 : memref<1x128xi32, #tpu.memory_space<vmem>> -> memref<128xi32, #tpu.memory_space<vmem>>
      %dma_start3A_327 = arith.constant 0 : i32
      %dma_start3A_328 = arith.constant 0 : i32
      %dma_start3A_329 = tpu.memref_slice %arg9[%dma_start3A_327, %dma_start3A_328] : memref<5136x128xf32, #tpu.memory_space<vmem_shared>> -> memref<5136x128xf32, #tpu.memory_space<vmem_shared>>
      tpu.enqueue_indirect_dma source(%dma_start3A_323 : memref<128x128xf32, #tpu.memory_space<vmem>>) target(%dma_start3A_329 : memref<5136x128xf32, #tpu.memory_space<vmem_shared>>) offsets(%dma_start3A_326 : memref<128xi32, #tpu.memory_space<vmem>>) semaphore(%arg11 : memref<!tpu.dma_semaphore, #tpu.memory_space<semaphore_mem>>) {add = true}
      %dma_wait3A_330 = arith.constant 0 : i32
      %dma_wait3A_331 = arith.constant 0 : i32
      %dma_wait3A_332 = arith.constant 0 : i32
      %dma_wait3A_333 = arith.constant 0 : i32
      %dma_wait3A_334 = tpu.memref_slice %arg8[%dma_wait3A_331, %dma_wait3A_332, %dma_wait3A_333] : memref<4x128x128xf32, #tpu.memory_space<vmem>> -> memref<1x128x128xf32, #tpu.memory_space<vmem>>
      %dma_wait3A_335 = tpu.memref_squeeze %dma_wait3A_334 : memref<1x128x128xf32, #tpu.memory_space<vmem>> -> memref<128x128xf32, #tpu.memory_space<vmem>>
      %dma_wait3A_336 = arith.constant 0 : i32
      %dma_wait3A_337 = arith.constant 0 : i32
      %dma_wait3A_338 = tpu.memref_slice %arg2[%dma_wait3A_330, %dma_wait3A_336, %dma_wait3A_337] : memref<4x10240x128xf32, #tpu.memory_space<hbm>> -> memref<1x128x128xf32, #tpu.memory_space<hbm>>
      %dma_wait3A_339 = tpu.memref_squeeze %dma_wait3A_338 : memref<1x128x128xf32, #tpu.memory_space<hbm>> -> memref<128x128xf32, #tpu.memory_space<hbm>>
      %dma_wait3A_340 = arith.constant 0 : i32
      %dma_wait3A_341 = arith.constant 0 : i32
      %dma_wait3A_342 = tpu.memref_slice %arg8[%dma_wait3A_331, %dma_wait3A_340, %dma_wait3A_341] : memref<4x128x128xf32, #tpu.memory_space<vmem>> -> memref<1x128x128xf32, #tpu.memory_space<vmem>>
      %dma_wait3A_343 = tpu.memref_squeeze %dma_wait3A_342 : memref<1x128x128xf32, #tpu.memory_space<vmem>> -> memref<128x128xf32, #tpu.memory_space<vmem>>
      %dma_wait3A_344 = arith.constant 0 : i32
      %dma_wait3A_345 = arith.constant 0 : i32
      %dma_wait3A_346 = tpu.memref_slice %arg2[%dma_wait3A_330, %dma_wait3A_344, %dma_wait3A_345] : memref<4x10240x128xf32, #tpu.memory_space<hbm>> -> memref<1x128x128xf32, #tpu.memory_space<hbm>>
      %dma_wait3A_347 = tpu.memref_squeeze %dma_wait3A_346 : memref<1x128x128xf32, #tpu.memory_space<hbm>> -> memref<128x128xf32, #tpu.memory_space<hbm>>
      tpu.wait_dma2 semaphore(%arg11 : memref<!tpu.dma_semaphore, #tpu.memory_space<semaphore_mem>>) src(%dma_wait3A_347 : memref<128x128xf32, #tpu.memory_space<hbm>>) dst(%dma_wait3A_343 : memref<128x128xf32, #tpu.memory_space<vmem>>)
      %dma_wait3A_348 = arith.constant 0 : i32
      %dma_wait3A_349 = arith.constant 1 : i32
      %dma_wait3A_350 = arith.constant 0 : i32
      %dma_wait3A_351 = arith.constant 0 : i32
      %dma_wait3A_352 = tpu.memref_slice %arg8[%dma_wait3A_349, %dma_wait3A_350, %dma_wait3A_351] : memref<4x128x128xf32, #tpu.memory_space<vmem>> -> memref<1x128x128xf32, #tpu.memory_space<vmem>>
      %dma_wait3A_353 = tpu.memref_squeeze %dma_wait3A_352 : memref<1x128x128xf32, #tpu.memory_space<vmem>> -> memref<128x128xf32, #tpu.memory_space<vmem>>
      %dma_wait3A_354 = arith.constant 0 : i32
      %dma_wait3A_355 = arith.constant 0 : i32
      %dma_wait3A_356 = tpu.memref_slice %arg2[%dma_wait3A_348, %dma_wait3A_354, %dma_wait3A_355] : memref<4x10240x128xf32, #tpu.memory_space<hbm>> -> memref<1x128x128xf32, #tpu.memory_space<hbm>>
      %dma_wait3A_357 = tpu.memref_squeeze %dma_wait3A_356 : memref<1x128x128xf32, #tpu.memory_space<hbm>> -> memref<128x128xf32, #tpu.memory_space<hbm>>
      %dma_wait3A_358 = arith.constant 0 : i32
      %dma_wait3A_359 = arith.constant 0 : i32
      %dma_wait3A_360 = tpu.memref_slice %arg8[%dma_wait3A_349, %dma_wait3A_358, %dma_wait3A_359] : memref<4x128x128xf32, #tpu.memory_space<vmem>> -> memref<1x128x128xf32, #tpu.memory_space<vmem>>
      %dma_wait3A_361 = tpu.memref_squeeze %dma_wait3A_360 : memref<1x128x128xf32, #tpu.memory_space<vmem>> -> memref<128x128xf32, #tpu.memory_space<vmem>>
      %dma_wait3A_362 = arith.constant 0 : i32
      %dma_wait3A_363 = arith.constant 0 : i32
      %dma_wait3A_364 = tpu.memref_slice %arg2[%dma_wait3A_348, %dma_wait3A_362, %dma_wait3A_363] : memref<4x10240x128xf32, #tpu.memory_space<hbm>> -> memref<1x128x128xf32, #tpu.memory_space<hbm>>
      %dma_wait3A_365 = tpu.memref_squeeze %dma_wait3A_364 : memref<1x128x128xf32, #tpu.memory_space<hbm>> -> memref<128x128xf32, #tpu.memory_space<hbm>>
      tpu.wait_dma2 semaphore(%arg11 : memref<!tpu.dma_semaphore, #tpu.memory_space<semaphore_mem>>) src(%dma_wait3A_365 : memref<128x128xf32, #tpu.memory_space<hbm>>) dst(%dma_wait3A_361 : memref<128x128xf32, #tpu.memory_space<vmem>>)
      %dma_wait3A_366 = arith.constant 0 : i32
      %dma_wait3A_367 = arith.constant 0 : i32
      %dma_wait3A_368 = arith.constant 0 : i32
      %dma_wait3A_369 = arith.constant 0 : i32
      %dma_wait3A_370 = tpu.memref_slice %arg8[%dma_wait3A_367, %dma_wait3A_368, %dma_wait3A_369] : memref<4x128x128xf32, #tpu.memory_space<vmem>> -> memref<1x128x128xf32, #tpu.memory_space<vmem>>
      %dma_wait3A_371 = tpu.memref_squeeze %dma_wait3A_370 : memref<1x128x128xf32, #tpu.memory_space<vmem>> -> memref<128x128xf32, #tpu.memory_space<vmem>>
      %dma_wait3A_372 = arith.constant 0 : i32
      %dma_wait3A_373 = arith.constant 0 : i32
      %dma_wait3A_374 = tpu.memref_slice %arg2[%dma_wait3A_366, %dma_wait3A_372, %dma_wait3A_373] : memref<4x10240x128xf32, #tpu.memory_space<hbm>> -> memref<1x128x128xf32, #tpu.memory_space<hbm>>
      %dma_wait3A_375 = tpu.memref_squeeze %dma_wait3A_374 : memref<1x128x128xf32, #tpu.memory_space<hbm>> -> memref<128x128xf32, #tpu.memory_space<hbm>>
      %dma_wait3A_376 = arith.constant 0 : i32
      %dma_wait3A_377 = arith.constant 0 : i32
      %dma_wait3A_378 = tpu.memref_slice %arg8[%dma_wait3A_367, %dma_wait3A_376, %dma_wait3A_377] : memref<4x128x128xf32, #tpu.memory_space<vmem>> -> memref<1x128x128xf32, #tpu.memory_space<vmem>>
      %dma_wait3A_379 = tpu.memref_squeeze %dma_wait3A_378 : memref<1x128x128xf32, #tpu.memory_space<vmem>> -> memref<128x128xf32, #tpu.memory_space<vmem>>
      %dma_wait3A_380 = arith.constant 0 : i32
      %dma_wait3A_381 = arith.constant 0 : i32
      %dma_wait3A_382 = tpu.memref_slice %arg2[%dma_wait3A_366, %dma_wait3A_380, %dma_wait3A_381] : memref<4x10240x128xf32, #tpu.memory_space<hbm>> -> memref<1x128x128xf32, #tpu.memory_space<hbm>>
      %dma_wait3A_383 = tpu.memref_squeeze %dma_wait3A_382 : memref<1x128x128xf32, #tpu.memory_space<hbm>> -> memref<128x128xf32, #tpu.memory_space<hbm>>
      tpu.wait_dma2 semaphore(%arg10 : memref<!tpu.dma_semaphore, #tpu.memory_space<semaphore_mem>>) src(%dma_wait3A_383 : memref<128x128xf32, #tpu.memory_space<hbm>>) dst(%dma_wait3A_379 : memref<128x128xf32, #tpu.memory_space<vmem>>)
      %dma_wait3A_384 = arith.constant 0 : i32
      %dma_wait3A_385 = arith.constant 1 : i32
      %dma_wait3A_386 = arith.constant 0 : i32
      %dma_wait3A_387 = arith.constant 0 : i32
      %dma_wait3A_388 = tpu.memref_slice %arg8[%dma_wait3A_385, %dma_wait3A_386, %dma_wait3A_387] : memref<4x128x128xf32, #tpu.memory_space<vmem>> -> memref<1x128x128xf32, #tpu.memory_space<vmem>>
      %dma_wait3A_389 = tpu.memref_squeeze %dma_wait3A_388 : memref<1x128x128xf32, #tpu.memory_space<vmem>> -> memref<128x128xf32, #tpu.memory_space<vmem>>
      %dma_wait3A_390 = arith.constant 0 : i32
      %dma_wait3A_391 = arith.constant 0 : i32
      %dma_wait3A_392 = tpu.memref_slice %arg2[%dma_wait3A_384, %dma_wait3A_390, %dma_wait3A_391] : memref<4x10240x128xf32, #tpu.memory_space<hbm>> -> memref<1x128x128xf32, #tpu.memory_space<hbm>>
      %dma_wait3A_393 = tpu.memref_squeeze %dma_wait3A_392 : memref<1x128x128xf32, #tpu.memory_space<hbm>> -> memref<128x128xf32, #tpu.memory_space<hbm>>
      %dma_wait3A_394 = arith.constant 0 : i32
      %dma_wait3A_395 = arith.constant 0 : i32
      %dma_wait3A_396 = tpu.memref_slice %arg8[%dma_wait3A_385, %dma_wait3A_394, %dma_wait3A_395] : memref<4x128x128xf32, #tpu.memory_space<vmem>> -> memref<1x128x128xf32, #tpu.memory_space<vmem>>
      %dma_wait3A_397 = tpu.memref_squeeze %dma_wait3A_396 : memref<1x128x128xf32, #tpu.memory_space<vmem>> -> memref<128x128xf32, #tpu.memory_space<vmem>>
      %dma_wait3A_398 = arith.constant 0 : i32
      %dma_wait3A_399 = arith.constant 0 : i32
      %dma_wait3A_400 = tpu.memref_slice %arg2[%dma_wait3A_384, %dma_wait3A_398, %dma_wait3A_399] : memref<4x10240x128xf32, #tpu.memory_space<hbm>> -> memref<1x128x128xf32, #tpu.memory_space<hbm>>
      %dma_wait3A_401 = tpu.memref_squeeze %dma_wait3A_400 : memref<1x128x128xf32, #tpu.memory_space<hbm>> -> memref<128x128xf32, #tpu.memory_space<hbm>>
      tpu.wait_dma2 semaphore(%arg10 : memref<!tpu.dma_semaphore, #tpu.memory_space<semaphore_mem>>) src(%dma_wait3A_401 : memref<128x128xf32, #tpu.memory_space<hbm>>) dst(%dma_wait3A_397 : memref<128x128xf32, #tpu.memory_space<vmem>>)
      %lt3A = arith.constant 19 : i32
      %lt3A_402 = arith.cmpi slt, %scan3A_226, %lt3A : i32
      %convert_element_type3A = arith.extui %lt3A_402 : i1 to i32
      %cond3A = arith.constant 0 : i32
      %cond3A_403 = arith.cmpi ne, %convert_element_type3A, %cond3A : i32
      scf.if %cond3A_403 {
        %add3A_468 = arith.constant 4 : i32
        %add3A_469 = arith.addi %mul3A_230, %add3A_468 : i32
        %add3A_470 = arith.constant 0 : i32
        %add3A_471 = arith.addi %add3A_469, %add3A_470 : i32
        %dma_start3A_472 = arith.constant 0 : i32
        %dma_start3A_473 = arith.constant 0 : i32
        %dma_start3A_474 = arith.constant 0 : i32
        %dma_start3A_475 = arith.constant 0 : i32
        %dma_start3A_476 = tpu.memref_slice %arg8[%dma_start3A_473, %dma_start3A_474, %dma_start3A_475] : memref<4x128x128xf32, #tpu.memory_space<vmem>> -> memref<1x128x128xf32, #tpu.memory_space<vmem>>
        %dma_start3A_477 = tpu.memref_squeeze %dma_start3A_476 : memref<1x128x128xf32, #tpu.memory_space<vmem>> -> memref<128x128xf32, #tpu.memory_space<vmem>>
        %dma_start3A_478 = arith.constant 0 : i32
        %dma_start3A_479 = tpu.memref_slice %arg6[%add3A_471, %dma_start3A_478] : memref<80x128xi32, #tpu.memory_space<vmem>> -> memref<1x128xi32, #tpu.memory_space<vmem>>
        %dma_start3A_480 = tpu.memref_squeeze %dma_start3A_479 : memref<1x128xi32, #tpu.memory_space<vmem>> -> memref<128xi32, #tpu.memory_space<vmem>>
        %dma_start3A_481 = arith.constant 0 : i32
        %dma_start3A_482 = arith.constant 0 : i32
        %dma_start3A_483 = tpu.memref_slice %arg2[%dma_start3A_472, %dma_start3A_481, %dma_start3A_482] : memref<4x10240x128xf32, #tpu.memory_space<hbm>> -> memref<1x10240x128xf32, #tpu.memory_space<hbm>>
        %dma_start3A_484 = tpu.memref_squeeze %dma_start3A_483 : memref<1x10240x128xf32, #tpu.memory_space<hbm>> -> memref<10240x128xf32, #tpu.memory_space<hbm>>
        %dma_start3A_485 = arith.constant 0 : i32
        %dma_start3A_486 = arith.constant 0 : i32
        %dma_start3A_487 = tpu.memref_slice %dma_start3A_484[%dma_start3A_485, %dma_start3A_486] : memref<10240x128xf32, #tpu.memory_space<hbm>> -> memref<10240x128xf32, #tpu.memory_space<hbm>>
        tpu.enqueue_indirect_dma source(%dma_start3A_487 : memref<10240x128xf32, #tpu.memory_space<hbm>>) target(%dma_start3A_477 : memref<128x128xf32, #tpu.memory_space<vmem>>) offsets(%dma_start3A_480 : memref<128xi32, #tpu.memory_space<vmem>>) semaphore(%arg10 : memref<!tpu.dma_semaphore, #tpu.memory_space<semaphore_mem>>)
        %add3A_488 = arith.constant 1 : i32
        %add3A_489 = arith.addi %add3A_469, %add3A_488 : i32
        %dma_start3A_490 = arith.constant 0 : i32
        %dma_start3A_491 = arith.constant 1 : i32
        %dma_start3A_492 = arith.constant 0 : i32
        %dma_start3A_493 = arith.constant 0 : i32
        %dma_start3A_494 = tpu.memref_slice %arg8[%dma_start3A_491, %dma_start3A_492, %dma_start3A_493] : memref<4x128x128xf32, #tpu.memory_space<vmem>> -> memref<1x128x128xf32, #tpu.memory_space<vmem>>
        %dma_start3A_495 = tpu.memref_squeeze %dma_start3A_494 : memref<1x128x128xf32, #tpu.memory_space<vmem>> -> memref<128x128xf32, #tpu.memory_space<vmem>>
        %dma_start3A_496 = arith.constant 0 : i32
        %dma_start3A_497 = tpu.memref_slice %arg6[%add3A_489, %dma_start3A_496] : memref<80x128xi32, #tpu.memory_space<vmem>> -> memref<1x128xi32, #tpu.memory_space<vmem>>
        %dma_start3A_498 = tpu.memref_squeeze %dma_start3A_497 : memref<1x128xi32, #tpu.memory_space<vmem>> -> memref<128xi32, #tpu.memory_space<vmem>>
        %dma_start3A_499 = arith.constant 0 : i32
        %dma_start3A_500 = arith.constant 0 : i32
        %dma_start3A_501 = tpu.memref_slice %arg2[%dma_start3A_490, %dma_start3A_499, %dma_start3A_500] : memref<4x10240x128xf32, #tpu.memory_space<hbm>> -> memref<1x10240x128xf32, #tpu.memory_space<hbm>>
        %dma_start3A_502 = tpu.memref_squeeze %dma_start3A_501 : memref<1x10240x128xf32, #tpu.memory_space<hbm>> -> memref<10240x128xf32, #tpu.memory_space<hbm>>
        %dma_start3A_503 = arith.constant 0 : i32
        %dma_start3A_504 = arith.constant 0 : i32
        %dma_start3A_505 = tpu.memref_slice %dma_start3A_502[%dma_start3A_503, %dma_start3A_504] : memref<10240x128xf32, #tpu.memory_space<hbm>> -> memref<10240x128xf32, #tpu.memory_space<hbm>>
        tpu.enqueue_indirect_dma source(%dma_start3A_505 : memref<10240x128xf32, #tpu.memory_space<hbm>>) target(%dma_start3A_495 : memref<128x128xf32, #tpu.memory_space<vmem>>) offsets(%dma_start3A_498 : memref<128xi32, #tpu.memory_space<vmem>>) semaphore(%arg10 : memref<!tpu.dma_semaphore, #tpu.memory_space<semaphore_mem>>)
      } else {
      }
      %add3A_404 = arith.constant 2 : i32
      %add3A_405 = arith.addi %mul3A_230, %add3A_404 : i32
      %add3A_406 = arith.constant 0 : i32
      %add3A_407 = arith.addi %add3A_405, %add3A_406 : i32
      %dma_start3A_408 = arith.constant 2 : i32
      %dma_start3A_409 = arith.constant 0 : i32
      %dma_start3A_410 = arith.constant 0 : i32
      %dma_start3A_411 = tpu.memref_slice %arg8[%dma_start3A_408, %dma_start3A_409, %dma_start3A_410] : memref<4x128x128xf32, #tpu.memory_space<vmem>> -> memref<1x128x128xf32, #tpu.memory_space<vmem>>
      %dma_start3A_412 = tpu.memref_squeeze %dma_start3A_411 : memref<1x128x128xf32, #tpu.memory_space<vmem>> -> memref<128x128xf32, #tpu.memory_space<vmem>>
      %dma_start3A_413 = arith.constant 0 : i32
      %dma_start3A_414 = tpu.memref_slice %arg7[%add3A_407, %dma_start3A_413] : memref<80x128xi32, #tpu.memory_space<vmem>> -> memref<1x128xi32, #tpu.memory_space<vmem>>
      %dma_start3A_415 = tpu.memref_squeeze %dma_start3A_414 : memref<1x128xi32, #tpu.memory_space<vmem>> -> memref<128xi32, #tpu.memory_space<vmem>>
      %dma_start3A_416 = arith.constant 0 : i32
      %dma_start3A_417 = arith.constant 0 : i32
      %dma_start3A_418 = tpu.memref_slice %arg9[%dma_start3A_416, %dma_start3A_417] : memref<5136x128xf32, #tpu.memory_space<vmem_shared>> -> memref<5136x128xf32, #tpu.memory_space<vmem_shared>>
      tpu.enqueue_indirect_dma source(%dma_start3A_412 : memref<128x128xf32, #tpu.memory_space<vmem>>) target(%dma_start3A_418 : memref<5136x128xf32, #tpu.memory_space<vmem_shared>>) offsets(%dma_start3A_415 : memref<128xi32, #tpu.memory_space<vmem>>) semaphore(%arg11 : memref<!tpu.dma_semaphore, #tpu.memory_space<semaphore_mem>>) {add = true}
      %add3A_419 = arith.constant 1 : i32
      %add3A_420 = arith.addi %add3A_405, %add3A_419 : i32
      %dma_start3A_421 = arith.constant 3 : i32
      %dma_start3A_422 = arith.constant 0 : i32
      %dma_start3A_423 = arith.constant 0 : i32
      %dma_start3A_424 = tpu.memref_slice %arg8[%dma_start3A_421, %dma_start3A_422, %dma_start3A_423] : memref<4x128x128xf32, #tpu.memory_space<vmem>> -> memref<1x128x128xf32, #tpu.memory_space<vmem>>
      %dma_start3A_425 = tpu.memref_squeeze %dma_start3A_424 : memref<1x128x128xf32, #tpu.memory_space<vmem>> -> memref<128x128xf32, #tpu.memory_space<vmem>>
      %dma_start3A_426 = arith.constant 0 : i32
      %dma_start3A_427 = tpu.memref_slice %arg7[%add3A_420, %dma_start3A_426] : memref<80x128xi32, #tpu.memory_space<vmem>> -> memref<1x128xi32, #tpu.memory_space<vmem>>
      %dma_start3A_428 = tpu.memref_squeeze %dma_start3A_427 : memref<1x128xi32, #tpu.memory_space<vmem>> -> memref<128xi32, #tpu.memory_space<vmem>>
      %dma_start3A_429 = arith.constant 0 : i32
      %dma_start3A_430 = arith.constant 0 : i32
      %dma_start3A_431 = tpu.memref_slice %arg9[%dma_start3A_429, %dma_start3A_430] : memref<5136x128xf32, #tpu.memory_space<vmem_shared>> -> memref<5136x128xf32, #tpu.memory_space<vmem_shared>>
      tpu.enqueue_indirect_dma source(%dma_start3A_425 : memref<128x128xf32, #tpu.memory_space<vmem>>) target(%dma_start3A_431 : memref<5136x128xf32, #tpu.memory_space<vmem_shared>>) offsets(%dma_start3A_428 : memref<128xi32, #tpu.memory_space<vmem>>) semaphore(%arg11 : memref<!tpu.dma_semaphore, #tpu.memory_space<semaphore_mem>>) {add = true}
      %dma_wait3A_432 = arith.constant 0 : i32
      %dma_wait3A_433 = arith.constant 0 : i32
      %dma_wait3A_434 = arith.constant 0 : i32
      %dma_wait3A_435 = arith.constant 0 : i32
      %dma_wait3A_436 = tpu.memref_slice %arg8[%dma_wait3A_433, %dma_wait3A_434, %dma_wait3A_435] : memref<4x128x128xf32, #tpu.memory_space<vmem>> -> memref<1x128x128xf32, #tpu.memory_space<vmem>>
      %dma_wait3A_437 = tpu.memref_squeeze %dma_wait3A_436 : memref<1x128x128xf32, #tpu.memory_space<vmem>> -> memref<128x128xf32, #tpu.memory_space<vmem>>
      %dma_wait3A_438 = arith.constant 0 : i32
      %dma_wait3A_439 = arith.constant 0 : i32
      %dma_wait3A_440 = tpu.memref_slice %arg2[%dma_wait3A_432, %dma_wait3A_438, %dma_wait3A_439] : memref<4x10240x128xf32, #tpu.memory_space<hbm>> -> memref<1x128x128xf32, #tpu.memory_space<hbm>>
      %dma_wait3A_441 = tpu.memref_squeeze %dma_wait3A_440 : memref<1x128x128xf32, #tpu.memory_space<hbm>> -> memref<128x128xf32, #tpu.memory_space<hbm>>
      %dma_wait3A_442 = arith.constant 0 : i32
      %dma_wait3A_443 = arith.constant 0 : i32
      %dma_wait3A_444 = tpu.memref_slice %arg8[%dma_wait3A_433, %dma_wait3A_442, %dma_wait3A_443] : memref<4x128x128xf32, #tpu.memory_space<vmem>> -> memref<1x128x128xf32, #tpu.memory_space<vmem>>
      %dma_wait3A_445 = tpu.memref_squeeze %dma_wait3A_444 : memref<1x128x128xf32, #tpu.memory_space<vmem>> -> memref<128x128xf32, #tpu.memory_space<vmem>>
      %dma_wait3A_446 = arith.constant 0 : i32
      %dma_wait3A_447 = arith.constant 0 : i32
      %dma_wait3A_448 = tpu.memref_slice %arg2[%dma_wait3A_432, %dma_wait3A_446, %dma_wait3A_447] : memref<4x10240x128xf32, #tpu.memory_space<hbm>> -> memref<1x128x128xf32, #tpu.memory_space<hbm>>
      %dma_wait3A_449 = tpu.memref_squeeze %dma_wait3A_448 : memref<1x128x128xf32, #tpu.memory_space<hbm>> -> memref<128x128xf32, #tpu.memory_space<hbm>>
      tpu.wait_dma2 semaphore(%arg11 : memref<!tpu.dma_semaphore, #tpu.memory_space<semaphore_mem>>) src(%dma_wait3A_449 : memref<128x128xf32, #tpu.memory_space<hbm>>) dst(%dma_wait3A_445 : memref<128x128xf32, #tpu.memory_space<vmem>>)
      %dma_wait3A_450 = arith.constant 0 : i32
      %dma_wait3A_451 = arith.constant 1 : i32
      %dma_wait3A_452 = arith.constant 0 : i32
      %dma_wait3A_453 = arith.constant 0 : i32
      %dma_wait3A_454 = tpu.memref_slice %arg8[%dma_wait3A_451, %dma_wait3A_452, %dma_wait3A_453] : memref<4x128x128xf32, #tpu.memory_space<vmem>> -> memref<1x128x128xf32, #tpu.memory_space<vmem>>
      %dma_wait3A_455 = tpu.memref_squeeze %dma_wait3A_454 : memref<1x128x128xf32, #tpu.memory_space<vmem>> -> memref<128x128xf32, #tpu.memory_space<vmem>>
      %dma_wait3A_456 = arith.constant 0 : i32
      %dma_wait3A_457 = arith.constant 0 : i32
      %dma_wait3A_458 = tpu.memref_slice %arg2[%dma_wait3A_450, %dma_wait3A_456, %dma_wait3A_457] : memref<4x10240x128xf32, #tpu.memory_space<hbm>> -> memref<1x128x128xf32, #tpu.memory_space<hbm>>
      %dma_wait3A_459 = tpu.memref_squeeze %dma_wait3A_458 : memref<1x128x128xf32, #tpu.memory_space<hbm>> -> memref<128x128xf32, #tpu.memory_space<hbm>>
      %dma_wait3A_460 = arith.constant 0 : i32
      %dma_wait3A_461 = arith.constant 0 : i32
      %dma_wait3A_462 = tpu.memref_slice %arg8[%dma_wait3A_451, %dma_wait3A_460, %dma_wait3A_461] : memref<4x128x128xf32, #tpu.memory_space<vmem>> -> memref<1x128x128xf32, #tpu.memory_space<vmem>>
      %dma_wait3A_463 = tpu.memref_squeeze %dma_wait3A_462 : memref<1x128x128xf32, #tpu.memory_space<vmem>> -> memref<128x128xf32, #tpu.memory_space<vmem>>
      %dma_wait3A_464 = arith.constant 0 : i32
      %dma_wait3A_465 = arith.constant 0 : i32
      %dma_wait3A_466 = tpu.memref_slice %arg2[%dma_wait3A_450, %dma_wait3A_464, %dma_wait3A_465] : memref<4x10240x128xf32, #tpu.memory_space<hbm>> -> memref<1x128x128xf32, #tpu.memory_space<hbm>>
      %dma_wait3A_467 = tpu.memref_squeeze %dma_wait3A_466 : memref<1x128x128xf32, #tpu.memory_space<hbm>> -> memref<128x128xf32, #tpu.memory_space<hbm>>
      tpu.wait_dma2 semaphore(%arg11 : memref<!tpu.dma_semaphore, #tpu.memory_space<semaphore_mem>>) src(%dma_wait3A_467 : memref<128x128xf32, #tpu.memory_space<hbm>>) dst(%dma_wait3A_463 : memref<128x128xf32, #tpu.memory_space<vmem>>)
    }
    %scan3A_52 = arith.constant 20 : i32
    %barrier3A_53 = arith.constant 0 : index
    tpu.barrier barrier_id(%barrier3A_53)
    %mul3A_54 = arith.constant 320 : i32
    %mul3A_55 = arith.muli %arg1, %mul3A_54 : i32
    %mul3A_56 = arith.constant 320 : i32
    %mul3A_57 = arith.muli %arg1, %mul3A_56 : i32
    %add3A_58 = arith.addi %mul3A_0, %mul3A_57 : i32
    %run_scoped3A_59 = arith.constant 0 : i32
    "tpu.region"() ({
      %run_scoped3A_226 = tpu.sem_alloc : memref<!tpu.dma_semaphore, #tpu.memory_space<semaphore_mem>>
      %dma_start3A_227 = arith.constant 0 : i32
      %dma_start3A_228 = tpu.memref_slice %arg5[%run_scoped3A_59, %add3A_58, %dma_start3A_227] : memref<4x10240x128xf32, #tpu.memory_space<hbm>> -> memref<1x320x128xf32, #tpu.memory_space<hbm>>
      %dma_start3A_229 = tpu.memref_squeeze %dma_start3A_228 : memref<1x320x128xf32, #tpu.memory_space<hbm>> -> memref<320x128xf32, #tpu.memory_space<hbm>>
      %dma_start3A_230 = arith.constant 0 : i32
      %dma_start3A_231 = tpu.memref_slice %arg9[%mul3A_55, %dma_start3A_230] : memref<5136x128xf32, #tpu.memory_space<vmem_shared>> -> memref<320x128xf32, #tpu.memory_space<vmem_shared>>
      tpu.enqueue_dma source(%dma_start3A_231 : memref<320x128xf32, #tpu.memory_space<vmem_shared>>) target(%dma_start3A_229 : memref<320x128xf32, #tpu.memory_space<hbm>>) target_semaphore(%run_scoped3A_226 : memref<!tpu.dma_semaphore, #tpu.memory_space<semaphore_mem>>)
      %dma_wait3A = arith.constant 0 : i32
      %dma_wait3A_232 = tpu.memref_slice %arg5[%run_scoped3A_59, %add3A_58, %dma_wait3A] : memref<4x10240x128xf32, #tpu.memory_space<hbm>> -> memref<1x320x128xf32, #tpu.memory_space<hbm>>
      %dma_wait3A_233 = tpu.memref_squeeze %dma_wait3A_232 : memref<1x320x128xf32, #tpu.memory_space<hbm>> -> memref<320x128xf32, #tpu.memory_space<hbm>>
      %dma_wait3A_234 = arith.constant 0 : i32
      %dma_wait3A_235 = tpu.memref_slice %arg9[%mul3A_55, %dma_wait3A_234] : memref<5136x128xf32, #tpu.memory_space<vmem_shared>> -> memref<320x128xf32, #tpu.memory_space<vmem_shared>>
      tpu.wait_dma2 semaphore(%run_scoped3A_226 : memref<!tpu.dma_semaphore, #tpu.memory_space<semaphore_mem>>) src(%dma_wait3A_235 : memref<320x128xf32, #tpu.memory_space<vmem_shared>>) dst(%dma_wait3A_233 : memref<320x128xf32, #tpu.memory_space<hbm>>)
      tpu.yield
    }) : () -> ()
    %barrier3A_60 = arith.constant 0 : index
    tpu.barrier barrier_id(%barrier3A_60)
    %mul3A_61 = arith.constant 320 : i32
    %mul3A_62 = arith.muli %arg1, %mul3A_61 : i32
    %add3A_63 = arith.addi %mul3A_0, %mul3A_62 : i32
    %mul3A_64 = arith.constant 320 : i32
    %mul3A_65 = arith.muli %arg1, %mul3A_64 : i32
    %run_scoped3A_66 = arith.constant 1 : i32
    "tpu.region"() ({
      %run_scoped3A_226 = tpu.sem_alloc : memref<!tpu.dma_semaphore, #tpu.memory_space<semaphore_mem>>
      %dma_start3A_227 = arith.constant 0 : i32
      %dma_start3A_228 = tpu.memref_slice %arg9[%mul3A_65, %dma_start3A_227] : memref<5136x128xf32, #tpu.memory_space<vmem_shared>> -> memref<320x128xf32, #tpu.memory_space<vmem_shared>>
      %dma_start3A_229 = arith.constant 0 : i32
      %dma_start3A_230 = tpu.memref_slice %arg2[%run_scoped3A_66, %add3A_63, %dma_start3A_229] : memref<4x10240x128xf32, #tpu.memory_space<hbm>> -> memref<1x320x128xf32, #tpu.memory_space<hbm>>
      %dma_start3A_231 = tpu.memref_squeeze %dma_start3A_230 : memref<1x320x128xf32, #tpu.memory_space<hbm>> -> memref<320x128xf32, #tpu.memory_space<hbm>>
      tpu.enqueue_dma source(%dma_start3A_231 : memref<320x128xf32, #tpu.memory_space<hbm>>) target(%dma_start3A_228 : memref<320x128xf32, #tpu.memory_space<vmem_shared>>) target_semaphore(%run_scoped3A_226 : memref<!tpu.dma_semaphore, #tpu.memory_space<semaphore_mem>>)
      %dma_wait3A = arith.constant 0 : i32
      %dma_wait3A_232 = tpu.memref_slice %arg9[%mul3A_65, %dma_wait3A] : memref<5136x128xf32, #tpu.memory_space<vmem_shared>> -> memref<320x128xf32, #tpu.memory_space<vmem_shared>>
      %dma_wait3A_233 = arith.constant 0 : i32
      %dma_wait3A_234 = tpu.memref_slice %arg2[%run_scoped3A_66, %add3A_63, %dma_wait3A_233] : memref<4x10240x128xf32, #tpu.memory_space<hbm>> -> memref<1x320x128xf32, #tpu.memory_space<hbm>>
      %dma_wait3A_235 = tpu.memref_squeeze %dma_wait3A_234 : memref<1x320x128xf32, #tpu.memory_space<hbm>> -> memref<320x128xf32, #tpu.memory_space<hbm>>
      tpu.wait_dma2 semaphore(%run_scoped3A_226 : memref<!tpu.dma_semaphore, #tpu.memory_space<semaphore_mem>>) src(%dma_wait3A_235 : memref<320x128xf32, #tpu.memory_space<hbm>>) dst(%dma_wait3A_232 : memref<320x128xf32, #tpu.memory_space<vmem_shared>>)
      tpu.yield
    }) : () -> ()
    %barrier3A_67 = arith.constant 0 : index
    tpu.barrier barrier_id(%barrier3A_67)
    %dma_start3A_68 = arith.constant 1 : i32
    %dma_start3A_69 = arith.constant 0 : i32
    %dma_start3A_70 = arith.constant 0 : i32
    %dma_start3A_71 = arith.constant 0 : i32
    %dma_start3A_72 = arith.constant 0 : i32
    %dma_start3A_73 = tpu.memref_slice %arg8[%dma_start3A_70, %dma_start3A_71, %dma_start3A_72] : memref<4x128x128xf32, #tpu.memory_space<vmem>> -> memref<1x128x128xf32, #tpu.memory_space<vmem>>
    %dma_start3A_74 = tpu.memref_squeeze %dma_start3A_73 : memref<1x128x128xf32, #tpu.memory_space<vmem>> -> memref<128x128xf32, #tpu.memory_space<vmem>>
    %dma_start3A_75 = arith.constant 0 : i32
    %dma_start3A_76 = tpu.memref_slice %arg6[%dma_start3A_69, %dma_start3A_75] : memref<80x128xi32, #tpu.memory_space<vmem>> -> memref<1x128xi32, #tpu.memory_space<vmem>>
    %dma_start3A_77 = tpu.memref_squeeze %dma_start3A_76 : memref<1x128xi32, #tpu.memory_space<vmem>> -> memref<128xi32, #tpu.memory_space<vmem>>
    %dma_start3A_78 = arith.constant 0 : i32
    %dma_start3A_79 = arith.constant 0 : i32
    %dma_start3A_80 = tpu.memref_slice %arg2[%dma_start3A_68, %dma_start3A_78, %dma_start3A_79] : memref<4x10240x128xf32, #tpu.memory_space<hbm>> -> memref<1x10240x128xf32, #tpu.memory_space<hbm>>
    %dma_start3A_81 = tpu.memref_squeeze %dma_start3A_80 : memref<1x10240x128xf32, #tpu.memory_space<hbm>> -> memref<10240x128xf32, #tpu.memory_space<hbm>>
    %dma_start3A_82 = arith.constant 0 : i32
    %dma_start3A_83 = arith.constant 0 : i32
    %dma_start3A_84 = tpu.memref_slice %dma_start3A_81[%dma_start3A_82, %dma_start3A_83] : memref<10240x128xf32, #tpu.memory_space<hbm>> -> memref<10240x128xf32, #tpu.memory_space<hbm>>
    tpu.enqueue_indirect_dma source(%dma_start3A_84 : memref<10240x128xf32, #tpu.memory_space<hbm>>) target(%dma_start3A_74 : memref<128x128xf32, #tpu.memory_space<vmem>>) offsets(%dma_start3A_77 : memref<128xi32, #tpu.memory_space<vmem>>) semaphore(%arg10 : memref<!tpu.dma_semaphore, #tpu.memory_space<semaphore_mem>>)
    %dma_start3A_85 = arith.constant 1 : i32
    %dma_start3A_86 = arith.constant 1 : i32
    %dma_start3A_87 = arith.constant 1 : i32
    %dma_start3A_88 = arith.constant 0 : i32
    %dma_start3A_89 = arith.constant 0 : i32
    %dma_start3A_90 = tpu.memref_slice %arg8[%dma_start3A_87, %dma_start3A_88, %dma_start3A_89] : memref<4x128x128xf32, #tpu.memory_space<vmem>> -> memref<1x128x128xf32, #tpu.memory_space<vmem>>
    %dma_start3A_91 = tpu.memref_squeeze %dma_start3A_90 : memref<1x128x128xf32, #tpu.memory_space<vmem>> -> memref<128x128xf32, #tpu.memory_space<vmem>>
    %dma_start3A_92 = arith.constant 0 : i32
    %dma_start3A_93 = tpu.memref_slice %arg6[%dma_start3A_86, %dma_start3A_92] : memref<80x128xi32, #tpu.memory_space<vmem>> -> memref<1x128xi32, #tpu.memory_space<vmem>>
    %dma_start3A_94 = tpu.memref_squeeze %dma_start3A_93 : memref<1x128xi32, #tpu.memory_space<vmem>> -> memref<128xi32, #tpu.memory_space<vmem>>
    %dma_start3A_95 = arith.constant 0 : i32
    %dma_start3A_96 = arith.constant 0 : i32
    %dma_start3A_97 = tpu.memref_slice %arg2[%dma_start3A_85, %dma_start3A_95, %dma_start3A_96] : memref<4x10240x128xf32, #tpu.memory_space<hbm>> -> memref<1x10240x128xf32, #tpu.memory_space<hbm>>
    %dma_start3A_98 = tpu.memref_squeeze %dma_start3A_97 : memref<1x10240x128xf32, #tpu.memory_space<hbm>> -> memref<10240x128xf32, #tpu.memory_space<hbm>>
    %dma_start3A_99 = arith.constant 0 : i32
    %dma_start3A_100 = arith.constant 0 : i32
    %dma_start3A_101 = tpu.memref_slice %dma_start3A_98[%dma_start3A_99, %dma_start3A_100] : memref<10240x128xf32, #tpu.memory_space<hbm>> -> memref<10240x128xf32, #tpu.memory_space<hbm>>
    tpu.enqueue_indirect_dma source(%dma_start3A_101 : memref<10240x128xf32, #tpu.memory_space<hbm>>) target(%dma_start3A_91 : memref<128x128xf32, #tpu.memory_space<vmem>>) offsets(%dma_start3A_94 : memref<128xi32, #tpu.memory_space<vmem>>) semaphore(%arg10 : memref<!tpu.dma_semaphore, #tpu.memory_space<semaphore_mem>>)
    %scan3A_102 = arith.constant 0 : i32
    %scan3A_103 = arith.constant 0 : i32
    %scan3A_104 = arith.constant 20 : i32
    %scan3A_105 = arith.addi %scan3A_103, %scan3A_104 : i32
    %scan3A_106 = arith.constant 1 : i32
    scf.for %scan3A_226 = %scan3A_103 to %scan3A_105 step %scan3A_106  : i32 {
      %mul3A_227 = arith.constant 2 : i32
      %mul3A_228 = arith.muli %scan3A_226, %mul3A_227 : i32
      %mul3A_229 = arith.constant 2 : i32
      %mul3A_230 = arith.muli %mul3A_228, %mul3A_229 : i32
      %dma_wait3A = arith.constant 1 : i32
      %dma_wait3A_231 = arith.constant 0 : i32
      %dma_wait3A_232 = arith.constant 0 : i32
      %dma_wait3A_233 = arith.constant 0 : i32
      %dma_wait3A_234 = tpu.memref_slice %arg8[%dma_wait3A_231, %dma_wait3A_232, %dma_wait3A_233] : memref<4x128x128xf32, #tpu.memory_space<vmem>> -> memref<1x128x128xf32, #tpu.memory_space<vmem>>
      %dma_wait3A_235 = tpu.memref_squeeze %dma_wait3A_234 : memref<1x128x128xf32, #tpu.memory_space<vmem>> -> memref<128x128xf32, #tpu.memory_space<vmem>>
      %dma_wait3A_236 = arith.constant 0 : i32
      %dma_wait3A_237 = arith.constant 0 : i32
      %dma_wait3A_238 = tpu.memref_slice %arg2[%dma_wait3A, %dma_wait3A_236, %dma_wait3A_237] : memref<4x10240x128xf32, #tpu.memory_space<hbm>> -> memref<1x128x128xf32, #tpu.memory_space<hbm>>
      %dma_wait3A_239 = tpu.memref_squeeze %dma_wait3A_238 : memref<1x128x128xf32, #tpu.memory_space<hbm>> -> memref<128x128xf32, #tpu.memory_space<hbm>>
      %dma_wait3A_240 = arith.constant 0 : i32
      %dma_wait3A_241 = arith.constant 0 : i32
      %dma_wait3A_242 = tpu.memref_slice %arg8[%dma_wait3A_231, %dma_wait3A_240, %dma_wait3A_241] : memref<4x128x128xf32, #tpu.memory_space<vmem>> -> memref<1x128x128xf32, #tpu.memory_space<vmem>>
      %dma_wait3A_243 = tpu.memref_squeeze %dma_wait3A_242 : memref<1x128x128xf32, #tpu.memory_space<vmem>> -> memref<128x128xf32, #tpu.memory_space<vmem>>
      %dma_wait3A_244 = arith.constant 0 : i32
      %dma_wait3A_245 = arith.constant 0 : i32
      %dma_wait3A_246 = tpu.memref_slice %arg2[%dma_wait3A, %dma_wait3A_244, %dma_wait3A_245] : memref<4x10240x128xf32, #tpu.memory_space<hbm>> -> memref<1x128x128xf32, #tpu.memory_space<hbm>>
      %dma_wait3A_247 = tpu.memref_squeeze %dma_wait3A_246 : memref<1x128x128xf32, #tpu.memory_space<hbm>> -> memref<128x128xf32, #tpu.memory_space<hbm>>
      tpu.wait_dma2 semaphore(%arg10 : memref<!tpu.dma_semaphore, #tpu.memory_space<semaphore_mem>>) src(%dma_wait3A_247 : memref<128x128xf32, #tpu.memory_space<hbm>>) dst(%dma_wait3A_243 : memref<128x128xf32, #tpu.memory_space<vmem>>)
      %dma_wait3A_248 = arith.constant 1 : i32
      %dma_wait3A_249 = arith.constant 1 : i32
      %dma_wait3A_250 = arith.constant 0 : i32
      %dma_wait3A_251 = arith.constant 0 : i32
      %dma_wait3A_252 = tpu.memref_slice %arg8[%dma_wait3A_249, %dma_wait3A_250, %dma_wait3A_251] : memref<4x128x128xf32, #tpu.memory_space<vmem>> -> memref<1x128x128xf32, #tpu.memory_space<vmem>>
      %dma_wait3A_253 = tpu.memref_squeeze %dma_wait3A_252 : memref<1x128x128xf32, #tpu.memory_space<vmem>> -> memref<128x128xf32, #tpu.memory_space<vmem>>
      %dma_wait3A_254 = arith.constant 0 : i32
      %dma_wait3A_255 = arith.constant 0 : i32
      %dma_wait3A_256 = tpu.memref_slice %arg2[%dma_wait3A_248, %dma_wait3A_254, %dma_wait3A_255] : memref<4x10240x128xf32, #tpu.memory_space<hbm>> -> memref<1x128x128xf32, #tpu.memory_space<hbm>>
      %dma_wait3A_257 = tpu.memref_squeeze %dma_wait3A_256 : memref<1x128x128xf32, #tpu.memory_space<hbm>> -> memref<128x128xf32, #tpu.memory_space<hbm>>
      %dma_wait3A_258 = arith.constant 0 : i32
      %dma_wait3A_259 = arith.constant 0 : i32
      %dma_wait3A_260 = tpu.memref_slice %arg8[%dma_wait3A_249, %dma_wait3A_258, %dma_wait3A_259] : memref<4x128x128xf32, #tpu.memory_space<vmem>> -> memref<1x128x128xf32, #tpu.memory_space<vmem>>
      %dma_wait3A_261 = tpu.memref_squeeze %dma_wait3A_260 : memref<1x128x128xf32, #tpu.memory_space<vmem>> -> memref<128x128xf32, #tpu.memory_space<vmem>>
      %dma_wait3A_262 = arith.constant 0 : i32
      %dma_wait3A_263 = arith.constant 0 : i32
      %dma_wait3A_264 = tpu.memref_slice %arg2[%dma_wait3A_248, %dma_wait3A_262, %dma_wait3A_263] : memref<4x10240x128xf32, #tpu.memory_space<hbm>> -> memref<1x128x128xf32, #tpu.memory_space<hbm>>
      %dma_wait3A_265 = tpu.memref_squeeze %dma_wait3A_264 : memref<1x128x128xf32, #tpu.memory_space<hbm>> -> memref<128x128xf32, #tpu.memory_space<hbm>>
      tpu.wait_dma2 semaphore(%arg10 : memref<!tpu.dma_semaphore, #tpu.memory_space<semaphore_mem>>) src(%dma_wait3A_265 : memref<128x128xf32, #tpu.memory_space<hbm>>) dst(%dma_wait3A_261 : memref<128x128xf32, #tpu.memory_space<vmem>>)
      %add3A_266 = arith.constant 2 : i32
      %add3A_267 = arith.addi %mul3A_230, %add3A_266 : i32
      %add3A_268 = arith.constant 0 : i32
      %add3A_269 = arith.addi %add3A_267, %add3A_268 : i32
      %dma_start3A_270 = arith.constant 1 : i32
      %dma_start3A_271 = arith.constant 2 : i32
      %dma_start3A_272 = arith.constant 0 : i32
      %dma_start3A_273 = arith.constant 0 : i32
      %dma_start3A_274 = tpu.memref_slice %arg8[%dma_start3A_271, %dma_start3A_272, %dma_start3A_273] : memref<4x128x128xf32, #tpu.memory_space<vmem>> -> memref<1x128x128xf32, #tpu.memory_space<vmem>>
      %dma_start3A_275 = tpu.memref_squeeze %dma_start3A_274 : memref<1x128x128xf32, #tpu.memory_space<vmem>> -> memref<128x128xf32, #tpu.memory_space<vmem>>
      %dma_start3A_276 = arith.constant 0 : i32
      %dma_start3A_277 = tpu.memref_slice %arg6[%add3A_269, %dma_start3A_276] : memref<80x128xi32, #tpu.memory_space<vmem>> -> memref<1x128xi32, #tpu.memory_space<vmem>>
      %dma_start3A_278 = tpu.memref_squeeze %dma_start3A_277 : memref<1x128xi32, #tpu.memory_space<vmem>> -> memref<128xi32, #tpu.memory_space<vmem>>
      %dma_start3A_279 = arith.constant 0 : i32
      %dma_start3A_280 = arith.constant 0 : i32
      %dma_start3A_281 = tpu.memref_slice %arg2[%dma_start3A_270, %dma_start3A_279, %dma_start3A_280] : memref<4x10240x128xf32, #tpu.memory_space<hbm>> -> memref<1x10240x128xf32, #tpu.memory_space<hbm>>
      %dma_start3A_282 = tpu.memref_squeeze %dma_start3A_281 : memref<1x10240x128xf32, #tpu.memory_space<hbm>> -> memref<10240x128xf32, #tpu.memory_space<hbm>>
      %dma_start3A_283 = arith.constant 0 : i32
      %dma_start3A_284 = arith.constant 0 : i32
      %dma_start3A_285 = tpu.memref_slice %dma_start3A_282[%dma_start3A_283, %dma_start3A_284] : memref<10240x128xf32, #tpu.memory_space<hbm>> -> memref<10240x128xf32, #tpu.memory_space<hbm>>
      tpu.enqueue_indirect_dma source(%dma_start3A_285 : memref<10240x128xf32, #tpu.memory_space<hbm>>) target(%dma_start3A_275 : memref<128x128xf32, #tpu.memory_space<vmem>>) offsets(%dma_start3A_278 : memref<128xi32, #tpu.memory_space<vmem>>) semaphore(%arg10 : memref<!tpu.dma_semaphore, #tpu.memory_space<semaphore_mem>>)
      %add3A_286 = arith.constant 1 : i32
      %add3A_287 = arith.addi %add3A_267, %add3A_286 : i32
      %dma_start3A_288 = arith.constant 1 : i32
      %dma_start3A_289 = arith.constant 3 : i32
      %dma_start3A_290 = arith.constant 0 : i32
      %dma_start3A_291 = arith.constant 0 : i32
      %dma_start3A_292 = tpu.memref_slice %arg8[%dma_start3A_289, %dma_start3A_290, %dma_start3A_291] : memref<4x128x128xf32, #tpu.memory_space<vmem>> -> memref<1x128x128xf32, #tpu.memory_space<vmem>>
      %dma_start3A_293 = tpu.memref_squeeze %dma_start3A_292 : memref<1x128x128xf32, #tpu.memory_space<vmem>> -> memref<128x128xf32, #tpu.memory_space<vmem>>
      %dma_start3A_294 = arith.constant 0 : i32
      %dma_start3A_295 = tpu.memref_slice %arg6[%add3A_287, %dma_start3A_294] : memref<80x128xi32, #tpu.memory_space<vmem>> -> memref<1x128xi32, #tpu.memory_space<vmem>>
      %dma_start3A_296 = tpu.memref_squeeze %dma_start3A_295 : memref<1x128xi32, #tpu.memory_space<vmem>> -> memref<128xi32, #tpu.memory_space<vmem>>
      %dma_start3A_297 = arith.constant 0 : i32
      %dma_start3A_298 = arith.constant 0 : i32
      %dma_start3A_299 = tpu.memref_slice %arg2[%dma_start3A_288, %dma_start3A_297, %dma_start3A_298] : memref<4x10240x128xf32, #tpu.memory_space<hbm>> -> memref<1x10240x128xf32, #tpu.memory_space<hbm>>
      %dma_start3A_300 = tpu.memref_squeeze %dma_start3A_299 : memref<1x10240x128xf32, #tpu.memory_space<hbm>> -> memref<10240x128xf32, #tpu.memory_space<hbm>>
      %dma_start3A_301 = arith.constant 0 : i32
      %dma_start3A_302 = arith.constant 0 : i32
      %dma_start3A_303 = tpu.memref_slice %dma_start3A_300[%dma_start3A_301, %dma_start3A_302] : memref<10240x128xf32, #tpu.memory_space<hbm>> -> memref<10240x128xf32, #tpu.memory_space<hbm>>
      tpu.enqueue_indirect_dma source(%dma_start3A_303 : memref<10240x128xf32, #tpu.memory_space<hbm>>) target(%dma_start3A_293 : memref<128x128xf32, #tpu.memory_space<vmem>>) offsets(%dma_start3A_296 : memref<128xi32, #tpu.memory_space<vmem>>) semaphore(%arg10 : memref<!tpu.dma_semaphore, #tpu.memory_space<semaphore_mem>>)
      %add3A_304 = arith.constant 0 : i32
      %add3A_305 = arith.addi %mul3A_230, %add3A_304 : i32
      %dma_start3A_306 = arith.constant 0 : i32
      %dma_start3A_307 = arith.constant 0 : i32
      %dma_start3A_308 = arith.constant 0 : i32
      %dma_start3A_309 = tpu.memref_slice %arg8[%dma_start3A_306, %dma_start3A_307, %dma_start3A_308] : memref<4x128x128xf32, #tpu.memory_space<vmem>> -> memref<1x128x128xf32, #tpu.memory_space<vmem>>
      %dma_start3A_310 = tpu.memref_squeeze %dma_start3A_309 : memref<1x128x128xf32, #tpu.memory_space<vmem>> -> memref<128x128xf32, #tpu.memory_space<vmem>>
      %dma_start3A_311 = arith.constant 0 : i32
      %dma_start3A_312 = tpu.memref_slice %arg7[%add3A_305, %dma_start3A_311] : memref<80x128xi32, #tpu.memory_space<vmem>> -> memref<1x128xi32, #tpu.memory_space<vmem>>
      %dma_start3A_313 = tpu.memref_squeeze %dma_start3A_312 : memref<1x128xi32, #tpu.memory_space<vmem>> -> memref<128xi32, #tpu.memory_space<vmem>>
      %dma_start3A_314 = arith.constant 0 : i32
      %dma_start3A_315 = arith.constant 0 : i32
      %dma_start3A_316 = tpu.memref_slice %arg9[%dma_start3A_314, %dma_start3A_315] : memref<5136x128xf32, #tpu.memory_space<vmem_shared>> -> memref<5136x128xf32, #tpu.memory_space<vmem_shared>>
      tpu.enqueue_indirect_dma source(%dma_start3A_310 : memref<128x128xf32, #tpu.memory_space<vmem>>) target(%dma_start3A_316 : memref<5136x128xf32, #tpu.memory_space<vmem_shared>>) offsets(%dma_start3A_313 : memref<128xi32, #tpu.memory_space<vmem>>) semaphore(%arg11 : memref<!tpu.dma_semaphore, #tpu.memory_space<semaphore_mem>>) {add = true}
      %add3A_317 = arith.constant 1 : i32
      %add3A_318 = arith.addi %mul3A_230, %add3A_317 : i32
      %dma_start3A_319 = arith.constant 1 : i32
      %dma_start3A_320 = arith.constant 0 : i32
      %dma_start3A_321 = arith.constant 0 : i32
      %dma_start3A_322 = tpu.memref_slice %arg8[%dma_start3A_319, %dma_start3A_320, %dma_start3A_321] : memref<4x128x128xf32, #tpu.memory_space<vmem>> -> memref<1x128x128xf32, #tpu.memory_space<vmem>>
      %dma_start3A_323 = tpu.memref_squeeze %dma_start3A_322 : memref<1x128x128xf32, #tpu.memory_space<vmem>> -> memref<128x128xf32, #tpu.memory_space<vmem>>
      %dma_start3A_324 = arith.constant 0 : i32
      %dma_start3A_325 = tpu.memref_slice %arg7[%add3A_318, %dma_start3A_324] : memref<80x128xi32, #tpu.memory_space<vmem>> -> memref<1x128xi32, #tpu.memory_space<vmem>>
      %dma_start3A_326 = tpu.memref_squeeze %dma_start3A_325 : memref<1x128xi32, #tpu.memory_space<vmem>> -> memref<128xi32, #tpu.memory_space<vmem>>
      %dma_start3A_327 = arith.constant 0 : i32
      %dma_start3A_328 = arith.constant 0 : i32
      %dma_start3A_329 = tpu.memref_slice %arg9[%dma_start3A_327, %dma_start3A_328] : memref<5136x128xf32, #tpu.memory_space<vmem_shared>> -> memref<5136x128xf32, #tpu.memory_space<vmem_shared>>
      tpu.enqueue_indirect_dma source(%dma_start3A_323 : memref<128x128xf32, #tpu.memory_space<vmem>>) target(%dma_start3A_329 : memref<5136x128xf32, #tpu.memory_space<vmem_shared>>) offsets(%dma_start3A_326 : memref<128xi32, #tpu.memory_space<vmem>>) semaphore(%arg11 : memref<!tpu.dma_semaphore, #tpu.memory_space<semaphore_mem>>) {add = true}
      %dma_wait3A_330 = arith.constant 1 : i32
      %dma_wait3A_331 = arith.constant 0 : i32
      %dma_wait3A_332 = arith.constant 0 : i32
      %dma_wait3A_333 = arith.constant 0 : i32
      %dma_wait3A_334 = tpu.memref_slice %arg8[%dma_wait3A_331, %dma_wait3A_332, %dma_wait3A_333] : memref<4x128x128xf32, #tpu.memory_space<vmem>> -> memref<1x128x128xf32, #tpu.memory_space<vmem>>
      %dma_wait3A_335 = tpu.memref_squeeze %dma_wait3A_334 : memref<1x128x128xf32, #tpu.memory_space<vmem>> -> memref<128x128xf32, #tpu.memory_space<vmem>>
      %dma_wait3A_336 = arith.constant 0 : i32
      %dma_wait3A_337 = arith.constant 0 : i32
      %dma_wait3A_338 = tpu.memref_slice %arg2[%dma_wait3A_330, %dma_wait3A_336, %dma_wait3A_337] : memref<4x10240x128xf32, #tpu.memory_space<hbm>> -> memref<1x128x128xf32, #tpu.memory_space<hbm>>
      %dma_wait3A_339 = tpu.memref_squeeze %dma_wait3A_338 : memref<1x128x128xf32, #tpu.memory_space<hbm>> -> memref<128x128xf32, #tpu.memory_space<hbm>>
      %dma_wait3A_340 = arith.constant 0 : i32
      %dma_wait3A_341 = arith.constant 0 : i32
      %dma_wait3A_342 = tpu.memref_slice %arg8[%dma_wait3A_331, %dma_wait3A_340, %dma_wait3A_341] : memref<4x128x128xf32, #tpu.memory_space<vmem>> -> memref<1x128x128xf32, #tpu.memory_space<vmem>>
      %dma_wait3A_343 = tpu.memref_squeeze %dma_wait3A_342 : memref<1x128x128xf32, #tpu.memory_space<vmem>> -> memref<128x128xf32, #tpu.memory_space<vmem>>
      %dma_wait3A_344 = arith.constant 0 : i32
      %dma_wait3A_345 = arith.constant 0 : i32
      %dma_wait3A_346 = tpu.memref_slice %arg2[%dma_wait3A_330, %dma_wait3A_344, %dma_wait3A_345] : memref<4x10240x128xf32, #tpu.memory_space<hbm>> -> memref<1x128x128xf32, #tpu.memory_space<hbm>>
      %dma_wait3A_347 = tpu.memref_squeeze %dma_wait3A_346 : memref<1x128x128xf32, #tpu.memory_space<hbm>> -> memref<128x128xf32, #tpu.memory_space<hbm>>
      tpu.wait_dma2 semaphore(%arg11 : memref<!tpu.dma_semaphore, #tpu.memory_space<semaphore_mem>>) src(%dma_wait3A_347 : memref<128x128xf32, #tpu.memory_space<hbm>>) dst(%dma_wait3A_343 : memref<128x128xf32, #tpu.memory_space<vmem>>)
      %dma_wait3A_348 = arith.constant 1 : i32
      %dma_wait3A_349 = arith.constant 1 : i32
      %dma_wait3A_350 = arith.constant 0 : i32
      %dma_wait3A_351 = arith.constant 0 : i32
      %dma_wait3A_352 = tpu.memref_slice %arg8[%dma_wait3A_349, %dma_wait3A_350, %dma_wait3A_351] : memref<4x128x128xf32, #tpu.memory_space<vmem>> -> memref<1x128x128xf32, #tpu.memory_space<vmem>>
      %dma_wait3A_353 = tpu.memref_squeeze %dma_wait3A_352 : memref<1x128x128xf32, #tpu.memory_space<vmem>> -> memref<128x128xf32, #tpu.memory_space<vmem>>
      %dma_wait3A_354 = arith.constant 0 : i32
      %dma_wait3A_355 = arith.constant 0 : i32
      %dma_wait3A_356 = tpu.memref_slice %arg2[%dma_wait3A_348, %dma_wait3A_354, %dma_wait3A_355] : memref<4x10240x128xf32, #tpu.memory_space<hbm>> -> memref<1x128x128xf32, #tpu.memory_space<hbm>>
      %dma_wait3A_357 = tpu.memref_squeeze %dma_wait3A_356 : memref<1x128x128xf32, #tpu.memory_space<hbm>> -> memref<128x128xf32, #tpu.memory_space<hbm>>
      %dma_wait3A_358 = arith.constant 0 : i32
      %dma_wait3A_359 = arith.constant 0 : i32
      %dma_wait3A_360 = tpu.memref_slice %arg8[%dma_wait3A_349, %dma_wait3A_358, %dma_wait3A_359] : memref<4x128x128xf32, #tpu.memory_space<vmem>> -> memref<1x128x128xf32, #tpu.memory_space<vmem>>
      %dma_wait3A_361 = tpu.memref_squeeze %dma_wait3A_360 : memref<1x128x128xf32, #tpu.memory_space<vmem>> -> memref<128x128xf32, #tpu.memory_space<vmem>>
      %dma_wait3A_362 = arith.constant 0 : i32
      %dma_wait3A_363 = arith.constant 0 : i32
      %dma_wait3A_364 = tpu.memref_slice %arg2[%dma_wait3A_348, %dma_wait3A_362, %dma_wait3A_363] : memref<4x10240x128xf32, #tpu.memory_space<hbm>> -> memref<1x128x128xf32, #tpu.memory_space<hbm>>
      %dma_wait3A_365 = tpu.memref_squeeze %dma_wait3A_364 : memref<1x128x128xf32, #tpu.memory_space<hbm>> -> memref<128x128xf32, #tpu.memory_space<hbm>>
      tpu.wait_dma2 semaphore(%arg11 : memref<!tpu.dma_semaphore, #tpu.memory_space<semaphore_mem>>) src(%dma_wait3A_365 : memref<128x128xf32, #tpu.memory_space<hbm>>) dst(%dma_wait3A_361 : memref<128x128xf32, #tpu.memory_space<vmem>>)
      %dma_wait3A_366 = arith.constant 1 : i32
      %dma_wait3A_367 = arith.constant 0 : i32
      %dma_wait3A_368 = arith.constant 0 : i32
      %dma_wait3A_369 = arith.constant 0 : i32
      %dma_wait3A_370 = tpu.memref_slice %arg8[%dma_wait3A_367, %dma_wait3A_368, %dma_wait3A_369] : memref<4x128x128xf32, #tpu.memory_space<vmem>> -> memref<1x128x128xf32, #tpu.memory_space<vmem>>
      %dma_wait3A_371 = tpu.memref_squeeze %dma_wait3A_370 : memref<1x128x128xf32, #tpu.memory_space<vmem>> -> memref<128x128xf32, #tpu.memory_space<vmem>>
      %dma_wait3A_372 = arith.constant 0 : i32
      %dma_wait3A_373 = arith.constant 0 : i32
      %dma_wait3A_374 = tpu.memref_slice %arg2[%dma_wait3A_366, %dma_wait3A_372, %dma_wait3A_373] : memref<4x10240x128xf32, #tpu.memory_space<hbm>> -> memref<1x128x128xf32, #tpu.memory_space<hbm>>
      %dma_wait3A_375 = tpu.memref_squeeze %dma_wait3A_374 : memref<1x128x128xf32, #tpu.memory_space<hbm>> -> memref<128x128xf32, #tpu.memory_space<hbm>>
      %dma_wait3A_376 = arith.constant 0 : i32
      %dma_wait3A_377 = arith.constant 0 : i32
      %dma_wait3A_378 = tpu.memref_slice %arg8[%dma_wait3A_367, %dma_wait3A_376, %dma_wait3A_377] : memref<4x128x128xf32, #tpu.memory_space<vmem>> -> memref<1x128x128xf32, #tpu.memory_space<vmem>>
      %dma_wait3A_379 = tpu.memref_squeeze %dma_wait3A_378 : memref<1x128x128xf32, #tpu.memory_space<vmem>> -> memref<128x128xf32, #tpu.memory_space<vmem>>
      %dma_wait3A_380 = arith.constant 0 : i32
      %dma_wait3A_381 = arith.constant 0 : i32
      %dma_wait3A_382 = tpu.memref_slice %arg2[%dma_wait3A_366, %dma_wait3A_380, %dma_wait3A_381] : memref<4x10240x128xf32, #tpu.memory_space<hbm>> -> memref<1x128x128xf32, #tpu.memory_space<hbm>>
      %dma_wait3A_383 = tpu.memref_squeeze %dma_wait3A_382 : memref<1x128x128xf32, #tpu.memory_space<hbm>> -> memref<128x128xf32, #tpu.memory_space<hbm>>
      tpu.wait_dma2 semaphore(%arg10 : memref<!tpu.dma_semaphore, #tpu.memory_space<semaphore_mem>>) src(%dma_wait3A_383 : memref<128x128xf32, #tpu.memory_space<hbm>>) dst(%dma_wait3A_379 : memref<128x128xf32, #tpu.memory_space<vmem>>)
      %dma_wait3A_384 = arith.constant 1 : i32
      %dma_wait3A_385 = arith.constant 1 : i32
      %dma_wait3A_386 = arith.constant 0 : i32
      %dma_wait3A_387 = arith.constant 0 : i32
      %dma_wait3A_388 = tpu.memref_slice %arg8[%dma_wait3A_385, %dma_wait3A_386, %dma_wait3A_387] : memref<4x128x128xf32, #tpu.memory_space<vmem>> -> memref<1x128x128xf32, #tpu.memory_space<vmem>>
      %dma_wait3A_389 = tpu.memref_squeeze %dma_wait3A_388 : memref<1x128x128xf32, #tpu.memory_space<vmem>> -> memref<128x128xf32, #tpu.memory_space<vmem>>
      %dma_wait3A_390 = arith.constant 0 : i32
      %dma_wait3A_391 = arith.constant 0 : i32
      %dma_wait3A_392 = tpu.memref_slice %arg2[%dma_wait3A_384, %dma_wait3A_390, %dma_wait3A_391] : memref<4x10240x128xf32, #tpu.memory_space<hbm>> -> memref<1x128x128xf32, #tpu.memory_space<hbm>>
      %dma_wait3A_393 = tpu.memref_squeeze %dma_wait3A_392 : memref<1x128x128xf32, #tpu.memory_space<hbm>> -> memref<128x128xf32, #tpu.memory_space<hbm>>
      %dma_wait3A_394 = arith.constant 0 : i32
      %dma_wait3A_395 = arith.constant 0 : i32
      %dma_wait3A_396 = tpu.memref_slice %arg8[%dma_wait3A_385, %dma_wait3A_394, %dma_wait3A_395] : memref<4x128x128xf32, #tpu.memory_space<vmem>> -> memref<1x128x128xf32, #tpu.memory_space<vmem>>
      %dma_wait3A_397 = tpu.memref_squeeze %dma_wait3A_396 : memref<1x128x128xf32, #tpu.memory_space<vmem>> -> memref<128x128xf32, #tpu.memory_space<vmem>>
      %dma_wait3A_398 = arith.constant 0 : i32
      %dma_wait3A_399 = arith.constant 0 : i32
      %dma_wait3A_400 = tpu.memref_slice %arg2[%dma_wait3A_384, %dma_wait3A_398, %dma_wait3A_399] : memref<4x10240x128xf32, #tpu.memory_space<hbm>> -> memref<1x128x128xf32, #tpu.memory_space<hbm>>
      %dma_wait3A_401 = tpu.memref_squeeze %dma_wait3A_400 : memref<1x128x128xf32, #tpu.memory_space<hbm>> -> memref<128x128xf32, #tpu.memory_space<hbm>>
      tpu.wait_dma2 semaphore(%arg10 : memref<!tpu.dma_semaphore, #tpu.memory_space<semaphore_mem>>) src(%dma_wait3A_401 : memref<128x128xf32, #tpu.memory_space<hbm>>) dst(%dma_wait3A_397 : memref<128x128xf32, #tpu.memory_space<vmem>>)
      %lt3A = arith.constant 19 : i32
      %lt3A_402 = arith.cmpi slt, %scan3A_226, %lt3A : i32
      %convert_element_type3A = arith.extui %lt3A_402 : i1 to i32
      %cond3A = arith.constant 0 : i32
      %cond3A_403 = arith.cmpi ne, %convert_element_type3A, %cond3A : i32
      scf.if %cond3A_403 {
        %add3A_468 = arith.constant 4 : i32
        %add3A_469 = arith.addi %mul3A_230, %add3A_468 : i32
        %add3A_470 = arith.constant 0 : i32
        %add3A_471 = arith.addi %add3A_469, %add3A_470 : i32
        %dma_start3A_472 = arith.constant 1 : i32
        %dma_start3A_473 = arith.constant 0 : i32
        %dma_start3A_474 = arith.constant 0 : i32
        %dma_start3A_475 = arith.constant 0 : i32
        %dma_start3A_476 = tpu.memref_slice %arg8[%dma_start3A_473, %dma_start3A_474, %dma_start3A_475] : memref<4x128x128xf32, #tpu.memory_space<vmem>> -> memref<1x128x128xf32, #tpu.memory_space<vmem>>
        %dma_start3A_477 = tpu.memref_squeeze %dma_start3A_476 : memref<1x128x128xf32, #tpu.memory_space<vmem>> -> memref<128x128xf32, #tpu.memory_space<vmem>>
        %dma_start3A_478 = arith.constant 0 : i32
        %dma_start3A_479 = tpu.memref_slice %arg6[%add3A_471, %dma_start3A_478] : memref<80x128xi32, #tpu.memory_space<vmem>> -> memref<1x128xi32, #tpu.memory_space<vmem>>
        %dma_start3A_480 = tpu.memref_squeeze %dma_start3A_479 : memref<1x128xi32, #tpu.memory_space<vmem>> -> memref<128xi32, #tpu.memory_space<vmem>>
        %dma_start3A_481 = arith.constant 0 : i32
        %dma_start3A_482 = arith.constant 0 : i32
        %dma_start3A_483 = tpu.memref_slice %arg2[%dma_start3A_472, %dma_start3A_481, %dma_start3A_482] : memref<4x10240x128xf32, #tpu.memory_space<hbm>> -> memref<1x10240x128xf32, #tpu.memory_space<hbm>>
        %dma_start3A_484 = tpu.memref_squeeze %dma_start3A_483 : memref<1x10240x128xf32, #tpu.memory_space<hbm>> -> memref<10240x128xf32, #tpu.memory_space<hbm>>
        %dma_start3A_485 = arith.constant 0 : i32
        %dma_start3A_486 = arith.constant 0 : i32
        %dma_start3A_487 = tpu.memref_slice %dma_start3A_484[%dma_start3A_485, %dma_start3A_486] : memref<10240x128xf32, #tpu.memory_space<hbm>> -> memref<10240x128xf32, #tpu.memory_space<hbm>>
        tpu.enqueue_indirect_dma source(%dma_start3A_487 : memref<10240x128xf32, #tpu.memory_space<hbm>>) target(%dma_start3A_477 : memref<128x128xf32, #tpu.memory_space<vmem>>) offsets(%dma_start3A_480 : memref<128xi32, #tpu.memory_space<vmem>>) semaphore(%arg10 : memref<!tpu.dma_semaphore, #tpu.memory_space<semaphore_mem>>)
        %add3A_488 = arith.constant 1 : i32
        %add3A_489 = arith.addi %add3A_469, %add3A_488 : i32
        %dma_start3A_490 = arith.constant 1 : i32
        %dma_start3A_491 = arith.constant 1 : i32
        %dma_start3A_492 = arith.constant 0 : i32
        %dma_start3A_493 = arith.constant 0 : i32
        %dma_start3A_494 = tpu.memref_slice %arg8[%dma_start3A_491, %dma_start3A_492, %dma_start3A_493] : memref<4x128x128xf32, #tpu.memory_space<vmem>> -> memref<1x128x128xf32, #tpu.memory_space<vmem>>
        %dma_start3A_495 = tpu.memref_squeeze %dma_start3A_494 : memref<1x128x128xf32, #tpu.memory_space<vmem>> -> memref<128x128xf32, #tpu.memory_space<vmem>>
        %dma_start3A_496 = arith.constant 0 : i32
        %dma_start3A_497 = tpu.memref_slice %arg6[%add3A_489, %dma_start3A_496] : memref<80x128xi32, #tpu.memory_space<vmem>> -> memref<1x128xi32, #tpu.memory_space<vmem>>
        %dma_start3A_498 = tpu.memref_squeeze %dma_start3A_497 : memref<1x128xi32, #tpu.memory_space<vmem>> -> memref<128xi32, #tpu.memory_space<vmem>>
        %dma_start3A_499 = arith.constant 0 : i32
        %dma_start3A_500 = arith.constant 0 : i32
        %dma_start3A_501 = tpu.memref_slice %arg2[%dma_start3A_490, %dma_start3A_499, %dma_start3A_500] : memref<4x10240x128xf32, #tpu.memory_space<hbm>> -> memref<1x10240x128xf32, #tpu.memory_space<hbm>>
        %dma_start3A_502 = tpu.memref_squeeze %dma_start3A_501 : memref<1x10240x128xf32, #tpu.memory_space<hbm>> -> memref<10240x128xf32, #tpu.memory_space<hbm>>
        %dma_start3A_503 = arith.constant 0 : i32
        %dma_start3A_504 = arith.constant 0 : i32
        %dma_start3A_505 = tpu.memref_slice %dma_start3A_502[%dma_start3A_503, %dma_start3A_504] : memref<10240x128xf32, #tpu.memory_space<hbm>> -> memref<10240x128xf32, #tpu.memory_space<hbm>>
        tpu.enqueue_indirect_dma source(%dma_start3A_505 : memref<10240x128xf32, #tpu.memory_space<hbm>>) target(%dma_start3A_495 : memref<128x128xf32, #tpu.memory_space<vmem>>) offsets(%dma_start3A_498 : memref<128xi32, #tpu.memory_space<vmem>>) semaphore(%arg10 : memref<!tpu.dma_semaphore, #tpu.memory_space<semaphore_mem>>)
      } else {
      }
      %add3A_404 = arith.constant 2 : i32
      %add3A_405 = arith.addi %mul3A_230, %add3A_404 : i32
      %add3A_406 = arith.constant 0 : i32
      %add3A_407 = arith.addi %add3A_405, %add3A_406 : i32
      %dma_start3A_408 = arith.constant 2 : i32
      %dma_start3A_409 = arith.constant 0 : i32
      %dma_start3A_410 = arith.constant 0 : i32
      %dma_start3A_411 = tpu.memref_slice %arg8[%dma_start3A_408, %dma_start3A_409, %dma_start3A_410] : memref<4x128x128xf32, #tpu.memory_space<vmem>> -> memref<1x128x128xf32, #tpu.memory_space<vmem>>
      %dma_start3A_412 = tpu.memref_squeeze %dma_start3A_411 : memref<1x128x128xf32, #tpu.memory_space<vmem>> -> memref<128x128xf32, #tpu.memory_space<vmem>>
      %dma_start3A_413 = arith.constant 0 : i32
      %dma_start3A_414 = tpu.memref_slice %arg7[%add3A_407, %dma_start3A_413] : memref<80x128xi32, #tpu.memory_space<vmem>> -> memref<1x128xi32, #tpu.memory_space<vmem>>
      %dma_start3A_415 = tpu.memref_squeeze %dma_start3A_414 : memref<1x128xi32, #tpu.memory_space<vmem>> -> memref<128xi32, #tpu.memory_space<vmem>>
      %dma_start3A_416 = arith.constant 0 : i32
      %dma_start3A_417 = arith.constant 0 : i32
      %dma_start3A_418 = tpu.memref_slice %arg9[%dma_start3A_416, %dma_start3A_417] : memref<5136x128xf32, #tpu.memory_space<vmem_shared>> -> memref<5136x128xf32, #tpu.memory_space<vmem_shared>>
      tpu.enqueue_indirect_dma source(%dma_start3A_412 : memref<128x128xf32, #tpu.memory_space<vmem>>) target(%dma_start3A_418 : memref<5136x128xf32, #tpu.memory_space<vmem_shared>>) offsets(%dma_start3A_415 : memref<128xi32, #tpu.memory_space<vmem>>) semaphore(%arg11 : memref<!tpu.dma_semaphore, #tpu.memory_space<semaphore_mem>>) {add = true}
      %add3A_419 = arith.constant 1 : i32
      %add3A_420 = arith.addi %add3A_405, %add3A_419 : i32
      %dma_start3A_421 = arith.constant 3 : i32
      %dma_start3A_422 = arith.constant 0 : i32
      %dma_start3A_423 = arith.constant 0 : i32
      %dma_start3A_424 = tpu.memref_slice %arg8[%dma_start3A_421, %dma_start3A_422, %dma_start3A_423] : memref<4x128x128xf32, #tpu.memory_space<vmem>> -> memref<1x128x128xf32, #tpu.memory_space<vmem>>
      %dma_start3A_425 = tpu.memref_squeeze %dma_start3A_424 : memref<1x128x128xf32, #tpu.memory_space<vmem>> -> memref<128x128xf32, #tpu.memory_space<vmem>>
      %dma_start3A_426 = arith.constant 0 : i32
      %dma_start3A_427 = tpu.memref_slice %arg7[%add3A_420, %dma_start3A_426] : memref<80x128xi32, #tpu.memory_space<vmem>> -> memref<1x128xi32, #tpu.memory_space<vmem>>
      %dma_start3A_428 = tpu.memref_squeeze %dma_start3A_427 : memref<1x128xi32, #tpu.memory_space<vmem>> -> memref<128xi32, #tpu.memory_space<vmem>>
      %dma_start3A_429 = arith.constant 0 : i32
      %dma_start3A_430 = arith.constant 0 : i32
      %dma_start3A_431 = tpu.memref_slice %arg9[%dma_start3A_429, %dma_start3A_430] : memref<5136x128xf32, #tpu.memory_space<vmem_shared>> -> memref<5136x128xf32, #tpu.memory_space<vmem_shared>>
      tpu.enqueue_indirect_dma source(%dma_start3A_425 : memref<128x128xf32, #tpu.memory_space<vmem>>) target(%dma_start3A_431 : memref<5136x128xf32, #tpu.memory_space<vmem_shared>>) offsets(%dma_start3A_428 : memref<128xi32, #tpu.memory_space<vmem>>) semaphore(%arg11 : memref<!tpu.dma_semaphore, #tpu.memory_space<semaphore_mem>>) {add = true}
      %dma_wait3A_432 = arith.constant 1 : i32
      %dma_wait3A_433 = arith.constant 0 : i32
      %dma_wait3A_434 = arith.constant 0 : i32
      %dma_wait3A_435 = arith.constant 0 : i32
      %dma_wait3A_436 = tpu.memref_slice %arg8[%dma_wait3A_433, %dma_wait3A_434, %dma_wait3A_435] : memref<4x128x128xf32, #tpu.memory_space<vmem>> -> memref<1x128x128xf32, #tpu.memory_space<vmem>>
      %dma_wait3A_437 = tpu.memref_squeeze %dma_wait3A_436 : memref<1x128x128xf32, #tpu.memory_space<vmem>> -> memref<128x128xf32, #tpu.memory_space<vmem>>
      %dma_wait3A_438 = arith.constant 0 : i32
      %dma_wait3A_439 = arith.constant 0 : i32
      %dma_wait3A_440 = tpu.memref_slice %arg2[%dma_wait3A_432, %dma_wait3A_438, %dma_wait3A_439] : memref<4x10240x128xf32, #tpu.memory_space<hbm>> -> memref<1x128x128xf32, #tpu.memory_space<hbm>>
      %dma_wait3A_441 = tpu.memref_squeeze %dma_wait3A_440 : memref<1x128x128xf32, #tpu.memory_space<hbm>> -> memref<128x128xf32, #tpu.memory_space<hbm>>
      %dma_wait3A_442 = arith.constant 0 : i32
      %dma_wait3A_443 = arith.constant 0 : i32
      %dma_wait3A_444 = tpu.memref_slice %arg8[%dma_wait3A_433, %dma_wait3A_442, %dma_wait3A_443] : memref<4x128x128xf32, #tpu.memory_space<vmem>> -> memref<1x128x128xf32, #tpu.memory_space<vmem>>
      %dma_wait3A_445 = tpu.memref_squeeze %dma_wait3A_444 : memref<1x128x128xf32, #tpu.memory_space<vmem>> -> memref<128x128xf32, #tpu.memory_space<vmem>>
      %dma_wait3A_446 = arith.constant 0 : i32
      %dma_wait3A_447 = arith.constant 0 : i32
      %dma_wait3A_448 = tpu.memref_slice %arg2[%dma_wait3A_432, %dma_wait3A_446, %dma_wait3A_447] : memref<4x10240x128xf32, #tpu.memory_space<hbm>> -> memref<1x128x128xf32, #tpu.memory_space<hbm>>
      %dma_wait3A_449 = tpu.memref_squeeze %dma_wait3A_448 : memref<1x128x128xf32, #tpu.memory_space<hbm>> -> memref<128x128xf32, #tpu.memory_space<hbm>>
      tpu.wait_dma2 semaphore(%arg11 : memref<!tpu.dma_semaphore, #tpu.memory_space<semaphore_mem>>) src(%dma_wait3A_449 : memref<128x128xf32, #tpu.memory_space<hbm>>) dst(%dma_wait3A_445 : memref<128x128xf32, #tpu.memory_space<vmem>>)
      %dma_wait3A_450 = arith.constant 1 : i32
      %dma_wait3A_451 = arith.constant 1 : i32
      %dma_wait3A_452 = arith.constant 0 : i32
      %dma_wait3A_453 = arith.constant 0 : i32
      %dma_wait3A_454 = tpu.memref_slice %arg8[%dma_wait3A_451, %dma_wait3A_452, %dma_wait3A_453] : memref<4x128x128xf32, #tpu.memory_space<vmem>> -> memref<1x128x128xf32, #tpu.memory_space<vmem>>
      %dma_wait3A_455 = tpu.memref_squeeze %dma_wait3A_454 : memref<1x128x128xf32, #tpu.memory_space<vmem>> -> memref<128x128xf32, #tpu.memory_space<vmem>>
      %dma_wait3A_456 = arith.constant 0 : i32
      %dma_wait3A_457 = arith.constant 0 : i32
      %dma_wait3A_458 = tpu.memref_slice %arg2[%dma_wait3A_450, %dma_wait3A_456, %dma_wait3A_457] : memref<4x10240x128xf32, #tpu.memory_space<hbm>> -> memref<1x128x128xf32, #tpu.memory_space<hbm>>
      %dma_wait3A_459 = tpu.memref_squeeze %dma_wait3A_458 : memref<1x128x128xf32, #tpu.memory_space<hbm>> -> memref<128x128xf32, #tpu.memory_space<hbm>>
      %dma_wait3A_460 = arith.constant 0 : i32
      %dma_wait3A_461 = arith.constant 0 : i32
      %dma_wait3A_462 = tpu.memref_slice %arg8[%dma_wait3A_451, %dma_wait3A_460, %dma_wait3A_461] : memref<4x128x128xf32, #tpu.memory_space<vmem>> -> memref<1x128x128xf32, #tpu.memory_space<vmem>>
      %dma_wait3A_463 = tpu.memref_squeeze %dma_wait3A_462 : memref<1x128x128xf32, #tpu.memory_space<vmem>> -> memref<128x128xf32, #tpu.memory_space<vmem>>
      %dma_wait3A_464 = arith.constant 0 : i32
      %dma_wait3A_465 = arith.constant 0 : i32
      %dma_wait3A_466 = tpu.memref_slice %arg2[%dma_wait3A_450, %dma_wait3A_464, %dma_wait3A_465] : memref<4x10240x128xf32, #tpu.memory_space<hbm>> -> memref<1x128x128xf32, #tpu.memory_space<hbm>>
      %dma_wait3A_467 = tpu.memref_squeeze %dma_wait3A_466 : memref<1x128x128xf32, #tpu.memory_space<hbm>> -> memref<128x128xf32, #tpu.memory_space<hbm>>
      tpu.wait_dma2 semaphore(%arg11 : memref<!tpu.dma_semaphore, #tpu.memory_space<semaphore_mem>>) src(%dma_wait3A_467 : memref<128x128xf32, #tpu.memory_space<hbm>>) dst(%dma_wait3A_463 : memref<128x128xf32, #tpu.memory_space<vmem>>)
    }
    %scan3A_107 = arith.constant 20 : i32
    %barrier3A_108 = arith.constant 0 : index
    tpu.barrier barrier_id(%barrier3A_108)
    %mul3A_109 = arith.constant 320 : i32
    %mul3A_110 = arith.muli %arg1, %mul3A_109 : i32
    %mul3A_111 = arith.constant 320 : i32
    %mul3A_112 = arith.muli %arg1, %mul3A_111 : i32
    %add3A_113 = arith.addi %mul3A_0, %mul3A_112 : i32
    %run_scoped3A_114 = arith.constant 1 : i32
    "tpu.region"() ({
      %run_scoped3A_226 = tpu.sem_alloc : memref<!tpu.dma_semaphore, #tpu.memory_space<semaphore_mem>>
      %dma_start3A_227 = arith.constant 0 : i32
      %dma_start3A_228 = tpu.memref_slice %arg5[%run_scoped3A_114, %add3A_113, %dma_start3A_227] : memref<4x10240x128xf32, #tpu.memory_space<hbm>> -> memref<1x320x128xf32, #tpu.memory_space<hbm>>
      %dma_start3A_229 = tpu.memref_squeeze %dma_start3A_228 : memref<1x320x128xf32, #tpu.memory_space<hbm>> -> memref<320x128xf32, #tpu.memory_space<hbm>>
      %dma_start3A_230 = arith.constant 0 : i32
      %dma_start3A_231 = tpu.memref_slice %arg9[%mul3A_110, %dma_start3A_230] : memref<5136x128xf32, #tpu.memory_space<vmem_shared>> -> memref<320x128xf32, #tpu.memory_space<vmem_shared>>
      tpu.enqueue_dma source(%dma_start3A_231 : memref<320x128xf32, #tpu.memory_space<vmem_shared>>) target(%dma_start3A_229 : memref<320x128xf32, #tpu.memory_space<hbm>>) target_semaphore(%run_scoped3A_226 : memref<!tpu.dma_semaphore, #tpu.memory_space<semaphore_mem>>)
      %dma_wait3A = arith.constant 0 : i32
      %dma_wait3A_232 = tpu.memref_slice %arg5[%run_scoped3A_114, %add3A_113, %dma_wait3A] : memref<4x10240x128xf32, #tpu.memory_space<hbm>> -> memref<1x320x128xf32, #tpu.memory_space<hbm>>
      %dma_wait3A_233 = tpu.memref_squeeze %dma_wait3A_232 : memref<1x320x128xf32, #tpu.memory_space<hbm>> -> memref<320x128xf32, #tpu.memory_space<hbm>>
      %dma_wait3A_234 = arith.constant 0 : i32
      %dma_wait3A_235 = tpu.memref_slice %arg9[%mul3A_110, %dma_wait3A_234] : memref<5136x128xf32, #tpu.memory_space<vmem_shared>> -> memref<320x128xf32, #tpu.memory_space<vmem_shared>>
      tpu.wait_dma2 semaphore(%run_scoped3A_226 : memref<!tpu.dma_semaphore, #tpu.memory_space<semaphore_mem>>) src(%dma_wait3A_235 : memref<320x128xf32, #tpu.memory_space<vmem_shared>>) dst(%dma_wait3A_233 : memref<320x128xf32, #tpu.memory_space<hbm>>)
      tpu.yield
    }) : () -> ()
    %barrier3A_115 = arith.constant 0 : index
    tpu.barrier barrier_id(%barrier3A_115)
    %mul3A_116 = arith.constant 320 : i32
    %mul3A_117 = arith.muli %arg1, %mul3A_116 : i32
    %add3A_118 = arith.addi %mul3A_0, %mul3A_117 : i32
    %mul3A_119 = arith.constant 320 : i32
    %mul3A_120 = arith.muli %arg1, %mul3A_119 : i32
    %run_scoped3A_121 = arith.constant 2 : i32
    "tpu.region"() ({
      %run_scoped3A_226 = tpu.sem_alloc : memref<!tpu.dma_semaphore, #tpu.memory_space<semaphore_mem>>
      %dma_start3A_227 = arith.constant 0 : i32
      %dma_start3A_228 = tpu.memref_slice %arg9[%mul3A_120, %dma_start3A_227] : memref<5136x128xf32, #tpu.memory_space<vmem_shared>> -> memref<320x128xf32, #tpu.memory_space<vmem_shared>>
      %dma_start3A_229 = arith.constant 0 : i32
      %dma_start3A_230 = tpu.memref_slice %arg2[%run_scoped3A_121, %add3A_118, %dma_start3A_229] : memref<4x10240x128xf32, #tpu.memory_space<hbm>> -> memref<1x320x128xf32, #tpu.memory_space<hbm>>
      %dma_start3A_231 = tpu.memref_squeeze %dma_start3A_230 : memref<1x320x128xf32, #tpu.memory_space<hbm>> -> memref<320x128xf32, #tpu.memory_space<hbm>>
      tpu.enqueue_dma source(%dma_start3A_231 : memref<320x128xf32, #tpu.memory_space<hbm>>) target(%dma_start3A_228 : memref<320x128xf32, #tpu.memory_space<vmem_shared>>) target_semaphore(%run_scoped3A_226 : memref<!tpu.dma_semaphore, #tpu.memory_space<semaphore_mem>>)
      %dma_wait3A = arith.constant 0 : i32
      %dma_wait3A_232 = tpu.memref_slice %arg9[%mul3A_120, %dma_wait3A] : memref<5136x128xf32, #tpu.memory_space<vmem_shared>> -> memref<320x128xf32, #tpu.memory_space<vmem_shared>>
      %dma_wait3A_233 = arith.constant 0 : i32
      %dma_wait3A_234 = tpu.memref_slice %arg2[%run_scoped3A_121, %add3A_118, %dma_wait3A_233] : memref<4x10240x128xf32, #tpu.memory_space<hbm>> -> memref<1x320x128xf32, #tpu.memory_space<hbm>>
      %dma_wait3A_235 = tpu.memref_squeeze %dma_wait3A_234 : memref<1x320x128xf32, #tpu.memory_space<hbm>> -> memref<320x128xf32, #tpu.memory_space<hbm>>
      tpu.wait_dma2 semaphore(%run_scoped3A_226 : memref<!tpu.dma_semaphore, #tpu.memory_space<semaphore_mem>>) src(%dma_wait3A_235 : memref<320x128xf32, #tpu.memory_space<hbm>>) dst(%dma_wait3A_232 : memref<320x128xf32, #tpu.memory_space<vmem_shared>>)
      tpu.yield
    }) : () -> ()
    %barrier3A_122 = arith.constant 0 : index
    tpu.barrier barrier_id(%barrier3A_122)
    %dma_start3A_123 = arith.constant 2 : i32
    %dma_start3A_124 = arith.constant 0 : i32
    %dma_start3A_125 = arith.constant 0 : i32
    %dma_start3A_126 = arith.constant 0 : i32
    %dma_start3A_127 = arith.constant 0 : i32
    %dma_start3A_128 = tpu.memref_slice %arg8[%dma_start3A_125, %dma_start3A_126, %dma_start3A_127] : memref<4x128x128xf32, #tpu.memory_space<vmem>> -> memref<1x128x128xf32, #tpu.memory_space<vmem>>
    %dma_start3A_129 = tpu.memref_squeeze %dma_start3A_128 : memref<1x128x128xf32, #tpu.memory_space<vmem>> -> memref<128x128xf32, #tpu.memory_space<vmem>>
    %dma_start3A_130 = arith.constant 0 : i32
    %dma_start3A_131 = tpu.memref_slice %arg6[%dma_start3A_124, %dma_start3A_130] : memref<80x128xi32, #tpu.memory_space<vmem>> -> memref<1x128xi32, #tpu.memory_space<vmem>>
    %dma_start3A_132 = tpu.memref_squeeze %dma_start3A_131 : memref<1x128xi32, #tpu.memory_space<vmem>> -> memref<128xi32, #tpu.memory_space<vmem>>
    %dma_start3A_133 = arith.constant 0 : i32
    %dma_start3A_134 = arith.constant 0 : i32
    %dma_start3A_135 = tpu.memref_slice %arg2[%dma_start3A_123, %dma_start3A_133, %dma_start3A_134] : memref<4x10240x128xf32, #tpu.memory_space<hbm>> -> memref<1x10240x128xf32, #tpu.memory_space<hbm>>
    %dma_start3A_136 = tpu.memref_squeeze %dma_start3A_135 : memref<1x10240x128xf32, #tpu.memory_space<hbm>> -> memref<10240x128xf32, #tpu.memory_space<hbm>>
    %dma_start3A_137 = arith.constant 0 : i32
    %dma_start3A_138 = arith.constant 0 : i32
    %dma_start3A_139 = tpu.memref_slice %dma_start3A_136[%dma_start3A_137, %dma_start3A_138] : memref<10240x128xf32, #tpu.memory_space<hbm>> -> memref<10240x128xf32, #tpu.memory_space<hbm>>
    tpu.enqueue_indirect_dma source(%dma_start3A_139 : memref<10240x128xf32, #tpu.memory_space<hbm>>) target(%dma_start3A_129 : memref<128x128xf32, #tpu.memory_space<vmem>>) offsets(%dma_start3A_132 : memref<128xi32, #tpu.memory_space<vmem>>) semaphore(%arg10 : memref<!tpu.dma_semaphore, #tpu.memory_space<semaphore_mem>>)
    %dma_start3A_140 = arith.constant 2 : i32
    %dma_start3A_141 = arith.constant 1 : i32
    %dma_start3A_142 = arith.constant 1 : i32
    %dma_start3A_143 = arith.constant 0 : i32
    %dma_start3A_144 = arith.constant 0 : i32
    %dma_start3A_145 = tpu.memref_slice %arg8[%dma_start3A_142, %dma_start3A_143, %dma_start3A_144] : memref<4x128x128xf32, #tpu.memory_space<vmem>> -> memref<1x128x128xf32, #tpu.memory_space<vmem>>
    %dma_start3A_146 = tpu.memref_squeeze %dma_start3A_145 : memref<1x128x128xf32, #tpu.memory_space<vmem>> -> memref<128x128xf32, #tpu.memory_space<vmem>>
    %dma_start3A_147 = arith.constant 0 : i32
    %dma_start3A_148 = tpu.memref_slice %arg6[%dma_start3A_141, %dma_start3A_147] : memref<80x128xi32, #tpu.memory_space<vmem>> -> memref<1x128xi32, #tpu.memory_space<vmem>>
    %dma_start3A_149 = tpu.memref_squeeze %dma_start3A_148 : memref<1x128xi32, #tpu.memory_space<vmem>> -> memref<128xi32, #tpu.memory_space<vmem>>
    %dma_start3A_150 = arith.constant 0 : i32
    %dma_start3A_151 = arith.constant 0 : i32
    %dma_start3A_152 = tpu.memref_slice %arg2[%dma_start3A_140, %dma_start3A_150, %dma_start3A_151] : memref<4x10240x128xf32, #tpu.memory_space<hbm>> -> memref<1x10240x128xf32, #tpu.memory_space<hbm>>
    %dma_start3A_153 = tpu.memref_squeeze %dma_start3A_152 : memref<1x10240x128xf32, #tpu.memory_space<hbm>> -> memref<10240x128xf32, #tpu.memory_space<hbm>>
    %dma_start3A_154 = arith.constant 0 : i32
    %dma_start3A_155 = arith.constant 0 : i32
    %dma_start3A_156 = tpu.memref_slice %dma_start3A_153[%dma_start3A_154, %dma_start3A_155] : memref<10240x128xf32, #tpu.memory_space<hbm>> -> memref<10240x128xf32, #tpu.memory_space<hbm>>
    tpu.enqueue_indirect_dma source(%dma_start3A_156 : memref<10240x128xf32, #tpu.memory_space<hbm>>) target(%dma_start3A_146 : memref<128x128xf32, #tpu.memory_space<vmem>>) offsets(%dma_start3A_149 : memref<128xi32, #tpu.memory_space<vmem>>) semaphore(%arg10 : memref<!tpu.dma_semaphore, #tpu.memory_space<semaphore_mem>>)
    %scan3A_157 = arith.constant 0 : i32
    %scan3A_158 = arith.constant 0 : i32
    %scan3A_159 = arith.constant 20 : i32
    %scan3A_160 = arith.addi %scan3A_158, %scan3A_159 : i32
    %scan3A_161 = arith.constant 1 : i32
    scf.for %scan3A_226 = %scan3A_158 to %scan3A_160 step %scan3A_161  : i32 {
      %mul3A_227 = arith.constant 2 : i32
      %mul3A_228 = arith.muli %scan3A_226, %mul3A_227 : i32
      %mul3A_229 = arith.constant 2 : i32
      %mul3A_230 = arith.muli %mul3A_228, %mul3A_229 : i32
      %dma_wait3A = arith.constant 2 : i32
      %dma_wait3A_231 = arith.constant 0 : i32
      %dma_wait3A_232 = arith.constant 0 : i32
      %dma_wait3A_233 = arith.constant 0 : i32
      %dma_wait3A_234 = tpu.memref_slice %arg8[%dma_wait3A_231, %dma_wait3A_232, %dma_wait3A_233] : memref<4x128x128xf32, #tpu.memory_space<vmem>> -> memref<1x128x128xf32, #tpu.memory_space<vmem>>
      %dma_wait3A_235 = tpu.memref_squeeze %dma_wait3A_234 : memref<1x128x128xf32, #tpu.memory_space<vmem>> -> memref<128x128xf32, #tpu.memory_space<vmem>>
      %dma_wait3A_236 = arith.constant 0 : i32
      %dma_wait3A_237 = arith.constant 0 : i32
      %dma_wait3A_238 = tpu.memref_slice %arg2[%dma_wait3A, %dma_wait3A_236, %dma_wait3A_237] : memref<4x10240x128xf32, #tpu.memory_space<hbm>> -> memref<1x128x128xf32, #tpu.memory_space<hbm>>
      %dma_wait3A_239 = tpu.memref_squeeze %dma_wait3A_238 : memref<1x128x128xf32, #tpu.memory_space<hbm>> -> memref<128x128xf32, #tpu.memory_space<hbm>>
      %dma_wait3A_240 = arith.constant 0 : i32
      %dma_wait3A_241 = arith.constant 0 : i32
      %dma_wait3A_242 = tpu.memref_slice %arg8[%dma_wait3A_231, %dma_wait3A_240, %dma_wait3A_241] : memref<4x128x128xf32, #tpu.memory_space<vmem>> -> memref<1x128x128xf32, #tpu.memory_space<vmem>>
      %dma_wait3A_243 = tpu.memref_squeeze %dma_wait3A_242 : memref<1x128x128xf32, #tpu.memory_space<vmem>> -> memref<128x128xf32, #tpu.memory_space<vmem>>
      %dma_wait3A_244 = arith.constant 0 : i32
      %dma_wait3A_245 = arith.constant 0 : i32
      %dma_wait3A_246 = tpu.memref_slice %arg2[%dma_wait3A, %dma_wait3A_244, %dma_wait3A_245] : memref<4x10240x128xf32, #tpu.memory_space<hbm>> -> memref<1x128x128xf32, #tpu.memory_space<hbm>>
      %dma_wait3A_247 = tpu.memref_squeeze %dma_wait3A_246 : memref<1x128x128xf32, #tpu.memory_space<hbm>> -> memref<128x128xf32, #tpu.memory_space<hbm>>
      tpu.wait_dma2 semaphore(%arg10 : memref<!tpu.dma_semaphore, #tpu.memory_space<semaphore_mem>>) src(%dma_wait3A_247 : memref<128x128xf32, #tpu.memory_space<hbm>>) dst(%dma_wait3A_243 : memref<128x128xf32, #tpu.memory_space<vmem>>)
      %dma_wait3A_248 = arith.constant 2 : i32
      %dma_wait3A_249 = arith.constant 1 : i32
      %dma_wait3A_250 = arith.constant 0 : i32
      %dma_wait3A_251 = arith.constant 0 : i32
      %dma_wait3A_252 = tpu.memref_slice %arg8[%dma_wait3A_249, %dma_wait3A_250, %dma_wait3A_251] : memref<4x128x128xf32, #tpu.memory_space<vmem>> -> memref<1x128x128xf32, #tpu.memory_space<vmem>>
      %dma_wait3A_253 = tpu.memref_squeeze %dma_wait3A_252 : memref<1x128x128xf32, #tpu.memory_space<vmem>> -> memref<128x128xf32, #tpu.memory_space<vmem>>
      %dma_wait3A_254 = arith.constant 0 : i32
      %dma_wait3A_255 = arith.constant 0 : i32
      %dma_wait3A_256 = tpu.memref_slice %arg2[%dma_wait3A_248, %dma_wait3A_254, %dma_wait3A_255] : memref<4x10240x128xf32, #tpu.memory_space<hbm>> -> memref<1x128x128xf32, #tpu.memory_space<hbm>>
      %dma_wait3A_257 = tpu.memref_squeeze %dma_wait3A_256 : memref<1x128x128xf32, #tpu.memory_space<hbm>> -> memref<128x128xf32, #tpu.memory_space<hbm>>
      %dma_wait3A_258 = arith.constant 0 : i32
      %dma_wait3A_259 = arith.constant 0 : i32
      %dma_wait3A_260 = tpu.memref_slice %arg8[%dma_wait3A_249, %dma_wait3A_258, %dma_wait3A_259] : memref<4x128x128xf32, #tpu.memory_space<vmem>> -> memref<1x128x128xf32, #tpu.memory_space<vmem>>
      %dma_wait3A_261 = tpu.memref_squeeze %dma_wait3A_260 : memref<1x128x128xf32, #tpu.memory_space<vmem>> -> memref<128x128xf32, #tpu.memory_space<vmem>>
      %dma_wait3A_262 = arith.constant 0 : i32
      %dma_wait3A_263 = arith.constant 0 : i32
      %dma_wait3A_264 = tpu.memref_slice %arg2[%dma_wait3A_248, %dma_wait3A_262, %dma_wait3A_263] : memref<4x10240x128xf32, #tpu.memory_space<hbm>> -> memref<1x128x128xf32, #tpu.memory_space<hbm>>
      %dma_wait3A_265 = tpu.memref_squeeze %dma_wait3A_264 : memref<1x128x128xf32, #tpu.memory_space<hbm>> -> memref<128x128xf32, #tpu.memory_space<hbm>>
      tpu.wait_dma2 semaphore(%arg10 : memref<!tpu.dma_semaphore, #tpu.memory_space<semaphore_mem>>) src(%dma_wait3A_265 : memref<128x128xf32, #tpu.memory_space<hbm>>) dst(%dma_wait3A_261 : memref<128x128xf32, #tpu.memory_space<vmem>>)
      %add3A_266 = arith.constant 2 : i32
      %add3A_267 = arith.addi %mul3A_230, %add3A_266 : i32
      %add3A_268 = arith.constant 0 : i32
      %add3A_269 = arith.addi %add3A_267, %add3A_268 : i32
      %dma_start3A_270 = arith.constant 2 : i32
      %dma_start3A_271 = arith.constant 2 : i32
      %dma_start3A_272 = arith.constant 0 : i32
      %dma_start3A_273 = arith.constant 0 : i32
      %dma_start3A_274 = tpu.memref_slice %arg8[%dma_start3A_271, %dma_start3A_272, %dma_start3A_273] : memref<4x128x128xf32, #tpu.memory_space<vmem>> -> memref<1x128x128xf32, #tpu.memory_space<vmem>>
      %dma_start3A_275 = tpu.memref_squeeze %dma_start3A_274 : memref<1x128x128xf32, #tpu.memory_space<vmem>> -> memref<128x128xf32, #tpu.memory_space<vmem>>
      %dma_start3A_276 = arith.constant 0 : i32
      %dma_start3A_277 = tpu.memref_slice %arg6[%add3A_269, %dma_start3A_276] : memref<80x128xi32, #tpu.memory_space<vmem>> -> memref<1x128xi32, #tpu.memory_space<vmem>>
      %dma_start3A_278 = tpu.memref_squeeze %dma_start3A_277 : memref<1x128xi32, #tpu.memory_space<vmem>> -> memref<128xi32, #tpu.memory_space<vmem>>
      %dma_start3A_279 = arith.constant 0 : i32
      %dma_start3A_280 = arith.constant 0 : i32
      %dma_start3A_281 = tpu.memref_slice %arg2[%dma_start3A_270, %dma_start3A_279, %dma_start3A_280] : memref<4x10240x128xf32, #tpu.memory_space<hbm>> -> memref<1x10240x128xf32, #tpu.memory_space<hbm>>
      %dma_start3A_282 = tpu.memref_squeeze %dma_start3A_281 : memref<1x10240x128xf32, #tpu.memory_space<hbm>> -> memref<10240x128xf32, #tpu.memory_space<hbm>>
      %dma_start3A_283 = arith.constant 0 : i32
      %dma_start3A_284 = arith.constant 0 : i32
      %dma_start3A_285 = tpu.memref_slice %dma_start3A_282[%dma_start3A_283, %dma_start3A_284] : memref<10240x128xf32, #tpu.memory_space<hbm>> -> memref<10240x128xf32, #tpu.memory_space<hbm>>
      tpu.enqueue_indirect_dma source(%dma_start3A_285 : memref<10240x128xf32, #tpu.memory_space<hbm>>) target(%dma_start3A_275 : memref<128x128xf32, #tpu.memory_space<vmem>>) offsets(%dma_start3A_278 : memref<128xi32, #tpu.memory_space<vmem>>) semaphore(%arg10 : memref<!tpu.dma_semaphore, #tpu.memory_space<semaphore_mem>>)
      %add3A_286 = arith.constant 1 : i32
      %add3A_287 = arith.addi %add3A_267, %add3A_286 : i32
      %dma_start3A_288 = arith.constant 2 : i32
      %dma_start3A_289 = arith.constant 3 : i32
      %dma_start3A_290 = arith.constant 0 : i32
      %dma_start3A_291 = arith.constant 0 : i32
      %dma_start3A_292 = tpu.memref_slice %arg8[%dma_start3A_289, %dma_start3A_290, %dma_start3A_291] : memref<4x128x128xf32, #tpu.memory_space<vmem>> -> memref<1x128x128xf32, #tpu.memory_space<vmem>>
      %dma_start3A_293 = tpu.memref_squeeze %dma_start3A_292 : memref<1x128x128xf32, #tpu.memory_space<vmem>> -> memref<128x128xf32, #tpu.memory_space<vmem>>
      %dma_start3A_294 = arith.constant 0 : i32
      %dma_start3A_295 = tpu.memref_slice %arg6[%add3A_287, %dma_start3A_294] : memref<80x128xi32, #tpu.memory_space<vmem>> -> memref<1x128xi32, #tpu.memory_space<vmem>>
      %dma_start3A_296 = tpu.memref_squeeze %dma_start3A_295 : memref<1x128xi32, #tpu.memory_space<vmem>> -> memref<128xi32, #tpu.memory_space<vmem>>
      %dma_start3A_297 = arith.constant 0 : i32
      %dma_start3A_298 = arith.constant 0 : i32
      %dma_start3A_299 = tpu.memref_slice %arg2[%dma_start3A_288, %dma_start3A_297, %dma_start3A_298] : memref<4x10240x128xf32, #tpu.memory_space<hbm>> -> memref<1x10240x128xf32, #tpu.memory_space<hbm>>
      %dma_start3A_300 = tpu.memref_squeeze %dma_start3A_299 : memref<1x10240x128xf32, #tpu.memory_space<hbm>> -> memref<10240x128xf32, #tpu.memory_space<hbm>>
      %dma_start3A_301 = arith.constant 0 : i32
      %dma_start3A_302 = arith.constant 0 : i32
      %dma_start3A_303 = tpu.memref_slice %dma_start3A_300[%dma_start3A_301, %dma_start3A_302] : memref<10240x128xf32, #tpu.memory_space<hbm>> -> memref<10240x128xf32, #tpu.memory_space<hbm>>
      tpu.enqueue_indirect_dma source(%dma_start3A_303 : memref<10240x128xf32, #tpu.memory_space<hbm>>) target(%dma_start3A_293 : memref<128x128xf32, #tpu.memory_space<vmem>>) offsets(%dma_start3A_296 : memref<128xi32, #tpu.memory_space<vmem>>) semaphore(%arg10 : memref<!tpu.dma_semaphore, #tpu.memory_space<semaphore_mem>>)
      %add3A_304 = arith.constant 0 : i32
      %add3A_305 = arith.addi %mul3A_230, %add3A_304 : i32
      %dma_start3A_306 = arith.constant 0 : i32
      %dma_start3A_307 = arith.constant 0 : i32
      %dma_start3A_308 = arith.constant 0 : i32
      %dma_start3A_309 = tpu.memref_slice %arg8[%dma_start3A_306, %dma_start3A_307, %dma_start3A_308] : memref<4x128x128xf32, #tpu.memory_space<vmem>> -> memref<1x128x128xf32, #tpu.memory_space<vmem>>
      %dma_start3A_310 = tpu.memref_squeeze %dma_start3A_309 : memref<1x128x128xf32, #tpu.memory_space<vmem>> -> memref<128x128xf32, #tpu.memory_space<vmem>>
      %dma_start3A_311 = arith.constant 0 : i32
      %dma_start3A_312 = tpu.memref_slice %arg7[%add3A_305, %dma_start3A_311] : memref<80x128xi32, #tpu.memory_space<vmem>> -> memref<1x128xi32, #tpu.memory_space<vmem>>
      %dma_start3A_313 = tpu.memref_squeeze %dma_start3A_312 : memref<1x128xi32, #tpu.memory_space<vmem>> -> memref<128xi32, #tpu.memory_space<vmem>>
      %dma_start3A_314 = arith.constant 0 : i32
      %dma_start3A_315 = arith.constant 0 : i32
      %dma_start3A_316 = tpu.memref_slice %arg9[%dma_start3A_314, %dma_start3A_315] : memref<5136x128xf32, #tpu.memory_space<vmem_shared>> -> memref<5136x128xf32, #tpu.memory_space<vmem_shared>>
      tpu.enqueue_indirect_dma source(%dma_start3A_310 : memref<128x128xf32, #tpu.memory_space<vmem>>) target(%dma_start3A_316 : memref<5136x128xf32, #tpu.memory_space<vmem_shared>>) offsets(%dma_start3A_313 : memref<128xi32, #tpu.memory_space<vmem>>) semaphore(%arg11 : memref<!tpu.dma_semaphore, #tpu.memory_space<semaphore_mem>>) {add = true}
      %add3A_317 = arith.constant 1 : i32
      %add3A_318 = arith.addi %mul3A_230, %add3A_317 : i32
      %dma_start3A_319 = arith.constant 1 : i32
      %dma_start3A_320 = arith.constant 0 : i32
      %dma_start3A_321 = arith.constant 0 : i32
      %dma_start3A_322 = tpu.memref_slice %arg8[%dma_start3A_319, %dma_start3A_320, %dma_start3A_321] : memref<4x128x128xf32, #tpu.memory_space<vmem>> -> memref<1x128x128xf32, #tpu.memory_space<vmem>>
      %dma_start3A_323 = tpu.memref_squeeze %dma_start3A_322 : memref<1x128x128xf32, #tpu.memory_space<vmem>> -> memref<128x128xf32, #tpu.memory_space<vmem>>
      %dma_start3A_324 = arith.constant 0 : i32
      %dma_start3A_325 = tpu.memref_slice %arg7[%add3A_318, %dma_start3A_324] : memref<80x128xi32, #tpu.memory_space<vmem>> -> memref<1x128xi32, #tpu.memory_space<vmem>>
      %dma_start3A_326 = tpu.memref_squeeze %dma_start3A_325 : memref<1x128xi32, #tpu.memory_space<vmem>> -> memref<128xi32, #tpu.memory_space<vmem>>
      %dma_start3A_327 = arith.constant 0 : i32
      %dma_start3A_328 = arith.constant 0 : i32
      %dma_start3A_329 = tpu.memref_slice %arg9[%dma_start3A_327, %dma_start3A_328] : memref<5136x128xf32, #tpu.memory_space<vmem_shared>> -> memref<5136x128xf32, #tpu.memory_space<vmem_shared>>
      tpu.enqueue_indirect_dma source(%dma_start3A_323 : memref<128x128xf32, #tpu.memory_space<vmem>>) target(%dma_start3A_329 : memref<5136x128xf32, #tpu.memory_space<vmem_shared>>) offsets(%dma_start3A_326 : memref<128xi32, #tpu.memory_space<vmem>>) semaphore(%arg11 : memref<!tpu.dma_semaphore, #tpu.memory_space<semaphore_mem>>) {add = true}
      %dma_wait3A_330 = arith.constant 2 : i32
      %dma_wait3A_331 = arith.constant 0 : i32
      %dma_wait3A_332 = arith.constant 0 : i32
      %dma_wait3A_333 = arith.constant 0 : i32
      %dma_wait3A_334 = tpu.memref_slice %arg8[%dma_wait3A_331, %dma_wait3A_332, %dma_wait3A_333] : memref<4x128x128xf32, #tpu.memory_space<vmem>> -> memref<1x128x128xf32, #tpu.memory_space<vmem>>
      %dma_wait3A_335 = tpu.memref_squeeze %dma_wait3A_334 : memref<1x128x128xf32, #tpu.memory_space<vmem>> -> memref<128x128xf32, #tpu.memory_space<vmem>>
      %dma_wait3A_336 = arith.constant 0 : i32
      %dma_wait3A_337 = arith.constant 0 : i32
      %dma_wait3A_338 = tpu.memref_slice %arg2[%dma_wait3A_330, %dma_wait3A_336, %dma_wait3A_337] : memref<4x10240x128xf32, #tpu.memory_space<hbm>> -> memref<1x128x128xf32, #tpu.memory_space<hbm>>
      %dma_wait3A_339 = tpu.memref_squeeze %dma_wait3A_338 : memref<1x128x128xf32, #tpu.memory_space<hbm>> -> memref<128x128xf32, #tpu.memory_space<hbm>>
      %dma_wait3A_340 = arith.constant 0 : i32
      %dma_wait3A_341 = arith.constant 0 : i32
      %dma_wait3A_342 = tpu.memref_slice %arg8[%dma_wait3A_331, %dma_wait3A_340, %dma_wait3A_341] : memref<4x128x128xf32, #tpu.memory_space<vmem>> -> memref<1x128x128xf32, #tpu.memory_space<vmem>>
      %dma_wait3A_343 = tpu.memref_squeeze %dma_wait3A_342 : memref<1x128x128xf32, #tpu.memory_space<vmem>> -> memref<128x128xf32, #tpu.memory_space<vmem>>
      %dma_wait3A_344 = arith.constant 0 : i32
      %dma_wait3A_345 = arith.constant 0 : i32
      %dma_wait3A_346 = tpu.memref_slice %arg2[%dma_wait3A_330, %dma_wait3A_344, %dma_wait3A_345] : memref<4x10240x128xf32, #tpu.memory_space<hbm>> -> memref<1x128x128xf32, #tpu.memory_space<hbm>>
      %dma_wait3A_347 = tpu.memref_squeeze %dma_wait3A_346 : memref<1x128x128xf32, #tpu.memory_space<hbm>> -> memref<128x128xf32, #tpu.memory_space<hbm>>
      tpu.wait_dma2 semaphore(%arg11 : memref<!tpu.dma_semaphore, #tpu.memory_space<semaphore_mem>>) src(%dma_wait3A_347 : memref<128x128xf32, #tpu.memory_space<hbm>>) dst(%dma_wait3A_343 : memref<128x128xf32, #tpu.memory_space<vmem>>)
      %dma_wait3A_348 = arith.constant 2 : i32
      %dma_wait3A_349 = arith.constant 1 : i32
      %dma_wait3A_350 = arith.constant 0 : i32
      %dma_wait3A_351 = arith.constant 0 : i32
      %dma_wait3A_352 = tpu.memref_slice %arg8[%dma_wait3A_349, %dma_wait3A_350, %dma_wait3A_351] : memref<4x128x128xf32, #tpu.memory_space<vmem>> -> memref<1x128x128xf32, #tpu.memory_space<vmem>>
      %dma_wait3A_353 = tpu.memref_squeeze %dma_wait3A_352 : memref<1x128x128xf32, #tpu.memory_space<vmem>> -> memref<128x128xf32, #tpu.memory_space<vmem>>
      %dma_wait3A_354 = arith.constant 0 : i32
      %dma_wait3A_355 = arith.constant 0 : i32
      %dma_wait3A_356 = tpu.memref_slice %arg2[%dma_wait3A_348, %dma_wait3A_354, %dma_wait3A_355] : memref<4x10240x128xf32, #tpu.memory_space<hbm>> -> memref<1x128x128xf32, #tpu.memory_space<hbm>>
      %dma_wait3A_357 = tpu.memref_squeeze %dma_wait3A_356 : memref<1x128x128xf32, #tpu.memory_space<hbm>> -> memref<128x128xf32, #tpu.memory_space<hbm>>
      %dma_wait3A_358 = arith.constant 0 : i32
      %dma_wait3A_359 = arith.constant 0 : i32
      %dma_wait3A_360 = tpu.memref_slice %arg8[%dma_wait3A_349, %dma_wait3A_358, %dma_wait3A_359] : memref<4x128x128xf32, #tpu.memory_space<vmem>> -> memref<1x128x128xf32, #tpu.memory_space<vmem>>
      %dma_wait3A_361 = tpu.memref_squeeze %dma_wait3A_360 : memref<1x128x128xf32, #tpu.memory_space<vmem>> -> memref<128x128xf32, #tpu.memory_space<vmem>>
      %dma_wait3A_362 = arith.constant 0 : i32
      %dma_wait3A_363 = arith.constant 0 : i32
      %dma_wait3A_364 = tpu.memref_slice %arg2[%dma_wait3A_348, %dma_wait3A_362, %dma_wait3A_363] : memref<4x10240x128xf32, #tpu.memory_space<hbm>> -> memref<1x128x128xf32, #tpu.memory_space<hbm>>
      %dma_wait3A_365 = tpu.memref_squeeze %dma_wait3A_364 : memref<1x128x128xf32, #tpu.memory_space<hbm>> -> memref<128x128xf32, #tpu.memory_space<hbm>>
      tpu.wait_dma2 semaphore(%arg11 : memref<!tpu.dma_semaphore, #tpu.memory_space<semaphore_mem>>) src(%dma_wait3A_365 : memref<128x128xf32, #tpu.memory_space<hbm>>) dst(%dma_wait3A_361 : memref<128x128xf32, #tpu.memory_space<vmem>>)
      %dma_wait3A_366 = arith.constant 2 : i32
      %dma_wait3A_367 = arith.constant 0 : i32
      %dma_wait3A_368 = arith.constant 0 : i32
      %dma_wait3A_369 = arith.constant 0 : i32
      %dma_wait3A_370 = tpu.memref_slice %arg8[%dma_wait3A_367, %dma_wait3A_368, %dma_wait3A_369] : memref<4x128x128xf32, #tpu.memory_space<vmem>> -> memref<1x128x128xf32, #tpu.memory_space<vmem>>
      %dma_wait3A_371 = tpu.memref_squeeze %dma_wait3A_370 : memref<1x128x128xf32, #tpu.memory_space<vmem>> -> memref<128x128xf32, #tpu.memory_space<vmem>>
      %dma_wait3A_372 = arith.constant 0 : i32
      %dma_wait3A_373 = arith.constant 0 : i32
      %dma_wait3A_374 = tpu.memref_slice %arg2[%dma_wait3A_366, %dma_wait3A_372, %dma_wait3A_373] : memref<4x10240x128xf32, #tpu.memory_space<hbm>> -> memref<1x128x128xf32, #tpu.memory_space<hbm>>
      %dma_wait3A_375 = tpu.memref_squeeze %dma_wait3A_374 : memref<1x128x128xf32, #tpu.memory_space<hbm>> -> memref<128x128xf32, #tpu.memory_space<hbm>>
      %dma_wait3A_376 = arith.constant 0 : i32
      %dma_wait3A_377 = arith.constant 0 : i32
      %dma_wait3A_378 = tpu.memref_slice %arg8[%dma_wait3A_367, %dma_wait3A_376, %dma_wait3A_377] : memref<4x128x128xf32, #tpu.memory_space<vmem>> -> memref<1x128x128xf32, #tpu.memory_space<vmem>>
      %dma_wait3A_379 = tpu.memref_squeeze %dma_wait3A_378 : memref<1x128x128xf32, #tpu.memory_space<vmem>> -> memref<128x128xf32, #tpu.memory_space<vmem>>
      %dma_wait3A_380 = arith.constant 0 : i32
      %dma_wait3A_381 = arith.constant 0 : i32
      %dma_wait3A_382 = tpu.memref_slice %arg2[%dma_wait3A_366, %dma_wait3A_380, %dma_wait3A_381] : memref<4x10240x128xf32, #tpu.memory_space<hbm>> -> memref<1x128x128xf32, #tpu.memory_space<hbm>>
      %dma_wait3A_383 = tpu.memref_squeeze %dma_wait3A_382 : memref<1x128x128xf32, #tpu.memory_space<hbm>> -> memref<128x128xf32, #tpu.memory_space<hbm>>
      tpu.wait_dma2 semaphore(%arg10 : memref<!tpu.dma_semaphore, #tpu.memory_space<semaphore_mem>>) src(%dma_wait3A_383 : memref<128x128xf32, #tpu.memory_space<hbm>>) dst(%dma_wait3A_379 : memref<128x128xf32, #tpu.memory_space<vmem>>)
      %dma_wait3A_384 = arith.constant 2 : i32
      %dma_wait3A_385 = arith.constant 1 : i32
      %dma_wait3A_386 = arith.constant 0 : i32
      %dma_wait3A_387 = arith.constant 0 : i32
      %dma_wait3A_388 = tpu.memref_slice %arg8[%dma_wait3A_385, %dma_wait3A_386, %dma_wait3A_387] : memref<4x128x128xf32, #tpu.memory_space<vmem>> -> memref<1x128x128xf32, #tpu.memory_space<vmem>>
      %dma_wait3A_389 = tpu.memref_squeeze %dma_wait3A_388 : memref<1x128x128xf32, #tpu.memory_space<vmem>> -> memref<128x128xf32, #tpu.memory_space<vmem>>
      %dma_wait3A_390 = arith.constant 0 : i32
      %dma_wait3A_391 = arith.constant 0 : i32
      %dma_wait3A_392 = tpu.memref_slice %arg2[%dma_wait3A_384, %dma_wait3A_390, %dma_wait3A_391] : memref<4x10240x128xf32, #tpu.memory_space<hbm>> -> memref<1x128x128xf32, #tpu.memory_space<hbm>>
      %dma_wait3A_393 = tpu.memref_squeeze %dma_wait3A_392 : memref<1x128x128xf32, #tpu.memory_space<hbm>> -> memref<128x128xf32, #tpu.memory_space<hbm>>
      %dma_wait3A_394 = arith.constant 0 : i32
      %dma_wait3A_395 = arith.constant 0 : i32
      %dma_wait3A_396 = tpu.memref_slice %arg8[%dma_wait3A_385, %dma_wait3A_394, %dma_wait3A_395] : memref<4x128x128xf32, #tpu.memory_space<vmem>> -> memref<1x128x128xf32, #tpu.memory_space<vmem>>
      %dma_wait3A_397 = tpu.memref_squeeze %dma_wait3A_396 : memref<1x128x128xf32, #tpu.memory_space<vmem>> -> memref<128x128xf32, #tpu.memory_space<vmem>>
      %dma_wait3A_398 = arith.constant 0 : i32
      %dma_wait3A_399 = arith.constant 0 : i32
      %dma_wait3A_400 = tpu.memref_slice %arg2[%dma_wait3A_384, %dma_wait3A_398, %dma_wait3A_399] : memref<4x10240x128xf32, #tpu.memory_space<hbm>> -> memref<1x128x128xf32, #tpu.memory_space<hbm>>
      %dma_wait3A_401 = tpu.memref_squeeze %dma_wait3A_400 : memref<1x128x128xf32, #tpu.memory_space<hbm>> -> memref<128x128xf32, #tpu.memory_space<hbm>>
      tpu.wait_dma2 semaphore(%arg10 : memref<!tpu.dma_semaphore, #tpu.memory_space<semaphore_mem>>) src(%dma_wait3A_401 : memref<128x128xf32, #tpu.memory_space<hbm>>) dst(%dma_wait3A_397 : memref<128x128xf32, #tpu.memory_space<vmem>>)
      %lt3A = arith.constant 19 : i32
      %lt3A_402 = arith.cmpi slt, %scan3A_226, %lt3A : i32
      %convert_element_type3A = arith.extui %lt3A_402 : i1 to i32
      %cond3A = arith.constant 0 : i32
      %cond3A_403 = arith.cmpi ne, %convert_element_type3A, %cond3A : i32
      scf.if %cond3A_403 {
        %add3A_468 = arith.constant 4 : i32
        %add3A_469 = arith.addi %mul3A_230, %add3A_468 : i32
        %add3A_470 = arith.constant 0 : i32
        %add3A_471 = arith.addi %add3A_469, %add3A_470 : i32
        %dma_start3A_472 = arith.constant 2 : i32
        %dma_start3A_473 = arith.constant 0 : i32
        %dma_start3A_474 = arith.constant 0 : i32
        %dma_start3A_475 = arith.constant 0 : i32
        %dma_start3A_476 = tpu.memref_slice %arg8[%dma_start3A_473, %dma_start3A_474, %dma_start3A_475] : memref<4x128x128xf32, #tpu.memory_space<vmem>> -> memref<1x128x128xf32, #tpu.memory_space<vmem>>
        %dma_start3A_477 = tpu.memref_squeeze %dma_start3A_476 : memref<1x128x128xf32, #tpu.memory_space<vmem>> -> memref<128x128xf32, #tpu.memory_space<vmem>>
        %dma_start3A_478 = arith.constant 0 : i32
        %dma_start3A_479 = tpu.memref_slice %arg6[%add3A_471, %dma_start3A_478] : memref<80x128xi32, #tpu.memory_space<vmem>> -> memref<1x128xi32, #tpu.memory_space<vmem>>
        %dma_start3A_480 = tpu.memref_squeeze %dma_start3A_479 : memref<1x128xi32, #tpu.memory_space<vmem>> -> memref<128xi32, #tpu.memory_space<vmem>>
        %dma_start3A_481 = arith.constant 0 : i32
        %dma_start3A_482 = arith.constant 0 : i32
        %dma_start3A_483 = tpu.memref_slice %arg2[%dma_start3A_472, %dma_start3A_481, %dma_start3A_482] : memref<4x10240x128xf32, #tpu.memory_space<hbm>> -> memref<1x10240x128xf32, #tpu.memory_space<hbm>>
        %dma_start3A_484 = tpu.memref_squeeze %dma_start3A_483 : memref<1x10240x128xf32, #tpu.memory_space<hbm>> -> memref<10240x128xf32, #tpu.memory_space<hbm>>
        %dma_start3A_485 = arith.constant 0 : i32
        %dma_start3A_486 = arith.constant 0 : i32
        %dma_start3A_487 = tpu.memref_slice %dma_start3A_484[%dma_start3A_485, %dma_start3A_486] : memref<10240x128xf32, #tpu.memory_space<hbm>> -> memref<10240x128xf32, #tpu.memory_space<hbm>>
        tpu.enqueue_indirect_dma source(%dma_start3A_487 : memref<10240x128xf32, #tpu.memory_space<hbm>>) target(%dma_start3A_477 : memref<128x128xf32, #tpu.memory_space<vmem>>) offsets(%dma_start3A_480 : memref<128xi32, #tpu.memory_space<vmem>>) semaphore(%arg10 : memref<!tpu.dma_semaphore, #tpu.memory_space<semaphore_mem>>)
        %add3A_488 = arith.constant 1 : i32
        %add3A_489 = arith.addi %add3A_469, %add3A_488 : i32
        %dma_start3A_490 = arith.constant 2 : i32
        %dma_start3A_491 = arith.constant 1 : i32
        %dma_start3A_492 = arith.constant 0 : i32
        %dma_start3A_493 = arith.constant 0 : i32
        %dma_start3A_494 = tpu.memref_slice %arg8[%dma_start3A_491, %dma_start3A_492, %dma_start3A_493] : memref<4x128x128xf32, #tpu.memory_space<vmem>> -> memref<1x128x128xf32, #tpu.memory_space<vmem>>
        %dma_start3A_495 = tpu.memref_squeeze %dma_start3A_494 : memref<1x128x128xf32, #tpu.memory_space<vmem>> -> memref<128x128xf32, #tpu.memory_space<vmem>>
        %dma_start3A_496 = arith.constant 0 : i32
        %dma_start3A_497 = tpu.memref_slice %arg6[%add3A_489, %dma_start3A_496] : memref<80x128xi32, #tpu.memory_space<vmem>> -> memref<1x128xi32, #tpu.memory_space<vmem>>
        %dma_start3A_498 = tpu.memref_squeeze %dma_start3A_497 : memref<1x128xi32, #tpu.memory_space<vmem>> -> memref<128xi32, #tpu.memory_space<vmem>>
        %dma_start3A_499 = arith.constant 0 : i32
        %dma_start3A_500 = arith.constant 0 : i32
        %dma_start3A_501 = tpu.memref_slice %arg2[%dma_start3A_490, %dma_start3A_499, %dma_start3A_500] : memref<4x10240x128xf32, #tpu.memory_space<hbm>> -> memref<1x10240x128xf32, #tpu.memory_space<hbm>>
        %dma_start3A_502 = tpu.memref_squeeze %dma_start3A_501 : memref<1x10240x128xf32, #tpu.memory_space<hbm>> -> memref<10240x128xf32, #tpu.memory_space<hbm>>
        %dma_start3A_503 = arith.constant 0 : i32
        %dma_start3A_504 = arith.constant 0 : i32
        %dma_start3A_505 = tpu.memref_slice %dma_start3A_502[%dma_start3A_503, %dma_start3A_504] : memref<10240x128xf32, #tpu.memory_space<hbm>> -> memref<10240x128xf32, #tpu.memory_space<hbm>>
        tpu.enqueue_indirect_dma source(%dma_start3A_505 : memref<10240x128xf32, #tpu.memory_space<hbm>>) target(%dma_start3A_495 : memref<128x128xf32, #tpu.memory_space<vmem>>) offsets(%dma_start3A_498 : memref<128xi32, #tpu.memory_space<vmem>>) semaphore(%arg10 : memref<!tpu.dma_semaphore, #tpu.memory_space<semaphore_mem>>)
      } else {
      }
      %add3A_404 = arith.constant 2 : i32
      %add3A_405 = arith.addi %mul3A_230, %add3A_404 : i32
      %add3A_406 = arith.constant 0 : i32
      %add3A_407 = arith.addi %add3A_405, %add3A_406 : i32
      %dma_start3A_408 = arith.constant 2 : i32
      %dma_start3A_409 = arith.constant 0 : i32
      %dma_start3A_410 = arith.constant 0 : i32
      %dma_start3A_411 = tpu.memref_slice %arg8[%dma_start3A_408, %dma_start3A_409, %dma_start3A_410] : memref<4x128x128xf32, #tpu.memory_space<vmem>> -> memref<1x128x128xf32, #tpu.memory_space<vmem>>
      %dma_start3A_412 = tpu.memref_squeeze %dma_start3A_411 : memref<1x128x128xf32, #tpu.memory_space<vmem>> -> memref<128x128xf32, #tpu.memory_space<vmem>>
      %dma_start3A_413 = arith.constant 0 : i32
      %dma_start3A_414 = tpu.memref_slice %arg7[%add3A_407, %dma_start3A_413] : memref<80x128xi32, #tpu.memory_space<vmem>> -> memref<1x128xi32, #tpu.memory_space<vmem>>
      %dma_start3A_415 = tpu.memref_squeeze %dma_start3A_414 : memref<1x128xi32, #tpu.memory_space<vmem>> -> memref<128xi32, #tpu.memory_space<vmem>>
      %dma_start3A_416 = arith.constant 0 : i32
      %dma_start3A_417 = arith.constant 0 : i32
      %dma_start3A_418 = tpu.memref_slice %arg9[%dma_start3A_416, %dma_start3A_417] : memref<5136x128xf32, #tpu.memory_space<vmem_shared>> -> memref<5136x128xf32, #tpu.memory_space<vmem_shared>>
      tpu.enqueue_indirect_dma source(%dma_start3A_412 : memref<128x128xf32, #tpu.memory_space<vmem>>) target(%dma_start3A_418 : memref<5136x128xf32, #tpu.memory_space<vmem_shared>>) offsets(%dma_start3A_415 : memref<128xi32, #tpu.memory_space<vmem>>) semaphore(%arg11 : memref<!tpu.dma_semaphore, #tpu.memory_space<semaphore_mem>>) {add = true}
      %add3A_419 = arith.constant 1 : i32
      %add3A_420 = arith.addi %add3A_405, %add3A_419 : i32
      %dma_start3A_421 = arith.constant 3 : i32
      %dma_start3A_422 = arith.constant 0 : i32
      %dma_start3A_423 = arith.constant 0 : i32
      %dma_start3A_424 = tpu.memref_slice %arg8[%dma_start3A_421, %dma_start3A_422, %dma_start3A_423] : memref<4x128x128xf32, #tpu.memory_space<vmem>> -> memref<1x128x128xf32, #tpu.memory_space<vmem>>
      %dma_start3A_425 = tpu.memref_squeeze %dma_start3A_424 : memref<1x128x128xf32, #tpu.memory_space<vmem>> -> memref<128x128xf32, #tpu.memory_space<vmem>>
      %dma_start3A_426 = arith.constant 0 : i32
      %dma_start3A_427 = tpu.memref_slice %arg7[%add3A_420, %dma_start3A_426] : memref<80x128xi32, #tpu.memory_space<vmem>> -> memref<1x128xi32, #tpu.memory_space<vmem>>
      %dma_start3A_428 = tpu.memref_squeeze %dma_start3A_427 : memref<1x128xi32, #tpu.memory_space<vmem>> -> memref<128xi32, #tpu.memory_space<vmem>>
      %dma_start3A_429 = arith.constant 0 : i32
      %dma_start3A_430 = arith.constant 0 : i32
      %dma_start3A_431 = tpu.memref_slice %arg9[%dma_start3A_429, %dma_start3A_430] : memref<5136x128xf32, #tpu.memory_space<vmem_shared>> -> memref<5136x128xf32, #tpu.memory_space<vmem_shared>>
      tpu.enqueue_indirect_dma source(%dma_start3A_425 : memref<128x128xf32, #tpu.memory_space<vmem>>) target(%dma_start3A_431 : memref<5136x128xf32, #tpu.memory_space<vmem_shared>>) offsets(%dma_start3A_428 : memref<128xi32, #tpu.memory_space<vmem>>) semaphore(%arg11 : memref<!tpu.dma_semaphore, #tpu.memory_space<semaphore_mem>>) {add = true}
      %dma_wait3A_432 = arith.constant 2 : i32
      %dma_wait3A_433 = arith.constant 0 : i32
      %dma_wait3A_434 = arith.constant 0 : i32
      %dma_wait3A_435 = arith.constant 0 : i32
      %dma_wait3A_436 = tpu.memref_slice %arg8[%dma_wait3A_433, %dma_wait3A_434, %dma_wait3A_435] : memref<4x128x128xf32, #tpu.memory_space<vmem>> -> memref<1x128x128xf32, #tpu.memory_space<vmem>>
      %dma_wait3A_437 = tpu.memref_squeeze %dma_wait3A_436 : memref<1x128x128xf32, #tpu.memory_space<vmem>> -> memref<128x128xf32, #tpu.memory_space<vmem>>
      %dma_wait3A_438 = arith.constant 0 : i32
      %dma_wait3A_439 = arith.constant 0 : i32
      %dma_wait3A_440 = tpu.memref_slice %arg2[%dma_wait3A_432, %dma_wait3A_438, %dma_wait3A_439] : memref<4x10240x128xf32, #tpu.memory_space<hbm>> -> memref<1x128x128xf32, #tpu.memory_space<hbm>>
      %dma_wait3A_441 = tpu.memref_squeeze %dma_wait3A_440 : memref<1x128x128xf32, #tpu.memory_space<hbm>> -> memref<128x128xf32, #tpu.memory_space<hbm>>
      %dma_wait3A_442 = arith.constant 0 : i32
      %dma_wait3A_443 = arith.constant 0 : i32
      %dma_wait3A_444 = tpu.memref_slice %arg8[%dma_wait3A_433, %dma_wait3A_442, %dma_wait3A_443] : memref<4x128x128xf32, #tpu.memory_space<vmem>> -> memref<1x128x128xf32, #tpu.memory_space<vmem>>
      %dma_wait3A_445 = tpu.memref_squeeze %dma_wait3A_444 : memref<1x128x128xf32, #tpu.memory_space<vmem>> -> memref<128x128xf32, #tpu.memory_space<vmem>>
      %dma_wait3A_446 = arith.constant 0 : i32
      %dma_wait3A_447 = arith.constant 0 : i32
      %dma_wait3A_448 = tpu.memref_slice %arg2[%dma_wait3A_432, %dma_wait3A_446, %dma_wait3A_447] : memref<4x10240x128xf32, #tpu.memory_space<hbm>> -> memref<1x128x128xf32, #tpu.memory_space<hbm>>
      %dma_wait3A_449 = tpu.memref_squeeze %dma_wait3A_448 : memref<1x128x128xf32, #tpu.memory_space<hbm>> -> memref<128x128xf32, #tpu.memory_space<hbm>>
      tpu.wait_dma2 semaphore(%arg11 : memref<!tpu.dma_semaphore, #tpu.memory_space<semaphore_mem>>) src(%dma_wait3A_449 : memref<128x128xf32, #tpu.memory_space<hbm>>) dst(%dma_wait3A_445 : memref<128x128xf32, #tpu.memory_space<vmem>>)
      %dma_wait3A_450 = arith.constant 2 : i32
      %dma_wait3A_451 = arith.constant 1 : i32
      %dma_wait3A_452 = arith.constant 0 : i32
      %dma_wait3A_453 = arith.constant 0 : i32
      %dma_wait3A_454 = tpu.memref_slice %arg8[%dma_wait3A_451, %dma_wait3A_452, %dma_wait3A_453] : memref<4x128x128xf32, #tpu.memory_space<vmem>> -> memref<1x128x128xf32, #tpu.memory_space<vmem>>
      %dma_wait3A_455 = tpu.memref_squeeze %dma_wait3A_454 : memref<1x128x128xf32, #tpu.memory_space<vmem>> -> memref<128x128xf32, #tpu.memory_space<vmem>>
      %dma_wait3A_456 = arith.constant 0 : i32
      %dma_wait3A_457 = arith.constant 0 : i32
      %dma_wait3A_458 = tpu.memref_slice %arg2[%dma_wait3A_450, %dma_wait3A_456, %dma_wait3A_457] : memref<4x10240x128xf32, #tpu.memory_space<hbm>> -> memref<1x128x128xf32, #tpu.memory_space<hbm>>
      %dma_wait3A_459 = tpu.memref_squeeze %dma_wait3A_458 : memref<1x128x128xf32, #tpu.memory_space<hbm>> -> memref<128x128xf32, #tpu.memory_space<hbm>>
      %dma_wait3A_460 = arith.constant 0 : i32
      %dma_wait3A_461 = arith.constant 0 : i32
      %dma_wait3A_462 = tpu.memref_slice %arg8[%dma_wait3A_451, %dma_wait3A_460, %dma_wait3A_461] : memref<4x128x128xf32, #tpu.memory_space<vmem>> -> memref<1x128x128xf32, #tpu.memory_space<vmem>>
      %dma_wait3A_463 = tpu.memref_squeeze %dma_wait3A_462 : memref<1x128x128xf32, #tpu.memory_space<vmem>> -> memref<128x128xf32, #tpu.memory_space<vmem>>
      %dma_wait3A_464 = arith.constant 0 : i32
      %dma_wait3A_465 = arith.constant 0 : i32
      %dma_wait3A_466 = tpu.memref_slice %arg2[%dma_wait3A_450, %dma_wait3A_464, %dma_wait3A_465] : memref<4x10240x128xf32, #tpu.memory_space<hbm>> -> memref<1x128x128xf32, #tpu.memory_space<hbm>>
      %dma_wait3A_467 = tpu.memref_squeeze %dma_wait3A_466 : memref<1x128x128xf32, #tpu.memory_space<hbm>> -> memref<128x128xf32, #tpu.memory_space<hbm>>
      tpu.wait_dma2 semaphore(%arg11 : memref<!tpu.dma_semaphore, #tpu.memory_space<semaphore_mem>>) src(%dma_wait3A_467 : memref<128x128xf32, #tpu.memory_space<hbm>>) dst(%dma_wait3A_463 : memref<128x128xf32, #tpu.memory_space<vmem>>)
    }
    %scan3A_162 = arith.constant 20 : i32
    %barrier3A_163 = arith.constant 0 : index
    tpu.barrier barrier_id(%barrier3A_163)
    %mul3A_164 = arith.constant 320 : i32
    %mul3A_165 = arith.muli %arg1, %mul3A_164 : i32
    %mul3A_166 = arith.constant 320 : i32
    %mul3A_167 = arith.muli %arg1, %mul3A_166 : i32
    %add3A_168 = arith.addi %mul3A_0, %mul3A_167 : i32
    %run_scoped3A_169 = arith.constant 2 : i32
    "tpu.region"() ({
      %run_scoped3A_226 = tpu.sem_alloc : memref<!tpu.dma_semaphore, #tpu.memory_space<semaphore_mem>>
      %dma_start3A_227 = arith.constant 0 : i32
      %dma_start3A_228 = tpu.memref_slice %arg5[%run_scoped3A_169, %add3A_168, %dma_start3A_227] : memref<4x10240x128xf32, #tpu.memory_space<hbm>> -> memref<1x320x128xf32, #tpu.memory_space<hbm>>
      %dma_start3A_229 = tpu.memref_squeeze %dma_start3A_228 : memref<1x320x128xf32, #tpu.memory_space<hbm>> -> memref<320x128xf32, #tpu.memory_space<hbm>>
      %dma_start3A_230 = arith.constant 0 : i32
      %dma_start3A_231 = tpu.memref_slice %arg9[%mul3A_165, %dma_start3A_230] : memref<5136x128xf32, #tpu.memory_space<vmem_shared>> -> memref<320x128xf32, #tpu.memory_space<vmem_shared>>
      tpu.enqueue_dma source(%dma_start3A_231 : memref<320x128xf32, #tpu.memory_space<vmem_shared>>) target(%dma_start3A_229 : memref<320x128xf32, #tpu.memory_space<hbm>>) target_semaphore(%run_scoped3A_226 : memref<!tpu.dma_semaphore, #tpu.memory_space<semaphore_mem>>)
      %dma_wait3A = arith.constant 0 : i32
      %dma_wait3A_232 = tpu.memref_slice %arg5[%run_scoped3A_169, %add3A_168, %dma_wait3A] : memref<4x10240x128xf32, #tpu.memory_space<hbm>> -> memref<1x320x128xf32, #tpu.memory_space<hbm>>
      %dma_wait3A_233 = tpu.memref_squeeze %dma_wait3A_232 : memref<1x320x128xf32, #tpu.memory_space<hbm>> -> memref<320x128xf32, #tpu.memory_space<hbm>>
      %dma_wait3A_234 = arith.constant 0 : i32
      %dma_wait3A_235 = tpu.memref_slice %arg9[%mul3A_165, %dma_wait3A_234] : memref<5136x128xf32, #tpu.memory_space<vmem_shared>> -> memref<320x128xf32, #tpu.memory_space<vmem_shared>>
      tpu.wait_dma2 semaphore(%run_scoped3A_226 : memref<!tpu.dma_semaphore, #tpu.memory_space<semaphore_mem>>) src(%dma_wait3A_235 : memref<320x128xf32, #tpu.memory_space<vmem_shared>>) dst(%dma_wait3A_233 : memref<320x128xf32, #tpu.memory_space<hbm>>)
      tpu.yield
    }) : () -> ()
    %barrier3A_170 = arith.constant 0 : index
    tpu.barrier barrier_id(%barrier3A_170)
    %mul3A_171 = arith.constant 320 : i32
    %mul3A_172 = arith.muli %arg1, %mul3A_171 : i32
    %add3A_173 = arith.addi %mul3A_0, %mul3A_172 : i32
    %mul3A_174 = arith.constant 320 : i32
    %mul3A_175 = arith.muli %arg1, %mul3A_174 : i32
    %run_scoped3A_176 = arith.constant 3 : i32
    "tpu.region"() ({
      %run_scoped3A_226 = tpu.sem_alloc : memref<!tpu.dma_semaphore, #tpu.memory_space<semaphore_mem>>
      %dma_start3A_227 = arith.constant 0 : i32
      %dma_start3A_228 = tpu.memref_slice %arg9[%mul3A_175, %dma_start3A_227] : memref<5136x128xf32, #tpu.memory_space<vmem_shared>> -> memref<320x128xf32, #tpu.memory_space<vmem_shared>>
      %dma_start3A_229 = arith.constant 0 : i32
      %dma_start3A_230 = tpu.memref_slice %arg2[%run_scoped3A_176, %add3A_173, %dma_start3A_229] : memref<4x10240x128xf32, #tpu.memory_space<hbm>> -> memref<1x320x128xf32, #tpu.memory_space<hbm>>
      %dma_start3A_231 = tpu.memref_squeeze %dma_start3A_230 : memref<1x320x128xf32, #tpu.memory_space<hbm>> -> memref<320x128xf32, #tpu.memory_space<hbm>>
      tpu.enqueue_dma source(%dma_start3A_231 : memref<320x128xf32, #tpu.memory_space<hbm>>) target(%dma_start3A_228 : memref<320x128xf32, #tpu.memory_space<vmem_shared>>) target_semaphore(%run_scoped3A_226 : memref<!tpu.dma_semaphore, #tpu.memory_space<semaphore_mem>>)
      %dma_wait3A = arith.constant 0 : i32
      %dma_wait3A_232 = tpu.memref_slice %arg9[%mul3A_175, %dma_wait3A] : memref<5136x128xf32, #tpu.memory_space<vmem_shared>> -> memref<320x128xf32, #tpu.memory_space<vmem_shared>>
      %dma_wait3A_233 = arith.constant 0 : i32
      %dma_wait3A_234 = tpu.memref_slice %arg2[%run_scoped3A_176, %add3A_173, %dma_wait3A_233] : memref<4x10240x128xf32, #tpu.memory_space<hbm>> -> memref<1x320x128xf32, #tpu.memory_space<hbm>>
      %dma_wait3A_235 = tpu.memref_squeeze %dma_wait3A_234 : memref<1x320x128xf32, #tpu.memory_space<hbm>> -> memref<320x128xf32, #tpu.memory_space<hbm>>
      tpu.wait_dma2 semaphore(%run_scoped3A_226 : memref<!tpu.dma_semaphore, #tpu.memory_space<semaphore_mem>>) src(%dma_wait3A_235 : memref<320x128xf32, #tpu.memory_space<hbm>>) dst(%dma_wait3A_232 : memref<320x128xf32, #tpu.memory_space<vmem_shared>>)
      tpu.yield
    }) : () -> ()
    %barrier3A_177 = arith.constant 0 : index
    tpu.barrier barrier_id(%barrier3A_177)
    %dma_start3A_178 = arith.constant 3 : i32
    %dma_start3A_179 = arith.constant 0 : i32
    %dma_start3A_180 = arith.constant 0 : i32
    %dma_start3A_181 = arith.constant 0 : i32
    %dma_start3A_182 = arith.constant 0 : i32
    %dma_start3A_183 = tpu.memref_slice %arg8[%dma_start3A_180, %dma_start3A_181, %dma_start3A_182] : memref<4x128x128xf32, #tpu.memory_space<vmem>> -> memref<1x128x128xf32, #tpu.memory_space<vmem>>
    %dma_start3A_184 = tpu.memref_squeeze %dma_start3A_183 : memref<1x128x128xf32, #tpu.memory_space<vmem>> -> memref<128x128xf32, #tpu.memory_space<vmem>>
    %dma_start3A_185 = arith.constant 0 : i32
    %dma_start3A_186 = tpu.memref_slice %arg6[%dma_start3A_179, %dma_start3A_185] : memref<80x128xi32, #tpu.memory_space<vmem>> -> memref<1x128xi32, #tpu.memory_space<vmem>>
    %dma_start3A_187 = tpu.memref_squeeze %dma_start3A_186 : memref<1x128xi32, #tpu.memory_space<vmem>> -> memref<128xi32, #tpu.memory_space<vmem>>
    %dma_start3A_188 = arith.constant 0 : i32
    %dma_start3A_189 = arith.constant 0 : i32
    %dma_start3A_190 = tpu.memref_slice %arg2[%dma_start3A_178, %dma_start3A_188, %dma_start3A_189] : memref<4x10240x128xf32, #tpu.memory_space<hbm>> -> memref<1x10240x128xf32, #tpu.memory_space<hbm>>
    %dma_start3A_191 = tpu.memref_squeeze %dma_start3A_190 : memref<1x10240x128xf32, #tpu.memory_space<hbm>> -> memref<10240x128xf32, #tpu.memory_space<hbm>>
    %dma_start3A_192 = arith.constant 0 : i32
    %dma_start3A_193 = arith.constant 0 : i32
    %dma_start3A_194 = tpu.memref_slice %dma_start3A_191[%dma_start3A_192, %dma_start3A_193] : memref<10240x128xf32, #tpu.memory_space<hbm>> -> memref<10240x128xf32, #tpu.memory_space<hbm>>
    tpu.enqueue_indirect_dma source(%dma_start3A_194 : memref<10240x128xf32, #tpu.memory_space<hbm>>) target(%dma_start3A_184 : memref<128x128xf32, #tpu.memory_space<vmem>>) offsets(%dma_start3A_187 : memref<128xi32, #tpu.memory_space<vmem>>) semaphore(%arg10 : memref<!tpu.dma_semaphore, #tpu.memory_space<semaphore_mem>>)
    %dma_start3A_195 = arith.constant 3 : i32
    %dma_start3A_196 = arith.constant 1 : i32
    %dma_start3A_197 = arith.constant 1 : i32
    %dma_start3A_198 = arith.constant 0 : i32
    %dma_start3A_199 = arith.constant 0 : i32
    %dma_start3A_200 = tpu.memref_slice %arg8[%dma_start3A_197, %dma_start3A_198, %dma_start3A_199] : memref<4x128x128xf32, #tpu.memory_space<vmem>> -> memref<1x128x128xf32, #tpu.memory_space<vmem>>
    %dma_start3A_201 = tpu.memref_squeeze %dma_start3A_200 : memref<1x128x128xf32, #tpu.memory_space<vmem>> -> memref<128x128xf32, #tpu.memory_space<vmem>>
    %dma_start3A_202 = arith.constant 0 : i32
    %dma_start3A_203 = tpu.memref_slice %arg6[%dma_start3A_196, %dma_start3A_202] : memref<80x128xi32, #tpu.memory_space<vmem>> -> memref<1x128xi32, #tpu.memory_space<vmem>>
    %dma_start3A_204 = tpu.memref_squeeze %dma_start3A_203 : memref<1x128xi32, #tpu.memory_space<vmem>> -> memref<128xi32, #tpu.memory_space<vmem>>
    %dma_start3A_205 = arith.constant 0 : i32
    %dma_start3A_206 = arith.constant 0 : i32
    %dma_start3A_207 = tpu.memref_slice %arg2[%dma_start3A_195, %dma_start3A_205, %dma_start3A_206] : memref<4x10240x128xf32, #tpu.memory_space<hbm>> -> memref<1x10240x128xf32, #tpu.memory_space<hbm>>
    %dma_start3A_208 = tpu.memref_squeeze %dma_start3A_207 : memref<1x10240x128xf32, #tpu.memory_space<hbm>> -> memref<10240x128xf32, #tpu.memory_space<hbm>>
    %dma_start3A_209 = arith.constant 0 : i32
    %dma_start3A_210 = arith.constant 0 : i32
    %dma_start3A_211 = tpu.memref_slice %dma_start3A_208[%dma_start3A_209, %dma_start3A_210] : memref<10240x128xf32, #tpu.memory_space<hbm>> -> memref<10240x128xf32, #tpu.memory_space<hbm>>
    tpu.enqueue_indirect_dma source(%dma_start3A_211 : memref<10240x128xf32, #tpu.memory_space<hbm>>) target(%dma_start3A_201 : memref<128x128xf32, #tpu.memory_space<vmem>>) offsets(%dma_start3A_204 : memref<128xi32, #tpu.memory_space<vmem>>) semaphore(%arg10 : memref<!tpu.dma_semaphore, #tpu.memory_space<semaphore_mem>>)
    %scan3A_212 = arith.constant 0 : i32
    %scan3A_213 = arith.constant 0 : i32
    %scan3A_214 = arith.constant 20 : i32
    %scan3A_215 = arith.addi %scan3A_213, %scan3A_214 : i32
    %scan3A_216 = arith.constant 1 : i32
    scf.for %scan3A_226 = %scan3A_213 to %scan3A_215 step %scan3A_216  : i32 {
      %mul3A_227 = arith.constant 2 : i32
      %mul3A_228 = arith.muli %scan3A_226, %mul3A_227 : i32
      %mul3A_229 = arith.constant 2 : i32
      %mul3A_230 = arith.muli %mul3A_228, %mul3A_229 : i32
      %dma_wait3A = arith.constant 3 : i32
      %dma_wait3A_231 = arith.constant 0 : i32
      %dma_wait3A_232 = arith.constant 0 : i32
      %dma_wait3A_233 = arith.constant 0 : i32
      %dma_wait3A_234 = tpu.memref_slice %arg8[%dma_wait3A_231, %dma_wait3A_232, %dma_wait3A_233] : memref<4x128x128xf32, #tpu.memory_space<vmem>> -> memref<1x128x128xf32, #tpu.memory_space<vmem>>
      %dma_wait3A_235 = tpu.memref_squeeze %dma_wait3A_234 : memref<1x128x128xf32, #tpu.memory_space<vmem>> -> memref<128x128xf32, #tpu.memory_space<vmem>>
      %dma_wait3A_236 = arith.constant 0 : i32
      %dma_wait3A_237 = arith.constant 0 : i32
      %dma_wait3A_238 = tpu.memref_slice %arg2[%dma_wait3A, %dma_wait3A_236, %dma_wait3A_237] : memref<4x10240x128xf32, #tpu.memory_space<hbm>> -> memref<1x128x128xf32, #tpu.memory_space<hbm>>
      %dma_wait3A_239 = tpu.memref_squeeze %dma_wait3A_238 : memref<1x128x128xf32, #tpu.memory_space<hbm>> -> memref<128x128xf32, #tpu.memory_space<hbm>>
      %dma_wait3A_240 = arith.constant 0 : i32
      %dma_wait3A_241 = arith.constant 0 : i32
      %dma_wait3A_242 = tpu.memref_slice %arg8[%dma_wait3A_231, %dma_wait3A_240, %dma_wait3A_241] : memref<4x128x128xf32, #tpu.memory_space<vmem>> -> memref<1x128x128xf32, #tpu.memory_space<vmem>>
      %dma_wait3A_243 = tpu.memref_squeeze %dma_wait3A_242 : memref<1x128x128xf32, #tpu.memory_space<vmem>> -> memref<128x128xf32, #tpu.memory_space<vmem>>
      %dma_wait3A_244 = arith.constant 0 : i32
      %dma_wait3A_245 = arith.constant 0 : i32
      %dma_wait3A_246 = tpu.memref_slice %arg2[%dma_wait3A, %dma_wait3A_244, %dma_wait3A_245] : memref<4x10240x128xf32, #tpu.memory_space<hbm>> -> memref<1x128x128xf32, #tpu.memory_space<hbm>>
      %dma_wait3A_247 = tpu.memref_squeeze %dma_wait3A_246 : memref<1x128x128xf32, #tpu.memory_space<hbm>> -> memref<128x128xf32, #tpu.memory_space<hbm>>
      tpu.wait_dma2 semaphore(%arg10 : memref<!tpu.dma_semaphore, #tpu.memory_space<semaphore_mem>>) src(%dma_wait3A_247 : memref<128x128xf32, #tpu.memory_space<hbm>>) dst(%dma_wait3A_243 : memref<128x128xf32, #tpu.memory_space<vmem>>)
      %dma_wait3A_248 = arith.constant 3 : i32
      %dma_wait3A_249 = arith.constant 1 : i32
      %dma_wait3A_250 = arith.constant 0 : i32
      %dma_wait3A_251 = arith.constant 0 : i32
      %dma_wait3A_252 = tpu.memref_slice %arg8[%dma_wait3A_249, %dma_wait3A_250, %dma_wait3A_251] : memref<4x128x128xf32, #tpu.memory_space<vmem>> -> memref<1x128x128xf32, #tpu.memory_space<vmem>>
      %dma_wait3A_253 = tpu.memref_squeeze %dma_wait3A_252 : memref<1x128x128xf32, #tpu.memory_space<vmem>> -> memref<128x128xf32, #tpu.memory_space<vmem>>
      %dma_wait3A_254 = arith.constant 0 : i32
      %dma_wait3A_255 = arith.constant 0 : i32
      %dma_wait3A_256 = tpu.memref_slice %arg2[%dma_wait3A_248, %dma_wait3A_254, %dma_wait3A_255] : memref<4x10240x128xf32, #tpu.memory_space<hbm>> -> memref<1x128x128xf32, #tpu.memory_space<hbm>>
      %dma_wait3A_257 = tpu.memref_squeeze %dma_wait3A_256 : memref<1x128x128xf32, #tpu.memory_space<hbm>> -> memref<128x128xf32, #tpu.memory_space<hbm>>
      %dma_wait3A_258 = arith.constant 0 : i32
      %dma_wait3A_259 = arith.constant 0 : i32
      %dma_wait3A_260 = tpu.memref_slice %arg8[%dma_wait3A_249, %dma_wait3A_258, %dma_wait3A_259] : memref<4x128x128xf32, #tpu.memory_space<vmem>> -> memref<1x128x128xf32, #tpu.memory_space<vmem>>
      %dma_wait3A_261 = tpu.memref_squeeze %dma_wait3A_260 : memref<1x128x128xf32, #tpu.memory_space<vmem>> -> memref<128x128xf32, #tpu.memory_space<vmem>>
      %dma_wait3A_262 = arith.constant 0 : i32
      %dma_wait3A_263 = arith.constant 0 : i32
      %dma_wait3A_264 = tpu.memref_slice %arg2[%dma_wait3A_248, %dma_wait3A_262, %dma_wait3A_263] : memref<4x10240x128xf32, #tpu.memory_space<hbm>> -> memref<1x128x128xf32, #tpu.memory_space<hbm>>
      %dma_wait3A_265 = tpu.memref_squeeze %dma_wait3A_264 : memref<1x128x128xf32, #tpu.memory_space<hbm>> -> memref<128x128xf32, #tpu.memory_space<hbm>>
      tpu.wait_dma2 semaphore(%arg10 : memref<!tpu.dma_semaphore, #tpu.memory_space<semaphore_mem>>) src(%dma_wait3A_265 : memref<128x128xf32, #tpu.memory_space<hbm>>) dst(%dma_wait3A_261 : memref<128x128xf32, #tpu.memory_space<vmem>>)
      %add3A_266 = arith.constant 2 : i32
      %add3A_267 = arith.addi %mul3A_230, %add3A_266 : i32
      %add3A_268 = arith.constant 0 : i32
      %add3A_269 = arith.addi %add3A_267, %add3A_268 : i32
      %dma_start3A_270 = arith.constant 3 : i32
      %dma_start3A_271 = arith.constant 2 : i32
      %dma_start3A_272 = arith.constant 0 : i32
      %dma_start3A_273 = arith.constant 0 : i32
      %dma_start3A_274 = tpu.memref_slice %arg8[%dma_start3A_271, %dma_start3A_272, %dma_start3A_273] : memref<4x128x128xf32, #tpu.memory_space<vmem>> -> memref<1x128x128xf32, #tpu.memory_space<vmem>>
      %dma_start3A_275 = tpu.memref_squeeze %dma_start3A_274 : memref<1x128x128xf32, #tpu.memory_space<vmem>> -> memref<128x128xf32, #tpu.memory_space<vmem>>
      %dma_start3A_276 = arith.constant 0 : i32
      %dma_start3A_277 = tpu.memref_slice %arg6[%add3A_269, %dma_start3A_276] : memref<80x128xi32, #tpu.memory_space<vmem>> -> memref<1x128xi32, #tpu.memory_space<vmem>>
      %dma_start3A_278 = tpu.memref_squeeze %dma_start3A_277 : memref<1x128xi32, #tpu.memory_space<vmem>> -> memref<128xi32, #tpu.memory_space<vmem>>
      %dma_start3A_279 = arith.constant 0 : i32
      %dma_start3A_280 = arith.constant 0 : i32
      %dma_start3A_281 = tpu.memref_slice %arg2[%dma_start3A_270, %dma_start3A_279, %dma_start3A_280] : memref<4x10240x128xf32, #tpu.memory_space<hbm>> -> memref<1x10240x128xf32, #tpu.memory_space<hbm>>
      %dma_start3A_282 = tpu.memref_squeeze %dma_start3A_281 : memref<1x10240x128xf32, #tpu.memory_space<hbm>> -> memref<10240x128xf32, #tpu.memory_space<hbm>>
      %dma_start3A_283 = arith.constant 0 : i32
      %dma_start3A_284 = arith.constant 0 : i32
      %dma_start3A_285 = tpu.memref_slice %dma_start3A_282[%dma_start3A_283, %dma_start3A_284] : memref<10240x128xf32, #tpu.memory_space<hbm>> -> memref<10240x128xf32, #tpu.memory_space<hbm>>
      tpu.enqueue_indirect_dma source(%dma_start3A_285 : memref<10240x128xf32, #tpu.memory_space<hbm>>) target(%dma_start3A_275 : memref<128x128xf32, #tpu.memory_space<vmem>>) offsets(%dma_start3A_278 : memref<128xi32, #tpu.memory_space<vmem>>) semaphore(%arg10 : memref<!tpu.dma_semaphore, #tpu.memory_space<semaphore_mem>>)
      %add3A_286 = arith.constant 1 : i32
      %add3A_287 = arith.addi %add3A_267, %add3A_286 : i32
      %dma_start3A_288 = arith.constant 3 : i32
      %dma_start3A_289 = arith.constant 3 : i32
      %dma_start3A_290 = arith.constant 0 : i32
      %dma_start3A_291 = arith.constant 0 : i32
      %dma_start3A_292 = tpu.memref_slice %arg8[%dma_start3A_289, %dma_start3A_290, %dma_start3A_291] : memref<4x128x128xf32, #tpu.memory_space<vmem>> -> memref<1x128x128xf32, #tpu.memory_space<vmem>>
      %dma_start3A_293 = tpu.memref_squeeze %dma_start3A_292 : memref<1x128x128xf32, #tpu.memory_space<vmem>> -> memref<128x128xf32, #tpu.memory_space<vmem>>
      %dma_start3A_294 = arith.constant 0 : i32
      %dma_start3A_295 = tpu.memref_slice %arg6[%add3A_287, %dma_start3A_294] : memref<80x128xi32, #tpu.memory_space<vmem>> -> memref<1x128xi32, #tpu.memory_space<vmem>>
      %dma_start3A_296 = tpu.memref_squeeze %dma_start3A_295 : memref<1x128xi32, #tpu.memory_space<vmem>> -> memref<128xi32, #tpu.memory_space<vmem>>
      %dma_start3A_297 = arith.constant 0 : i32
      %dma_start3A_298 = arith.constant 0 : i32
      %dma_start3A_299 = tpu.memref_slice %arg2[%dma_start3A_288, %dma_start3A_297, %dma_start3A_298] : memref<4x10240x128xf32, #tpu.memory_space<hbm>> -> memref<1x10240x128xf32, #tpu.memory_space<hbm>>
      %dma_start3A_300 = tpu.memref_squeeze %dma_start3A_299 : memref<1x10240x128xf32, #tpu.memory_space<hbm>> -> memref<10240x128xf32, #tpu.memory_space<hbm>>
      %dma_start3A_301 = arith.constant 0 : i32
      %dma_start3A_302 = arith.constant 0 : i32
      %dma_start3A_303 = tpu.memref_slice %dma_start3A_300[%dma_start3A_301, %dma_start3A_302] : memref<10240x128xf32, #tpu.memory_space<hbm>> -> memref<10240x128xf32, #tpu.memory_space<hbm>>
      tpu.enqueue_indirect_dma source(%dma_start3A_303 : memref<10240x128xf32, #tpu.memory_space<hbm>>) target(%dma_start3A_293 : memref<128x128xf32, #tpu.memory_space<vmem>>) offsets(%dma_start3A_296 : memref<128xi32, #tpu.memory_space<vmem>>) semaphore(%arg10 : memref<!tpu.dma_semaphore, #tpu.memory_space<semaphore_mem>>)
      %add3A_304 = arith.constant 0 : i32
      %add3A_305 = arith.addi %mul3A_230, %add3A_304 : i32
      %dma_start3A_306 = arith.constant 0 : i32
      %dma_start3A_307 = arith.constant 0 : i32
      %dma_start3A_308 = arith.constant 0 : i32
      %dma_start3A_309 = tpu.memref_slice %arg8[%dma_start3A_306, %dma_start3A_307, %dma_start3A_308] : memref<4x128x128xf32, #tpu.memory_space<vmem>> -> memref<1x128x128xf32, #tpu.memory_space<vmem>>
      %dma_start3A_310 = tpu.memref_squeeze %dma_start3A_309 : memref<1x128x128xf32, #tpu.memory_space<vmem>> -> memref<128x128xf32, #tpu.memory_space<vmem>>
      %dma_start3A_311 = arith.constant 0 : i32
      %dma_start3A_312 = tpu.memref_slice %arg7[%add3A_305, %dma_start3A_311] : memref<80x128xi32, #tpu.memory_space<vmem>> -> memref<1x128xi32, #tpu.memory_space<vmem>>
      %dma_start3A_313 = tpu.memref_squeeze %dma_start3A_312 : memref<1x128xi32, #tpu.memory_space<vmem>> -> memref<128xi32, #tpu.memory_space<vmem>>
      %dma_start3A_314 = arith.constant 0 : i32
      %dma_start3A_315 = arith.constant 0 : i32
      %dma_start3A_316 = tpu.memref_slice %arg9[%dma_start3A_314, %dma_start3A_315] : memref<5136x128xf32, #tpu.memory_space<vmem_shared>> -> memref<5136x128xf32, #tpu.memory_space<vmem_shared>>
      tpu.enqueue_indirect_dma source(%dma_start3A_310 : memref<128x128xf32, #tpu.memory_space<vmem>>) target(%dma_start3A_316 : memref<5136x128xf32, #tpu.memory_space<vmem_shared>>) offsets(%dma_start3A_313 : memref<128xi32, #tpu.memory_space<vmem>>) semaphore(%arg11 : memref<!tpu.dma_semaphore, #tpu.memory_space<semaphore_mem>>) {add = true}
      %add3A_317 = arith.constant 1 : i32
      %add3A_318 = arith.addi %mul3A_230, %add3A_317 : i32
      %dma_start3A_319 = arith.constant 1 : i32
      %dma_start3A_320 = arith.constant 0 : i32
      %dma_start3A_321 = arith.constant 0 : i32
      %dma_start3A_322 = tpu.memref_slice %arg8[%dma_start3A_319, %dma_start3A_320, %dma_start3A_321] : memref<4x128x128xf32, #tpu.memory_space<vmem>> -> memref<1x128x128xf32, #tpu.memory_space<vmem>>
      %dma_start3A_323 = tpu.memref_squeeze %dma_start3A_322 : memref<1x128x128xf32, #tpu.memory_space<vmem>> -> memref<128x128xf32, #tpu.memory_space<vmem>>
      %dma_start3A_324 = arith.constant 0 : i32
      %dma_start3A_325 = tpu.memref_slice %arg7[%add3A_318, %dma_start3A_324] : memref<80x128xi32, #tpu.memory_space<vmem>> -> memref<1x128xi32, #tpu.memory_space<vmem>>
      %dma_start3A_326 = tpu.memref_squeeze %dma_start3A_325 : memref<1x128xi32, #tpu.memory_space<vmem>> -> memref<128xi32, #tpu.memory_space<vmem>>
      %dma_start3A_327 = arith.constant 0 : i32
      %dma_start3A_328 = arith.constant 0 : i32
      %dma_start3A_329 = tpu.memref_slice %arg9[%dma_start3A_327, %dma_start3A_328] : memref<5136x128xf32, #tpu.memory_space<vmem_shared>> -> memref<5136x128xf32, #tpu.memory_space<vmem_shared>>
      tpu.enqueue_indirect_dma source(%dma_start3A_323 : memref<128x128xf32, #tpu.memory_space<vmem>>) target(%dma_start3A_329 : memref<5136x128xf32, #tpu.memory_space<vmem_shared>>) offsets(%dma_start3A_326 : memref<128xi32, #tpu.memory_space<vmem>>) semaphore(%arg11 : memref<!tpu.dma_semaphore, #tpu.memory_space<semaphore_mem>>) {add = true}
      %dma_wait3A_330 = arith.constant 3 : i32
      %dma_wait3A_331 = arith.constant 0 : i32
      %dma_wait3A_332 = arith.constant 0 : i32
      %dma_wait3A_333 = arith.constant 0 : i32
      %dma_wait3A_334 = tpu.memref_slice %arg8[%dma_wait3A_331, %dma_wait3A_332, %dma_wait3A_333] : memref<4x128x128xf32, #tpu.memory_space<vmem>> -> memref<1x128x128xf32, #tpu.memory_space<vmem>>
      %dma_wait3A_335 = tpu.memref_squeeze %dma_wait3A_334 : memref<1x128x128xf32, #tpu.memory_space<vmem>> -> memref<128x128xf32, #tpu.memory_space<vmem>>
      %dma_wait3A_336 = arith.constant 0 : i32
      %dma_wait3A_337 = arith.constant 0 : i32
      %dma_wait3A_338 = tpu.memref_slice %arg2[%dma_wait3A_330, %dma_wait3A_336, %dma_wait3A_337] : memref<4x10240x128xf32, #tpu.memory_space<hbm>> -> memref<1x128x128xf32, #tpu.memory_space<hbm>>
      %dma_wait3A_339 = tpu.memref_squeeze %dma_wait3A_338 : memref<1x128x128xf32, #tpu.memory_space<hbm>> -> memref<128x128xf32, #tpu.memory_space<hbm>>
      %dma_wait3A_340 = arith.constant 0 : i32
      %dma_wait3A_341 = arith.constant 0 : i32
      %dma_wait3A_342 = tpu.memref_slice %arg8[%dma_wait3A_331, %dma_wait3A_340, %dma_wait3A_341] : memref<4x128x128xf32, #tpu.memory_space<vmem>> -> memref<1x128x128xf32, #tpu.memory_space<vmem>>
      %dma_wait3A_343 = tpu.memref_squeeze %dma_wait3A_342 : memref<1x128x128xf32, #tpu.memory_space<vmem>> -> memref<128x128xf32, #tpu.memory_space<vmem>>
      %dma_wait3A_344 = arith.constant 0 : i32
      %dma_wait3A_345 = arith.constant 0 : i32
      %dma_wait3A_346 = tpu.memref_slice %arg2[%dma_wait3A_330, %dma_wait3A_344, %dma_wait3A_345] : memref<4x10240x128xf32, #tpu.memory_space<hbm>> -> memref<1x128x128xf32, #tpu.memory_space<hbm>>
      %dma_wait3A_347 = tpu.memref_squeeze %dma_wait3A_346 : memref<1x128x128xf32, #tpu.memory_space<hbm>> -> memref<128x128xf32, #tpu.memory_space<hbm>>
      tpu.wait_dma2 semaphore(%arg11 : memref<!tpu.dma_semaphore, #tpu.memory_space<semaphore_mem>>) src(%dma_wait3A_347 : memref<128x128xf32, #tpu.memory_space<hbm>>) dst(%dma_wait3A_343 : memref<128x128xf32, #tpu.memory_space<vmem>>)
      %dma_wait3A_348 = arith.constant 3 : i32
      %dma_wait3A_349 = arith.constant 1 : i32
      %dma_wait3A_350 = arith.constant 0 : i32
      %dma_wait3A_351 = arith.constant 0 : i32
      %dma_wait3A_352 = tpu.memref_slice %arg8[%dma_wait3A_349, %dma_wait3A_350, %dma_wait3A_351] : memref<4x128x128xf32, #tpu.memory_space<vmem>> -> memref<1x128x128xf32, #tpu.memory_space<vmem>>
      %dma_wait3A_353 = tpu.memref_squeeze %dma_wait3A_352 : memref<1x128x128xf32, #tpu.memory_space<vmem>> -> memref<128x128xf32, #tpu.memory_space<vmem>>
      %dma_wait3A_354 = arith.constant 0 : i32
      %dma_wait3A_355 = arith.constant 0 : i32
      %dma_wait3A_356 = tpu.memref_slice %arg2[%dma_wait3A_348, %dma_wait3A_354, %dma_wait3A_355] : memref<4x10240x128xf32, #tpu.memory_space<hbm>> -> memref<1x128x128xf32, #tpu.memory_space<hbm>>
      %dma_wait3A_357 = tpu.memref_squeeze %dma_wait3A_356 : memref<1x128x128xf32, #tpu.memory_space<hbm>> -> memref<128x128xf32, #tpu.memory_space<hbm>>
      %dma_wait3A_358 = arith.constant 0 : i32
      %dma_wait3A_359 = arith.constant 0 : i32
      %dma_wait3A_360 = tpu.memref_slice %arg8[%dma_wait3A_349, %dma_wait3A_358, %dma_wait3A_359] : memref<4x128x128xf32, #tpu.memory_space<vmem>> -> memref<1x128x128xf32, #tpu.memory_space<vmem>>
      %dma_wait3A_361 = tpu.memref_squeeze %dma_wait3A_360 : memref<1x128x128xf32, #tpu.memory_space<vmem>> -> memref<128x128xf32, #tpu.memory_space<vmem>>
      %dma_wait3A_362 = arith.constant 0 : i32
      %dma_wait3A_363 = arith.constant 0 : i32
      %dma_wait3A_364 = tpu.memref_slice %arg2[%dma_wait3A_348, %dma_wait3A_362, %dma_wait3A_363] : memref<4x10240x128xf32, #tpu.memory_space<hbm>> -> memref<1x128x128xf32, #tpu.memory_space<hbm>>
      %dma_wait3A_365 = tpu.memref_squeeze %dma_wait3A_364 : memref<1x128x128xf32, #tpu.memory_space<hbm>> -> memref<128x128xf32, #tpu.memory_space<hbm>>
      tpu.wait_dma2 semaphore(%arg11 : memref<!tpu.dma_semaphore, #tpu.memory_space<semaphore_mem>>) src(%dma_wait3A_365 : memref<128x128xf32, #tpu.memory_space<hbm>>) dst(%dma_wait3A_361 : memref<128x128xf32, #tpu.memory_space<vmem>>)
      %dma_wait3A_366 = arith.constant 3 : i32
      %dma_wait3A_367 = arith.constant 0 : i32
      %dma_wait3A_368 = arith.constant 0 : i32
      %dma_wait3A_369 = arith.constant 0 : i32
      %dma_wait3A_370 = tpu.memref_slice %arg8[%dma_wait3A_367, %dma_wait3A_368, %dma_wait3A_369] : memref<4x128x128xf32, #tpu.memory_space<vmem>> -> memref<1x128x128xf32, #tpu.memory_space<vmem>>
      %dma_wait3A_371 = tpu.memref_squeeze %dma_wait3A_370 : memref<1x128x128xf32, #tpu.memory_space<vmem>> -> memref<128x128xf32, #tpu.memory_space<vmem>>
      %dma_wait3A_372 = arith.constant 0 : i32
      %dma_wait3A_373 = arith.constant 0 : i32
      %dma_wait3A_374 = tpu.memref_slice %arg2[%dma_wait3A_366, %dma_wait3A_372, %dma_wait3A_373] : memref<4x10240x128xf32, #tpu.memory_space<hbm>> -> memref<1x128x128xf32, #tpu.memory_space<hbm>>
      %dma_wait3A_375 = tpu.memref_squeeze %dma_wait3A_374 : memref<1x128x128xf32, #tpu.memory_space<hbm>> -> memref<128x128xf32, #tpu.memory_space<hbm>>
      %dma_wait3A_376 = arith.constant 0 : i32
      %dma_wait3A_377 = arith.constant 0 : i32
      %dma_wait3A_378 = tpu.memref_slice %arg8[%dma_wait3A_367, %dma_wait3A_376, %dma_wait3A_377] : memref<4x128x128xf32, #tpu.memory_space<vmem>> -> memref<1x128x128xf32, #tpu.memory_space<vmem>>
      %dma_wait3A_379 = tpu.memref_squeeze %dma_wait3A_378 : memref<1x128x128xf32, #tpu.memory_space<vmem>> -> memref<128x128xf32, #tpu.memory_space<vmem>>
      %dma_wait3A_380 = arith.constant 0 : i32
      %dma_wait3A_381 = arith.constant 0 : i32
      %dma_wait3A_382 = tpu.memref_slice %arg2[%dma_wait3A_366, %dma_wait3A_380, %dma_wait3A_381] : memref<4x10240x128xf32, #tpu.memory_space<hbm>> -> memref<1x128x128xf32, #tpu.memory_space<hbm>>
      %dma_wait3A_383 = tpu.memref_squeeze %dma_wait3A_382 : memref<1x128x128xf32, #tpu.memory_space<hbm>> -> memref<128x128xf32, #tpu.memory_space<hbm>>
      tpu.wait_dma2 semaphore(%arg10 : memref<!tpu.dma_semaphore, #tpu.memory_space<semaphore_mem>>) src(%dma_wait3A_383 : memref<128x128xf32, #tpu.memory_space<hbm>>) dst(%dma_wait3A_379 : memref<128x128xf32, #tpu.memory_space<vmem>>)
      %dma_wait3A_384 = arith.constant 3 : i32
      %dma_wait3A_385 = arith.constant 1 : i32
      %dma_wait3A_386 = arith.constant 0 : i32
      %dma_wait3A_387 = arith.constant 0 : i32
      %dma_wait3A_388 = tpu.memref_slice %arg8[%dma_wait3A_385, %dma_wait3A_386, %dma_wait3A_387] : memref<4x128x128xf32, #tpu.memory_space<vmem>> -> memref<1x128x128xf32, #tpu.memory_space<vmem>>
      %dma_wait3A_389 = tpu.memref_squeeze %dma_wait3A_388 : memref<1x128x128xf32, #tpu.memory_space<vmem>> -> memref<128x128xf32, #tpu.memory_space<vmem>>
      %dma_wait3A_390 = arith.constant 0 : i32
      %dma_wait3A_391 = arith.constant 0 : i32
      %dma_wait3A_392 = tpu.memref_slice %arg2[%dma_wait3A_384, %dma_wait3A_390, %dma_wait3A_391] : memref<4x10240x128xf32, #tpu.memory_space<hbm>> -> memref<1x128x128xf32, #tpu.memory_space<hbm>>
      %dma_wait3A_393 = tpu.memref_squeeze %dma_wait3A_392 : memref<1x128x128xf32, #tpu.memory_space<hbm>> -> memref<128x128xf32, #tpu.memory_space<hbm>>
      %dma_wait3A_394 = arith.constant 0 : i32
      %dma_wait3A_395 = arith.constant 0 : i32
      %dma_wait3A_396 = tpu.memref_slice %arg8[%dma_wait3A_385, %dma_wait3A_394, %dma_wait3A_395] : memref<4x128x128xf32, #tpu.memory_space<vmem>> -> memref<1x128x128xf32, #tpu.memory_space<vmem>>
      %dma_wait3A_397 = tpu.memref_squeeze %dma_wait3A_396 : memref<1x128x128xf32, #tpu.memory_space<vmem>> -> memref<128x128xf32, #tpu.memory_space<vmem>>
      %dma_wait3A_398 = arith.constant 0 : i32
      %dma_wait3A_399 = arith.constant 0 : i32
      %dma_wait3A_400 = tpu.memref_slice %arg2[%dma_wait3A_384, %dma_wait3A_398, %dma_wait3A_399] : memref<4x10240x128xf32, #tpu.memory_space<hbm>> -> memref<1x128x128xf32, #tpu.memory_space<hbm>>
      %dma_wait3A_401 = tpu.memref_squeeze %dma_wait3A_400 : memref<1x128x128xf32, #tpu.memory_space<hbm>> -> memref<128x128xf32, #tpu.memory_space<hbm>>
      tpu.wait_dma2 semaphore(%arg10 : memref<!tpu.dma_semaphore, #tpu.memory_space<semaphore_mem>>) src(%dma_wait3A_401 : memref<128x128xf32, #tpu.memory_space<hbm>>) dst(%dma_wait3A_397 : memref<128x128xf32, #tpu.memory_space<vmem>>)
      %lt3A = arith.constant 19 : i32
      %lt3A_402 = arith.cmpi slt, %scan3A_226, %lt3A : i32
      %convert_element_type3A = arith.extui %lt3A_402 : i1 to i32
      %cond3A = arith.constant 0 : i32
      %cond3A_403 = arith.cmpi ne, %convert_element_type3A, %cond3A : i32
      scf.if %cond3A_403 {
        %add3A_468 = arith.constant 4 : i32
        %add3A_469 = arith.addi %mul3A_230, %add3A_468 : i32
        %add3A_470 = arith.constant 0 : i32
        %add3A_471 = arith.addi %add3A_469, %add3A_470 : i32
        %dma_start3A_472 = arith.constant 3 : i32
        %dma_start3A_473 = arith.constant 0 : i32
        %dma_start3A_474 = arith.constant 0 : i32
        %dma_start3A_475 = arith.constant 0 : i32
        %dma_start3A_476 = tpu.memref_slice %arg8[%dma_start3A_473, %dma_start3A_474, %dma_start3A_475] : memref<4x128x128xf32, #tpu.memory_space<vmem>> -> memref<1x128x128xf32, #tpu.memory_space<vmem>>
        %dma_start3A_477 = tpu.memref_squeeze %dma_start3A_476 : memref<1x128x128xf32, #tpu.memory_space<vmem>> -> memref<128x128xf32, #tpu.memory_space<vmem>>
        %dma_start3A_478 = arith.constant 0 : i32
        %dma_start3A_479 = tpu.memref_slice %arg6[%add3A_471, %dma_start3A_478] : memref<80x128xi32, #tpu.memory_space<vmem>> -> memref<1x128xi32, #tpu.memory_space<vmem>>
        %dma_start3A_480 = tpu.memref_squeeze %dma_start3A_479 : memref<1x128xi32, #tpu.memory_space<vmem>> -> memref<128xi32, #tpu.memory_space<vmem>>
        %dma_start3A_481 = arith.constant 0 : i32
        %dma_start3A_482 = arith.constant 0 : i32
        %dma_start3A_483 = tpu.memref_slice %arg2[%dma_start3A_472, %dma_start3A_481, %dma_start3A_482] : memref<4x10240x128xf32, #tpu.memory_space<hbm>> -> memref<1x10240x128xf32, #tpu.memory_space<hbm>>
        %dma_start3A_484 = tpu.memref_squeeze %dma_start3A_483 : memref<1x10240x128xf32, #tpu.memory_space<hbm>> -> memref<10240x128xf32, #tpu.memory_space<hbm>>
        %dma_start3A_485 = arith.constant 0 : i32
        %dma_start3A_486 = arith.constant 0 : i32
        %dma_start3A_487 = tpu.memref_slice %dma_start3A_484[%dma_start3A_485, %dma_start3A_486] : memref<10240x128xf32, #tpu.memory_space<hbm>> -> memref<10240x128xf32, #tpu.memory_space<hbm>>
        tpu.enqueue_indirect_dma source(%dma_start3A_487 : memref<10240x128xf32, #tpu.memory_space<hbm>>) target(%dma_start3A_477 : memref<128x128xf32, #tpu.memory_space<vmem>>) offsets(%dma_start3A_480 : memref<128xi32, #tpu.memory_space<vmem>>) semaphore(%arg10 : memref<!tpu.dma_semaphore, #tpu.memory_space<semaphore_mem>>)
        %add3A_488 = arith.constant 1 : i32
        %add3A_489 = arith.addi %add3A_469, %add3A_488 : i32
        %dma_start3A_490 = arith.constant 3 : i32
        %dma_start3A_491 = arith.constant 1 : i32
        %dma_start3A_492 = arith.constant 0 : i32
        %dma_start3A_493 = arith.constant 0 : i32
        %dma_start3A_494 = tpu.memref_slice %arg8[%dma_start3A_491, %dma_start3A_492, %dma_start3A_493] : memref<4x128x128xf32, #tpu.memory_space<vmem>> -> memref<1x128x128xf32, #tpu.memory_space<vmem>>
        %dma_start3A_495 = tpu.memref_squeeze %dma_start3A_494 : memref<1x128x128xf32, #tpu.memory_space<vmem>> -> memref<128x128xf32, #tpu.memory_space<vmem>>
        %dma_start3A_496 = arith.constant 0 : i32
        %dma_start3A_497 = tpu.memref_slice %arg6[%add3A_489, %dma_start3A_496] : memref<80x128xi32, #tpu.memory_space<vmem>> -> memref<1x128xi32, #tpu.memory_space<vmem>>
        %dma_start3A_498 = tpu.memref_squeeze %dma_start3A_497 : memref<1x128xi32, #tpu.memory_space<vmem>> -> memref<128xi32, #tpu.memory_space<vmem>>
        %dma_start3A_499 = arith.constant 0 : i32
        %dma_start3A_500 = arith.constant 0 : i32
        %dma_start3A_501 = tpu.memref_slice %arg2[%dma_start3A_490, %dma_start3A_499, %dma_start3A_500] : memref<4x10240x128xf32, #tpu.memory_space<hbm>> -> memref<1x10240x128xf32, #tpu.memory_space<hbm>>
        %dma_start3A_502 = tpu.memref_squeeze %dma_start3A_501 : memref<1x10240x128xf32, #tpu.memory_space<hbm>> -> memref<10240x128xf32, #tpu.memory_space<hbm>>
        %dma_start3A_503 = arith.constant 0 : i32
        %dma_start3A_504 = arith.constant 0 : i32
        %dma_start3A_505 = tpu.memref_slice %dma_start3A_502[%dma_start3A_503, %dma_start3A_504] : memref<10240x128xf32, #tpu.memory_space<hbm>> -> memref<10240x128xf32, #tpu.memory_space<hbm>>
        tpu.enqueue_indirect_dma source(%dma_start3A_505 : memref<10240x128xf32, #tpu.memory_space<hbm>>) target(%dma_start3A_495 : memref<128x128xf32, #tpu.memory_space<vmem>>) offsets(%dma_start3A_498 : memref<128xi32, #tpu.memory_space<vmem>>) semaphore(%arg10 : memref<!tpu.dma_semaphore, #tpu.memory_space<semaphore_mem>>)
      } else {
      }
      %add3A_404 = arith.constant 2 : i32
      %add3A_405 = arith.addi %mul3A_230, %add3A_404 : i32
      %add3A_406 = arith.constant 0 : i32
      %add3A_407 = arith.addi %add3A_405, %add3A_406 : i32
      %dma_start3A_408 = arith.constant 2 : i32
      %dma_start3A_409 = arith.constant 0 : i32
      %dma_start3A_410 = arith.constant 0 : i32
      %dma_start3A_411 = tpu.memref_slice %arg8[%dma_start3A_408, %dma_start3A_409, %dma_start3A_410] : memref<4x128x128xf32, #tpu.memory_space<vmem>> -> memref<1x128x128xf32, #tpu.memory_space<vmem>>
      %dma_start3A_412 = tpu.memref_squeeze %dma_start3A_411 : memref<1x128x128xf32, #tpu.memory_space<vmem>> -> memref<128x128xf32, #tpu.memory_space<vmem>>
      %dma_start3A_413 = arith.constant 0 : i32
      %dma_start3A_414 = tpu.memref_slice %arg7[%add3A_407, %dma_start3A_413] : memref<80x128xi32, #tpu.memory_space<vmem>> -> memref<1x128xi32, #tpu.memory_space<vmem>>
      %dma_start3A_415 = tpu.memref_squeeze %dma_start3A_414 : memref<1x128xi32, #tpu.memory_space<vmem>> -> memref<128xi32, #tpu.memory_space<vmem>>
      %dma_start3A_416 = arith.constant 0 : i32
      %dma_start3A_417 = arith.constant 0 : i32
      %dma_start3A_418 = tpu.memref_slice %arg9[%dma_start3A_416, %dma_start3A_417] : memref<5136x128xf32, #tpu.memory_space<vmem_shared>> -> memref<5136x128xf32, #tpu.memory_space<vmem_shared>>
      tpu.enqueue_indirect_dma source(%dma_start3A_412 : memref<128x128xf32, #tpu.memory_space<vmem>>) target(%dma_start3A_418 : memref<5136x128xf32, #tpu.memory_space<vmem_shared>>) offsets(%dma_start3A_415 : memref<128xi32, #tpu.memory_space<vmem>>) semaphore(%arg11 : memref<!tpu.dma_semaphore, #tpu.memory_space<semaphore_mem>>) {add = true}
      %add3A_419 = arith.constant 1 : i32
      %add3A_420 = arith.addi %add3A_405, %add3A_419 : i32
      %dma_start3A_421 = arith.constant 3 : i32
      %dma_start3A_422 = arith.constant 0 : i32
      %dma_start3A_423 = arith.constant 0 : i32
      %dma_start3A_424 = tpu.memref_slice %arg8[%dma_start3A_421, %dma_start3A_422, %dma_start3A_423] : memref<4x128x128xf32, #tpu.memory_space<vmem>> -> memref<1x128x128xf32, #tpu.memory_space<vmem>>
      %dma_start3A_425 = tpu.memref_squeeze %dma_start3A_424 : memref<1x128x128xf32, #tpu.memory_space<vmem>> -> memref<128x128xf32, #tpu.memory_space<vmem>>
      %dma_start3A_426 = arith.constant 0 : i32
      %dma_start3A_427 = tpu.memref_slice %arg7[%add3A_420, %dma_start3A_426] : memref<80x128xi32, #tpu.memory_space<vmem>> -> memref<1x128xi32, #tpu.memory_space<vmem>>
      %dma_start3A_428 = tpu.memref_squeeze %dma_start3A_427 : memref<1x128xi32, #tpu.memory_space<vmem>> -> memref<128xi32, #tpu.memory_space<vmem>>
      %dma_start3A_429 = arith.constant 0 : i32
      %dma_start3A_430 = arith.constant 0 : i32
      %dma_start3A_431 = tpu.memref_slice %arg9[%dma_start3A_429, %dma_start3A_430] : memref<5136x128xf32, #tpu.memory_space<vmem_shared>> -> memref<5136x128xf32, #tpu.memory_space<vmem_shared>>
      tpu.enqueue_indirect_dma source(%dma_start3A_425 : memref<128x128xf32, #tpu.memory_space<vmem>>) target(%dma_start3A_431 : memref<5136x128xf32, #tpu.memory_space<vmem_shared>>) offsets(%dma_start3A_428 : memref<128xi32, #tpu.memory_space<vmem>>) semaphore(%arg11 : memref<!tpu.dma_semaphore, #tpu.memory_space<semaphore_mem>>) {add = true}
      %dma_wait3A_432 = arith.constant 3 : i32
      %dma_wait3A_433 = arith.constant 0 : i32
      %dma_wait3A_434 = arith.constant 0 : i32
      %dma_wait3A_435 = arith.constant 0 : i32
      %dma_wait3A_436 = tpu.memref_slice %arg8[%dma_wait3A_433, %dma_wait3A_434, %dma_wait3A_435] : memref<4x128x128xf32, #tpu.memory_space<vmem>> -> memref<1x128x128xf32, #tpu.memory_space<vmem>>
      %dma_wait3A_437 = tpu.memref_squeeze %dma_wait3A_436 : memref<1x128x128xf32, #tpu.memory_space<vmem>> -> memref<128x128xf32, #tpu.memory_space<vmem>>
      %dma_wait3A_438 = arith.constant 0 : i32
      %dma_wait3A_439 = arith.constant 0 : i32
      %dma_wait3A_440 = tpu.memref_slice %arg2[%dma_wait3A_432, %dma_wait3A_438, %dma_wait3A_439] : memref<4x10240x128xf32, #tpu.memory_space<hbm>> -> memref<1x128x128xf32, #tpu.memory_space<hbm>>
      %dma_wait3A_441 = tpu.memref_squeeze %dma_wait3A_440 : memref<1x128x128xf32, #tpu.memory_space<hbm>> -> memref<128x128xf32, #tpu.memory_space<hbm>>
      %dma_wait3A_442 = arith.constant 0 : i32
      %dma_wait3A_443 = arith.constant 0 : i32
      %dma_wait3A_444 = tpu.memref_slice %arg8[%dma_wait3A_433, %dma_wait3A_442, %dma_wait3A_443] : memref<4x128x128xf32, #tpu.memory_space<vmem>> -> memref<1x128x128xf32, #tpu.memory_space<vmem>>
      %dma_wait3A_445 = tpu.memref_squeeze %dma_wait3A_444 : memref<1x128x128xf32, #tpu.memory_space<vmem>> -> memref<128x128xf32, #tpu.memory_space<vmem>>
      %dma_wait3A_446 = arith.constant 0 : i32
      %dma_wait3A_447 = arith.constant 0 : i32
      %dma_wait3A_448 = tpu.memref_slice %arg2[%dma_wait3A_432, %dma_wait3A_446, %dma_wait3A_447] : memref<4x10240x128xf32, #tpu.memory_space<hbm>> -> memref<1x128x128xf32, #tpu.memory_space<hbm>>
      %dma_wait3A_449 = tpu.memref_squeeze %dma_wait3A_448 : memref<1x128x128xf32, #tpu.memory_space<hbm>> -> memref<128x128xf32, #tpu.memory_space<hbm>>
      tpu.wait_dma2 semaphore(%arg11 : memref<!tpu.dma_semaphore, #tpu.memory_space<semaphore_mem>>) src(%dma_wait3A_449 : memref<128x128xf32, #tpu.memory_space<hbm>>) dst(%dma_wait3A_445 : memref<128x128xf32, #tpu.memory_space<vmem>>)
      %dma_wait3A_450 = arith.constant 3 : i32
      %dma_wait3A_451 = arith.constant 1 : i32
      %dma_wait3A_452 = arith.constant 0 : i32
      %dma_wait3A_453 = arith.constant 0 : i32
      %dma_wait3A_454 = tpu.memref_slice %arg8[%dma_wait3A_451, %dma_wait3A_452, %dma_wait3A_453] : memref<4x128x128xf32, #tpu.memory_space<vmem>> -> memref<1x128x128xf32, #tpu.memory_space<vmem>>
      %dma_wait3A_455 = tpu.memref_squeeze %dma_wait3A_454 : memref<1x128x128xf32, #tpu.memory_space<vmem>> -> memref<128x128xf32, #tpu.memory_space<vmem>>
      %dma_wait3A_456 = arith.constant 0 : i32
      %dma_wait3A_457 = arith.constant 0 : i32
      %dma_wait3A_458 = tpu.memref_slice %arg2[%dma_wait3A_450, %dma_wait3A_456, %dma_wait3A_457] : memref<4x10240x128xf32, #tpu.memory_space<hbm>> -> memref<1x128x128xf32, #tpu.memory_space<hbm>>
      %dma_wait3A_459 = tpu.memref_squeeze %dma_wait3A_458 : memref<1x128x128xf32, #tpu.memory_space<hbm>> -> memref<128x128xf32, #tpu.memory_space<hbm>>
      %dma_wait3A_460 = arith.constant 0 : i32
      %dma_wait3A_461 = arith.constant 0 : i32
      %dma_wait3A_462 = tpu.memref_slice %arg8[%dma_wait3A_451, %dma_wait3A_460, %dma_wait3A_461] : memref<4x128x128xf32, #tpu.memory_space<vmem>> -> memref<1x128x128xf32, #tpu.memory_space<vmem>>
      %dma_wait3A_463 = tpu.memref_squeeze %dma_wait3A_462 : memref<1x128x128xf32, #tpu.memory_space<vmem>> -> memref<128x128xf32, #tpu.memory_space<vmem>>
      %dma_wait3A_464 = arith.constant 0 : i32
      %dma_wait3A_465 = arith.constant 0 : i32
      %dma_wait3A_466 = tpu.memref_slice %arg2[%dma_wait3A_450, %dma_wait3A_464, %dma_wait3A_465] : memref<4x10240x128xf32, #tpu.memory_space<hbm>> -> memref<1x128x128xf32, #tpu.memory_space<hbm>>
      %dma_wait3A_467 = tpu.memref_squeeze %dma_wait3A_466 : memref<1x128x128xf32, #tpu.memory_space<hbm>> -> memref<128x128xf32, #tpu.memory_space<hbm>>
      tpu.wait_dma2 semaphore(%arg11 : memref<!tpu.dma_semaphore, #tpu.memory_space<semaphore_mem>>) src(%dma_wait3A_467 : memref<128x128xf32, #tpu.memory_space<hbm>>) dst(%dma_wait3A_463 : memref<128x128xf32, #tpu.memory_space<vmem>>)
    }
    %scan3A_217 = arith.constant 20 : i32
    %barrier3A_218 = arith.constant 0 : index
    tpu.barrier barrier_id(%barrier3A_218)
    %mul3A_219 = arith.constant 320 : i32
    %mul3A_220 = arith.muli %arg1, %mul3A_219 : i32
    %mul3A_221 = arith.constant 320 : i32
    %mul3A_222 = arith.muli %arg1, %mul3A_221 : i32
    %add3A_223 = arith.addi %mul3A_0, %mul3A_222 : i32
    %run_scoped3A_224 = arith.constant 3 : i32
    "tpu.region"() ({
      %run_scoped3A_226 = tpu.sem_alloc : memref<!tpu.dma_semaphore, #tpu.memory_space<semaphore_mem>>
      %dma_start3A_227 = arith.constant 0 : i32
      %dma_start3A_228 = tpu.memref_slice %arg5[%run_scoped3A_224, %add3A_223, %dma_start3A_227] : memref<4x10240x128xf32, #tpu.memory_space<hbm>> -> memref<1x320x128xf32, #tpu.memory_space<hbm>>
      %dma_start3A_229 = tpu.memref_squeeze %dma_start3A_228 : memref<1x320x128xf32, #tpu.memory_space<hbm>> -> memref<320x128xf32, #tpu.memory_space<hbm>>
      %dma_start3A_230 = arith.constant 0 : i32
      %dma_start3A_231 = tpu.memref_slice %arg9[%mul3A_220, %dma_start3A_230] : memref<5136x128xf32, #tpu.memory_space<vmem_shared>> -> memref<320x128xf32, #tpu.memory_space<vmem_shared>>
      tpu.enqueue_dma source(%dma_start3A_231 : memref<320x128xf32, #tpu.memory_space<vmem_shared>>) target(%dma_start3A_229 : memref<320x128xf32, #tpu.memory_space<hbm>>) target_semaphore(%run_scoped3A_226 : memref<!tpu.dma_semaphore, #tpu.memory_space<semaphore_mem>>)
      %dma_wait3A = arith.constant 0 : i32
      %dma_wait3A_232 = tpu.memref_slice %arg5[%run_scoped3A_224, %add3A_223, %dma_wait3A] : memref<4x10240x128xf32, #tpu.memory_space<hbm>> -> memref<1x320x128xf32, #tpu.memory_space<hbm>>
      %dma_wait3A_233 = tpu.memref_squeeze %dma_wait3A_232 : memref<1x320x128xf32, #tpu.memory_space<hbm>> -> memref<320x128xf32, #tpu.memory_space<hbm>>
      %dma_wait3A_234 = arith.constant 0 : i32
      %dma_wait3A_235 = tpu.memref_slice %arg9[%mul3A_220, %dma_wait3A_234] : memref<5136x128xf32, #tpu.memory_space<vmem_shared>> -> memref<320x128xf32, #tpu.memory_space<vmem_shared>>
      tpu.wait_dma2 semaphore(%run_scoped3A_226 : memref<!tpu.dma_semaphore, #tpu.memory_space<semaphore_mem>>) src(%dma_wait3A_235 : memref<320x128xf32, #tpu.memory_space<vmem_shared>>) dst(%dma_wait3A_233 : memref<320x128xf32, #tpu.memory_space<hbm>>)
      tpu.yield
    }) : () -> ()
    %barrier3A_225 = arith.constant 0 : index
    tpu.barrier barrier_id(%barrier3A_225)
    return
  }
}

module attributes {stable_mosaic.version = 14 : i64} {
  func.func @body(%arg0: i32, %arg1: i32, %arg2: memref<1280x256xf32, #tpu.memory_space<vmem>>, %arg3: memref<256x128xf32, #tpu.memory_space<vmem>>, %arg4: memref<1280x128xf32, #tpu.memory_space<vmem>>, %arg5: memref<1x1280x128xf32, #tpu.memory_space<vmem>>, %arg6: memref<1280x1xf32, #tpu.memory_space<vmem>>) attributes {dimension_semantics = [#tpu.dimension_semantics<arbitrary>, #tpu.dimension_semantics<arbitrary>], iteration_bounds = array<i64: 8, 4>, scalar_prefetch = 0 : i64, scratch_operands = 0 : i64, tpu.core_type = #tpu.core_type<tc>, window_params = [{transform_indices = @transform_0, window_bounds = array<i64: 1280, 256>}, {transform_indices = @transform_1, window_bounds = array<i64: 256, 128>}, {transform_indices = @transform_2, window_bounds = array<i64: 1280, 128>}, {transform_indices = @transform_3, window_bounds = array<i64: 1, 1280, 128>}, {transform_indices = @transform_4, window_bounds = array<i64: 1280, 1>}]} {
    %get3A = arith.constant 0 : index
    %get3A_0 = arith.constant 0 : index
    %get3A_1 = vector.load %arg4[%get3A, %get3A_0] : memref<1280x128xf32, #tpu.memory_space<vmem>>, vector<1280x1xf32>
    %add3A = arith.constant 1.000000e+00 : f32
    %add3A_2 = vector.broadcast %add3A : f32 to vector<1280x1xf32>
    %add3A_3 = arith.addf %get3A_1, %add3A_2 : vector<1280x1xf32>
    %rsqrt3A = math.rsqrt %add3A_3 : vector<1280x1xf32>
    %get3A_4 = arith.constant 0 : index
    %get3A_5 = arith.constant 0 : index
    %get3A_6 = vector.load %arg2[%get3A_4, %get3A_5] : memref<1280x256xf32, #tpu.memory_space<vmem>>, vector<1280x256xf32>
    %get3A_7 = arith.constant 0 : index
    %get3A_8 = arith.constant 0 : index
    %get3A_9 = vector.load %arg3[%get3A_7, %get3A_8] : memref<256x128xf32, #tpu.memory_space<vmem>>, vector<256x128xf32>
    %dot_general3A = arith.constant dense<0.000000e+00> : vector<1280x128xf32>
    %dot_general3A_10 = tpu.matmul %get3A_6, %get3A_9, %dot_general3A {dimension_numbers = #tpu.dot_dimension_numbers<[1], [0], [0], [1], [0, 0, 1, 1], [], []>, transpose_lhs_hint = false} : vector<1280x256xf32>, vector<256x128xf32>, vector<1280x128xf32> -> vector<1280x128xf32>
    %mul3A = vector.broadcast %rsqrt3A : vector<1280x1xf32> to vector<1280x128xf32>
    %mul3A_11 = arith.mulf %dot_general3A_10, %mul3A : vector<1280x128xf32>
    %swap3A = arith.constant 0 : index
    %swap3A_12 = arith.constant 0 : index
    %swap3A_13 = arith.constant 0 : index
    %swap3A_14 = vector.load %arg5[%swap3A, %swap3A_12, %swap3A_13] : memref<1x1280x128xf32, #tpu.memory_space<vmem>>, vector<1x1280x128xf32>
    %swap3A_15 = vector.shape_cast %swap3A_14 : vector<1x1280x128xf32> to vector<1280x128xf32>
    %swap3A_16 = vector.shape_cast %mul3A_11 : vector<1280x128xf32> to vector<1x1280x128xf32>
    tpu.vector_store %arg5[%swap3A, %swap3A_12, %swap3A_13], %swap3A_16 {strides = array<i32>} : memref<1x1280x128xf32, #tpu.memory_space<vmem>>, vector<1x1280x128xf32>,
    %swap3A_17 = arith.constant 0 : index
    %swap3A_18 = arith.constant 0 : index
    %swap3A_19 = vector.load %arg6[%swap3A_17, %swap3A_18] : memref<1280x1xf32, #tpu.memory_space<vmem>>, vector<1280x1xf32>
    tpu.vector_store %arg6[%swap3A_17, %swap3A_18], %rsqrt3A {strides = array<i32>} : memref<1280x1xf32, #tpu.memory_space<vmem>>, vector<1280x1xf32>,
    return
  }
  func.func @transform_0(%arg0: i32, %arg1: i32) -> (i32, i32) {
    %c0_i32 = arith.constant 0 : i32
    %c0_i32_0 = arith.constant 0 : i32
    return %arg0, %c0_i32 : i32, i32
  }
  func.func @transform_1(%arg0: i32, %arg1: i32) -> (i32, i32) {
    %c0_i32 = arith.constant 0 : i32
    %c0_i32_0 = arith.constant 0 : i32
    return %c0_i32, %arg1 : i32, i32
  }
  func.func @transform_2(%arg0: i32, %arg1: i32) -> (i32, i32) {
    %c0_i32 = arith.constant 0 : i32
    %c0_i32_0 = arith.constant 0 : i32
    return %arg0, %c0_i32 : i32, i32
  }
  func.func @transform_3(%arg0: i32, %arg1: i32) -> (i32, i32, i32) {
    %c0_i32 = arith.constant 0 : i32
    %c0_i32_0 = arith.constant 0 : i32
    return %arg1, %arg0, %c0_i32 : i32, i32, i32
  }
  func.func @transform_4(%arg0: i32, %arg1: i32) -> (i32, i32) {
    %c0_i32 = arith.constant 0 : i32
    %c0_i32_0 = arith.constant 0 : i32
    return %arg0, %c0_i32 : i32, i32
  }
}

module attributes {stable_mosaic.version = 14 : i64} {
  func.func @body(%arg0: i32, %arg1: i32, %arg2: memref<4x1280x128xf32, #tpu.memory_space<vmem>>, %arg3: memref<1280x1xf32, #tpu.memory_space<vmem>>, %arg4: memref<1x512xf32, #tpu.memory_space<vmem>>, %arg5: memref<512x128xf32, #tpu.memory_space<vmem>>, %arg6: memref<1x1280x128xf32, #tpu.memory_space<vmem>>) attributes {dimension_semantics = [#tpu.dimension_semantics<arbitrary>, #tpu.dimension_semantics<arbitrary>], iteration_bounds = array<i64: 8, 4>, scalar_prefetch = 0 : i64, scratch_operands = 0 : i64, tpu.core_type = #tpu.core_type<tc>, window_params = [{transform_indices = @transform_0, window_bounds = array<i64: 4, 1280, 128>}, {transform_indices = @transform_1, window_bounds = array<i64: 1280, 1>}, {pipeline_mode = #tpu.pipeline_mode<synchronous>, transform_indices = @transform_2, window_bounds = array<i64: 1, 512>}, {transform_indices = @transform_3, window_bounds = array<i64: 512, 128>}, {transform_indices = @transform_4, window_bounds = array<i64: 1, 1280, 128>}]} {
    %get3A = arith.constant 0 : index
    %get3A_0 = arith.constant 0 : index
    %get3A_1 = vector.load %arg3[%get3A, %get3A_0] : memref<1280x1xf32, #tpu.memory_space<vmem>>, vector<1280x1xf32>
    %broadcast_in_dim3A = arith.constant 0.000000e+00 : f32
    %broadcast_in_dim3A_2 = vector.broadcast %broadcast_in_dim3A : f32 to vector<1280x128xf32>
    %get3A_3 = arith.constant 0 : index
    %get3A_4 = arith.constant 0 : index
    %get3A_5 = arith.constant 0 : index
    %get3A_6 = vector.load %arg2[%get3A_3, %get3A_4, %get3A_5] : memref<4x1280x128xf32, #tpu.memory_space<vmem>>, vector<1x1280x128xf32>
    %get3A_7 = vector.shape_cast %get3A_6 : vector<1x1280x128xf32> to vector<1280x128xf32>
    %mul3A = vector.broadcast %get3A_1 : vector<1280x1xf32> to vector<1280x128xf32>
    %mul3A_8 = arith.mulf %get3A_7, %mul3A : vector<1280x128xf32>
    %get3A_9 = arith.constant 0 : index
    %get3A_10 = arith.constant 0 : index
    %get3A_11 = vector.load %arg4[%get3A_9, %get3A_10] : memref<1x512xf32, #tpu.memory_space<vmem>>, vector<1x128xf32>
    %add3A = vector.broadcast %get3A_11 : vector<1x128xf32> to vector<1280x128xf32>
    %add3A_12 = arith.addf %mul3A_8, %add3A : vector<1280x128xf32>
    %max3A = arith.constant 0.000000e+00 : f32
    %max3A_13 = vector.broadcast %max3A : f32 to vector<1280x128xf32>
    %max3A_14 = arith.maximumf %add3A_12, %max3A_13 : vector<1280x128xf32>
    %get3A_15 = arith.constant 0 : index
    %get3A_16 = arith.constant 0 : index
    %get3A_17 = vector.load %arg5[%get3A_15, %get3A_16] : memref<512x128xf32, #tpu.memory_space<vmem>>, vector<128x128xf32>
    %dot_general3A = arith.constant dense<0.000000e+00> : vector<1280x128xf32>
    %dot_general3A_18 = tpu.matmul %max3A_14, %get3A_17, %dot_general3A {dimension_numbers = #tpu.dot_dimension_numbers<[1], [0], [0], [1], [0, 0, 1, 1], [], []>, transpose_lhs_hint = false} : vector<1280x128xf32>, vector<128x128xf32>, vector<1280x128xf32> -> vector<1280x128xf32>
    %add3A_19 = arith.addf %broadcast_in_dim3A_2, %dot_general3A_18 : vector<1280x128xf32>
    %get3A_20 = arith.constant 1 : index
    %get3A_21 = arith.constant 0 : index
    %get3A_22 = arith.constant 0 : index
    %get3A_23 = vector.load %arg2[%get3A_20, %get3A_21, %get3A_22] : memref<4x1280x128xf32, #tpu.memory_space<vmem>>, vector<1x1280x128xf32>
    %get3A_24 = vector.shape_cast %get3A_23 : vector<1x1280x128xf32> to vector<1280x128xf32>
    %mul3A_25 = vector.broadcast %get3A_1 : vector<1280x1xf32> to vector<1280x128xf32>
    %mul3A_26 = arith.mulf %get3A_24, %mul3A_25 : vector<1280x128xf32>
    %get3A_27 = arith.constant 0 : index
    %get3A_28 = arith.constant 128 : index
    %get3A_29 = vector.load %arg4[%get3A_27, %get3A_28] : memref<1x512xf32, #tpu.memory_space<vmem>>, vector<1x128xf32>
    %add3A_30 = vector.broadcast %get3A_29 : vector<1x128xf32> to vector<1280x128xf32>
    %add3A_31 = arith.addf %mul3A_26, %add3A_30 : vector<1280x128xf32>
    %max3A_32 = arith.constant 0.000000e+00 : f32
    %max3A_33 = vector.broadcast %max3A_32 : f32 to vector<1280x128xf32>
    %max3A_34 = arith.maximumf %add3A_31, %max3A_33 : vector<1280x128xf32>
    %get3A_35 = arith.constant 128 : index
    %get3A_36 = arith.constant 0 : index
    %get3A_37 = vector.load %arg5[%get3A_35, %get3A_36] : memref<512x128xf32, #tpu.memory_space<vmem>>, vector<128x128xf32>
    %dot_general3A_38 = arith.constant dense<0.000000e+00> : vector<1280x128xf32>
    %dot_general3A_39 = tpu.matmul %max3A_34, %get3A_37, %dot_general3A_38 {dimension_numbers = #tpu.dot_dimension_numbers<[1], [0], [0], [1], [0, 0, 1, 1], [], []>, transpose_lhs_hint = false} : vector<1280x128xf32>, vector<128x128xf32>, vector<1280x128xf32> -> vector<1280x128xf32>
    %add3A_40 = arith.addf %add3A_19, %dot_general3A_39 : vector<1280x128xf32>
    %get3A_41 = arith.constant 2 : index
    %get3A_42 = arith.constant 0 : index
    %get3A_43 = arith.constant 0 : index
    %get3A_44 = vector.load %arg2[%get3A_41, %get3A_42, %get3A_43] : memref<4x1280x128xf32, #tpu.memory_space<vmem>>, vector<1x1280x128xf32>
    %get3A_45 = vector.shape_cast %get3A_44 : vector<1x1280x128xf32> to vector<1280x128xf32>
    %mul3A_46 = vector.broadcast %get3A_1 : vector<1280x1xf32> to vector<1280x128xf32>
    %mul3A_47 = arith.mulf %get3A_45, %mul3A_46 : vector<1280x128xf32>
    %get3A_48 = arith.constant 0 : index
    %get3A_49 = arith.constant 256 : index
    %get3A_50 = vector.load %arg4[%get3A_48, %get3A_49] : memref<1x512xf32, #tpu.memory_space<vmem>>, vector<1x128xf32>
    %add3A_51 = vector.broadcast %get3A_50 : vector<1x128xf32> to vector<1280x128xf32>
    %add3A_52 = arith.addf %mul3A_47, %add3A_51 : vector<1280x128xf32>
    %max3A_53 = arith.constant 0.000000e+00 : f32
    %max3A_54 = vector.broadcast %max3A_53 : f32 to vector<1280x128xf32>
    %max3A_55 = arith.maximumf %add3A_52, %max3A_54 : vector<1280x128xf32>
    %get3A_56 = arith.constant 256 : index
    %get3A_57 = arith.constant 0 : index
    %get3A_58 = vector.load %arg5[%get3A_56, %get3A_57] : memref<512x128xf32, #tpu.memory_space<vmem>>, vector<128x128xf32>
    %dot_general3A_59 = arith.constant dense<0.000000e+00> : vector<1280x128xf32>
    %dot_general3A_60 = tpu.matmul %max3A_55, %get3A_58, %dot_general3A_59 {dimension_numbers = #tpu.dot_dimension_numbers<[1], [0], [0], [1], [0, 0, 1, 1], [], []>, transpose_lhs_hint = false} : vector<1280x128xf32>, vector<128x128xf32>, vector<1280x128xf32> -> vector<1280x128xf32>
    %add3A_61 = arith.addf %add3A_40, %dot_general3A_60 : vector<1280x128xf32>
    %get3A_62 = arith.constant 3 : index
    %get3A_63 = arith.constant 0 : index
    %get3A_64 = arith.constant 0 : index
    %get3A_65 = vector.load %arg2[%get3A_62, %get3A_63, %get3A_64] : memref<4x1280x128xf32, #tpu.memory_space<vmem>>, vector<1x1280x128xf32>
    %get3A_66 = vector.shape_cast %get3A_65 : vector<1x1280x128xf32> to vector<1280x128xf32>
    %mul3A_67 = vector.broadcast %get3A_1 : vector<1280x1xf32> to vector<1280x128xf32>
    %mul3A_68 = arith.mulf %get3A_66, %mul3A_67 : vector<1280x128xf32>
    %get3A_69 = arith.constant 0 : index
    %get3A_70 = arith.constant 384 : index
    %get3A_71 = vector.load %arg4[%get3A_69, %get3A_70] : memref<1x512xf32, #tpu.memory_space<vmem>>, vector<1x128xf32>
    %add3A_72 = vector.broadcast %get3A_71 : vector<1x128xf32> to vector<1280x128xf32>
    %add3A_73 = arith.addf %mul3A_68, %add3A_72 : vector<1280x128xf32>
    %max3A_74 = arith.constant 0.000000e+00 : f32
    %max3A_75 = vector.broadcast %max3A_74 : f32 to vector<1280x128xf32>
    %max3A_76 = arith.maximumf %add3A_73, %max3A_75 : vector<1280x128xf32>
    %get3A_77 = arith.constant 384 : index
    %get3A_78 = arith.constant 0 : index
    %get3A_79 = vector.load %arg5[%get3A_77, %get3A_78] : memref<512x128xf32, #tpu.memory_space<vmem>>, vector<128x128xf32>
    %dot_general3A_80 = arith.constant dense<0.000000e+00> : vector<1280x128xf32>
    %dot_general3A_81 = tpu.matmul %max3A_76, %get3A_79, %dot_general3A_80 {dimension_numbers = #tpu.dot_dimension_numbers<[1], [0], [0], [1], [0, 0, 1, 1], [], []>, transpose_lhs_hint = false} : vector<1280x128xf32>, vector<128x128xf32>, vector<1280x128xf32> -> vector<1280x128xf32>
    %add3A_82 = arith.addf %add3A_61, %dot_general3A_81 : vector<1280x128xf32>
    %mul3A_83 = vector.broadcast %get3A_1 : vector<1280x1xf32> to vector<1280x128xf32>
    %mul3A_84 = arith.mulf %add3A_82, %mul3A_83 : vector<1280x128xf32>
    %swap3A = arith.constant 0 : index
    %swap3A_85 = arith.constant 0 : index
    %swap3A_86 = arith.constant 0 : index
    %swap3A_87 = vector.load %arg6[%swap3A, %swap3A_85, %swap3A_86] : memref<1x1280x128xf32, #tpu.memory_space<vmem>>, vector<1x1280x128xf32>
    %swap3A_88 = vector.shape_cast %swap3A_87 : vector<1x1280x128xf32> to vector<1280x128xf32>
    %swap3A_89 = vector.shape_cast %mul3A_84 : vector<1280x128xf32> to vector<1x1280x128xf32>
    tpu.vector_store %arg6[%swap3A, %swap3A_85, %swap3A_86], %swap3A_89 {strides = array<i32>} : memref<1x1280x128xf32, #tpu.memory_space<vmem>>, vector<1x1280x128xf32>,
    return
  }
  func.func @transform_0(%arg0: i32, %arg1: i32) -> (i32, i32, i32) {
    %c0_i32 = arith.constant 0 : i32
    %c0_i32_0 = arith.constant 0 : i32
    %c0_i32_1 = arith.constant 0 : i32
    return %c0_i32, %arg0, %c0_i32_0 : i32, i32, i32
  }
  func.func @transform_1(%arg0: i32, %arg1: i32) -> (i32, i32) {
    %c0_i32 = arith.constant 0 : i32
    %c0_i32_0 = arith.constant 0 : i32
    return %arg0, %c0_i32 : i32, i32
  }
  func.func @transform_2(%arg0: i32, %arg1: i32) -> (i32, i32) {
    %c0_i32 = arith.constant 0 : i32
    %c0_i32_0 = arith.constant 0 : i32
    %c0_i32_1 = arith.constant 0 : i32
    return %c0_i32, %c0_i32_0 : i32, i32
  }
  func.func @transform_3(%arg0: i32, %arg1: i32) -> (i32, i32) {
    %c0_i32 = arith.constant 0 : i32
    %c0_i32_0 = arith.constant 0 : i32
    return %c0_i32, %arg1 : i32, i32
  }
  func.func @transform_4(%arg0: i32, %arg1: i32) -> (i32, i32, i32) {
    %c0_i32 = arith.constant 0 : i32
    %c0_i32_0 = arith.constant 0 : i32
    return %arg1, %arg0, %c0_i32 : i32, i32, i32
  }
}

module attributes {stable_mosaic.version = 14 : i64} {
  func.func @body(%arg0: i32, %arg1: memref<2x1280x128xf32, #tpu.memory_space<vmem>>, %arg2: memref<1280x1xf32, #tpu.memory_space<vmem>>, %arg3: memref<1x256xf32, #tpu.memory_space<vmem>>, %arg4: memref<1280x256xf32, #tpu.memory_space<vmem>>) attributes {dimension_semantics = [#tpu.dimension_semantics<arbitrary>], iteration_bounds = array<i64: 8>, scalar_prefetch = 0 : i64, scratch_operands = 0 : i64, tpu.core_type = #tpu.core_type<tc>, window_params = [{transform_indices = @transform_0, window_bounds = array<i64: 2, 1280, 128>}, {transform_indices = @transform_1, window_bounds = array<i64: 1280, 1>}, {pipeline_mode = #tpu.pipeline_mode<synchronous>, transform_indices = @transform_2, window_bounds = array<i64: 1, 256>}, {transform_indices = @transform_3, window_bounds = array<i64: 1280, 256>}]} {
    %get3A = arith.constant 0 : index
    %get3A_0 = arith.constant 0 : index
    %get3A_1 = arith.constant 0 : index
    %get3A_2 = vector.load %arg1[%get3A, %get3A_0, %get3A_1] : memref<2x1280x128xf32, #tpu.memory_space<vmem>>, vector<1x1280x128xf32>
    %get3A_3 = vector.shape_cast %get3A_2 : vector<1x1280x128xf32> to vector<1280x128xf32>
    %get3A_4 = arith.constant 1 : index
    %get3A_5 = arith.constant 0 : index
    %get3A_6 = arith.constant 0 : index
    %get3A_7 = vector.load %arg1[%get3A_4, %get3A_5, %get3A_6] : memref<2x1280x128xf32, #tpu.memory_space<vmem>>, vector<1x1280x128xf32>
    %get3A_8 = vector.shape_cast %get3A_7 : vector<1x1280x128xf32> to vector<1280x128xf32>
    %concatenate3A = tpu.concatenate %get3A_3, %get3A_8 in 1 : vector<1280x128xf32>, vector<1280x128xf32> -> vector<1280x256xf32>
    %get3A_9 = arith.constant 0 : index
    %get3A_10 = arith.constant 0 : index
    %get3A_11 = vector.load %arg2[%get3A_9, %get3A_10] : memref<1280x1xf32, #tpu.memory_space<vmem>>, vector<1280x1xf32>
    %mul3A = vector.broadcast %get3A_11 : vector<1280x1xf32> to vector<1280x256xf32>
    %mul3A_12 = arith.mulf %concatenate3A, %mul3A : vector<1280x256xf32>
    %get3A_13 = arith.constant 0 : index
    %get3A_14 = arith.constant 0 : index
    %get3A_15 = vector.load %arg3[%get3A_13, %get3A_14] : memref<1x256xf32, #tpu.memory_space<vmem>>, vector<1x256xf32>
    %add3A = vector.broadcast %get3A_15 : vector<1x256xf32> to vector<1280x256xf32>
    %add3A_16 = arith.addf %mul3A_12, %add3A : vector<1280x256xf32>
    %max3A = arith.constant 0.000000e+00 : f32
    %max3A_17 = vector.broadcast %max3A : f32 to vector<1280x256xf32>
    %max3A_18 = arith.maximumf %add3A_16, %max3A_17 : vector<1280x256xf32>
    %swap3A = arith.constant 0 : index
    %swap3A_19 = arith.constant 0 : index
    %swap3A_20 = vector.load %arg4[%swap3A, %swap3A_19] : memref<1280x256xf32, #tpu.memory_space<vmem>>, vector<1280x256xf32>
    tpu.vector_store %arg4[%swap3A, %swap3A_19], %max3A_18 {strides = array<i32>} : memref<1280x256xf32, #tpu.memory_space<vmem>>, vector<1280x256xf32>,
    return
  }
  func.func @transform_0(%arg0: i32) -> (i32, i32, i32) {
    %c0_i32 = arith.constant 0 : i32
    %c0_i32_0 = arith.constant 0 : i32
    %c0_i32_1 = arith.constant 0 : i32
    return %c0_i32, %arg0, %c0_i32_0 : i32, i32, i32
  }
  func.func @transform_1(%arg0: i32) -> (i32, i32) {
    %c0_i32 = arith.constant 0 : i32
    %c0_i32_0 = arith.constant 0 : i32
    return %arg0, %c0_i32 : i32, i32
  }
  func.func @transform_2(%arg0: i32) -> (i32, i32) {
    %c0_i32 = arith.constant 0 : i32
    %c0_i32_0 = arith.constant 0 : i32
    %c0_i32_1 = arith.constant 0 : i32
    return %c0_i32, %c0_i32_0 : i32, i32
  }
  func.func @transform_3(%arg0: i32) -> (i32, i32) {
    %c0_i32 = arith.constant 0 : i32
    %c0_i32_0 = arith.constant 0 : i32
    return %arg0, %c0_i32 : i32, i32
  }
}

module attributes {stable_mosaic.version = 14 : i64} {
  func.func @body(%arg0: i32, %arg1: memref<10240x256xf32, #tpu.memory_space<vmem>>, %arg2: memref<1x10240xi32, #tpu.memory_space<vmem>>, %arg3: memref<128x256xf32, #tpu.memory_space<vmem>>) attributes {dimension_semantics = [#tpu.dimension_semantics<arbitrary>], iteration_bounds = array<i64: 1>, scalar_prefetch = 0 : i64, scratch_operands = 0 : i64, tpu.core_type = #tpu.core_type<tc>, window_params = [{pipeline_mode = #tpu.pipeline_mode<synchronous>, transform_indices = @transform_0, window_bounds = array<i64: 10240, 256>}, {pipeline_mode = #tpu.pipeline_mode<synchronous>, transform_indices = @transform_1, window_bounds = array<i64: 1, 10240>}, {pipeline_mode = #tpu.pipeline_mode<synchronous>, transform_indices = @transform_2, window_bounds = array<i64: 128, 256>}]} {
    %iota3A = tpu.iota {dimensions = array<i32: 0>} : vector<128x10240xi32>
    %get3A = arith.constant 0 : index
    %get3A_0 = arith.constant 0 : index
    %get3A_1 = vector.load %arg2[%get3A, %get3A_0] : memref<1x10240xi32, #tpu.memory_space<vmem>>, vector<1x10240xi32>
    %eq3A = vector.broadcast %get3A_1 : vector<1x10240xi32> to vector<128x10240xi32>
    %eq3A_2 = arith.cmpi eq, %eq3A, %iota3A : vector<128x10240xi32>
    %convert_element_type3A = arith.extui %eq3A_2 : vector<128x10240xi1> to vector<128x10240xi32>
    %convert_element_type3A_3 = arith.sitofp %convert_element_type3A : vector<128x10240xi32> to vector<128x10240xf32>
    %get3A_4 = arith.constant 0 : index
    %get3A_5 = arith.constant 0 : index
    %get3A_6 = vector.load %arg1[%get3A_4, %get3A_5] : memref<10240x256xf32, #tpu.memory_space<vmem>>, vector<10240x256xf32>
    %dot_general3A = arith.constant dense<0.000000e+00> : vector<128x256xf32>
    %dot_general3A_7 = tpu.matmul %convert_element_type3A_3, %get3A_6, %dot_general3A {dimension_numbers = #tpu.dot_dimension_numbers<[1], [0], [0], [1], [0, 0, 1, 1], [], []>, transpose_lhs_hint = false} : vector<128x10240xf32>, vector<10240x256xf32>, vector<128x256xf32> -> vector<128x256xf32>
    %reduce_sum3A = arith.constant dense<0.000000e+00> : vector<128xf32>
    %reduce_sum3A_8 = vector.multi_reduction <add>, %convert_element_type3A_3, %reduce_sum3A [1] : vector<128x10240xf32> to vector<128xf32>
    %broadcast_in_dim3A = vector.shape_cast %reduce_sum3A_8 : vector<128xf32> to vector<128x1xf32>
    %max3A = arith.constant 1.000000e+00 : f32
    %max3A_9 = vector.broadcast %max3A : f32 to vector<128x1xf32>
    %max3A_10 = arith.maximumf %broadcast_in_dim3A, %max3A_9 : vector<128x1xf32>
    %div3A = vector.broadcast %max3A_10 : vector<128x1xf32> to vector<128x256xf32>
    %div3A_11 = arith.divf %dot_general3A_7, %div3A : vector<128x256xf32>
    %swap3A = arith.constant 0 : index
    %swap3A_12 = arith.constant 0 : index
    %swap3A_13 = vector.load %arg3[%swap3A, %swap3A_12] : memref<128x256xf32, #tpu.memory_space<vmem>>, vector<128x256xf32>
    tpu.vector_store %arg3[%swap3A, %swap3A_12], %div3A_11 {strides = array<i32>} : memref<128x256xf32, #tpu.memory_space<vmem>>, vector<128x256xf32>,
    return
  }
  func.func @transform_0(%arg0: i32) -> (i32, i32) {
    %c0_i32 = arith.constant 0 : i32
    %c0_i32_0 = arith.constant 0 : i32
    %c0_i32_1 = arith.constant 0 : i32
    return %c0_i32, %c0_i32_0 : i32, i32
  }
  func.func @transform_1(%arg0: i32) -> (i32, i32) {
    %c0_i32 = arith.constant 0 : i32
    %c0_i32_0 = arith.constant 0 : i32
    %c0_i32_1 = arith.constant 0 : i32
    return %c0_i32, %c0_i32_0 : i32, i32
  }
  func.func @transform_2(%arg0: i32) -> (i32, i32) {
    %c0_i32 = arith.constant 0 : i32
    %c0_i32_0 = arith.constant 0 : i32
    %c0_i32_1 = arith.constant 0 : i32
    return %c0_i32, %c0_i32_0 : i32, i32
  }
}

</mosaic_0001>

<sc_bundles>
// kernel: closed_call.11.cloned.1.call-start
scs
__scs_entry_jumppad:
0x0: {  	(pc) =	sbr.rel $0x88, $3  }
0x1: {  	(tag) =	ssettag $0x0;
	lr =	simm.s32 $0x1  }
0x2: {  	[smem:$0x3F98] =	sst lr;
	_ =	strace $0xD0000000  }
0x3: {  	_ = 	snop  }
0x4: {  	_ = 	snop  }
0x5: {  	_ = 	snop  }
0x6: {  	_ = 	snop  }
0x7: {  	_ = 	snop  }
__scs_overlays_trampoline_lowered:
0x8: {  	[smem:$0x3FA7] =	sst s0  }
0x9: {  	[smem:$0x3FA8] =	sst s1  }
0xa: {  	[smem:$0x3FA9] =	sst s2  }
0xb: {  	[smem:$0x3FAA] =	sst s3  }
0xc: {  	[smem:$0x3FAB] =	sst s4  }
0xd: {  	[smem:$0x3FAC] =	sst s5  }
0xe: {  	[smem:$0x3FAD] =	sst s6  }
0xf: {  	[smem:$0x3FAE] =	sst s7  }
0x10: {  	[smem:$0x3FAF] =	sst s8  }
0x11: {  	[smem:$0x3FB0] =	sst s9;
	s0 =	simm.s32 @!p0 $0x0  }
0x12: {  	s1 =	sld [smem:$0x3F96];
	s0 =	simm.s32 @p0 $0x1  }
0x13: {  	[smem:$0x3FB1] =	sst s0;
	s0 =	simm.s32 @!p1 $0x0  }
0x14: {  	s2 =	sld [smem:$0x3F95];
	s0 =	simm.s32 @p1 $0x1  }
0x15: {  	[smem:$0x3FB2] =	sst s0;
	s0 =	simm.s32 @!p2 $0x0  }
0x16: {  	s3 =	sld [smem:$0x3FDB];
	s0 =	simm.s32 @p2 $0x1  }
0x17: {  	s4 =	simm.s32 $0x1BF5;
	[smem:$0x3FB4] =	sst s0  }
0x18: {  	s0 =	sld [smem:$0x3F97];
	_ =	swait.ge [sflag:s4], $0x0  }
0x19: {  	s7 =	sld [smem:$0x3F98]  }
0x1a: {  	s8 =	sadd.s32 $0xFFFFE003, lr  }
0x1b: {  	s9 =	sadd.s32 $0xFFFFFEF7, lr;
	s5 =	simm.s32 $0xFFFFFFFF;
	p2 =	slt.u32 s8, $0xFFFFF086  }
0x1c: {  	p1 =	slt.u32 s9, $0xF7A;
	s5 =	simm.s32 @!p2 $0x0  }
0x1d: {  	s5 =	simm.s32 @p1 $0x1;
	p0 =	seq.s32 s7, s2  }
0x1e: {  	s7 =	smul.u32 @!p0 $0xF7A, s2;
	p2 =	seq.s32 @!p0 s5, $0x0  }
0x1f: {  	s9 =	smul.u32 $0xF7A, s1;
	s8 =	simm.s32 @!p0 $0x1BF5;
	p2 =	por !p2, p0  }
0x20: {  	[sflag:s8] =	ssyncset.s32 @!p0 $0xFFFFF086;
	s6 =	sadd.s32 @!p0 s3, s7;
	s7 =	simm.s32 @!p0 $0x108  }
0x21: {  	s3 =	sadd.s32 s3, s9;
	s6 =	sadd.s32 @!p0 $0x88, s6;
	s7 =	simm.s32 @p2 $0x1082  }
0x22: {  	[simem:s7], [sflag:s8] =	dma.local @!p0 [hbm:s6], $0xF7A  }
0x23: {  	s9 =	sor.u32 $0xD0000000, s2;
	s6 =	simm.s32 $0x108;
	_ =	swait.ge @!p0 [sflag:s8], $0x0  }
0x24: {  	s3 =	sadd.s32 $0x88, s3;
	s6 =	simm.s32 @!p1 $0x1082;
	[sflag:s4] =	ssyncset.s32 $0xFFFFF086  }
0x25: {  	[simem:s6], [sflag:s4] =	dma.local [hbm:s3], $0xF7A  }
0x26: {  	[smem:$0x3F98] =	sst s1;
	(tag) =	ssettag s2;
	_ =	strace s9  }
0x27: {  	s1 =	sld [smem:$0x3FA8]  }
0x28: {  	s2 =	sld [smem:$0x3FA9]  }
0x29: {  	s4 =	sld [smem:$0x3FAB]  }
0x2a: {  	p0 =	seq.s32 s5, $0x0;
	s5 =	sld [smem:$0x3FAC]  }
0x2b: {  	s6 =	sld [smem:$0x3FAD]  }
0x2c: {  	s7 =	sld [smem:$0x3FAE]  }
0x2d: {  	s3 =	simm.s32 $0x108;
	s8 =	sld [smem:$0x3FAF]  }
0x2e: {  	s3 =	simm.s32 @!p0 $0x1082;
	s9 =	sld [smem:$0x3FB0]  }
0x2f: {  	lr =	sadd.s32 s0, s3;
	s0 =	sld [smem:$0x3FA7]  }
0x30: {  	s3 =	sld [smem:$0x3FAA]  }
0x31: {  	[smem:$0x3FB3] =	sst s10  }
0x32: {  	s10 =	sld [smem:$0x3FB1];
	_ =	sdelay $0x3  }
0x33: {  	p0 =	seq.s32 s10, $0x1;
	s10 =	sld [smem:$0x3FB3];
	_ =	sdelay $0x3  }
0x34: {  	[smem:$0x3FB3] =	sst s10  }
0x35: {  	s10 =	sld [smem:$0x3FB2];
	_ =	sdelay $0x3  }
0x36: {  	p1 =	seq.s32 s10, $0x1;
	s10 =	sld [smem:$0x3FB3];
	_ =	sdelay $0x3  }
0x37: {  	[smem:$0x3FB3] =	sst s10  }
0x38: {  	s10 =	sld [smem:$0x3FB4]  }
0x39: {  	_ = 	snop;
	(pc) =	sbr.ind lr, $3  }
0x3a: {  	_ = 	snop  }
0x3b: {  	_ = 	snop  }
0x3c: {  	p2 =	seq.s32 s10, $0x1;
	s10 =	sld [smem:$0x3FB3]  }
0x3d: {  	_ =	shalt  }
0x3e: {  	_ =	shalt  }
0x3f: {  	_ =	shalt  }
0x40: {  	_ =	shalt  }
0x41: {  	_ =	shalt  }
0x42: {  	_ =	shalt  }
0x43: {  	_ =	shalt  }
0x44: {  	_ =	shalt  }
0x45: {  	_ =	shalt  }
0x46: {  	_ =	shalt  }
0x47: {  	_ =	shalt  }
0x48: {  	_ =	shalt  }
0x49: {  	_ =	shalt  }
0x4a: {  	_ =	shalt  }
0x4b: {  	_ =	shalt  }
0x4c: {  	_ =	shalt  }
0x4d: {  	_ =	shalt  }
0x4e: {  	_ =	shalt  }
0x4f: {  	_ =	shalt  }
0x50: {  	_ =	shalt  }
0x51: {  	_ =	shalt  }
0x52: {  	_ =	shalt  }
0x53: {  	_ =	shalt  }
0x54: {  	_ =	shalt  }
0x55: {  	_ =	shalt  }
0x56: {  	_ =	shalt  }
0x57: {  	_ =	shalt  }
0x58: {  	_ =	shalt  }
0x59: {  	_ =	shalt  }
0x5a: {  	_ =	shalt  }
0x5b: {  	_ =	shalt  }
0x5c: {  	_ =	shalt  }
0x5d: {  	_ =	shalt  }
0x5e: {  	_ =	shalt  }
0x5f: {  	_ =	shalt  }
0x60: {  	_ =	shalt  }
0x61: {  	_ =	shalt  }
0x62: {  	_ =	shalt  }
0x63: {  	_ =	shalt  }
0x64: {  	_ =	shalt  }
0x65: {  	_ =	shalt  }
0x66: {  	_ =	shalt  }
0x67: {  	_ =	shalt  }
0x68: {  	_ =	shalt  }
0x69: {  	_ =	shalt  }
0x6a: {  	_ =	shalt  }
0x6b: {  	_ =	shalt  }
0x6c: {  	_ =	shalt  }
0x6d: {  	_ =	shalt  }
0x6e: {  	_ =	shalt  }
0x6f: {  	_ =	shalt  }
0x70: {  	_ =	shalt  }
0x71: {  	_ =	shalt  }
0x72: {  	_ =	shalt  }
0x73: {  	_ =	shalt  }
0x74: {  	_ =	shalt  }
0x75: {  	_ =	shalt  }
0x76: {  	_ =	shalt  }
0x77: {  	_ =	shalt  }
0x78: {  	_ =	shalt  }
0x79: {  	_ =	shalt  }
0x7a: {  	_ =	shalt  }
0x7b: {  	_ =	shalt  }
0x7c: {  	_ =	shalt  }
0x7d: {  	_ =	shalt  }
0x7e: {  	_ =	shalt  }
0x7f: {  	_ =	shalt  }
0x80: {  	_ =	shalt  }
0x81: {  	_ =	shalt  }
0x82: {  	_ =	shalt  }
0x83: {  	_ =	shalt  }
0x84: {  	_ =	shalt  }
0x85: {  	_ =	shalt  }
0x86: {  	_ =	shalt  }
0x87: {  	_ =	shalt  }
.Lfunc_end0:
.L_simem_size_0:
called_computation_lowered:
.L_overlay_start_0:
0x88: {  	s2 =	sld [smem:$0x3FD9]  }
0x89: {  	s3 =	sld [smem:$0x3FFE];
	_ =	sdelay $0x1  }
0x8a: {  	s1 =	srdreg.scid  }
0x8b: {  	s0 =	sand.u32 $0x1, s1  }
0x8c: {  	s16 =	sshll.u32 s0, $0xA;
	s2 =	sadd.s32 s3, s2  }
0x8d: {  	s2 =	sadd.s32 s2, s16  }
0x8e: {  	[smem:$0x3FBF] =	sst s2  }
0x8f: {  	_ = 	snop  }
0x90: {  	(tm) =	ssettm $0x1  }
0x91: {  	s17 =	sld [smem:$0x3FFB];
	_ =	sdelay $0x3  }
0x92: {  	_ =	strace s17  }
0x93: {  	s2 =	sld [smem:$0x3FFC];
	_ =	sdelay $0x3  }
0x94: {  	_ =	strace s2  }
0x95: {  	s2 =	sld [smem:$0x3FFD];
	_ =	sdelay $0x3  }
0x96: {  	_ =	strace s2  }
0x97: {  	_ =	strace $0x8FFFFFFF  }
0x98: {  	s18 =	sld [smem:$0x3FDB];
	_ =	sdelay $0x1  }
0x99: {  	s19 =	simm.s32 $_scs_section_size  }
0x9a: {  	s4 =	simm.s32 $_size__tile_overlayer_lowered;
	s5 =	simm.s32 $_tile_overlayer_lowered  }
0x9b: {  	s22 =	simm.s32 $0x1BFF;
	s21 =	sshll.u32 s5, $0x1;
	s2 =	sadd.s32 s19, s18  }
0x9c: {  	s6 =	simm.s32 $0x0;
	s20 =	sshll.u32 s4, $0x1;
	s4 =	sadd.s32 s21, s2  }
0x9d: {  	[timem:s6], [sflag:s22] =	dma.local [hbm:s4], s20  }
0x9e: {  	_ =	swait.ge [sflag:s22], s20  }
0x9f: {  	s3 =	ssub.s32 $0x0, s20;
	[sflag:s22] =	ssyncset.done $0x0  }
0xa0: {  	[sflag:s22] =	ssyncadd.s32 s3;
	_ =	sdelay $0x1  }
0xa1: {  	s23 =	simm.s32 $0x1B8B  }
0xa2: {  	_ =	swait.ge [sflag:s23], $0x1  }
0xa3: {  	[sflag:s23] =	ssyncset.done $0x0  }
0xa4: {  	s25 =	simm.s32 $0x1B8E;
	s24 =	sld [smem:$0x3FFE];
	[sflag:s23] =	ssyncadd.s32 $0xFFFFFFFF  }
0xa5: {  	s26 =	simm.s32 $execute0_lowered;
	[smem:$0x3FD2] =	sst s25  }
0xa6: {  	s4 =	sshll.u32 s26, $0x1;
	_ =	strace $0x80000049;
	[dreg:$0x1] =	wrdreg $0xFFFFFFFF  }
0xa7: {  	s28 =	simm.s32 $_size_execute0_lowered;
	s2 =	sadd.s32 s2, s4;
	[dreg:$0x0] =	wrdreg $0x0  }
0xa8: {  	s4 =	sshll.u32 s28, $0x1;
	[dreg:$0x2] =	wrdreg s2  }
0xa9: {  	[dreg:$0x3] =	wrdreg s4  }
0xaa: {  	[dreg:$0x4] =	wrdreg $0xC0  }
0xab: {  	_ =	task [dreg:s6], $0x5FFFF  }
0xac: {  	[dreg:$0x1] =	wrdreg $0xFFFFFFFF  }
0xad: {  	[dreg:$0x0] =	wrdreg $0x60  }
0xae: {  	[dreg:$0x2] =	wrdreg s24  }
0xaf: {  	[dreg:$0x3] =	wrdreg $0x150000  }
0xb0: {  	[dreg:$0x4] =	wrdreg $0x9  }
0xb1: {  	_ =	task.clear_ibuf [dreg:s6], $0x5FFFF;
	_ =	strace $0x90000049  }
0xb2: {  	s29 =	simm.s32 $0x9;
	_ =	strace $0x8000004B  }
0xb3: {  	_ =	swait.ge [sflag:s29], $0x1  }
0xb4: {  	[sflag:s29] =	ssyncadd.s32 $0xFFFFFFFF  }
0xb5: {  	_ =	strace $0x9000004B  }
0xb6: {  	_ =	sfence  }
0xb7: {  	s30 =	sld [smem:$0x0];
	_ =	sdelay $0x2  }
0xb8: {  	s31 =	sshll.u32 s1, $0xD;
	s1 =	sshrl.u32 s1, $0x2  }
0xb9: {  	s3 =	sand.u32 $0x4000, s31;
	s1 =	sadd.s32 s1, s30  }
0xba: {  	s0 =	sor.u32 s3, s0;
	s1 =	sshll.u32 s1, $0x11  }
0xbb: {  	s0 =	sor.u32 s1, s0  }
0xbc: {  	s0 =	sadd.s32 $0x8F2B, s0  }
0xbd: {  	[sflag:s0] =	ssyncadd.remote.s32 $0x1  }
0xbe: {  	_ =	sfence.sel $0xFFFF  }
0xbf: {  	[dreg:$0x0] =	wrdreg $0xFFFFFFFF;
	(pc) =	sbr.abs _section_cstart, $3  }
0xc0: {  	[dreg:$0x1] =	wrdreg $0xFFFFFFFF  }
0xc1: {  	_ =	task.clear_ibuf [dreg:s6], $0x2FFFF;
	_ =	strace $0x9FFFFFFF  }
0xc2: {  	(tm) =	ssettm $0x7FFFFFFF  }
0xc3: {  	_ =	shalt  }
tec
execute0_lowered:
.L_overlay_start_1:
0x0: {  	(tag) =	ssettag $0x1  }
0x1: {  	s0 =	rddreg [dreg:$0x0]  }
0x2: {  	s2 =	rddreg [dreg:$0x1];
	s3 =	simm.s32 $0x0  }
0x3: {  	s8 =	stileid.u32;
	s1 =	srdreg.scid;
	s28 =	simm.s32 $0x11000  }
0x4: {  	s29 =	simm.s32 $0x2;
	s30 =	simm.s32 $0x2700;
	s18 =	smul.u32 $0x500, s8  }
0x5: {  	s31 =	simm.s32 $0x2780;
	[smem:$0x7FF] =	sst s3;
	s6 =	smul.u32 $0x140, s8  }
0x6: {  	s1 =	sand.u32 $0x1, s1;
	s4 =	sadd.s32 $0x44400, s0;
	s8 =	smul.u32 $0x28000, s8  }
0x7: {  	s11 =	sadd.s32 $0x6C400, s0;
	s14 =	sadd.s32 $0x94400, s0;
	s17 =	sadd.s32 $0xBC400, s0  }
0x8: {  	_ =	strace $0x8000004A;
	s5 =	smul.u32 $0x1400, s1;
	s1 =	ssub.s32 $0x2, s1  }
0x9: {  	s3 =	sadd.s32 s18, s0;
	s7 =	sshrl.u32 s1, $0x1;
	s18 =	sadd.s32 $0xE4400, s0  }
0xa: {  	s20 =	sshrl.u32 s8, $0x2;
	s0 =	simm.s32 $0x4E00;
	s1 =	ssub.s32 s1, s7  }
0xb: {  	s6 =	sadd.s32 s6, s5;
	s19 =	sadd.s32 $0x7C00, s3;
	s3 =	sadd.s32 $0x2C00, s3  }
0xc: {  	s21 =	sadd.s32 s20, s2;
	s20 =	simm.s32 $0x3;
	[dreg:$0x3] =	wrdreg s19  }
0xd: {  	v0 =	vmov s5;
	s5 =	simm.s32 $0x0;
	s6 =	sshll.u32 s6, $0x4;
	[dreg:$0x4] =	wrdreg s3  }
0xe: {  	[dreg:$0x5] =	wrdreg s21;
	s19 =	smax.u32 s1, $0x1;
	s21 =	simm.s32 $0x4E80  }
0xf: {  	s1 =	simm.s32 $0x4F00;
	s3 =	simm.s32 $0x4F80;
	s23 =	sadd.s32 s4, s6  }
0x10: {  	s22 =	sadd.s32 $0x28000, s6;
	s24 =	sadd.s32 s18, s6;
	[dreg:$0x6] =	wrdreg s23  }
0x11: {  	s26 =	sadd.s32 $0x50000, s6;
	s6 =	sadd.s32 $0x78000, s6;
	[dreg:$0x7] =	wrdreg s24  }
0x12: {  	s25 =	sadd.s32 s4, s22;
	s12 =	sadd.s32 s18, s22;
	s13 =	sadd.s32 s4, s26  }
0x13: {  	s15 =	sadd.s32 s18, s26;
	s16 =	sadd.s32 s4, s6;
	s18 =	sadd.s32 s18, s6  }
0x14: {  	v1 =	vlaneseq.u32;
	s22 =	simm.s32 $0x80;
	s23 =	simm.s32 $0x5000;
	s24 =	simm.s32 $0x9000  }
0x15: {  	v1 =	vor.u32 $0x1400, v1;
	s26 =	simm.s32 $0xD000;
	[dreg:$0x8] =	wrdreg s25;
	s25 =	simm.s32 $0x1  }
.LBB2_1:
0x16: {  	s6 =	simm.s32 $0x0;
	s7 =	rddreg [dreg:$0x3]  }
0x17: {  	[tilespmem:s6], [sflag:$0x3] =	stream.linear.gather [hbm4b:s7+s6], $0x2800, $0x38;
	[tilespmem:$0x1F080] =	vst v63  }
0x18: {  	_ =	swait.ge [sflag:s20], $0x2800  }
0x19: {  	[sflag:s20] =	ssyncset.done $0x0  }
0x1a: {  	s8 =	simm.s32 $0x2800;
	s10 =	rddreg [dreg:$0x4];
	[sflag:s20] =	ssyncadd.s32 $0xFFFFD800  }
0x1b: {  	[tilespmem:s8], [sflag:$0x3] =	stream.linear.gather [hbm4b:s10+s6], $0x2800, $0x38;
	[tilespmem:$0x1F080] =	vst v63  }
0x1c: {  	_ =	swait.ge [sflag:s20], $0x2800  }
0x1d: {  	[sflag:s20] =	ssyncset.done $0x0  }
0x1e: {  	s6 =	simm.s32 $0x0;
	[sflag:s20] =	ssyncadd.s32 $0xFFFFD800  }
0x1f: {  	v5 =	vld [tilespmem:s6+$0x0]  }
0x20: {  	v3 =	vld [tilespmem:s6+$0x2830]  }
0x21: {  	v8 =	vld [tilespmem:s6+$0x2800]  }
0x22: {  	v6 =	vld [tilespmem:s6+$0x20]  }
0x23: {  	v7 =	vld [tilespmem:s6+$0x30]  }
0x24: {  	v2 =	vld [tilespmem:s6+$0x10]  }
0x25: {  	v10 =	vld [tilespmem:s6+$0x2820]  }
0x26: {  	v13 =	vld [tilespmem:s6+$0x2860]  }
0x27: {  	v4 =	vld [tilespmem:s6+$0x50]  }
0x28: {  	v9 =	vld [tilespmem:s6+$0x2810];
	v14 =	vsub.s32 v3, v0  }
0x29: {  	v11 =	vld [tilespmem:s6+$0x2850];
	vm0 =	vgt.u32 v14, $0x13FF  }
0x2a: {  	v3 =	vld [tilespmem:s6+$0x40];
	v12 =	vsel vm0, $0x0, v7  }
0x2b: {  	v15 =	vsub.s32 v10, v0;
	v10 =	vld [tilespmem:s6+$0x2840];
	v13 =	vsub.s32 v13, v0;
	[tilespmem:s6+$0x30] =	vst v12;
	v12 =	vsub.s32 v8, v0  }
0x2c: {  	vm2 =	vgt.u32 v15, $0x13FF;
	v7 =	vld [tilespmem:s6+$0x2870];
	v8 =	vsel vm0, v1, v14;
	vm1 =	vgt.u32 v12, $0x13FF  }
0x2d: {  	s7 =	simm.s32 $0x200;
	vm0 =	vgt.u32 v13, $0x13FF;
	[tilespmem:s6+$0x2830] =	vst v8;
	v8 =	vsel vm2, v1, v15;
	v14 =	vsel vm1, $0x0, v5;
	v5 =	vld [tilespmem:s6+$0x70]  }
.LBB2_2:
0x2e: {  	s8 =	sshra.s32 s7, $0x2;
	p0 =	sne.s32 s7, $0x9E00;
	s7 =	sadd.s32 $0x200, s7;
	[tilespmem:s6+$0x0] =	vst v14;
	v9 =	vsub.s32 v9, v0;
	v6 =	vsel vm2, $0x0, v6;
	v14 =	vld [tilespmem:s6+$0x60]  }
0x2f: {  	v12 =	vsel vm1, v1, v12;
	v15 =	vld [tilespmem:s8+$0x0];
	vm1 =	vgt.u32 v9, $0x13FF;
	[tilespmem:s6+$0x20] =	vst v6;
	v11 =	vsub.s32 v11, v0  }
0x30: {  	v6 =	vsel vm0, v1, v13;
	v16 =	vld [tilespmem:s8+$0x2830];
	[tilespmem:s6+$0x2800] =	vst v12;
	vm2 =	vgt.u32 v11, $0x13FF  }
0x31: {  	v9 =	vsel vm1, v1, v9;
	v12 =	vld [tilespmem:s8+$0x2800];
	v10 =	vsub.s32 v10, v0;
	v4 =	vsel vm2, $0x0, v4;
	[tilespmem:s6+$0x2860] =	vst v6  }
0x32: {  	v2 =	vsel vm1, $0x0, v2;
	v11 =	vsel vm2, v1, v11;
	v6 =	vld [tilespmem:s8+$0x20];
	vm1 =	vgt.u32 v10, $0x13FF;
	[tilespmem:s6+$0x50] =	vst v4  }
0x33: {  	v7 =	vsub.s32 v7, v0;
	v13 =	vld [tilespmem:s8+$0x30];
	[tilespmem:s6+$0x10] =	vst v2;
	v10 =	vsel vm1, v1, v10;
	v14 =	vsel vm0, $0x0, v14  }
0x34: {  	v3 =	vsel vm1, $0x0, v3;
	v2 =	vld [tilespmem:s8+$0x10];
	[tilespmem:s6+$0x2810] =	vst v9  }
0x35: {  	v4 =	vld [tilespmem:s8+$0x50];
	[tilespmem:s6+$0x2820] =	vst v8  }
0x36: {  	v8 =	vld [tilespmem:s8+$0x2820];
	[tilespmem:s6+$0x60] =	vst v14  }
0x37: {  	vm0 =	vgt.u32 v7, $0x13FF;
	v14 =	vsub.s32 v16, v0;
	v16 =	vld [tilespmem:s8+$0x2860];
	[tilespmem:s6+$0x2850] =	vst v11  }
0x38: {  	v7 =	vsel vm0, v1, v7;
	vm2 =	vgt.u32 v14, $0x13FF;
	v9 =	vld [tilespmem:s8+$0x2810];
	[tilespmem:s6+$0x40] =	vst v3  }
.Ltmp0:
0x39: {  	v5 =	vsel vm0, $0x0, v5;
	v12 =	vsub.s32 v12, v0;
	v17 =	vsel vm2, v1, v14;
	v3 =	vld [tilespmem:s8+$0x40];
	[tilespmem:s6+$0x2870] =	vst v7;
	(pc) =	sbr.rel @p0 .LBB2_2-.Ltmp0, $4  }
0x3a: {  	vm1 =	vgt.u32 v12, $0x13FF;
	v11 =	vld [tilespmem:s8+$0x2850];
	[tilespmem:s6+$0x70] =	vst v5  }
0x3b: {  	v5 =	vsub.s32 v8, v0;
	v8 =	vsel vm2, $0x0, v13;
	v7 =	vld [tilespmem:s8+$0x2870];
	[tilespmem:s6+$0x2840] =	vst v10;
	s6 =	smov.u32 s8  }
0x3c: {  	vm2 =	vgt.u32 v5, $0x13FF;
	[tilespmem:s6+$0x30] =	vst v8;
	v10 =	vld [tilespmem:s6+$0x2840];
	v13 =	vsub.s32 v16, v0  }
0x3d: {  	v14 =	vsel vm1, $0x0, v15;
	v8 =	vsel vm2, v1, v5;
	[tilespmem:s6+$0x2830] =	vst v17;
	vm0 =	vgt.u32 v13, $0x13FF;
	v5 =	vld [tilespmem:s6+$0x70]  }
0x3e: {  	[tilespmem:s6+$0x0] =	vst v14  }
0x3f: {  	v6 =	vsel vm2, $0x0, v6;
	[tilespmem:s6+$0x2820] =	vst v8  }
0x40: {  	v12 =	vsel vm1, v1, v12;
	v9 =	vsub.s32 v9, v0;
	[tilespmem:s6+$0x20] =	vst v6  }
0x41: {  	v59 =	vld [tilespmem:s6+$0x60];
	v61 =	vsel vm0, v1, v13;
	[tilespmem:s6+$0x2800] =	vst v12;
	vm13 =	vgt.u32 v9, $0x13FF  }
0x42: {  	v60 =	vsub.s32 v11, v0;
	[tilespmem:s6+$0x2860] =	vst v61;
	v2 =	vsel vm13, $0x0, v2  }
0x43: {  	vm12 =	vgt.u32 v60, $0x13FF;
	v62 =	vsel vm13, v1, v9;
	[tilespmem:s6+$0x10] =	vst v2  }
0x44: {  	v4 =	vsel vm12, $0x0, v4;
	[tilespmem:s6+$0x2810] =	vst v62  }
0x45: {  	v2 =	vsub.s32 v10, v0;
	v6 =	vsel vm12, v1, v60;
	[tilespmem:s6+$0x50] =	vst v4  }
0x46: {  	vm14 =	vgt.u32 v2, $0x13FF;
	[tilespmem:s6+$0x2850] =	vst v6;
	v63 =	vsel vm0, $0x0, v59  }
0x47: {  	v7 =	vsub.s32 v7, v0;
	v3 =	vsel vm14, $0x0, v3;
	[tilespmem:s6+$0x60] =	vst v63  }
0x48: {  	vm15 =	vgt.u32 v7, $0x13FF;
	v2 =	vsel vm14, v1, v2;
	[tilespmem:s6+$0x40] =	vst v3  }
0x49: {  	s7 =	stileid.u32;
	v3 =	vsel vm15, v1, v7;
	[tilespmem:s6+$0x2840] =	vst v2  }
0x4a: {  	s9 =	rddreg [dreg:$0x5];
	s7 =	sshll.u32 s7, $0x6;
	[tilespmem:s6+$0x2870] =	vst v3;
	v3 =	vsel vm15, $0x0, v5  }
0x4b: {  	s8 =	rddreg [dreg:$0x6];
	[tilespmem:s6+$0x70] =	vst v3;
	s6 =	sor.u32 $0x1C03, s7;
	s7 =	sshrl.u32 s9, $0x3  }
0x4c: {  	[spmem:s7], [sflag:s6] =	dma.local [hbm:s8], $0x1400  }
0x4d: {  	_ =	swait.ge [sflag:s20], $0x1400  }
0x4e: {  	[sflag:s20] =	ssyncset.done $0x0  }
0x4f: {  	[sflag:s20] =	ssyncadd.s32 $0xFFFFEC00  }
0x50: {  	s10 =	simm.s32 $0x0;
	[bflag:$0x0] =	sbarrier.arrive $0xFFFF  }
0x51: {  	[tilespmem:s23], [sflag:$0x1] =	stream.indirect.gather [hbm4b:s4+s22], $0x80, s10, s22, $0xb8;
	[tilespmem:$0x1F080] =	vst v63  }
0x52: {  	_ = 	snop  }
0x53: {  	[tilespmem:s24], [sflag:$0x1] =	stream.indirect.gather [hbm4b:s4+s22], $0x80, s22, s22, $0xb8;
	[tilespmem:$0x1F080] =	vst v63  }
0x54: {  	_ =	swait.ge [sflag:s25], $0x4000  }
0x55: {  	[sflag:s25] =	ssyncset.done $0x0  }
0x56: {  	[sflag:s25] =	ssyncadd.s32 $0xFFFFC000  }
0x57: {  	_ =	swait.ge [sflag:s25], $0x4000  }
0x58: {  	[sflag:s25] =	ssyncset.done $0x0  }
0x59: {  	s9 =	simm.s32 $0x100;
	[sflag:s25] =	ssyncadd.s32 $0xFFFFC000  }
0x5a: {  	[tilespmem:s26], [sflag:$0x1] =	stream.indirect.gather [hbm4b:s4+s22], $0x80, s9, s22, $0xb8;
	[tilespmem:$0x1F080] =	vst v63  }
0x5b: {  	s10 =	simm.s32 $0x180  }
0x5c: {  	[tilespmem:s28], [sflag:$0x1] =	stream.indirect.gather [hbm4b:s4+s22], $0x80, s10, s22, $0xb8;
	[tilespmem:$0x1F080] =	vst v63  }
0x5d: {  	s9 =	simm.s32 $0x2800  }
0x5e: {  	[spmem:s2] =	stream.indirect.scatter.add.f32 [tilespmem:s23], [sflag:$0x2], $0x80, s9, s22, $0xb8;
	[tilespmem:$0x1F080] =	vst v63  }
0x5f: {  	s10 =	simm.s32 $0x2880  }
0x60: {  	[spmem:s2] =	stream.indirect.scatter.add.f32 [tilespmem:s24], [sflag:$0x2], $0x80, s10, s22, $0xb8;
	[tilespmem:$0x1F080] =	vst v63  }
0x61: {  	_ =	swait.ge [sflag:s29], $0x4000  }
0x62: {  	[sflag:s29] =	ssyncset.done $0x0  }
0x63: {  	[sflag:s29] =	ssyncadd.s32 $0xFFFFC000  }
0x64: {  	_ =	swait.ge [sflag:s29], $0x4000  }
0x65: {  	[sflag:s29] =	ssyncset.done $0x0  }
0x66: {  	[sflag:s29] =	ssyncadd.s32 $0xFFFFC000  }
0x67: {  	_ =	swait.ge [sflag:s25], $0x4000  }
0x68: {  	[sflag:s25] =	ssyncset.done $0x0  }
0x69: {  	[sflag:s25] =	ssyncadd.s32 $0xFFFFC000  }
0x6a: {  	_ =	swait.ge [sflag:s25], $0x4000  }
0x6b: {  	[sflag:s25] =	ssyncset.done $0x0  }
0x6c: {  	s9 =	simm.s32 $0x200;
	[sflag:s25] =	ssyncadd.s32 $0xFFFFC000  }
0x6d: {  	[tilespmem:s23], [sflag:$0x1] =	stream.indirect.gather [hbm4b:s4+s22], $0x80, s9, s22, $0xb8;
	[tilespmem:$0x1F080] =	vst v63  }
0x6e: {  	s10 =	simm.s32 $0x280  }
0x6f: {  	[tilespmem:s24], [sflag:$0x1] =	stream.indirect.gather [hbm4b:s4+s22], $0x80, s10, s22, $0xb8;
	[tilespmem:$0x1F080] =	vst v63  }
0x70: {  	s9 =	simm.s32 $0x2900  }
0x71: {  	[spmem:s2] =	stream.indirect.scatter.add.f32 [tilespmem:s26], [sflag:$0x2], $0x80, s9, s22, $0xb8;
	[tilespmem:$0x1F080] =	vst v63  }
0x72: {  	s10 =	simm.s32 $0x2980  }
0x73: {  	[spmem:s2] =	stream.indirect.scatter.add.f32 [tilespmem:s28], [sflag:$0x2], $0x80, s10, s22, $0xb8;
	[tilespmem:$0x1F080] =	vst v63  }
0x74: {  	_ =	swait.ge [sflag:s29], $0x4000  }
0x75: {  	[sflag:s29] =	ssyncset.done $0x0  }
0x76: {  	[sflag:s29] =	ssyncadd.s32 $0xFFFFC000  }
0x77: {  	_ =	swait.ge [sflag:s29], $0x4000  }
0x78: {  	s8 =	simm.s32 $0x800;
	[sflag:s29] =	ssyncset.done $0x0  }
.LBB2_4:
0x79: {  	p0 =	sne.s32 s8, $0x9000  }
0x7a: {  	[sflag:s29] =	ssyncadd.s32 $0xFFFFC000;
	s9 =	smov.u32 s8;
	s8 =	sadd.s32 $0x800, s8  }
0x7b: {  	_ =	swait.ge [sflag:s25], $0x4000  }
0x7c: {  	[sflag:s25] =	ssyncset.done $0x0  }
0x7d: {  	[sflag:s25] =	ssyncadd.s32 $0xFFFFC000  }
0x7e: {  	_ =	swait.ge [sflag:s25], $0x4000  }
0x7f: {  	s9 =	sshra.s32 s9, $0x2;
	[sflag:s25] =	ssyncset.done $0x0  }
0x80: {  	s10 =	sadd.s32 $0x100, s9;
	[sflag:s25] =	ssyncadd.s32 $0xFFFFC000  }
0x81: {  	[tilespmem:s26], [sflag:$0x1] =	stream.indirect.gather [hbm4b:s4+s22], $0x80, s10, s22, $0xb8;
	[tilespmem:$0x1F080] =	vst v63  }
0x82: {  	s10 =	sadd.s32 $0x180, s9  }
0x83: {  	[tilespmem:s28], [sflag:$0x1] =	stream.indirect.gather [hbm4b:s4+s22], $0x80, s10, s22, $0xb8;
	[tilespmem:$0x1F080] =	vst v63  }
0x84: {  	s10 =	sadd.s32 $0x2800, s9  }
0x85: {  	[spmem:s2] =	stream.indirect.scatter.add.f32 [tilespmem:s23], [sflag:$0x2], $0x80, s10, s22, $0xb8;
	[tilespmem:$0x1F080] =	vst v63  }
0x86: {  	s10 =	sadd.s32 $0x2880, s9  }
0x87: {  	[spmem:s2] =	stream.indirect.scatter.add.f32 [tilespmem:s24], [sflag:$0x2], $0x80, s10, s22, $0xb8;
	[tilespmem:$0x1F080] =	vst v63  }
0x88: {  	_ =	swait.ge [sflag:s29], $0x4000  }
0x89: {  	[sflag:s29] =	ssyncset.done $0x0  }
0x8a: {  	[sflag:s29] =	ssyncadd.s32 $0xFFFFC000  }
0x8b: {  	_ =	swait.ge [sflag:s29], $0x4000  }
0x8c: {  	[sflag:s29] =	ssyncset.done $0x0  }
0x8d: {  	[sflag:s29] =	ssyncadd.s32 $0xFFFFC000  }
0x8e: {  	_ =	swait.ge [sflag:s25], $0x4000  }
0x8f: {  	[sflag:s25] =	ssyncset.done $0x0  }
0x90: {  	[sflag:s25] =	ssyncadd.s32 $0xFFFFC000  }
0x91: {  	_ =	swait.ge [sflag:s25], $0x4000  }
0x92: {  	[sflag:s25] =	ssyncset.done $0x0  }
0x93: {  	s10 =	sadd.s32 $0x200, s9;
	[sflag:s25] =	ssyncadd.s32 $0xFFFFC000  }
0x94: {  	[tilespmem:s23], [sflag:$0x1] =	stream.indirect.gather [hbm4b:s4+s22], $0x80, s10, s22, $0xb8;
	[tilespmem:$0x1F080] =	vst v63  }
0x95: {  	s10 =	sadd.s32 $0x280, s9  }
0x96: {  	[tilespmem:s24], [sflag:$0x1] =	stream.indirect.gather [hbm4b:s4+s22], $0x80, s10, s22, $0xb8;
	[tilespmem:$0x1F080] =	vst v63  }
0x97: {  	s10 =	sadd.s32 $0x2900, s9  }
0x98: {  	[spmem:s2] =	stream.indirect.scatter.add.f32 [tilespmem:s26], [sflag:$0x2], $0x80, s10, s22, $0xb8;
	[tilespmem:$0x1F080] =	vst v63  }
0x99: {  	s9 =	sadd.s32 $0x2980, s9  }
0x9a: {  	[spmem:s2] =	stream.indirect.scatter.add.f32 [tilespmem:s28], [sflag:$0x2], $0x80, s9, s22, $0xb8;
	[tilespmem:$0x1F080] =	vst v63  }
.Ltmp1:
0x9b: {  	_ =	swait.ge [sflag:s29], $0x4000;
	(pc) =	sbr.rel @p0 .LBB2_4-.Ltmp1, $4  }
0x9c: {  	[sflag:s29] =	ssyncset.done $0x0  }
0x9d: {  	[sflag:s29] =	ssyncadd.s32 $0xFFFFC000  }
0x9e: {  	_ =	swait.ge [sflag:s29], $0x4000  }
0x9f: {  	[sflag:s29] =	ssyncset.done $0x0  }
0xa0: {  	[sflag:s29] =	ssyncadd.s32 $0xFFFFC000  }
0xa1: {  	_ =	swait.ge [sflag:s25], $0x4000  }
0xa2: {  	[sflag:s25] =	ssyncset.done $0x0  }
0xa3: {  	[sflag:s25] =	ssyncadd.s32 $0xFFFFC000  }
0xa4: {  	_ =	swait.ge [sflag:s25], $0x4000  }
0xa5: {  	[sflag:s25] =	ssyncset.done $0x0  }
0xa6: {  	[sflag:s25] =	ssyncadd.s32 $0xFFFFC000  }
0xa7: {  	[tilespmem:s26], [sflag:$0x1] =	stream.indirect.gather [hbm4b:s4+s22], $0x80, s30, s22, $0xb8;
	[tilespmem:$0x1F080] =	vst v63  }
0xa8: {  	_ = 	snop  }
0xa9: {  	[tilespmem:s28], [sflag:$0x1] =	stream.indirect.gather [hbm4b:s4+s22], $0x80, s31, s22, $0xb8;
	[tilespmem:$0x1F080] =	vst v63  }
0xaa: {  	_ = 	snop  }
0xab: {  	[spmem:s2] =	stream.indirect.scatter.add.f32 [tilespmem:s23], [sflag:$0x2], $0x80, s0, s22, $0xb8;
	[tilespmem:$0x1F080] =	vst v63  }
0xac: {  	_ = 	snop  }
0xad: {  	[spmem:s2] =	stream.indirect.scatter.add.f32 [tilespmem:s24], [sflag:$0x2], $0x80, s21, s22, $0xb8;
	[tilespmem:$0x1F080] =	vst v63  }
0xae: {  	_ =	swait.ge [sflag:s29], $0x4000  }
0xaf: {  	[sflag:s29] =	ssyncset.done $0x0  }
0xb0: {  	[sflag:s29] =	ssyncadd.s32 $0xFFFFC000  }
0xb1: {  	_ =	swait.ge [sflag:s29], $0x4000  }
0xb2: {  	[sflag:s29] =	ssyncset.done $0x0  }
0xb3: {  	[sflag:s29] =	ssyncadd.s32 $0xFFFFC000  }
0xb4: {  	_ =	swait.ge [sflag:s25], $0x4000  }
0xb5: {  	[sflag:s25] =	ssyncset.done $0x0  }
0xb6: {  	[sflag:s25] =	ssyncadd.s32 $0xFFFFC000  }
0xb7: {  	_ =	swait.ge [sflag:s25], $0x4000  }
0xb8: {  	[sflag:s25] =	ssyncset.done $0x0  }
0xb9: {  	[sflag:s25] =	ssyncadd.s32 $0xFFFFC000  }
0xba: {  	[spmem:s2] =	stream.indirect.scatter.add.f32 [tilespmem:s26], [sflag:$0x2], $0x80, s1, s22, $0xb8;
	[tilespmem:$0x1F080] =	vst v63  }
0xbb: {  	_ = 	snop  }
0xbc: {  	[spmem:s2] =	stream.indirect.scatter.add.f32 [tilespmem:s28], [sflag:$0x2], $0x80, s3, s22, $0xb8;
	[tilespmem:$0x1F080] =	vst v63  }
0xbd: {  	_ =	swait.ge [sflag:s29], $0x4000  }
0xbe: {  	[sflag:s29] =	ssyncset.done $0x0  }
0xbf: {  	[sflag:s29] =	ssyncadd.s32 $0xFFFFC000  }
0xc0: {  	_ =	swait.ge [sflag:s29], $0x4000  }
0xc1: {  	[sflag:s29] =	ssyncset.done $0x0  }
0xc2: {  	[sflag:s29] =	ssyncadd.s32 $0xFFFFC000  }
0xc3: {  	[bflag:$0x0] =	sbarrier.arrive $0xFFFF  }
0xc4: {  	s8 =	rddreg [dreg:$0x7]  }
0xc5: {  	[hbm:s8], [sflag:s6] =	dma.local [spmem:s7], $0x1400  }
0xc6: {  	_ =	swait.ge [sflag:s20], $0x1400  }
0xc7: {  	[sflag:s20] =	ssyncset.done $0x0  }
0xc8: {  	[sflag:s20] =	ssyncadd.s32 $0xFFFFEC00  }
0xc9: {  	[bflag:$0x0] =	sbarrier.arrive $0xFFFF  }
0xca: {  	s9 =	rddreg [dreg:$0x8]  }
0xcb: {  	[spmem:s7], [sflag:s6] =	dma.local [hbm:s9], $0x1400  }
0xcc: {  	_ =	swait.ge [sflag:s20], $0x1400  }
0xcd: {  	[sflag:s20] =	ssyncset.done $0x0  }
0xce: {  	[sflag:s20] =	ssyncadd.s32 $0xFFFFEC00  }
0xcf: {  	s10 =	simm.s32 $0x0;
	[bflag:$0x0] =	sbarrier.arrive $0xFFFF  }
0xd0: {  	[tilespmem:s23], [sflag:$0x1] =	stream.indirect.gather [hbm4b:s11+s22], $0x80, s10, s22, $0xb8;
	[tilespmem:$0x1F080] =	vst v63  }
0xd1: {  	_ = 	snop  }
0xd2: {  	[tilespmem:s24], [sflag:$0x1] =	stream.indirect.gather [hbm4b:s11+s22], $0x80, s22, s22, $0xb8;
	[tilespmem:$0x1F080] =	vst v63  }
0xd3: {  	_ =	swait.ge [sflag:s25], $0x4000  }
0xd4: {  	[sflag:s25] =	ssyncset.done $0x0  }
0xd5: {  	[sflag:s25] =	ssyncadd.s32 $0xFFFFC000  }
0xd6: {  	_ =	swait.ge [sflag:s25], $0x4000  }
0xd7: {  	[sflag:s25] =	ssyncset.done $0x0  }
0xd8: {  	s9 =	simm.s32 $0x100;
	[sflag:s25] =	ssyncadd.s32 $0xFFFFC000  }
0xd9: {  	[tilespmem:s26], [sflag:$0x1] =	stream.indirect.gather [hbm4b:s11+s22], $0x80, s9, s22, $0xb8;
	[tilespmem:$0x1F080] =	vst v63  }
0xda: {  	s10 =	simm.s32 $0x180  }
0xdb: {  	[tilespmem:s28], [sflag:$0x1] =	stream.indirect.gather [hbm4b:s11+s22], $0x80, s10, s22, $0xb8;
	[tilespmem:$0x1F080] =	vst v63  }
0xdc: {  	s9 =	simm.s32 $0x2800  }
0xdd: {  	[spmem:s2] =	stream.indirect.scatter.add.f32 [tilespmem:s23], [sflag:$0x2], $0x80, s9, s22, $0xb8;
	[tilespmem:$0x1F080] =	vst v63  }
0xde: {  	s10 =	simm.s32 $0x2880  }
0xdf: {  	[spmem:s2] =	stream.indirect.scatter.add.f32 [tilespmem:s24], [sflag:$0x2], $0x80, s10, s22, $0xb8;
	[tilespmem:$0x1F080] =	vst v63  }
0xe0: {  	_ =	swait.ge [sflag:s29], $0x4000  }
0xe1: {  	[sflag:s29] =	ssyncset.done $0x0  }
0xe2: {  	[sflag:s29] =	ssyncadd.s32 $0xFFFFC000  }
0xe3: {  	_ =	swait.ge [sflag:s29], $0x4000  }
0xe4: {  	[sflag:s29] =	ssyncset.done $0x0  }
0xe5: {  	[sflag:s29] =	ssyncadd.s32 $0xFFFFC000  }
0xe6: {  	_ =	swait.ge [sflag:s25], $0x4000  }
0xe7: {  	[sflag:s25] =	ssyncset.done $0x0  }
0xe8: {  	[sflag:s25] =	ssyncadd.s32 $0xFFFFC000  }
0xe9: {  	_ =	swait.ge [sflag:s25], $0x4000  }
0xea: {  	[sflag:s25] =	ssyncset.done $0x0  }
0xeb: {  	s9 =	simm.s32 $0x200;
	[sflag:s25] =	ssyncadd.s32 $0xFFFFC000  }
0xec: {  	[tilespmem:s23], [sflag:$0x1] =	stream.indirect.gather [hbm4b:s11+s22], $0x80, s9, s22, $0xb8;
	[tilespmem:$0x1F080] =	vst v63  }
0xed: {  	s10 =	simm.s32 $0x280  }
0xee: {  	[tilespmem:s24], [sflag:$0x1] =	stream.indirect.gather [hbm4b:s11+s22], $0x80, s10, s22, $0xb8;
	[tilespmem:$0x1F080] =	vst v63  }
0xef: {  	s9 =	simm.s32 $0x2900  }
0xf0: {  	[spmem:s2] =	stream.indirect.scatter.add.f32 [tilespmem:s26], [sflag:$0x2], $0x80, s9, s22, $0xb8;
	[tilespmem:$0x1F080] =	vst v63  }
0xf1: {  	s10 =	simm.s32 $0x2980  }
0xf2: {  	[spmem:s2] =	stream.indirect.scatter.add.f32 [tilespmem:s28], [sflag:$0x2], $0x80, s10, s22, $0xb8;
	[tilespmem:$0x1F080] =	vst v63  }
0xf3: {  	_ =	swait.ge [sflag:s29], $0x4000  }
0xf4: {  	[sflag:s29] =	ssyncset.done $0x0  }
0xf5: {  	[sflag:s29] =	ssyncadd.s32 $0xFFFFC000  }
0xf6: {  	_ =	swait.ge [sflag:s29], $0x4000  }
0xf7: {  	s8 =	simm.s32 $0x800;
	[sflag:s29] =	ssyncset.done $0x0  }
.LBB2_6:
0xf8: {  	p0 =	sne.s32 s8, $0x9000  }
0xf9: {  	[sflag:s29] =	ssyncadd.s32 $0xFFFFC000;
	s9 =	smov.u32 s8;
	s8 =	sadd.s32 $0x800, s8  }
0xfa: {  	_ =	swait.ge [sflag:s25], $0x4000  }
0xfb: {  	[sflag:s25] =	ssyncset.done $0x0  }
0xfc: {  	[sflag:s25] =	ssyncadd.s32 $0xFFFFC000  }
0xfd: {  	_ =	swait.ge [sflag:s25], $0x4000  }
0xfe: {  	s9 =	sshra.s32 s9, $0x2;
	[sflag:s25] =	ssyncset.done $0x0  }
0xff: {  	s10 =	sadd.s32 $0x100, s9;
	[sflag:s25] =	ssyncadd.s32 $0xFFFFC000  }
0x100: {  	[tilespmem:s26], [sflag:$0x1] =	stream.indirect.gather [hbm4b:s11+s22], $0x80, s10, s22, $0xb8;
	[tilespmem:$0x1F080] =	vst v63  }
0x101: {  	s10 =	sadd.s32 $0x180, s9  }
0x102: {  	[tilespmem:s28], [sflag:$0x1] =	stream.indirect.gather [hbm4b:s11+s22], $0x80, s10, s22, $0xb8;
	[tilespmem:$0x1F080] =	vst v63  }
0x103: {  	s10 =	sadd.s32 $0x2800, s9  }
0x104: {  	[spmem:s2] =	stream.indirect.scatter.add.f32 [tilespmem:s23], [sflag:$0x2], $0x80, s10, s22, $0xb8;
	[tilespmem:$0x1F080] =	vst v63  }
0x105: {  	s10 =	sadd.s32 $0x2880, s9  }
0x106: {  	[spmem:s2] =	stream.indirect.scatter.add.f32 [tilespmem:s24], [sflag:$0x2], $0x80, s10, s22, $0xb8;
	[tilespmem:$0x1F080] =	vst v63  }
0x107: {  	_ =	swait.ge [sflag:s29], $0x4000  }
0x108: {  	[sflag:s29] =	ssyncset.done $0x0  }
0x109: {  	[sflag:s29] =	ssyncadd.s32 $0xFFFFC000  }
0x10a: {  	_ =	swait.ge [sflag:s29], $0x4000  }
0x10b: {  	[sflag:s29] =	ssyncset.done $0x0  }
0x10c: {  	[sflag:s29] =	ssyncadd.s32 $0xFFFFC000  }
0x10d: {  	_ =	swait.ge [sflag:s25], $0x4000  }
0x10e: {  	[sflag:s25] =	ssyncset.done $0x0  }
0x10f: {  	[sflag:s25] =	ssyncadd.s32 $0xFFFFC000  }
0x110: {  	_ =	swait.ge [sflag:s25], $0x4000  }
0x111: {  	[sflag:s25] =	ssyncset.done $0x0  }
0x112: {  	s10 =	sadd.s32 $0x200, s9;
	[sflag:s25] =	ssyncadd.s32 $0xFFFFC000  }
0x113: {  	[tilespmem:s23], [sflag:$0x1] =	stream.indirect.gather [hbm4b:s11+s22], $0x80, s10, s22, $0xb8;
	[tilespmem:$0x1F080] =	vst v63  }
0x114: {  	s10 =	sadd.s32 $0x280, s9  }
0x115: {  	[tilespmem:s24], [sflag:$0x1] =	stream.indirect.gather [hbm4b:s11+s22], $0x80, s10, s22, $0xb8;
	[tilespmem:$0x1F080] =	vst v63  }
0x116: {  	s10 =	sadd.s32 $0x2900, s9  }
0x117: {  	[spmem:s2] =	stream.indirect.scatter.add.f32 [tilespmem:s26], [sflag:$0x2], $0x80, s10, s22, $0xb8;
	[tilespmem:$0x1F080] =	vst v63  }
0x118: {  	s9 =	sadd.s32 $0x2980, s9  }
0x119: {  	[spmem:s2] =	stream.indirect.scatter.add.f32 [tilespmem:s28], [sflag:$0x2], $0x80, s9, s22, $0xb8;
	[tilespmem:$0x1F080] =	vst v63  }
.Ltmp2:
0x11a: {  	_ =	swait.ge [sflag:s29], $0x4000;
	(pc) =	sbr.rel @p0 .LBB2_6-.Ltmp2, $4  }
0x11b: {  	[sflag:s29] =	ssyncset.done $0x0  }
0x11c: {  	[sflag:s29] =	ssyncadd.s32 $0xFFFFC000  }
0x11d: {  	_ =	swait.ge [sflag:s29], $0x4000  }
0x11e: {  	[sflag:s29] =	ssyncset.done $0x0  }
0x11f: {  	[sflag:s29] =	ssyncadd.s32 $0xFFFFC000  }
0x120: {  	_ =	swait.ge [sflag:s25], $0x4000  }
0x121: {  	[sflag:s25] =	ssyncset.done $0x0  }
0x122: {  	[sflag:s25] =	ssyncadd.s32 $0xFFFFC000  }
0x123: {  	_ =	swait.ge [sflag:s25], $0x4000  }
0x124: {  	[sflag:s25] =	ssyncset.done $0x0  }
0x125: {  	[sflag:s25] =	ssyncadd.s32 $0xFFFFC000  }
0x126: {  	[tilespmem:s26], [sflag:$0x1] =	stream.indirect.gather [hbm4b:s11+s22], $0x80, s30, s22, $0xb8;
	[tilespmem:$0x1F080] =	vst v63  }
0x127: {  	_ = 	snop  }
0x128: {  	[tilespmem:s28], [sflag:$0x1] =	stream.indirect.gather [hbm4b:s11+s22], $0x80, s31, s22, $0xb8;
	[tilespmem:$0x1F080] =	vst v63  }
0x129: {  	_ = 	snop  }
0x12a: {  	[spmem:s2] =	stream.indirect.scatter.add.f32 [tilespmem:s23], [sflag:$0x2], $0x80, s0, s22, $0xb8;
	[tilespmem:$0x1F080] =	vst v63  }
0x12b: {  	_ = 	snop  }
0x12c: {  	[spmem:s2] =	stream.indirect.scatter.add.f32 [tilespmem:s24], [sflag:$0x2], $0x80, s21, s22, $0xb8;
	[tilespmem:$0x1F080] =	vst v63  }
0x12d: {  	_ =	swait.ge [sflag:s29], $0x4000  }
0x12e: {  	[sflag:s29] =	ssyncset.done $0x0  }
0x12f: {  	[sflag:s29] =	ssyncadd.s32 $0xFFFFC000  }
0x130: {  	_ =	swait.ge [sflag:s29], $0x4000  }
0x131: {  	[sflag:s29] =	ssyncset.done $0x0  }
0x132: {  	[sflag:s29] =	ssyncadd.s32 $0xFFFFC000  }
0x133: {  	_ =	swait.ge [sflag:s25], $0x4000  }
0x134: {  	[sflag:s25] =	ssyncset.done $0x0  }
0x135: {  	[sflag:s25] =	ssyncadd.s32 $0xFFFFC000  }
0x136: {  	_ =	swait.ge [sflag:s25], $0x4000  }
0x137: {  	[sflag:s25] =	ssyncset.done $0x0  }
0x138: {  	[sflag:s25] =	ssyncadd.s32 $0xFFFFC000  }
0x139: {  	[spmem:s2] =	stream.indirect.scatter.add.f32 [tilespmem:s26], [sflag:$0x2], $0x80, s1, s22, $0xb8;
	[tilespmem:$0x1F080] =	vst v63  }
0x13a: {  	_ = 	snop  }
0x13b: {  	[spmem:s2] =	stream.indirect.scatter.add.f32 [tilespmem:s28], [sflag:$0x2], $0x80, s3, s22, $0xb8;
	[tilespmem:$0x1F080] =	vst v63  }
0x13c: {  	_ =	swait.ge [sflag:s29], $0x4000  }
0x13d: {  	[sflag:s29] =	ssyncset.done $0x0  }
0x13e: {  	[sflag:s29] =	ssyncadd.s32 $0xFFFFC000  }
0x13f: {  	_ =	swait.ge [sflag:s29], $0x4000  }
0x140: {  	[sflag:s29] =	ssyncset.done $0x0  }
0x141: {  	[sflag:s29] =	ssyncadd.s32 $0xFFFFC000  }
0x142: {  	[bflag:$0x0] =	sbarrier.arrive $0xFFFF  }
0x143: {  	[hbm:s12], [sflag:s6] =	dma.local [spmem:s7], $0x1400  }
0x144: {  	_ =	swait.ge [sflag:s20], $0x1400  }
0x145: {  	[sflag:s20] =	ssyncset.done $0x0  }
0x146: {  	[sflag:s20] =	ssyncadd.s32 $0xFFFFEC00  }
0x147: {  	[bflag:$0x0] =	sbarrier.arrive $0xFFFF  }
0x148: {  	[spmem:s7], [sflag:s6] =	dma.local [hbm:s13], $0x1400  }
0x149: {  	_ =	swait.ge [sflag:s20], $0x1400  }
0x14a: {  	[sflag:s20] =	ssyncset.done $0x0  }
0x14b: {  	[sflag:s20] =	ssyncadd.s32 $0xFFFFEC00  }
0x14c: {  	s8 =	simm.s32 $0x0;
	[bflag:$0x0] =	sbarrier.arrive $0xFFFF  }
0x14d: {  	[tilespmem:s23], [sflag:$0x1] =	stream.indirect.gather [hbm4b:s14+s22], $0x80, s8, s22, $0xb8;
	[tilespmem:$0x1F080] =	vst v63  }
0x14e: {  	_ = 	snop  }
0x14f: {  	[tilespmem:s24], [sflag:$0x1] =	stream.indirect.gather [hbm4b:s14+s22], $0x80, s22, s22, $0xb8;
	[tilespmem:$0x1F080] =	vst v63  }
0x150: {  	_ =	swait.ge [sflag:s25], $0x4000  }
0x151: {  	[sflag:s25] =	ssyncset.done $0x0  }
0x152: {  	[sflag:s25] =	ssyncadd.s32 $0xFFFFC000  }
0x153: {  	_ =	swait.ge [sflag:s25], $0x4000  }
0x154: {  	[sflag:s25] =	ssyncset.done $0x0  }
0x155: {  	s9 =	simm.s32 $0x100;
	[sflag:s25] =	ssyncadd.s32 $0xFFFFC000  }
0x156: {  	[tilespmem:s26], [sflag:$0x1] =	stream.indirect.gather [hbm4b:s14+s22], $0x80, s9, s22, $0xb8;
	[tilespmem:$0x1F080] =	vst v63  }
0x157: {  	s10 =	simm.s32 $0x180  }
0x158: {  	[tilespmem:s28], [sflag:$0x1] =	stream.indirect.gather [hbm4b:s14+s22], $0x80, s10, s22, $0xb8;
	[tilespmem:$0x1F080] =	vst v63  }
0x159: {  	s9 =	simm.s32 $0x2800  }
0x15a: {  	[spmem:s2] =	stream.indirect.scatter.add.f32 [tilespmem:s23], [sflag:$0x2], $0x80, s9, s22, $0xb8;
	[tilespmem:$0x1F080] =	vst v63  }
0x15b: {  	s10 =	simm.s32 $0x2880  }
0x15c: {  	[spmem:s2] =	stream.indirect.scatter.add.f32 [tilespmem:s24], [sflag:$0x2], $0x80, s10, s22, $0xb8;
	[tilespmem:$0x1F080] =	vst v63  }
0x15d: {  	_ =	swait.ge [sflag:s29], $0x4000  }
0x15e: {  	[sflag:s29] =	ssyncset.done $0x0  }
0x15f: {  	[sflag:s29] =	ssyncadd.s32 $0xFFFFC000  }
0x160: {  	_ =	swait.ge [sflag:s29], $0x4000  }
0x161: {  	[sflag:s29] =	ssyncset.done $0x0  }
0x162: {  	[sflag:s29] =	ssyncadd.s32 $0xFFFFC000  }
0x163: {  	_ =	swait.ge [sflag:s25], $0x4000  }
0x164: {  	[sflag:s25] =	ssyncset.done $0x0  }
0x165: {  	[sflag:s25] =	ssyncadd.s32 $0xFFFFC000  }
0x166: {  	_ =	swait.ge [sflag:s25], $0x4000  }
0x167: {  	[sflag:s25] =	ssyncset.done $0x0  }
0x168: {  	s9 =	simm.s32 $0x200;
	[sflag:s25] =	ssyncadd.s32 $0xFFFFC000  }
0x169: {  	[tilespmem:s23], [sflag:$0x1] =	stream.indirect.gather [hbm4b:s14+s22], $0x80, s9, s22, $0xb8;
	[tilespmem:$0x1F080] =	vst v63  }
0x16a: {  	s10 =	simm.s32 $0x280  }
0x16b: {  	[tilespmem:s24], [sflag:$0x1] =	stream.indirect.gather [hbm4b:s14+s22], $0x80, s10, s22, $0xb8;
	[tilespmem:$0x1F080] =	vst v63  }
0x16c: {  	s9 =	simm.s32 $0x2900  }
0x16d: {  	[spmem:s2] =	stream.indirect.scatter.add.f32 [tilespmem:s26], [sflag:$0x2], $0x80, s9, s22, $0xb8;
	[tilespmem:$0x1F080] =	vst v63  }
0x16e: {  	s10 =	simm.s32 $0x2980  }
0x16f: {  	[spmem:s2] =	stream.indirect.scatter.add.f32 [tilespmem:s28], [sflag:$0x2], $0x80, s10, s22, $0xb8;
	[tilespmem:$0x1F080] =	vst v63  }
0x170: {  	_ =	swait.ge [sflag:s29], $0x4000  }
0x171: {  	[sflag:s29] =	ssyncset.done $0x0  }
0x172: {  	[sflag:s29] =	ssyncadd.s32 $0xFFFFC000  }
0x173: {  	_ =	swait.ge [sflag:s29], $0x4000  }
0x174: {  	s8 =	simm.s32 $0x800;
	[sflag:s29] =	ssyncset.done $0x0  }
.LBB2_8:
0x175: {  	p0 =	sne.s32 s8, $0x9000  }
0x176: {  	[sflag:s29] =	ssyncadd.s32 $0xFFFFC000;
	s9 =	smov.u32 s8;
	s8 =	sadd.s32 $0x800, s8  }
0x177: {  	_ =	swait.ge [sflag:s25], $0x4000  }
0x178: {  	[sflag:s25] =	ssyncset.done $0x0  }
0x179: {  	[sflag:s25] =	ssyncadd.s32 $0xFFFFC000  }
0x17a: {  	_ =	swait.ge [sflag:s25], $0x4000  }
0x17b: {  	s9 =	sshra.s32 s9, $0x2;
	[sflag:s25] =	ssyncset.done $0x0  }
0x17c: {  	s10 =	sadd.s32 $0x100, s9;
	[sflag:s25] =	ssyncadd.s32 $0xFFFFC000  }
0x17d: {  	[tilespmem:s26], [sflag:$0x1] =	stream.indirect.gather [hbm4b:s14+s22], $0x80, s10, s22, $0xb8;
	[tilespmem:$0x1F080] =	vst v63  }
0x17e: {  	s10 =	sadd.s32 $0x180, s9  }
0x17f: {  	[tilespmem:s28], [sflag:$0x1] =	stream.indirect.gather [hbm4b:s14+s22], $0x80, s10, s22, $0xb8;
	[tilespmem:$0x1F080] =	vst v63  }
0x180: {  	s10 =	sadd.s32 $0x2800, s9  }
0x181: {  	[spmem:s2] =	stream.indirect.scatter.add.f32 [tilespmem:s23], [sflag:$0x2], $0x80, s10, s22, $0xb8;
	[tilespmem:$0x1F080] =	vst v63  }
0x182: {  	s10 =	sadd.s32 $0x2880, s9  }
0x183: {  	[spmem:s2] =	stream.indirect.scatter.add.f32 [tilespmem:s24], [sflag:$0x2], $0x80, s10, s22, $0xb8;
	[tilespmem:$0x1F080] =	vst v63  }
0x184: {  	_ =	swait.ge [sflag:s29], $0x4000  }
0x185: {  	[sflag:s29] =	ssyncset.done $0x0  }
0x186: {  	[sflag:s29] =	ssyncadd.s32 $0xFFFFC000  }
0x187: {  	_ =	swait.ge [sflag:s29], $0x4000  }
0x188: {  	[sflag:s29] =	ssyncset.done $0x0  }
0x189: {  	[sflag:s29] =	ssyncadd.s32 $0xFFFFC000  }
0x18a: {  	_ =	swait.ge [sflag:s25], $0x4000  }
0x18b: {  	[sflag:s25] =	ssyncset.done $0x0  }
0x18c: {  	[sflag:s25] =	ssyncadd.s32 $0xFFFFC000  }
0x18d: {  	_ =	swait.ge [sflag:s25], $0x4000  }
0x18e: {  	[sflag:s25] =	ssyncset.done $0x0  }
0x18f: {  	s10 =	sadd.s32 $0x200, s9;
	[sflag:s25] =	ssyncadd.s32 $0xFFFFC000  }
0x190: {  	[tilespmem:s23], [sflag:$0x1] =	stream.indirect.gather [hbm4b:s14+s22], $0x80, s10, s22, $0xb8;
	[tilespmem:$0x1F080] =	vst v63  }
0x191: {  	s10 =	sadd.s32 $0x280, s9  }
0x192: {  	[tilespmem:s24], [sflag:$0x1] =	stream.indirect.gather [hbm4b:s14+s22], $0x80, s10, s22, $0xb8;
	[tilespmem:$0x1F080] =	vst v63  }
0x193: {  	s10 =	sadd.s32 $0x2900, s9  }
0x194: {  	[spmem:s2] =	stream.indirect.scatter.add.f32 [tilespmem:s26], [sflag:$0x2], $0x80, s10, s22, $0xb8;
	[tilespmem:$0x1F080] =	vst v63  }
0x195: {  	s9 =	sadd.s32 $0x2980, s9  }
0x196: {  	[spmem:s2] =	stream.indirect.scatter.add.f32 [tilespmem:s28], [sflag:$0x2], $0x80, s9, s22, $0xb8;
	[tilespmem:$0x1F080] =	vst v63  }
.Ltmp3:
0x197: {  	_ =	swait.ge [sflag:s29], $0x4000;
	(pc) =	sbr.rel @p0 .LBB2_8-.Ltmp3, $4  }
0x198: {  	[sflag:s29] =	ssyncset.done $0x0  }
0x199: {  	[sflag:s29] =	ssyncadd.s32 $0xFFFFC000  }
0x19a: {  	_ =	swait.ge [sflag:s29], $0x4000  }
0x19b: {  	[sflag:s29] =	ssyncset.done $0x0  }
0x19c: {  	[sflag:s29] =	ssyncadd.s32 $0xFFFFC000  }
0x19d: {  	_ =	swait.ge [sflag:s25], $0x4000  }
0x19e: {  	[sflag:s25] =	ssyncset.done $0x0  }
0x19f: {  	[sflag:s25] =	ssyncadd.s32 $0xFFFFC000  }
0x1a0: {  	_ =	swait.ge [sflag:s25], $0x4000  }
0x1a1: {  	[sflag:s25] =	ssyncset.done $0x0  }
0x1a2: {  	[sflag:s25] =	ssyncadd.s32 $0xFFFFC000  }
0x1a3: {  	[tilespmem:s26], [sflag:$0x1] =	stream.indirect.gather [hbm4b:s14+s22], $0x80, s30, s22, $0xb8;
	[tilespmem:$0x1F080] =	vst v63  }
0x1a4: {  	_ = 	snop  }
0x1a5: {  	[tilespmem:s28], [sflag:$0x1] =	stream.indirect.gather [hbm4b:s14+s22], $0x80, s31, s22, $0xb8;
	[tilespmem:$0x1F080] =	vst v63  }
0x1a6: {  	_ = 	snop  }
0x1a7: {  	[spmem:s2] =	stream.indirect.scatter.add.f32 [tilespmem:s23], [sflag:$0x2], $0x80, s0, s22, $0xb8;
	[tilespmem:$0x1F080] =	vst v63  }
0x1a8: {  	_ = 	snop  }
0x1a9: {  	[spmem:s2] =	stream.indirect.scatter.add.f32 [tilespmem:s24], [sflag:$0x2], $0x80, s21, s22, $0xb8;
	[tilespmem:$0x1F080] =	vst v63  }
0x1aa: {  	_ =	swait.ge [sflag:s29], $0x4000  }
0x1ab: {  	[sflag:s29] =	ssyncset.done $0x0  }
0x1ac: {  	[sflag:s29] =	ssyncadd.s32 $0xFFFFC000  }
0x1ad: {  	_ =	swait.ge [sflag:s29], $0x4000  }
0x1ae: {  	[sflag:s29] =	ssyncset.done $0x0  }
0x1af: {  	[sflag:s29] =	ssyncadd.s32 $0xFFFFC000  }
0x1b0: {  	_ =	swait.ge [sflag:s25], $0x4000  }
0x1b1: {  	[sflag:s25] =	ssyncset.done $0x0  }
0x1b2: {  	[sflag:s25] =	ssyncadd.s32 $0xFFFFC000  }
0x1b3: {  	_ =	swait.ge [sflag:s25], $0x4000  }
0x1b4: {  	[sflag:s25] =	ssyncset.done $0x0  }
0x1b5: {  	[sflag:s25] =	ssyncadd.s32 $0xFFFFC000  }
0x1b6: {  	[spmem:s2] =	stream.indirect.scatter.add.f32 [tilespmem:s26], [sflag:$0x2], $0x80, s1, s22, $0xb8;
	[tilespmem:$0x1F080] =	vst v63  }
0x1b7: {  	_ = 	snop  }
0x1b8: {  	[spmem:s2] =	stream.indirect.scatter.add.f32 [tilespmem:s28], [sflag:$0x2], $0x80, s3, s22, $0xb8;
	[tilespmem:$0x1F080] =	vst v63  }
0x1b9: {  	_ =	swait.ge [sflag:s29], $0x4000  }
0x1ba: {  	[sflag:s29] =	ssyncset.done $0x0  }
0x1bb: {  	[sflag:s29] =	ssyncadd.s32 $0xFFFFC000  }
0x1bc: {  	_ =	swait.ge [sflag:s29], $0x4000  }
0x1bd: {  	[sflag:s29] =	ssyncset.done $0x0  }
0x1be: {  	[sflag:s29] =	ssyncadd.s32 $0xFFFFC000  }
0x1bf: {  	[bflag:$0x0] =	sbarrier.arrive $0xFFFF  }
0x1c0: {  	[hbm:s15], [sflag:s6] =	dma.local [spmem:s7], $0x1400  }
0x1c1: {  	_ =	swait.ge [sflag:s20], $0x1400  }
0x1c2: {  	[sflag:s20] =	ssyncset.done $0x0  }
0x1c3: {  	[sflag:s20] =	ssyncadd.s32 $0xFFFFEC00  }
0x1c4: {  	[bflag:$0x0] =	sbarrier.arrive $0xFFFF  }
0x1c5: {  	[spmem:s7], [sflag:s6] =	dma.local [hbm:s16], $0x1400  }
0x1c6: {  	_ =	swait.ge [sflag:s20], $0x1400  }
0x1c7: {  	[sflag:s20] =	ssyncset.done $0x0  }
0x1c8: {  	[sflag:s20] =	ssyncadd.s32 $0xFFFFEC00  }
0x1c9: {  	s8 =	simm.s32 $0x0;
	[bflag:$0x0] =	sbarrier.arrive $0xFFFF  }
0x1ca: {  	[tilespmem:s23], [sflag:$0x1] =	stream.indirect.gather [hbm4b:s17+s22], $0x80, s8, s22, $0xb8;
	[tilespmem:$0x1F080] =	vst v63  }
0x1cb: {  	_ = 	snop  }
0x1cc: {  	[tilespmem:s24], [sflag:$0x1] =	stream.indirect.gather [hbm4b:s17+s22], $0x80, s22, s22, $0xb8;
	[tilespmem:$0x1F080] =	vst v63  }
0x1cd: {  	_ =	swait.ge [sflag:s25], $0x4000  }
0x1ce: {  	[sflag:s25] =	ssyncset.done $0x0  }
0x1cf: {  	[sflag:s25] =	ssyncadd.s32 $0xFFFFC000  }
0x1d0: {  	_ =	swait.ge [sflag:s25], $0x4000  }
0x1d1: {  	[sflag:s25] =	ssyncset.done $0x0  }
0x1d2: {  	s9 =	simm.s32 $0x100;
	[sflag:s25] =	ssyncadd.s32 $0xFFFFC000  }
0x1d3: {  	[tilespmem:s26], [sflag:$0x1] =	stream.indirect.gather [hbm4b:s17+s22], $0x80, s9, s22, $0xb8;
	[tilespmem:$0x1F080] =	vst v63  }
0x1d4: {  	s10 =	simm.s32 $0x180  }
0x1d5: {  	[tilespmem:s28], [sflag:$0x1] =	stream.indirect.gather [hbm4b:s17+s22], $0x80, s10, s22, $0xb8;
	[tilespmem:$0x1F080] =	vst v63  }
0x1d6: {  	s9 =	simm.s32 $0x2800  }
0x1d7: {  	[spmem:s2] =	stream.indirect.scatter.add.f32 [tilespmem:s23], [sflag:$0x2], $0x80, s9, s22, $0xb8;
	[tilespmem:$0x1F080] =	vst v63  }
0x1d8: {  	s10 =	simm.s32 $0x2880  }
0x1d9: {  	[spmem:s2] =	stream.indirect.scatter.add.f32 [tilespmem:s24], [sflag:$0x2], $0x80, s10, s22, $0xb8;
	[tilespmem:$0x1F080] =	vst v63  }
0x1da: {  	_ =	swait.ge [sflag:s29], $0x4000  }
0x1db: {  	[sflag:s29] =	ssyncset.done $0x0  }
0x1dc: {  	[sflag:s29] =	ssyncadd.s32 $0xFFFFC000  }
0x1dd: {  	_ =	swait.ge [sflag:s29], $0x4000  }
0x1de: {  	[sflag:s29] =	ssyncset.done $0x0  }
0x1df: {  	[sflag:s29] =	ssyncadd.s32 $0xFFFFC000  }
0x1e0: {  	_ =	swait.ge [sflag:s25], $0x4000  }
0x1e1: {  	[sflag:s25] =	ssyncset.done $0x0  }
0x1e2: {  	[sflag:s25] =	ssyncadd.s32 $0xFFFFC000  }
0x1e3: {  	_ =	swait.ge [sflag:s25], $0x4000  }
0x1e4: {  	[sflag:s25] =	ssyncset.done $0x0  }
0x1e5: {  	s9 =	simm.s32 $0x200;
	[sflag:s25] =	ssyncadd.s32 $0xFFFFC000  }
0x1e6: {  	[tilespmem:s23], [sflag:$0x1] =	stream.indirect.gather [hbm4b:s17+s22], $0x80, s9, s22, $0xb8;
	[tilespmem:$0x1F080] =	vst v63  }
0x1e7: {  	s10 =	simm.s32 $0x280  }
0x1e8: {  	[tilespmem:s24], [sflag:$0x1] =	stream.indirect.gather [hbm4b:s17+s22], $0x80, s10, s22, $0xb8;
	[tilespmem:$0x1F080] =	vst v63  }
0x1e9: {  	s9 =	simm.s32 $0x2900  }
0x1ea: {  	[spmem:s2] =	stream.indirect.scatter.add.f32 [tilespmem:s26], [sflag:$0x2], $0x80, s9, s22, $0xb8;
	[tilespmem:$0x1F080] =	vst v63  }
0x1eb: {  	s10 =	simm.s32 $0x2980  }
0x1ec: {  	[spmem:s2] =	stream.indirect.scatter.add.f32 [tilespmem:s28], [sflag:$0x2], $0x80, s10, s22, $0xb8;
	[tilespmem:$0x1F080] =	vst v63  }
0x1ed: {  	_ =	swait.ge [sflag:s29], $0x4000  }
0x1ee: {  	[sflag:s29] =	ssyncset.done $0x0  }
0x1ef: {  	[sflag:s29] =	ssyncadd.s32 $0xFFFFC000  }
0x1f0: {  	_ =	swait.ge [sflag:s29], $0x4000  }
0x1f1: {  	s8 =	simm.s32 $0x800;
	[sflag:s29] =	ssyncset.done $0x0  }
.LBB2_10:
0x1f2: {  	p0 =	sne.s32 s8, $0x9000  }
0x1f3: {  	[sflag:s29] =	ssyncadd.s32 $0xFFFFC000;
	s9 =	smov.u32 s8;
	s8 =	sadd.s32 $0x800, s8  }
0x1f4: {  	_ =	swait.ge [sflag:s25], $0x4000  }
0x1f5: {  	[sflag:s25] =	ssyncset.done $0x0  }
0x1f6: {  	[sflag:s25] =	ssyncadd.s32 $0xFFFFC000  }
0x1f7: {  	_ =	swait.ge [sflag:s25], $0x4000  }
0x1f8: {  	s9 =	sshra.s32 s9, $0x2;
	[sflag:s25] =	ssyncset.done $0x0  }
0x1f9: {  	s10 =	sadd.s32 $0x100, s9;
	[sflag:s25] =	ssyncadd.s32 $0xFFFFC000  }
0x1fa: {  	[tilespmem:s26], [sflag:$0x1] =	stream.indirect.gather [hbm4b:s17+s22], $0x80, s10, s22, $0xb8;
	[tilespmem:$0x1F080] =	vst v63  }
0x1fb: {  	s10 =	sadd.s32 $0x180, s9  }
0x1fc: {  	[tilespmem:s28], [sflag:$0x1] =	stream.indirect.gather [hbm4b:s17+s22], $0x80, s10, s22, $0xb8;
	[tilespmem:$0x1F080] =	vst v63  }
0x1fd: {  	s10 =	sadd.s32 $0x2800, s9  }
0x1fe: {  	[spmem:s2] =	stream.indirect.scatter.add.f32 [tilespmem:s23], [sflag:$0x2], $0x80, s10, s22, $0xb8;
	[tilespmem:$0x1F080] =	vst v63  }
0x1ff: {  	s10 =	sadd.s32 $0x2880, s9  }
0x200: {  	[spmem:s2] =	stream.indirect.scatter.add.f32 [tilespmem:s24], [sflag:$0x2], $0x80, s10, s22, $0xb8;
	[tilespmem:$0x1F080] =	vst v63  }
0x201: {  	_ =	swait.ge [sflag:s29], $0x4000  }
0x202: {  	[sflag:s29] =	ssyncset.done $0x0  }
0x203: {  	[sflag:s29] =	ssyncadd.s32 $0xFFFFC000  }
0x204: {  	_ =	swait.ge [sflag:s29], $0x4000  }
0x205: {  	[sflag:s29] =	ssyncset.done $0x0  }
0x206: {  	[sflag:s29] =	ssyncadd.s32 $0xFFFFC000  }
0x207: {  	_ =	swait.ge [sflag:s25], $0x4000  }
0x208: {  	[sflag:s25] =	ssyncset.done $0x0  }
0x209: {  	[sflag:s25] =	ssyncadd.s32 $0xFFFFC000  }
0x20a: {  	_ =	swait.ge [sflag:s25], $0x4000  }
0x20b: {  	[sflag:s25] =	ssyncset.done $0x0  }
0x20c: {  	s10 =	sadd.s32 $0x200, s9;
	[sflag:s25] =	ssyncadd.s32 $0xFFFFC000  }
0x20d: {  	[tilespmem:s23], [sflag:$0x1] =	stream.indirect.gather [hbm4b:s17+s22], $0x80, s10, s22, $0xb8;
	[tilespmem:$0x1F080] =	vst v63  }
0x20e: {  	s10 =	sadd.s32 $0x280, s9  }
0x20f: {  	[tilespmem:s24], [sflag:$0x1] =	stream.indirect.gather [hbm4b:s17+s22], $0x80, s10, s22, $0xb8;
	[tilespmem:$0x1F080] =	vst v63  }
0x210: {  	s10 =	sadd.s32 $0x2900, s9  }
0x211: {  	[spmem:s2] =	stream.indirect.scatter.add.f32 [tilespmem:s26], [sflag:$0x2], $0x80, s10, s22, $0xb8;
	[tilespmem:$0x1F080] =	vst v63  }
0x212: {  	s9 =	sadd.s32 $0x2980, s9  }
0x213: {  	[spmem:s2] =	stream.indirect.scatter.add.f32 [tilespmem:s28], [sflag:$0x2], $0x80, s9, s22, $0xb8;
	[tilespmem:$0x1F080] =	vst v63  }
.Ltmp4:
0x214: {  	_ =	swait.ge [sflag:s29], $0x4000;
	(pc) =	sbr.rel @p0 .LBB2_10-.Ltmp4, $4  }
0x215: {  	[sflag:s29] =	ssyncset.done $0x0  }
0x216: {  	[sflag:s29] =	ssyncadd.s32 $0xFFFFC000  }
0x217: {  	_ =	swait.ge [sflag:s29], $0x4000  }
0x218: {  	[sflag:s29] =	ssyncset.done $0x0  }
0x219: {  	[sflag:s29] =	ssyncadd.s32 $0xFFFFC000  }
0x21a: {  	_ =	swait.ge [sflag:s25], $0x4000  }
0x21b: {  	[sflag:s25] =	ssyncset.done $0x0  }
0x21c: {  	[sflag:s25] =	ssyncadd.s32 $0xFFFFC000  }
0x21d: {  	_ =	swait.ge [sflag:s25], $0x4000  }
0x21e: {  	[sflag:s25] =	ssyncset.done $0x0  }
0x21f: {  	[sflag:s25] =	ssyncadd.s32 $0xFFFFC000  }
0x220: {  	[tilespmem:s26], [sflag:$0x1] =	stream.indirect.gather [hbm4b:s17+s22], $0x80, s30, s22, $0xb8;
	[tilespmem:$0x1F080] =	vst v63  }
0x221: {  	_ = 	snop  }
0x222: {  	[tilespmem:s28], [sflag:$0x1] =	stream.indirect.gather [hbm4b:s17+s22], $0x80, s31, s22, $0xb8;
	[tilespmem:$0x1F080] =	vst v63  }
0x223: {  	_ = 	snop  }
0x224: {  	[spmem:s2] =	stream.indirect.scatter.add.f32 [tilespmem:s23], [sflag:$0x2], $0x80, s0, s22, $0xb8;
	[tilespmem:$0x1F080] =	vst v63  }
0x225: {  	_ = 	snop  }
0x226: {  	[spmem:s2] =	stream.indirect.scatter.add.f32 [tilespmem:s24], [sflag:$0x2], $0x80, s21, s22, $0xb8;
	[tilespmem:$0x1F080] =	vst v63  }
0x227: {  	_ =	swait.ge [sflag:s29], $0x4000  }
0x228: {  	[sflag:s29] =	ssyncset.done $0x0  }
0x229: {  	[sflag:s29] =	ssyncadd.s32 $0xFFFFC000  }
0x22a: {  	_ =	swait.ge [sflag:s29], $0x4000  }
0x22b: {  	[sflag:s29] =	ssyncset.done $0x0  }
0x22c: {  	[sflag:s29] =	ssyncadd.s32 $0xFFFFC000  }
0x22d: {  	_ =	swait.ge [sflag:s25], $0x4000  }
0x22e: {  	[sflag:s25] =	ssyncset.done $0x0  }
0x22f: {  	[sflag:s25] =	ssyncadd.s32 $0xFFFFC000  }
0x230: {  	_ =	swait.ge [sflag:s25], $0x4000  }
0x231: {  	[sflag:s25] =	ssyncset.done $0x0  }
0x232: {  	[sflag:s25] =	ssyncadd.s32 $0xFFFFC000  }
0x233: {  	[spmem:s2] =	stream.indirect.scatter.add.f32 [tilespmem:s26], [sflag:$0x2], $0x80, s1, s22, $0xb8;
	[tilespmem:$0x1F080] =	vst v63  }
0x234: {  	_ = 	snop  }
0x235: {  	[spmem:s2] =	stream.indirect.scatter.add.f32 [tilespmem:s28], [sflag:$0x2], $0x80, s3, s22, $0xb8;
	[tilespmem:$0x1F080] =	vst v63  }
0x236: {  	_ =	swait.ge [sflag:s29], $0x4000  }
0x237: {  	[sflag:s29] =	ssyncset.done $0x0  }
0x238: {  	[sflag:s29] =	ssyncadd.s32 $0xFFFFC000  }
0x239: {  	_ =	swait.ge [sflag:s29], $0x4000  }
0x23a: {  	[sflag:s29] =	ssyncset.done $0x0  }
0x23b: {  	s5 =	sadd.s32 $0x1, s5;
	[sflag:s29] =	ssyncadd.s32 $0xFFFFC000  }
0x23c: {  	p0 =	sne.s32 s5, s19;
	[bflag:$0x0] =	sbarrier.arrive $0xFFFF  }
0x23d: {  	[hbm:s18], [sflag:s6] =	dma.local [spmem:s7], $0x1400  }
.Ltmp5:
0x23e: {  	_ =	swait.ge [sflag:s20], $0x1400;
	(pc) =	sbr.rel @p0 .LBB2_1-.Ltmp5, $3  }
0x23f: {  	[sflag:s20] =	ssyncset.done $0x0  }
0x240: {  	[sflag:s20] =	ssyncadd.s32 $0xFFFFEC00  }
0x241: {  	[bflag:$0x0] =	sbarrier.arrive $0xFFFF;
	_ =	sdelay $0x1  }
0x242: {  	_ =	sfence.sel $0x180000  }
0x243: {  	[bflag:$0x0] =	sbarrier.arrive $0xFFFF  }
0x244: {  	_ =	strace $0x9000004A  }
0x245: {  	s0 =	stileid.u32;
	[bflag:$0x2] =	sbarrier.arrive $0xFFFF  }
0x246: {  	p0 =	sne.s32 s0, $0x0;
	s0 =	rddreg [dreg:$0x2]  }
0x247: {  	s0 =	sadd.s32 @!p0 $0x100000, s0  }
0x248: {  	[sflag:s0] =	ssyncadd.tile.s32 @!p0 $0x1;
	_ =	shalt  }
.Lfunc_end2:
_tile_overlayer_lowered:
.L_overlay_start_2:
0x249: {  	(tag) =	ssettag $0x2  }
0x24a: {  	s0 =	rddreg [dreg:$0x0];
	s2 =	stileid.u32  }
0x24b: {  	s1 =	rddreg [dreg:$0x1];
	p0 =	sne.s32 s2, $0x0  }
0x24c: {  	s3 =	rddreg [dreg:$0x2];
	[bflag:$0x3] =	sbarrier.arrive $0xFFFF;
	s2 =	simm.s32 @!p0 $0x1C03  }
0x24d: {  	[timem:s3], [sflag:s2] =	dma.local @!p0 [hbm:s0], s1  }
0x24e: {  	s0 =	simm.s32 @!p0 $0x3  }
0x24f: {  	_ =	swait.ge @!p0 [sflag:s0], s1  }
0x250: {  	s1 =	ssub.s32 @!p0 $0x0, s1;
	[sflag:s0] =	ssyncset.done @!p0 $0x0  }
0x251: {  	[sflag:s0] =	ssyncadd.s32 @!p0 s1  }
0x252: {  	[bflag:$0x3] =	sbarrier.arrive $0xFFFF  }
0x253: {  	_ =	shalt  }

// kernel: kernel.6.cloned.1.call-start
scs
__scs_entry_jumppad:
0x0: {  	(pc) =	sbr.rel $0x88, $3  }
0x1: {  	(tag) =	ssettag $0x0;
	lr =	simm.s32 $0x1  }
0x2: {  	[smem:$0x3F98] =	sst lr;
	_ =	strace $0xD0000000  }
0x3: {  	_ = 	snop  }
0x4: {  	_ = 	snop  }
0x5: {  	_ = 	snop  }
0x6: {  	_ = 	snop  }
0x7: {  	_ = 	snop  }
__scs_overlays_trampoline_lowered:
0x8: {  	[smem:$0x3FA7] =	sst s0  }
0x9: {  	[smem:$0x3FA8] =	sst s1  }
0xa: {  	[smem:$0x3FA9] =	sst s2  }
0xb: {  	[smem:$0x3FAA] =	sst s3  }
0xc: {  	[smem:$0x3FAB] =	sst s4  }
0xd: {  	[smem:$0x3FAC] =	sst s5  }
0xe: {  	[smem:$0x3FAD] =	sst s6  }
0xf: {  	[smem:$0x3FAE] =	sst s7  }
0x10: {  	[smem:$0x3FAF] =	sst s8  }
0x11: {  	[smem:$0x3FB0] =	sst s9;
	s0 =	simm.s32 @!p0 $0x0  }
0x12: {  	s1 =	sld [smem:$0x3F96];
	s0 =	simm.s32 @p0 $0x1  }
0x13: {  	[smem:$0x3FB1] =	sst s0;
	s0 =	simm.s32 @!p1 $0x0  }
0x14: {  	s2 =	sld [smem:$0x3F95];
	s0 =	simm.s32 @p1 $0x1  }
0x15: {  	[smem:$0x3FB2] =	sst s0;
	s0 =	simm.s32 @!p2 $0x0  }
0x16: {  	s3 =	sld [smem:$0x3FDB];
	s0 =	simm.s32 @p2 $0x1  }
0x17: {  	s4 =	simm.s32 $0x1BF5;
	[smem:$0x3FB4] =	sst s0  }
0x18: {  	s0 =	sld [smem:$0x3F97];
	_ =	swait.ge [sflag:s4], $0x0  }
0x19: {  	s7 =	sld [smem:$0x3F98]  }
0x1a: {  	s8 =	sadd.s32 $0xFFFFE003, lr  }
0x1b: {  	s9 =	sadd.s32 $0xFFFFFEF7, lr;
	s5 =	simm.s32 $0xFFFFFFFF;
	p2 =	slt.u32 s8, $0xFFFFF086  }
0x1c: {  	p1 =	slt.u32 s9, $0xF7A;
	s5 =	simm.s32 @!p2 $0x0  }
0x1d: {  	s5 =	simm.s32 @p1 $0x1;
	p0 =	seq.s32 s7, s2  }
0x1e: {  	s7 =	smul.u32 @!p0 $0xF7A, s2;
	p2 =	seq.s32 @!p0 s5, $0x0  }
0x1f: {  	s9 =	smul.u32 $0xF7A, s1;
	s8 =	simm.s32 @!p0 $0x1BF5;
	p2 =	por !p2, p0  }
0x20: {  	[sflag:s8] =	ssyncset.s32 @!p0 $0xFFFFF086;
	s6 =	sadd.s32 @!p0 s3, s7;
	s7 =	simm.s32 @!p0 $0x108  }
0x21: {  	s3 =	sadd.s32 s3, s9;
	s6 =	sadd.s32 @!p0 $0x88, s6;
	s7 =	simm.s32 @p2 $0x1082  }
0x22: {  	[simem:s7], [sflag:s8] =	dma.local @!p0 [hbm:s6], $0xF7A  }
0x23: {  	s9 =	sor.u32 $0xD0000000, s2;
	s6 =	simm.s32 $0x108;
	_ =	swait.ge @!p0 [sflag:s8], $0x0  }
0x24: {  	s3 =	sadd.s32 $0x88, s3;
	s6 =	simm.s32 @!p1 $0x1082;
	[sflag:s4] =	ssyncset.s32 $0xFFFFF086  }
0x25: {  	[simem:s6], [sflag:s4] =	dma.local [hbm:s3], $0xF7A  }
0x26: {  	[smem:$0x3F98] =	sst s1;
	(tag) =	ssettag s2;
	_ =	strace s9  }
0x27: {  	s1 =	sld [smem:$0x3FA8]  }
0x28: {  	s2 =	sld [smem:$0x3FA9]  }
0x29: {  	s4 =	sld [smem:$0x3FAB]  }
0x2a: {  	p0 =	seq.s32 s5, $0x0;
	s5 =	sld [smem:$0x3FAC]  }
0x2b: {  	s6 =	sld [smem:$0x3FAD]  }
0x2c: {  	s7 =	sld [smem:$0x3FAE]  }
0x2d: {  	s3 =	simm.s32 $0x108;
	s8 =	sld [smem:$0x3FAF]  }
0x2e: {  	s3 =	simm.s32 @!p0 $0x1082;
	s9 =	sld [smem:$0x3FB0]  }
0x2f: {  	lr =	sadd.s32 s0, s3;
	s0 =	sld [smem:$0x3FA7]  }
0x30: {  	s3 =	sld [smem:$0x3FAA]  }
0x31: {  	[smem:$0x3FB3] =	sst s10  }
0x32: {  	s10 =	sld [smem:$0x3FB1];
	_ =	sdelay $0x3  }
0x33: {  	p0 =	seq.s32 s10, $0x1;
	s10 =	sld [smem:$0x3FB3];
	_ =	sdelay $0x3  }
0x34: {  	[smem:$0x3FB3] =	sst s10  }
0x35: {  	s10 =	sld [smem:$0x3FB2];
	_ =	sdelay $0x3  }
0x36: {  	p1 =	seq.s32 s10, $0x1;
	s10 =	sld [smem:$0x3FB3];
	_ =	sdelay $0x3  }
0x37: {  	[smem:$0x3FB3] =	sst s10  }
0x38: {  	s10 =	sld [smem:$0x3FB4]  }
0x39: {  	_ = 	snop;
	(pc) =	sbr.ind lr, $3  }
0x3a: {  	_ = 	snop  }
0x3b: {  	_ = 	snop  }
0x3c: {  	p2 =	seq.s32 s10, $0x1;
	s10 =	sld [smem:$0x3FB3]  }
0x3d: {  	_ =	shalt  }
0x3e: {  	_ =	shalt  }
0x3f: {  	_ =	shalt  }
0x40: {  	_ =	shalt  }
0x41: {  	_ =	shalt  }
0x42: {  	_ =	shalt  }
0x43: {  	_ =	shalt  }
0x44: {  	_ =	shalt  }
0x45: {  	_ =	shalt  }
0x46: {  	_ =	shalt  }
0x47: {  	_ =	shalt  }
0x48: {  	_ =	shalt  }
0x49: {  	_ =	shalt  }
0x4a: {  	_ =	shalt  }
0x4b: {  	_ =	shalt  }
0x4c: {  	_ =	shalt  }
0x4d: {  	_ =	shalt  }
0x4e: {  	_ =	shalt  }
0x4f: {  	_ =	shalt  }
0x50: {  	_ =	shalt  }
0x51: {  	_ =	shalt  }
0x52: {  	_ =	shalt  }
0x53: {  	_ =	shalt  }
0x54: {  	_ =	shalt  }
0x55: {  	_ =	shalt  }
0x56: {  	_ =	shalt  }
0x57: {  	_ =	shalt  }
0x58: {  	_ =	shalt  }
0x59: {  	_ =	shalt  }
0x5a: {  	_ =	shalt  }
0x5b: {  	_ =	shalt  }
0x5c: {  	_ =	shalt  }
0x5d: {  	_ =	shalt  }
0x5e: {  	_ =	shalt  }
0x5f: {  	_ =	shalt  }
0x60: {  	_ =	shalt  }
0x61: {  	_ =	shalt  }
0x62: {  	_ =	shalt  }
0x63: {  	_ =	shalt  }
0x64: {  	_ =	shalt  }
0x65: {  	_ =	shalt  }
0x66: {  	_ =	shalt  }
0x67: {  	_ =	shalt  }
0x68: {  	_ =	shalt  }
0x69: {  	_ =	shalt  }
0x6a: {  	_ =	shalt  }
0x6b: {  	_ =	shalt  }
0x6c: {  	_ =	shalt  }
0x6d: {  	_ =	shalt  }
0x6e: {  	_ =	shalt  }
0x6f: {  	_ =	shalt  }
0x70: {  	_ =	shalt  }
0x71: {  	_ =	shalt  }
0x72: {  	_ =	shalt  }
0x73: {  	_ =	shalt  }
0x74: {  	_ =	shalt  }
0x75: {  	_ =	shalt  }
0x76: {  	_ =	shalt  }
0x77: {  	_ =	shalt  }
0x78: {  	_ =	shalt  }
0x79: {  	_ =	shalt  }
0x7a: {  	_ =	shalt  }
0x7b: {  	_ =	shalt  }
0x7c: {  	_ =	shalt  }
0x7d: {  	_ =	shalt  }
0x7e: {  	_ =	shalt  }
0x7f: {  	_ =	shalt  }
0x80: {  	_ =	shalt  }
0x81: {  	_ =	shalt  }
0x82: {  	_ =	shalt  }
0x83: {  	_ =	shalt  }
0x84: {  	_ =	shalt  }
0x85: {  	_ =	shalt  }
0x86: {  	_ =	shalt  }
0x87: {  	_ =	shalt  }
.Lfunc_end0:
.L_simem_size_0:
called_computation.1_lowered:
.L_overlay_start_0:
0x88: {  	s2 =	sld [smem:$0x3FD9]  }
0x89: {  	s3 =	sld [smem:$0x3FFE];
	_ =	sdelay $0x1  }
0x8a: {  	s1 =	srdreg.scid  }
0x8b: {  	s0 =	sand.u32 $0x1, s1  }
0x8c: {  	s17 =	sshll.u32 s0, $0xA;
	s2 =	sadd.s32 s3, s2  }
0x8d: {  	s2 =	sadd.s32 s2, s17  }
0x8e: {  	[smem:$0x3FBF] =	sst s2  }
0x8f: {  	_ = 	snop  }
0x90: {  	s2 =	sld [smem:$0x3FD0];
	(tm) =	ssettm $0x1  }
0x91: {  	s18 =	sld [smem:$0x3FFB];
	_ =	sdelay $0x3  }
0x92: {  	_ =	strace s18  }
0x93: {  	s3 =	sld [smem:$0x3FFC];
	_ =	sdelay $0x3  }
0x94: {  	_ =	strace s3  }
0x95: {  	s3 =	sld [smem:$0x3FFD];
	_ =	sdelay $0x3  }
0x96: {  	_ =	strace s3  }
0x97: {  	_ =	strace $0x8FFFFFFF  }
0x98: {  	s19 =	sld [smem:$0x3FDB];
	_ =	sdelay $0x1  }
0x99: {  	s4 =	simm.s32 $_scs_section_size  }
0x9a: {  	s5 =	simm.s32 $_size__tile_overlayer_lowered;
	s6 =	simm.s32 $_tile_overlayer_lowered  }
0x9b: {  	s22 =	simm.s32 $0x1BFF;
	s21 =	sshll.u32 s6, $0x1;
	s3 =	sadd.s32 s4, s19  }
0x9c: {  	s7 =	simm.s32 $0x0;
	s20 =	sshll.u32 s5, $0x1;
	s5 =	sadd.s32 s21, s3  }
0x9d: {  	[timem:s7], [sflag:s22] =	dma.local [hbm:s5], s20  }
0x9e: {  	_ =	swait.ge [sflag:s22], s20  }
0x9f: {  	s4 =	ssub.s32 $0x0, s20;
	[sflag:s22] =	ssyncset.done $0x0  }
0xa0: {  	[sflag:s22] =	ssyncadd.s32 s4;
	_ =	sdelay $0x1  }
0xa1: {  	s23 =	simm.s32 $0x1B8B  }
0xa2: {  	_ =	swait.ge [sflag:s23], $0x1  }
0xa3: {  	[sflag:s23] =	ssyncset.done $0x0  }
0xa4: {  	s25 =	simm.s32 $0x1B8E;
	s24 =	sld [smem:$0x3FFE];
	[sflag:s23] =	ssyncadd.s32 $0xFFFFFFFF  }
0xa5: {  	s26 =	simm.s32 $execute0_lowered;
	[smem:$0x3FD2] =	sst s25  }
0xa6: {  	s5 =	sshll.u32 s26, $0x1;
	_ =	strace $0x80000046;
	[dreg:$0x1] =	wrdreg $0xFFFFFFFF  }
0xa7: {  	s28 =	simm.s32 $_size_execute0_lowered;
	s3 =	sadd.s32 s3, s5;
	[dreg:$0x0] =	wrdreg $0x0  }
0xa8: {  	s5 =	sshll.u32 s28, $0x1;
	[dreg:$0x2] =	wrdreg s3  }
0xa9: {  	[dreg:$0x3] =	wrdreg s5  }
0xaa: {  	[dreg:$0x4] =	wrdreg $0xC0  }
0xab: {  	_ =	task [dreg:s7], $0x5FFFF  }
0xac: {  	[dreg:$0x1] =	wrdreg $0xFFFFFFFF  }
0xad: {  	[dreg:$0x0] =	wrdreg $0x60  }
0xae: {  	[dreg:$0x2] =	wrdreg s24  }
0xaf: {  	[dreg:$0x3] =	wrdreg s2  }
0xb0: {  	[dreg:$0x4] =	wrdreg $0x68000  }
0xb1: {  	[dreg:$0x5] =	wrdreg $0x9  }
0xb2: {  	_ =	task.clear_ibuf [dreg:s7], $0x6FFFF;
	_ =	strace $0x90000046  }
0xb3: {  	s29 =	simm.s32 $0x9;
	_ =	strace $0x80000048  }
0xb4: {  	_ =	swait.ge [sflag:s29], $0x1  }
0xb5: {  	[sflag:s29] =	ssyncadd.s32 $0xFFFFFFFF  }
0xb6: {  	_ =	strace $0x90000048  }
0xb7: {  	_ =	sfence  }
0xb8: {  	s30 =	sld [smem:$0x0];
	_ =	sdelay $0x2  }
0xb9: {  	s31 =	sshll.u32 s1, $0xD;
	s1 =	sshrl.u32 s1, $0x2  }
0xba: {  	s3 =	sand.u32 $0x4000, s31;
	s1 =	sadd.s32 s1, s30  }
0xbb: {  	s0 =	sor.u32 s3, s0;
	s1 =	sshll.u32 s1, $0x11  }
0xbc: {  	s0 =	sor.u32 s1, s0  }
0xbd: {  	s0 =	sadd.s32 $0x8F2B, s0  }
0xbe: {  	[sflag:s0] =	ssyncadd.remote.s32 $0x1  }
0xbf: {  	_ =	sfence.sel $0xFFFF  }
0xc0: {  	[dreg:$0x0] =	wrdreg $0xFFFFFFFF;
	(pc) =	sbr.abs _section_cstart, $3  }
0xc1: {  	[dreg:$0x1] =	wrdreg $0xFFFFFFFF  }
0xc2: {  	_ =	task.clear_ibuf [dreg:s7], $0x2FFFF;
	_ =	strace $0x9FFFFFFF  }
0xc3: {  	(tm) =	ssettm $0x7FFFFFFF  }
tec
execute0_lowered:
.L_overlay_start_1:
0x0: {  	(tag) =	ssettag $0x1  }
0x1: {  	s5 =	rddreg [dreg:$0x0]  }
0x2: {  	s2 =	rddreg [dreg:$0x1]  }
0x3: {  	s0 =	stileid.u32;
	s1 =	srdreg.scid  }
0x4: {  	s3 =	rddreg [dreg:$0x2];
	s6 =	smul.u32 $0x500, s0  }
0x5: {  	s4 =	simm.s32 $0x0;
	s14 =	simm.s32 $0x0;
	s8 =	smul.u32 $0x140, s0  }
0x6: {  	s7 =	sand.u32 $0x1, s1;
	s1 =	rddreg [dreg:$0x3];
	s9 =	smul.u32 $0x1400, s0  }
0x7: {  	[smem:$0x7FF] =	sst s4;
	s10 =	smul.u32 $0x28000, s0;
	s31 =	sshll.u32 s0, $0x6  }
0x8: {  	s12 =	smul.u32 $0x1400, s7;
	_ =	strace $0x80000047;
	s7 =	ssub.s32 $0x2, s7  }
0x9: {  	s6 =	sadd.s32 s6, s5;
	s9 =	sadd.s32 s9, s5;
	s11 =	sshrl.u32 s7, $0x1  }
0xa: {  	s30 =	sshrl.u32 s10, $0x2;
	s10 =	simm.s32 $0x2800;
	s8 =	sadd.s32 s8, s12  }
0xb: {  	s11 =	ssub.s32 s7, s11;
	s13 =	sadd.s32 s30, s3;
	s8 =	sshll.u32 s8, $0x4  }
0xc: {  	v0 =	vmov s12;
	s12 =	sshrl.u32 s13, $0x3;
	s13 =	simm.s32 $0x80;
	s8 =	sadd.s32 s8, s5  }
0xd: {  	v1 =	vlaneseq.u32;
	s5 =	sadd.s32 $0x2C00, s6;
	s6 =	sadd.s32 $0x7C00, s9;
	s9 =	simm.s32 $0x1  }
0xe: {  	v1 =	vor.u32 $0x1400, v1;
	s7 =	sadd.s32 $0x1BC00, s8;
	s8 =	smax.u32 s11, $0x1;
	s11 =	sor.u32 $0x1C01, s31  }
.LBB2_1:
0xf: {  	[tilespmem:s4], [sflag:$0x1] =	stream.linear.gather [hbm4b:s5+s4], $0x2800, $0x38;
	[tilespmem:$0x10880] =	vst v63  }
0x10: {  	_ =	swait.ge [sflag:s9], $0x2800  }
0x11: {  	[sflag:s9] =	ssyncset.done $0x0  }
0x12: {  	[sflag:s9] =	ssyncadd.s32 $0xFFFFD800  }
0x13: {  	[tilespmem:s10], [sflag:$0x1] =	stream.linear.gather [hbm4b:s2+s4], $0x4000, $0x38;
	[tilespmem:$0x10880] =	vst v63  }
0x14: {  	_ =	swait.ge [sflag:s9], $0x4000  }
0x15: {  	[sflag:s9] =	ssyncset.done $0x0  }
0x16: {  	[sflag:s9] =	ssyncadd.s32 $0xFFFFC000  }
0x17: {  	[spmem:s12], [sflag:s11] =	dma.local [hbm:s6], $0x1400  }
0x18: {  	_ =	swait.ge [sflag:s9], $0x1400  }
0x19: {  	[sflag:s9] =	ssyncset.done $0x0  }
0x1a: {  	s15 =	simm.s32 $0x0;
	[sflag:s9] =	ssyncadd.s32 $0xFFFFEC00  }
0x1b: {  	v2 =	vld [tilespmem:s15+$0x0]  }
0x1c: {  	v7 =	vld [tilespmem:s15+$0x10]  }
0x1d: {  	v6 =	vld [tilespmem:s15+$0x20]  }
0x1e: {  	v5 =	vld [tilespmem:s15+$0x30]  }
0x1f: {  	v4 =	vld [tilespmem:s15+$0x40]  }
0x20: {  	v3 =	vld [tilespmem:s15+$0x50];
	v8 =	vsub.s32 v2, v0  }
0x21: {  	s16 =	simm.s32 $0x200;
	v7 =	vsub.s32 v7, v0;
	v2 =	vld [tilespmem:s15+$0x60];
	vm0 =	vgt.u32 v8, $0x13FF  }
.LBB2_2:
0x22: {  	p0 =	sne.s32 s16, $0x9E00;
	v8 =	vsel vm0, v1, v8;
	vm0 =	vgt.u32 v7, $0x13FF;
	v6 =	vsub.s32 v6, v0;
	v9 =	vld [tilespmem:s15+$0x70]  }
0x23: {  	s17 =	sshra.s32 s16, $0x2;
	[tilespmem:s15+$0x0] =	vst v8;
	v7 =	vsel vm0, v1, v7;
	vm0 =	vgt.u32 v6, $0x13FF;
	v5 =	vsub.s32 v5, v0  }
0x24: {  	v8 =	vld [tilespmem:s17+$0x0];
	[tilespmem:s15+$0x10] =	vst v7;
	v6 =	vsel vm0, v1, v6;
	vm0 =	vgt.u32 v5, $0x13FF;
	v4 =	vsub.s32 v4, v0  }
0x25: {  	v7 =	vld [tilespmem:s17+$0x10];
	[tilespmem:s15+$0x20] =	vst v6;
	v5 =	vsel vm0, v1, v5;
	vm0 =	vgt.u32 v4, $0x13FF;
	v3 =	vsub.s32 v3, v0  }
.Ltmp0:
0x26: {  	v6 =	vld [tilespmem:s17+$0x20];
	[tilespmem:s15+$0x30] =	vst v5;
	v4 =	vsel vm0, v1, v4;
	vm0 =	vgt.u32 v3, $0x13FF;
	v2 =	vsub.s32 v2, v0;
	(pc) =	sbr.rel @p0 .LBB2_2-.Ltmp0, $4  }
0x27: {  	v5 =	vld [tilespmem:s17+$0x30];
	[tilespmem:s15+$0x40] =	vst v4;
	v3 =	vsel vm0, v1, v3;
	vm0 =	vgt.u32 v2, $0x13FF;
	v9 =	vsub.s32 v9, v0  }
0x28: {  	v4 =	vld [tilespmem:s17+$0x40];
	[tilespmem:s15+$0x50] =	vst v3;
	v2 =	vsel vm0, v1, v2;
	vm0 =	vgt.u32 v9, $0x13FF  }
0x29: {  	v8 =	vsub.s32 v8, v0;
	v3 =	vld [tilespmem:s17+$0x50];
	[tilespmem:s15+$0x60] =	vst v2;
	v9 =	vsel vm0, v1, v9  }
0x2a: {  	s16 =	sadd.s32 $0x200, s16;
	vm0 =	vgt.u32 v8, $0x13FF;
	v7 =	vsub.s32 v7, v0;
	v2 =	vld [tilespmem:s17+$0x60];
	[tilespmem:s15+$0x70] =	vst v9;
	s15 =	smov.u32 s17  }
0x2b: {  	v8 =	vsel vm0, v1, v8;
	vm9 =	vgt.u32 v7, $0x13FF;
	v6 =	vsub.s32 v6, v0;
	v9 =	vld [tilespmem:s15+$0x70]  }
0x2c: {  	[tilespmem:s15+$0x0] =	vst v8;
	v7 =	vsel vm9, v1, v7;
	vm10 =	vgt.u32 v6, $0x13FF;
	v5 =	vsub.s32 v5, v0  }
0x2d: {  	[tilespmem:s15+$0x10] =	vst v7;
	v6 =	vsel vm10, v1, v6;
	vm11 =	vgt.u32 v5, $0x13FF;
	v4 =	vsub.s32 v4, v0  }
0x2e: {  	[tilespmem:s15+$0x20] =	vst v6;
	v5 =	vsel vm11, v1, v5;
	vm12 =	vgt.u32 v4, $0x13FF;
	v3 =	vsub.s32 v3, v0  }
0x2f: {  	[tilespmem:s15+$0x30] =	vst v5;
	v4 =	vsel vm12, v1, v4;
	vm13 =	vgt.u32 v3, $0x13FF;
	v2 =	vsub.s32 v2, v0  }
0x30: {  	[tilespmem:s15+$0x40] =	vst v4;
	v3 =	vsel vm13, v1, v3;
	vm14 =	vgt.u32 v2, $0x13FF;
	v63 =	vsub.s32 v9, v0  }
0x31: {  	[tilespmem:s15+$0x50] =	vst v3;
	v2 =	vsel vm14, v1, v2;
	vm15 =	vgt.u32 v63, $0x13FF  }
0x32: {  	[tilespmem:s15+$0x60] =	vst v2;
	v2 =	vsel vm15, v1, v63  }
0x33: {  	[tilespmem:s15+$0x70] =	vst v2  }
0x34: {  	s31 =	simm.s32 $0x0;
	[bflag:$0x0] =	sbarrier.arrive $0xFFFF  }
0x35: {  	[spmem:s3] =	stream.indirect.scatter.add.f32 [tilespmem:s10], [sflag:$0x1], $0x80, s31, s13, $0xb8;
	[tilespmem:$0x10880] =	vst v63  }
0x36: {  	_ =	swait.ge [sflag:s9], $0x4000  }
0x37: {  	s15 =	simm.s32 $0x200;
	[sflag:s9] =	ssyncset.done $0x0  }
.LBB2_4:
0x38: {  	s16 =	sshra.s32 s15, $0x2;
	[sflag:s9] =	ssyncadd.s32 $0xFFFFC000;
	p0 =	sne.s32 s15, $0x9E00  }
0x39: {  	[spmem:s3] =	stream.indirect.scatter.add.f32 [tilespmem:s10], [sflag:$0x1], $0x80, s16, s13, $0xb8;
	[tilespmem:$0x10880] =	vst v63  }
.Ltmp1:
0x3a: {  	_ = 	snop;
	(pc) =	sbr.rel @p0 .LBB2_4-.Ltmp1, $4  }
0x3b: {  	_ = 	snop  }
0x3c: {  	s15 =	sadd.s32 $0x200, s15  }
0x3d: {  	_ =	swait.ge [sflag:s9], $0x4000  }
0x3e: {  	[sflag:s9] =	ssyncset.done $0x0  }
0x3f: {  	s14 =	sadd.s32 $0x1, s14  }
0x40: {  	[sflag:s9] =	ssyncadd.s32 $0xFFFFC000;
	p0 =	sne.s32 s14, s8  }
.Ltmp2:
0x41: {  	[bflag:$0x0] =	sbarrier.arrive $0xFFFF;
	(pc) =	sbr.rel @p0 .LBB2_1-.Ltmp2, $4  }
0x42: {  	[hbm:s7], [sflag:s11] =	dma.local [spmem:s12], $0x1400  }
0x43: {  	_ =	swait.ge [sflag:s9], $0x1400  }
0x44: {  	[sflag:s9] =	ssyncset.done $0x0  }
0x45: {  	[sflag:s9] =	ssyncadd.s32 $0xFFFFEC00  }
0x46: {  	_ =	sfence.sel $0x180000  }
0x47: {  	[bflag:$0x0] =	sbarrier.arrive $0xFFFF  }
0x48: {  	p0 =	sne.s32 s0, $0x0;
	_ =	strace $0x90000047  }
0x49: {  	s0 =	sadd.s32 @!p0 $0x100000, s1;
	[bflag:$0x2] =	sbarrier.arrive $0xFFFF  }
0x4a: {  	[sflag:s0] =	ssyncadd.tile.s32 @!p0 $0x1;
	_ =	shalt  }
.Lfunc_end2:
_tile_overlayer_lowered:
.L_overlay_start_2:
0x4b: {  	(tag) =	ssettag $0x2  }
0x4c: {  	s0 =	rddreg [dreg:$0x0];
	s2 =	stileid.u32  }
0x4d: {  	s1 =	rddreg [dreg:$0x1];
	p0 =	sne.s32 s2, $0x0  }
0x4e: {  	s3 =	rddreg [dreg:$0x2];
	[bflag:$0x3] =	sbarrier.arrive $0xFFFF;
	s2 =	simm.s32 @!p0 $0x1C01  }
0x4f: {  	[timem:s3], [sflag:s2] =	dma.local @!p0 [hbm:s0], s1  }
0x50: {  	s0 =	simm.s32 @!p0 $0x1  }
0x51: {  	_ =	swait.ge @!p0 [sflag:s0], s1  }
0x52: {  	s1 =	ssub.s32 @!p0 $0x0, s1;
	[sflag:s0] =	ssyncset.done @!p0 $0x0  }
0x53: {  	[sflag:s0] =	ssyncadd.s32 @!p0 s1  }
0x54: {  	[bflag:$0x3] =	sbarrier.arrive $0xFFFF  }
0x55: {  	_ =	shalt  }

</sc_bundles>
